<compile_context>
chip_gen: v7x
topology: tpu7x:2x2x1
jax: 0.10.2.dev20260603
libtpu: 0.0.44.dev20260713+nightly
codegen_flags: <defaults>
</compile_context>

<pallas_src>
import functools

import jax
import jax.numpy as jnp
from jax import lax
from jax.experimental import pallas as pl
from jax.experimental.pallas import tpu as pltpu
from jax.experimental.pallas import tpu_sc as plsc

NC = 2
NS = 16
B = 128
NBUF = 2
SPLIT_NUM = 8
SPLIT_DEN = 16
R = 1000
PADR = 64


def _mesh():
    return plsc.VectorSubcoreMesh(
        core_axis_name="c", subcore_axis_name="s", num_cores=NC, num_subcores=NS
    )


def _rpt(N):
    return -(-N // (NS * 8)) * 8


def _make_spmm(N, CH, F):
    G = 40
    CH0 = (CH * SPLIT_NUM // SPLIT_DEN) // 16 * 16
    RPT = _rpt(N)

    @functools.partial(
        pl.kernel,
        out_type=jax.ShapeDtypeStruct((NC, N, F), jnp.float32),
        mesh=_mesh(),
        scratch_types=[
            pltpu.VMEM((G, B), jnp.int32),
            pltpu.VMEM((G, B), jnp.int32),
        ]
        + [pltpu.VMEM((B, F), jnp.float32) for _ in range(NBUF)]
        + [pltpu.VMEM_SHARED((N + PADR, F), jnp.float32)]
        + [pltpu.SemaphoreType.DMA for _ in range(NBUF)],
    )
    def spmm_kernel(src_hbm, dst_hbm, g_hbm, zeros_hbm, out,
                    src_v, dst_v, *rest):
        rows = rest[:NBUF]
        acc = rest[NBUF]
        sems = rest[NBUF + 1:]
        c = lax.axis_index("c")
        s = lax.axis_index("s")
        row0 = jnp.minimum(s * RPT, N - RPT)
        pltpu.sync_copy(
            zeros_hbm.at[pl.ds(row0, RPT)], acc.at[pl.ds(row0, RPT)]
        )
        plsc.subcore_barrier()

        cbase = jnp.where(c == 0, 0, CH0)
        ngroups = jnp.where(c == 0, CH0 // G, (CH - CH0) // G)

        def gbody(g, carry):
            base = cbase + g * G
            pltpu.sync_copy(src_hbm.at[s, pl.ds(base, G)], src_v)
            pltpu.sync_copy(dst_hbm.at[s, pl.ds(base, G)], dst_v)
            for b in range(NBUF):
                pltpu.async_copy(g_hbm.at[src_v.at[b]], rows[b], sems[b])

            def body(jj, c2):
                for b in range(NBUF):
                    j = NBUF * jj + b
                    jn = jnp.minimum(j + NBUF, G - 1)
                    pltpu.make_async_copy(
                        g_hbm.at[src_v.at[j]], rows[b], sems[b]
                    ).wait()
                    pltpu.sync_copy(rows[b], acc.at[dst_v.at[j]], add=True)
                    pltpu.async_copy(g_hbm.at[src_v.at[jn]], rows[b], sems[b])
                return c2

            lax.fori_loop(0, G // NBUF, body, 0)
            for b in range(NBUF):
                pltpu.make_async_copy(
                    g_hbm.at[src_v.at[G - 1]], rows[b], sems[b]
                ).wait()
            return carry

        lax.fori_loop(0, ngroups, gbody, 0)
        plsc.subcore_barrier()
        pltpu.sync_copy(
            acc.at[pl.ds(row0, RPT)], out.at[c, pl.ds(row0, RPT)]
        )

    return spmm_kernel


def _make_deg(N, CH):
    F = 128
    CHH = CH // NC
    RPT = _rpt(N)

    @functools.partial(
        pl.kernel,
        out_type=jax.ShapeDtypeStruct((NC, N, F), jnp.float32),
        mesh=_mesh(),
        scratch_types=[
            pltpu.VMEM((16, B), jnp.int32),
            pltpu.VMEM((B, F), jnp.float32),
            pltpu.VMEM_SHARED((N + PADR, F), jnp.float32),
        ],
    )
    def deg_kernel(dst_hbm, ones_hbm, zeros_hbm, out, dst_v, ones_v, acc):
        c = lax.axis_index("c")
        s = lax.axis_index("s")
        row0 = jnp.minimum(s * RPT, N - RPT)
        pltpu.sync_copy(ones_hbm, ones_v)
        pltpu.sync_copy(
            zeros_hbm.at[pl.ds(row0, RPT)], acc.at[pl.ds(row0, RPT)]
        )
        plsc.subcore_barrier()

        def gbody(g, carry):
            pltpu.sync_copy(dst_hbm.at[s, pl.ds(c * CHH + g * 16, 16)], dst_v)

            def body(j, carry2):
                pltpu.sync_copy(ones_v, acc.at[dst_v.at[j]], add=True)
                return carry2

            lax.fori_loop(0, 16, body, 0)
            return carry

        lax.fori_loop(0, CHH // 16, gbody, 0)
        plsc.subcore_barrier()
        pltpu.sync_copy(
            acc.at[pl.ds(row0, RPT)], out.at[c, pl.ds(row0, RPT)]
        )

    return deg_kernel


def _dinv_block(d0, d1):
    d = d0[:, 0:1] + d1[:, 0:1]
    return jnp.where(d > 0.0, lax.rsqrt(d), 0.0)


def _pre_body(x_ref, d0_ref, d1_ref, g_ref):
    dinv = _dinv_block(d0_ref[...], d1_ref[...])
    g_ref[...] = x_ref[...] * dinv


def _mid_body(s_ref, d0_ref, d1_ref, tx_ref, g_ref):
    dinv = _dinv_block(d0_ref[...], d1_ref[...])
    sfull = s_ref[0] + s_ref[1]
    tx = -(dinv * sfull)
    tx_ref[...] = tx
    g_ref[...] = dinv * tx


def _comb1_body(x_ref, tx1_ref, s2_ref, d0_ref, d1_ref, w_ref, b_ref, h_ref, g_ref):
    dinv = _dinv_block(d0_ref[...], d1_ref[...])
    s2 = s2_ref[0] + s2_ref[1]
    xb = x_ref[...]
    tx2 = -2.0 * (dinv * s2) - xb
    acc = (
        jnp.dot(xb, w_ref[0], preferred_element_type=jnp.float32)
        + jnp.dot(tx1_ref[...], w_ref[1], preferred_element_type=jnp.float32)
        + jnp.dot(tx2, w_ref[2], preferred_element_type=jnp.float32)
        + b_ref[...]
    )
    h = jnp.maximum(acc, 0.0)
    h_ref[...] = h
    g_ref[...] = dinv * h


def _comb2_body(h_ref, ty1_ref, s4_ref, d0_ref, d1_ref, w_ref, b_ref, o_ref):
    dinv = _dinv_block(d0_ref[...], d1_ref[...])
    s4 = s4_ref[0] + s4_ref[1]
    hb = h_ref[...]
    ty2 = -2.0 * (dinv * s4) - hb
    logits = (
        jnp.dot(hb, w_ref[0], preferred_element_type=jnp.float32)
        + jnp.dot(ty1_ref[...], w_ref[1], preferred_element_type=jnp.float32)
        + jnp.dot(ty2, w_ref[2], preferred_element_type=jnp.float32)
        + b_ref[...]
    )
    m = jnp.max(logits, axis=1, keepdims=True)
    lse = jnp.log(jnp.sum(jnp.exp(logits - m), axis=1, keepdims=True)) + m
    o_ref[...] = logits - lse


def _row_spec(w):
    return pl.BlockSpec((R, w), lambda i: (i, 0))


def _pair_spec(w):
    return pl.BlockSpec((2, R, w), lambda i: (0, i, 0))


def kernel(x, edge_index, W1, b1, W2, b2):
    N, F = x.shape
    E = edge_index.shape[1]
    H = W1.shape[2]
    C = W2.shape[2]
    NB = N // R

    CH = -(-E // (NS * B * 16)) * 16
    Epad = NS * CH * B
    src = edge_index[0]
    dst = edge_index[1]
    pad = Epad - E
    srcp = jnp.concatenate([src, jnp.zeros((pad,), jnp.int32)]).reshape(NS, CH, B)
    dstp = jnp.concatenate(
        [dst, N + (jnp.arange(pad, dtype=jnp.int32) % PADR)]
    ).reshape(NS, CH, B)
    zerosF = jnp.zeros((N, F), jnp.float32)
    onesB = jnp.ones((B, F), jnp.float32)

    spmm = _make_spmm(N, CH, F)
    degp = _make_deg(N, CH)(dstp, onesB, zerosF)
    deg0 = degp[0, :, :8]
    deg1 = degp[1, :, :8]

    dspec = _row_spec(8)

    pre = pl.pallas_call(
        _pre_body,
        grid=(NB,),
        in_specs=[_row_spec(F), dspec, dspec],
        out_specs=_row_spec(F),
        out_shape=jax.ShapeDtypeStruct((N, F), jnp.float32),
    )
    mid = pl.pallas_call(
        _mid_body,
        grid=(NB,),
        in_specs=[_pair_spec(F), dspec, dspec],
        out_specs=[_row_spec(F), _row_spec(F)],
        out_shape=[
            jax.ShapeDtypeStruct((N, F), jnp.float32),
            jax.ShapeDtypeStruct((N, F), jnp.float32),
        ],
    )
    comb1 = pl.pallas_call(
        _comb1_body,
        grid=(NB,),
        in_specs=[
            _row_spec(F),
            _row_spec(F),
            _pair_spec(F),
            dspec,
            dspec,
            pl.BlockSpec((3, F, H), lambda i: (0, 0, 0)),
            pl.BlockSpec((1, H), lambda i: (0, 0)),
        ],
        out_specs=[_row_spec(H), _row_spec(H)],
        out_shape=[
            jax.ShapeDtypeStruct((N, H), jnp.float32),
            jax.ShapeDtypeStruct((N, H), jnp.float32),
        ],
    )
    comb2 = pl.pallas_call(
        _comb2_body,
        grid=(NB,),
        in_specs=[
            _row_spec(H),
            _row_spec(H),
            _pair_spec(H),
            dspec,
            dspec,
            pl.BlockSpec((3, H, C), lambda i: (0, 0, 0)),
            pl.BlockSpec((1, C), lambda i: (0, 0)),
        ],
        out_specs=_row_spec(C),
        out_shape=jax.ShapeDtypeStruct((N, C), jnp.float32),
    )

    g0 = pre(x, deg0, deg1)
    s1 = spmm(srcp, dstp, g0, zerosF)
    tx1, g1 = mid(s1, deg0, deg1)
    s2 = spmm(srcp, dstp, g1, zerosF)
    h, g2 = comb1(x, tx1, s2, deg0, deg1, W1, b1.reshape(1, H))
    s3 = spmm(srcp, dstp, g2, zerosF)
    ty1, g3 = mid(s3, deg0, deg1)
    s4 = spmm(srcp, dstp, g3, zerosF)
    out = comb2(h, ty1, s4, deg0, deg1, W2, b2.reshape(1, C))
    return out

# --- scband reference (transcript-rebuilt; emitter-appended) ---
"""Pipeline reference for scband-chev-gcn-41841571397898 (READ-ONLY COPY).

The authoritative reference and input builder live on the scoring server;
editing this copy changes nothing except your own understanding.
"""

import jax, jax.numpy as jnp
import numpy as np

N = 10000
E = 320000
NFEAT = 128
NHID = 128
NCLASS = 64
K = 3


def _glorot(key, shape):
    fan_in, fan_out = shape[-2], shape[-1]
    limit = float(np.sqrt(6.0 / (fan_in + fan_out)))
    return jax.random.uniform(key, shape, dtype=jnp.float32, minval=-limit, maxval=limit)


def setup_inputs(seed: int = 0) -> dict:
    key = jax.random.key(seed)
    k1, k2, k3, k4 = jax.random.split(key, 4)
    x = jax.random.normal(k1, (N, NFEAT), dtype=jnp.float32)
    edge_index = jax.random.randint(k2, (2, E), 0, N, dtype=jnp.int32)
    W1 = _glorot(k3, (K, NFEAT, NHID))
    b1 = jnp.zeros((NHID,), dtype=jnp.float32)
    W2 = _glorot(k4, (K, NHID, NCLASS))
    b2 = jnp.zeros((NCLASS,), dtype=jnp.float32)
    return {"x": x, "edge_index": edge_index, "W1": W1, "b1": b1, "W2": W2, "b2": b2}


def _cheb_conv(x, edge_index, W, b):
    # Chebyshev spectral graph convolution with lambda_max = 2 approximation:
    # L_tilde = L - I = -D^{-1/2} A D^{-1/2}
    src = edge_index[0]
    dst = edge_index[1]
    ones = jnp.ones((E,), dtype=jnp.float32)
    deg = jax.ops.segment_sum(ones, dst, num_segments=N)
    d_inv_sqrt = jnp.where(deg > 0, deg ** -0.5, 0.0)
    norm = d_inv_sqrt[src] * d_inv_sqrt[dst]  # [E]

    def a_norm_matvec(h):
        # gather -> scale -> scatter-add (SpMM via edges)
        gathered = h[src] * norm[:, None]
        return jax.ops.segment_sum(gathered, dst, num_segments=N)

    Tx_0 = x
    out = Tx_0 @ W[0]
    Tx_1 = -a_norm_matvec(x)  # L_tilde @ x
    out = out + Tx_1 @ W[1]
    for k in range(2, K):
        Tx_2 = -2.0 * a_norm_matvec(Tx_1) - Tx_0  # 2*L_tilde@Tx1 - Tx0
        out = out + Tx_2 @ W[k]
        Tx_0, Tx_1 = Tx_1, Tx_2
    return out + b


def reference(x, edge_index, W1, b1, W2, b2):
    h = jax.nn.relu(_cheb_conv(x, edge_index, W1, b1))
    # dropout is identity in eval mode
    logits = _cheb_conv(h, edge_index, W2, b2)
    return jax.nn.log_softmax(logits, axis=1)

if __name__ == "__main__":
    import jax
    _d = setup_inputs()
    print(jax.jit(kernel)(*tuple(_d.values())))

</pallas_src>

<mosaic_0001>
#map = affine_map<(d0, d1) -> (0, 0, 0)>
#map1 = affine_map<(d0, d1) -> (0, 0)>
module attributes {stable_mosaic.version = 14 : i64} {
  func.func @spmm_kernel(%arg0: i32, %arg1: i32, %arg2: memref<16x160x128xi32, #tpu.memory_space<hbm>>, %arg3: memref<16x160x128xi32, #tpu.memory_space<hbm>>, %arg4: memref<10000x128xf32, #tpu.memory_space<hbm>>, %arg5: memref<10000x128xf32, #tpu.memory_space<hbm>>, %arg6: memref<2x10000x128xf32, #tpu.memory_space<hbm>>, %arg7: memref<40x128xi32, #tpu.memory_space<vmem>>, %arg8: memref<40x128xi32, #tpu.memory_space<vmem>>, %arg9: memref<128x128xf32, #tpu.memory_space<vmem>>, %arg10: memref<128x128xf32, #tpu.memory_space<vmem>>, %arg11: memref<10064x128xf32, #tpu.memory_space<vmem_shared>>, %arg12: memref<!tpu.dma_semaphore, #tpu.memory_space<semaphore_mem>>, %arg13: memref<!tpu.dma_semaphore, #tpu.memory_space<semaphore_mem>>) attributes {dimension_semantics = [#tpu.dimension_semantics<core_parallel>, #tpu.dimension_semantics<subcore_parallel>], iteration_bounds = array<i64: 2, 16>, scalar_prefetch = 0 : i64, scratch_operands = 7 : i64, tpu.core_type = #tpu.core_type<sc_vector_subcore>, window_params = [{transform_indices = #map}, {transform_indices = #map}, {transform_indices = #map1}, {transform_indices = #map1}, {transform_indices = #map}]} {
    %mul3A = arith.constant 632 : i32
    %mul3A_0 = arith.muli %arg1, %mul3A : i32
    %min3A = arith.constant 9368 : i32
    %min3A_1 = arith.minsi %mul3A_0, %min3A : i32
    "tpu.region"() ({
      %run_scoped3A = tpu.sem_alloc : memref<!tpu.dma_semaphore, #tpu.memory_space<semaphore_mem>>
      %dma_start3A = arith.constant 0 : i32
      %dma_start3A_19 = tpu.memref_slice %arg11[%min3A_1, %dma_start3A] : memref<10064x128xf32, #tpu.memory_space<vmem_shared>> -> memref<632x128xf32, #tpu.memory_space<vmem_shared>>
      %dma_start3A_20 = arith.constant 0 : i32
      %dma_start3A_21 = tpu.memref_slice %arg5[%min3A_1, %dma_start3A_20] : memref<10000x128xf32, #tpu.memory_space<hbm>> -> memref<632x128xf32, #tpu.memory_space<hbm>>
      tpu.enqueue_dma source(%dma_start3A_21 : memref<632x128xf32, #tpu.memory_space<hbm>>) target(%dma_start3A_19 : memref<632x128xf32, #tpu.memory_space<vmem_shared>>) target_semaphore(%run_scoped3A : memref<!tpu.dma_semaphore, #tpu.memory_space<semaphore_mem>>)
      %dma_wait3A = arith.constant 0 : i32
      %dma_wait3A_22 = tpu.memref_slice %arg11[%min3A_1, %dma_wait3A] : memref<10064x128xf32, #tpu.memory_space<vmem_shared>> -> memref<632x128xf32, #tpu.memory_space<vmem_shared>>
      %dma_wait3A_23 = arith.constant 0 : i32
      %dma_wait3A_24 = tpu.memref_slice %arg5[%min3A_1, %dma_wait3A_23] : memref<10000x128xf32, #tpu.memory_space<hbm>> -> memref<632x128xf32, #tpu.memory_space<hbm>>
      tpu.wait_dma2 semaphore(%run_scoped3A : memref<!tpu.dma_semaphore, #tpu.memory_space<semaphore_mem>>) src(%dma_wait3A_24 : memref<632x128xf32, #tpu.memory_space<hbm>>) dst(%dma_wait3A_22 : memref<632x128xf32, #tpu.memory_space<vmem_shared>>)
      tpu.yield
    }) : () -> ()
    %barrier3A = arith.constant 0 : index
    tpu.barrier barrier_id(%barrier3A)
    %eq3A = arith.constant 0 : i32
    %eq3A_2 = arith.cmpi eq, %arg0, %eq3A : i32
    %jit3A = arith.constant 0 : i32
    %jit3A_3 = arith.constant 80 : i32
    %select_n3A = arith.select %eq3A_2, %jit3A, %jit3A_3 : i32
    %eq3A_4 = arith.constant 0 : i32
    %eq3A_5 = arith.cmpi eq, %arg0, %eq3A_4 : i32
    %jit3A_6 = arith.constant 2 : i32
    %jit3A_7 = arith.constant 2 : i32
    %select_n3A_8 = arith.select %eq3A_5, %jit3A_6, %jit3A_7 : i32
    %while3A = arith.constant 0 : i32
    %while3A_9 = arith.constant 0 : i32
    %while3A_10 = arith.subi %select_n3A_8, %while3A_9 : i32
    %while3A_11 = arith.addi %while3A_9, %while3A_10 : i32
    %while3A_12 = arith.constant 1 : i32
    %while3A_13 = arith.divsi %while3A_10, %while3A_12 : i32
    %while3A_14 = arith.muli %while3A_13, %while3A_12 : i32
    %while3A_15 = arith.addi %while3A_9, %while3A_14 : i32
    %while3A_16 = arith.constant 1 : i32
    scf.for %while3A_19 = %while3A_9 to %while3A_15 step %while3A_16  : i32 {
      %mul3A_20 = arith.constant 40 : i32
      %mul3A_21 = arith.muli %while3A_19, %mul3A_20 : i32
      %add3A = arith.addi %select_n3A, %mul3A_21 : i32
      "tpu.region"() ({
        %run_scoped3A = tpu.sem_alloc : memref<!tpu.dma_semaphore, #tpu.memory_space<semaphore_mem>>
        %dma_start3A_53 = arith.constant 0 : i32
        %dma_start3A_54 = tpu.memref_slice %arg2[%arg1, %add3A, %dma_start3A_53] : memref<16x160x128xi32, #tpu.memory_space<hbm>> -> memref<1x40x128xi32, #tpu.memory_space<hbm>>
        %dma_start3A_55 = tpu.memref_squeeze %dma_start3A_54 : memref<1x40x128xi32, #tpu.memory_space<hbm>> -> memref<40x128xi32, #tpu.memory_space<hbm>>
        %dma_start3A_56 = arith.constant 0 : i32
        %dma_start3A_57 = tpu.memref_slice %arg2[%arg1, %add3A, %dma_start3A_56] : memref<16x160x128xi32, #tpu.memory_space<hbm>> -> memref<1x40x128xi32, #tpu.memory_space<hbm>>
        %dma_start3A_58 = tpu.memref_squeeze %dma_start3A_57 : memref<1x40x128xi32, #tpu.memory_space<hbm>> -> memref<40x128xi32, #tpu.memory_space<hbm>>
        tpu.enqueue_dma source(%dma_start3A_58 : memref<40x128xi32, #tpu.memory_space<hbm>>) target(%arg7 : memref<40x128xi32, #tpu.memory_space<vmem>>) target_semaphore(%run_scoped3A : memref<!tpu.dma_semaphore, #tpu.memory_space<semaphore_mem>>)
        %dma_wait3A_59 = arith.constant 0 : i32
        %dma_wait3A_60 = tpu.memref_slice %arg2[%arg1, %add3A, %dma_wait3A_59] : memref<16x160x128xi32, #tpu.memory_space<hbm>> -> memref<1x40x128xi32, #tpu.memory_space<hbm>>
        %dma_wait3A_61 = tpu.memref_squeeze %dma_wait3A_60 : memref<1x40x128xi32, #tpu.memory_space<hbm>> -> memref<40x128xi32, #tpu.memory_space<hbm>>
        %dma_wait3A_62 = arith.constant 0 : i32
        %dma_wait3A_63 = tpu.memref_slice %arg2[%arg1, %add3A, %dma_wait3A_62] : memref<16x160x128xi32, #tpu.memory_space<hbm>> -> memref<1x40x128xi32, #tpu.memory_space<hbm>>
        %dma_wait3A_64 = tpu.memref_squeeze %dma_wait3A_63 : memref<1x40x128xi32, #tpu.memory_space<hbm>> -> memref<40x128xi32, #tpu.memory_space<hbm>>
        tpu.wait_dma2 semaphore(%run_scoped3A : memref<!tpu.dma_semaphore, #tpu.memory_space<semaphore_mem>>) src(%dma_wait3A_64 : memref<40x128xi32, #tpu.memory_space<hbm>>) dst(%arg7 : memref<40x128xi32, #tpu.memory_space<vmem>>)
        tpu.yield
      }) : () -> ()
      "tpu.region"() ({
        %run_scoped3A = tpu.sem_alloc : memref<!tpu.dma_semaphore, #tpu.memory_space<semaphore_mem>>
        %dma_start3A_53 = arith.constant 0 : i32
        %dma_start3A_54 = tpu.memref_slice %arg3[%arg1, %add3A, %dma_start3A_53] : memref<16x160x128xi32, #tpu.memory_space<hbm>> -> memref<1x40x128xi32, #tpu.memory_space<hbm>>
        %dma_start3A_55 = tpu.memref_squeeze %dma_start3A_54 : memref<1x40x128xi32, #tpu.memory_space<hbm>> -> memref<40x128xi32, #tpu.memory_space<hbm>>
        %dma_start3A_56 = arith.constant 0 : i32
        %dma_start3A_57 = tpu.memref_slice %arg3[%arg1, %add3A, %dma_start3A_56] : memref<16x160x128xi32, #tpu.memory_space<hbm>> -> memref<1x40x128xi32, #tpu.memory_space<hbm>>
        %dma_start3A_58 = tpu.memref_squeeze %dma_start3A_57 : memref<1x40x128xi32, #tpu.memory_space<hbm>> -> memref<40x128xi32, #tpu.memory_space<hbm>>
        tpu.enqueue_dma source(%dma_start3A_58 : memref<40x128xi32, #tpu.memory_space<hbm>>) target(%arg8 : memref<40x128xi32, #tpu.memory_space<vmem>>) target_semaphore(%run_scoped3A : memref<!tpu.dma_semaphore, #tpu.memory_space<semaphore_mem>>)
        %dma_wait3A_59 = arith.constant 0 : i32
        %dma_wait3A_60 = tpu.memref_slice %arg3[%arg1, %add3A, %dma_wait3A_59] : memref<16x160x128xi32, #tpu.memory_space<hbm>> -> memref<1x40x128xi32, #tpu.memory_space<hbm>>
        %dma_wait3A_61 = tpu.memref_squeeze %dma_wait3A_60 : memref<1x40x128xi32, #tpu.memory_space<hbm>> -> memref<40x128xi32, #tpu.memory_space<hbm>>
        %dma_wait3A_62 = arith.constant 0 : i32
        %dma_wait3A_63 = tpu.memref_slice %arg3[%arg1, %add3A, %dma_wait3A_62] : memref<16x160x128xi32, #tpu.memory_space<hbm>> -> memref<1x40x128xi32, #tpu.memory_space<hbm>>
        %dma_wait3A_64 = tpu.memref_squeeze %dma_wait3A_63 : memref<1x40x128xi32, #tpu.memory_space<hbm>> -> memref<40x128xi32, #tpu.memory_space<hbm>>
        tpu.wait_dma2 semaphore(%run_scoped3A : memref<!tpu.dma_semaphore, #tpu.memory_space<semaphore_mem>>) src(%dma_wait3A_64 : memref<40x128xi32, #tpu.memory_space<hbm>>) dst(%arg8 : memref<40x128xi32, #tpu.memory_space<vmem>>)
        tpu.yield
      }) : () -> ()
      %dma_start3A = arith.constant 0 : i32
      %dma_start3A_22 = arith.constant 0 : i32
      %dma_start3A_23 = tpu.memref_slice %arg7[%dma_start3A, %dma_start3A_22] : memref<40x128xi32, #tpu.memory_space<vmem>> -> memref<1x128xi32, #tpu.memory_space<vmem>>
      %dma_start3A_24 = tpu.memref_squeeze %dma_start3A_23 : memref<1x128xi32, #tpu.memory_space<vmem>> -> memref<128xi32, #tpu.memory_space<vmem>>
      %dma_start3A_25 = arith.constant 0 : i32
      %dma_start3A_26 = arith.constant 0 : i32
      %dma_start3A_27 = tpu.memref_slice %arg4[%dma_start3A_25, %dma_start3A_26] : memref<10000x128xf32, #tpu.memory_space<hbm>> -> memref<10000x128xf32, #tpu.memory_space<hbm>>
      tpu.enqueue_indirect_dma source(%dma_start3A_27 : memref<10000x128xf32, #tpu.memory_space<hbm>>) target(%arg9 : memref<128x128xf32, #tpu.memory_space<vmem>>) offsets(%dma_start3A_24 : memref<128xi32, #tpu.memory_space<vmem>>) semaphore(%arg12 : memref<!tpu.dma_semaphore, #tpu.memory_space<semaphore_mem>>)
      %dma_start3A_28 = arith.constant 1 : i32
      %dma_start3A_29 = arith.constant 0 : i32
      %dma_start3A_30 = tpu.memref_slice %arg7[%dma_start3A_28, %dma_start3A_29] : memref<40x128xi32, #tpu.memory_space<vmem>> -> memref<1x128xi32, #tpu.memory_space<vmem>>
      %dma_start3A_31 = tpu.memref_squeeze %dma_start3A_30 : memref<1x128xi32, #tpu.memory_space<vmem>> -> memref<128xi32, #tpu.memory_space<vmem>>
      %dma_start3A_32 = arith.constant 0 : i32
      %dma_start3A_33 = arith.constant 0 : i32
      %dma_start3A_34 = tpu.memref_slice %arg4[%dma_start3A_32, %dma_start3A_33] : memref<10000x128xf32, #tpu.memory_space<hbm>> -> memref<10000x128xf32, #tpu.memory_space<hbm>>
      tpu.enqueue_indirect_dma source(%dma_start3A_34 : memref<10000x128xf32, #tpu.memory_space<hbm>>) target(%arg10 : memref<128x128xf32, #tpu.memory_space<vmem>>) offsets(%dma_start3A_31 : memref<128xi32, #tpu.memory_space<vmem>>) semaphore(%arg13 : memref<!tpu.dma_semaphore, #tpu.memory_space<semaphore_mem>>)
      %scan3A = arith.constant 0 : i32
      %scan3A_35 = arith.constant 0 : i32
      %scan3A_36 = arith.constant 20 : i32
      %scan3A_37 = arith.addi %scan3A_35, %scan3A_36 : i32
      %scan3A_38 = arith.constant 1 : i32
      scf.for %scan3A_53 = %scan3A_35 to %scan3A_37 step %scan3A_38  : i32 {
        %mul3A_54 = arith.constant 2 : i32
        %mul3A_55 = arith.muli %mul3A_54, %scan3A_53 : i32
        %add3A_56 = arith.constant 0 : i32
        %add3A_57 = arith.addi %mul3A_55, %add3A_56 : i32
        %add3A_58 = arith.constant 2 : i32
        %add3A_59 = arith.addi %add3A_57, %add3A_58 : i32
        %min3A_60 = arith.constant 39 : i32
        %min3A_61 = arith.minsi %add3A_59, %min3A_60 : i32
        %dma_wait3A_62 = arith.constant 0 : i32
        %dma_wait3A_63 = tpu.memref_slice %arg7[%add3A_57, %dma_wait3A_62] : memref<40x128xi32, #tpu.memory_space<vmem>> -> memref<1x128xi32, #tpu.memory_space<vmem>>
        %dma_wait3A_64 = tpu.memref_squeeze %dma_wait3A_63 : memref<1x128xi32, #tpu.memory_space<vmem>> -> memref<128xi32, #tpu.memory_space<vmem>>
        %dma_wait3A_65 = arith.constant 0 : i32
        %dma_wait3A_66 = arith.constant 0 : i32
        %dma_wait3A_67 = tpu.memref_slice %arg4[%dma_wait3A_65, %dma_wait3A_66] : memref<10000x128xf32, #tpu.memory_space<hbm>> -> memref<10000x128xf32, #tpu.memory_space<hbm>>
        tpu.wait_indirect_dma semaphore(%arg12 : memref<!tpu.dma_semaphore, #tpu.memory_space<semaphore_mem>>) src(%dma_wait3A_67 : memref<10000x128xf32, #tpu.memory_space<hbm>>) dst(%arg9 : memref<128x128xf32, #tpu.memory_space<vmem>>)
        "tpu.region"() ({
          %run_scoped3A = tpu.sem_alloc : memref<!tpu.dma_semaphore, #tpu.memory_space<semaphore_mem>>
          %dma_start3A_94 = arith.constant 0 : i32
          %dma_start3A_95 = tpu.memref_slice %arg8[%add3A_57, %dma_start3A_94] : memref<40x128xi32, #tpu.memory_space<vmem>> -> memref<1x128xi32, #tpu.memory_space<vmem>>
          %dma_start3A_96 = tpu.memref_squeeze %dma_start3A_95 : memref<1x128xi32, #tpu.memory_space<vmem>> -> memref<128xi32, #tpu.memory_space<vmem>>
          %dma_start3A_97 = arith.constant 0 : i32
          %dma_start3A_98 = arith.constant 0 : i32
          %dma_start3A_99 = tpu.memref_slice %arg11[%dma_start3A_97, %dma_start3A_98] : memref<10064x128xf32, #tpu.memory_space<vmem_shared>> -> memref<10064x128xf32, #tpu.memory_space<vmem_shared>>
          tpu.enqueue_indirect_dma source(%arg9 : memref<128x128xf32, #tpu.memory_space<vmem>>) target(%dma_start3A_99 : memref<10064x128xf32, #tpu.memory_space<vmem_shared>>) offsets(%dma_start3A_96 : memref<128xi32, #tpu.memory_space<vmem>>) semaphore(%run_scoped3A : memref<!tpu.dma_semaphore, #tpu.memory_space<semaphore_mem>>) {add = true}
          %dma_wait3A_100 = arith.constant 0 : i32
          %dma_wait3A_101 = tpu.memref_slice %arg8[%add3A_57, %dma_wait3A_100] : memref<40x128xi32, #tpu.memory_space<vmem>> -> memref<1x128xi32, #tpu.memory_space<vmem>>
          %dma_wait3A_102 = tpu.memref_squeeze %dma_wait3A_101 : memref<1x128xi32, #tpu.memory_space<vmem>> -> memref<128xi32, #tpu.memory_space<vmem>>
          %dma_wait3A_103 = arith.constant 0 : i32
          %dma_wait3A_104 = arith.constant 0 : i32
          %dma_wait3A_105 = tpu.memref_slice %arg11[%dma_wait3A_103, %dma_wait3A_104] : memref<10064x128xf32, #tpu.memory_space<vmem_shared>> -> memref<10064x128xf32, #tpu.memory_space<vmem_shared>>
          tpu.wait_indirect_dma semaphore(%run_scoped3A : memref<!tpu.dma_semaphore, #tpu.memory_space<semaphore_mem>>) src(%arg9 : memref<128x128xf32, #tpu.memory_space<vmem>>) dst(%dma_wait3A_105 : memref<10064x128xf32, #tpu.memory_space<vmem_shared>>)
          tpu.yield
        }) : () -> ()
        %dma_start3A_68 = arith.constant 0 : i32
        %dma_start3A_69 = tpu.memref_slice %arg7[%min3A_61, %dma_start3A_68] : memref<40x128xi32, #tpu.memory_space<vmem>> -> memref<1x128xi32, #tpu.memory_space<vmem>>
        %dma_start3A_70 = tpu.memref_squeeze %dma_start3A_69 : memref<1x128xi32, #tpu.memory_space<vmem>> -> memref<128xi32, #tpu.memory_space<vmem>>
        %dma_start3A_71 = arith.constant 0 : i32
        %dma_start3A_72 = arith.constant 0 : i32
        %dma_start3A_73 = tpu.memref_slice %arg4[%dma_start3A_71, %dma_start3A_72] : memref<10000x128xf32, #tpu.memory_space<hbm>> -> memref<10000x128xf32, #tpu.memory_space<hbm>>
        tpu.enqueue_indirect_dma source(%dma_start3A_73 : memref<10000x128xf32, #tpu.memory_space<hbm>>) target(%arg9 : memref<128x128xf32, #tpu.memory_space<vmem>>) offsets(%dma_start3A_70 : memref<128xi32, #tpu.memory_space<vmem>>) semaphore(%arg12 : memref<!tpu.dma_semaphore, #tpu.memory_space<semaphore_mem>>)
        %mul3A_74 = arith.constant 2 : i32
        %mul3A_75 = arith.muli %mul3A_74, %scan3A_53 : i32
        %add3A_76 = arith.constant 1 : i32
        %add3A_77 = arith.addi %mul3A_75, %add3A_76 : i32
        %add3A_78 = arith.constant 2 : i32
        %add3A_79 = arith.addi %add3A_77, %add3A_78 : i32
        %min3A_80 = arith.constant 39 : i32
        %min3A_81 = arith.minsi %add3A_79, %min3A_80 : i32
        %dma_wait3A_82 = arith.constant 0 : i32
        %dma_wait3A_83 = tpu.memref_slice %arg7[%add3A_77, %dma_wait3A_82] : memref<40x128xi32, #tpu.memory_space<vmem>> -> memref<1x128xi32, #tpu.memory_space<vmem>>
        %dma_wait3A_84 = tpu.memref_squeeze %dma_wait3A_83 : memref<1x128xi32, #tpu.memory_space<vmem>> -> memref<128xi32, #tpu.memory_space<vmem>>
        %dma_wait3A_85 = arith.constant 0 : i32
        %dma_wait3A_86 = arith.constant 0 : i32
        %dma_wait3A_87 = tpu.memref_slice %arg4[%dma_wait3A_85, %dma_wait3A_86] : memref<10000x128xf32, #tpu.memory_space<hbm>> -> memref<10000x128xf32, #tpu.memory_space<hbm>>
        tpu.wait_indirect_dma semaphore(%arg13 : memref<!tpu.dma_semaphore, #tpu.memory_space<semaphore_mem>>) src(%dma_wait3A_87 : memref<10000x128xf32, #tpu.memory_space<hbm>>) dst(%arg10 : memref<128x128xf32, #tpu.memory_space<vmem>>)
        "tpu.region"() ({
          %run_scoped3A = tpu.sem_alloc : memref<!tpu.dma_semaphore, #tpu.memory_space<semaphore_mem>>
          %dma_start3A_94 = arith.constant 0 : i32
          %dma_start3A_95 = tpu.memref_slice %arg8[%add3A_77, %dma_start3A_94] : memref<40x128xi32, #tpu.memory_space<vmem>> -> memref<1x128xi32, #tpu.memory_space<vmem>>
          %dma_start3A_96 = tpu.memref_squeeze %dma_start3A_95 : memref<1x128xi32, #tpu.memory_space<vmem>> -> memref<128xi32, #tpu.memory_space<vmem>>
          %dma_start3A_97 = arith.constant 0 : i32
          %dma_start3A_98 = arith.constant 0 : i32
          %dma_start3A_99 = tpu.memref_slice %arg11[%dma_start3A_97, %dma_start3A_98] : memref<10064x128xf32, #tpu.memory_space<vmem_shared>> -> memref<10064x128xf32, #tpu.memory_space<vmem_shared>>
          tpu.enqueue_indirect_dma source(%arg10 : memref<128x128xf32, #tpu.memory_space<vmem>>) target(%dma_start3A_99 : memref<10064x128xf32, #tpu.memory_space<vmem_shared>>) offsets(%dma_start3A_96 : memref<128xi32, #tpu.memory_space<vmem>>) semaphore(%run_scoped3A : memref<!tpu.dma_semaphore, #tpu.memory_space<semaphore_mem>>) {add = true}
          %dma_wait3A_100 = arith.constant 0 : i32
          %dma_wait3A_101 = tpu.memref_slice %arg8[%add3A_77, %dma_wait3A_100] : memref<40x128xi32, #tpu.memory_space<vmem>> -> memref<1x128xi32, #tpu.memory_space<vmem>>
          %dma_wait3A_102 = tpu.memref_squeeze %dma_wait3A_101 : memref<1x128xi32, #tpu.memory_space<vmem>> -> memref<128xi32, #tpu.memory_space<vmem>>
          %dma_wait3A_103 = arith.constant 0 : i32
          %dma_wait3A_104 = arith.constant 0 : i32
          %dma_wait3A_105 = tpu.memref_slice %arg11[%dma_wait3A_103, %dma_wait3A_104] : memref<10064x128xf32, #tpu.memory_space<vmem_shared>> -> memref<10064x128xf32, #tpu.memory_space<vmem_shared>>
          tpu.wait_indirect_dma semaphore(%run_scoped3A : memref<!tpu.dma_semaphore, #tpu.memory_space<semaphore_mem>>) src(%arg10 : memref<128x128xf32, #tpu.memory_space<vmem>>) dst(%dma_wait3A_105 : memref<10064x128xf32, #tpu.memory_space<vmem_shared>>)
          tpu.yield
        }) : () -> ()
        %dma_start3A_88 = arith.constant 0 : i32
        %dma_start3A_89 = tpu.memref_slice %arg7[%min3A_81, %dma_start3A_88] : memref<40x128xi32, #tpu.memory_space<vmem>> -> memref<1x128xi32, #tpu.memory_space<vmem>>
        %dma_start3A_90 = tpu.memref_squeeze %dma_start3A_89 : memref<1x128xi32, #tpu.memory_space<vmem>> -> memref<128xi32, #tpu.memory_space<vmem>>
        %dma_start3A_91 = arith.constant 0 : i32
        %dma_start3A_92 = arith.constant 0 : i32
        %dma_start3A_93 = tpu.memref_slice %arg4[%dma_start3A_91, %dma_start3A_92] : memref<10000x128xf32, #tpu.memory_space<hbm>> -> memref<10000x128xf32, #tpu.memory_space<hbm>>
        tpu.enqueue_indirect_dma source(%dma_start3A_93 : memref<10000x128xf32, #tpu.memory_space<hbm>>) target(%arg10 : memref<128x128xf32, #tpu.memory_space<vmem>>) offsets(%dma_start3A_90 : memref<128xi32, #tpu.memory_space<vmem>>) semaphore(%arg13 : memref<!tpu.dma_semaphore, #tpu.memory_space<semaphore_mem>>)
      }
      %scan3A_39 = arith.constant 20 : i32
      %dma_wait3A = arith.constant 39 : i32
      %dma_wait3A_40 = arith.constant 0 : i32
      %dma_wait3A_41 = tpu.memref_slice %arg7[%dma_wait3A, %dma_wait3A_40] : memref<40x128xi32, #tpu.memory_space<vmem>> -> memref<1x128xi32, #tpu.memory_space<vmem>>
      %dma_wait3A_42 = tpu.memref_squeeze %dma_wait3A_41 : memref<1x128xi32, #tpu.memory_space<vmem>> -> memref<128xi32, #tpu.memory_space<vmem>>
      %dma_wait3A_43 = arith.constant 0 : i32
      %dma_wait3A_44 = arith.constant 0 : i32
      %dma_wait3A_45 = tpu.memref_slice %arg4[%dma_wait3A_43, %dma_wait3A_44] : memref<10000x128xf32, #tpu.memory_space<hbm>> -> memref<10000x128xf32, #tpu.memory_space<hbm>>
      tpu.wait_indirect_dma semaphore(%arg12 : memref<!tpu.dma_semaphore, #tpu.memory_space<semaphore_mem>>) src(%dma_wait3A_45 : memref<10000x128xf32, #tpu.memory_space<hbm>>) dst(%arg9 : memref<128x128xf32, #tpu.memory_space<vmem>>)
      %dma_wait3A_46 = arith.constant 39 : i32
      %dma_wait3A_47 = arith.constant 0 : i32
      %dma_wait3A_48 = tpu.memref_slice %arg7[%dma_wait3A_46, %dma_wait3A_47] : memref<40x128xi32, #tpu.memory_space<vmem>> -> memref<1x128xi32, #tpu.memory_space<vmem>>
      %dma_wait3A_49 = tpu.memref_squeeze %dma_wait3A_48 : memref<1x128xi32, #tpu.memory_space<vmem>> -> memref<128xi32, #tpu.memory_space<vmem>>
      %dma_wait3A_50 = arith.constant 0 : i32
      %dma_wait3A_51 = arith.constant 0 : i32
      %dma_wait3A_52 = tpu.memref_slice %arg4[%dma_wait3A_50, %dma_wait3A_51] : memref<10000x128xf32, #tpu.memory_space<hbm>> -> memref<10000x128xf32, #tpu.memory_space<hbm>>
      tpu.wait_indirect_dma semaphore(%arg13 : memref<!tpu.dma_semaphore, #tpu.memory_space<semaphore_mem>>) src(%dma_wait3A_52 : memref<10000x128xf32, #tpu.memory_space<hbm>>) dst(%arg10 : memref<128x128xf32, #tpu.memory_space<vmem>>)
    }
    %while3A_17 = arith.constant 1 : i32
    scf.for %while3A_19 = %while3A_15 to %while3A_11 step %while3A_17  : i32 {
      %mul3A_20 = arith.constant 40 : i32
      %mul3A_21 = arith.muli %while3A_19, %mul3A_20 : i32
      %add3A = arith.addi %select_n3A, %mul3A_21 : i32
      "tpu.region"() ({
        %run_scoped3A = tpu.sem_alloc : memref<!tpu.dma_semaphore, #tpu.memory_space<semaphore_mem>>
        %dma_start3A_53 = arith.constant 0 : i32
        %dma_start3A_54 = tpu.memref_slice %arg2[%arg1, %add3A, %dma_start3A_53] : memref<16x160x128xi32, #tpu.memory_space<hbm>> -> memref<1x40x128xi32, #tpu.memory_space<hbm>>
        %dma_start3A_55 = tpu.memref_squeeze %dma_start3A_54 : memref<1x40x128xi32, #tpu.memory_space<hbm>> -> memref<40x128xi32, #tpu.memory_space<hbm>>
        %dma_start3A_56 = arith.constant 0 : i32
        %dma_start3A_57 = tpu.memref_slice %arg2[%arg1, %add3A, %dma_start3A_56] : memref<16x160x128xi32, #tpu.memory_space<hbm>> -> memref<1x40x128xi32, #tpu.memory_space<hbm>>
        %dma_start3A_58 = tpu.memref_squeeze %dma_start3A_57 : memref<1x40x128xi32, #tpu.memory_space<hbm>> -> memref<40x128xi32, #tpu.memory_space<hbm>>
        tpu.enqueue_dma source(%dma_start3A_58 : memref<40x128xi32, #tpu.memory_space<hbm>>) target(%arg7 : memref<40x128xi32, #tpu.memory_space<vmem>>) target_semaphore(%run_scoped3A : memref<!tpu.dma_semaphore, #tpu.memory_space<semaphore_mem>>)
        %dma_wait3A_59 = arith.constant 0 : i32
        %dma_wait3A_60 = tpu.memref_slice %arg2[%arg1, %add3A, %dma_wait3A_59] : memref<16x160x128xi32, #tpu.memory_space<hbm>> -> memref<1x40x128xi32, #tpu.memory_space<hbm>>
        %dma_wait3A_61 = tpu.memref_squeeze %dma_wait3A_60 : memref<1x40x128xi32, #tpu.memory_space<hbm>> -> memref<40x128xi32, #tpu.memory_space<hbm>>
        %dma_wait3A_62 = arith.constant 0 : i32
        %dma_wait3A_63 = tpu.memref_slice %arg2[%arg1, %add3A, %dma_wait3A_62] : memref<16x160x128xi32, #tpu.memory_space<hbm>> -> memref<1x40x128xi32, #tpu.memory_space<hbm>>
        %dma_wait3A_64 = tpu.memref_squeeze %dma_wait3A_63 : memref<1x40x128xi32, #tpu.memory_space<hbm>> -> memref<40x128xi32, #tpu.memory_space<hbm>>
        tpu.wait_dma2 semaphore(%run_scoped3A : memref<!tpu.dma_semaphore, #tpu.memory_space<semaphore_mem>>) src(%dma_wait3A_64 : memref<40x128xi32, #tpu.memory_space<hbm>>) dst(%arg7 : memref<40x128xi32, #tpu.memory_space<vmem>>)
        tpu.yield
      }) : () -> ()
      "tpu.region"() ({
        %run_scoped3A = tpu.sem_alloc : memref<!tpu.dma_semaphore, #tpu.memory_space<semaphore_mem>>
        %dma_start3A_53 = arith.constant 0 : i32
        %dma_start3A_54 = tpu.memref_slice %arg3[%arg1, %add3A, %dma_start3A_53] : memref<16x160x128xi32, #tpu.memory_space<hbm>> -> memref<1x40x128xi32, #tpu.memory_space<hbm>>
        %dma_start3A_55 = tpu.memref_squeeze %dma_start3A_54 : memref<1x40x128xi32, #tpu.memory_space<hbm>> -> memref<40x128xi32, #tpu.memory_space<hbm>>
        %dma_start3A_56 = arith.constant 0 : i32
        %dma_start3A_57 = tpu.memref_slice %arg3[%arg1, %add3A, %dma_start3A_56] : memref<16x160x128xi32, #tpu.memory_space<hbm>> -> memref<1x40x128xi32, #tpu.memory_space<hbm>>
        %dma_start3A_58 = tpu.memref_squeeze %dma_start3A_57 : memref<1x40x128xi32, #tpu.memory_space<hbm>> -> memref<40x128xi32, #tpu.memory_space<hbm>>
        tpu.enqueue_dma source(%dma_start3A_58 : memref<40x128xi32, #tpu.memory_space<hbm>>) target(%arg8 : memref<40x128xi32, #tpu.memory_space<vmem>>) target_semaphore(%run_scoped3A : memref<!tpu.dma_semaphore, #tpu.memory_space<semaphore_mem>>)
        %dma_wait3A_59 = arith.constant 0 : i32
        %dma_wait3A_60 = tpu.memref_slice %arg3[%arg1, %add3A, %dma_wait3A_59] : memref<16x160x128xi32, #tpu.memory_space<hbm>> -> memref<1x40x128xi32, #tpu.memory_space<hbm>>
        %dma_wait3A_61 = tpu.memref_squeeze %dma_wait3A_60 : memref<1x40x128xi32, #tpu.memory_space<hbm>> -> memref<40x128xi32, #tpu.memory_space<hbm>>
        %dma_wait3A_62 = arith.constant 0 : i32
        %dma_wait3A_63 = tpu.memref_slice %arg3[%arg1, %add3A, %dma_wait3A_62] : memref<16x160x128xi32, #tpu.memory_space<hbm>> -> memref<1x40x128xi32, #tpu.memory_space<hbm>>
        %dma_wait3A_64 = tpu.memref_squeeze %dma_wait3A_63 : memref<1x40x128xi32, #tpu.memory_space<hbm>> -> memref<40x128xi32, #tpu.memory_space<hbm>>
        tpu.wait_dma2 semaphore(%run_scoped3A : memref<!tpu.dma_semaphore, #tpu.memory_space<semaphore_mem>>) src(%dma_wait3A_64 : memref<40x128xi32, #tpu.memory_space<hbm>>) dst(%arg8 : memref<40x128xi32, #tpu.memory_space<vmem>>)
        tpu.yield
      }) : () -> ()
      %dma_start3A = arith.constant 0 : i32
      %dma_start3A_22 = arith.constant 0 : i32
      %dma_start3A_23 = tpu.memref_slice %arg7[%dma_start3A, %dma_start3A_22] : memref<40x128xi32, #tpu.memory_space<vmem>> -> memref<1x128xi32, #tpu.memory_space<vmem>>
      %dma_start3A_24 = tpu.memref_squeeze %dma_start3A_23 : memref<1x128xi32, #tpu.memory_space<vmem>> -> memref<128xi32, #tpu.memory_space<vmem>>
      %dma_start3A_25 = arith.constant 0 : i32
      %dma_start3A_26 = arith.constant 0 : i32
      %dma_start3A_27 = tpu.memref_slice %arg4[%dma_start3A_25, %dma_start3A_26] : memref<10000x128xf32, #tpu.memory_space<hbm>> -> memref<10000x128xf32, #tpu.memory_space<hbm>>
      tpu.enqueue_indirect_dma source(%dma_start3A_27 : memref<10000x128xf32, #tpu.memory_space<hbm>>) target(%arg9 : memref<128x128xf32, #tpu.memory_space<vmem>>) offsets(%dma_start3A_24 : memref<128xi32, #tpu.memory_space<vmem>>) semaphore(%arg12 : memref<!tpu.dma_semaphore, #tpu.memory_space<semaphore_mem>>)
      %dma_start3A_28 = arith.constant 1 : i32
      %dma_start3A_29 = arith.constant 0 : i32
      %dma_start3A_30 = tpu.memref_slice %arg7[%dma_start3A_28, %dma_start3A_29] : memref<40x128xi32, #tpu.memory_space<vmem>> -> memref<1x128xi32, #tpu.memory_space<vmem>>
      %dma_start3A_31 = tpu.memref_squeeze %dma_start3A_30 : memref<1x128xi32, #tpu.memory_space<vmem>> -> memref<128xi32, #tpu.memory_space<vmem>>
      %dma_start3A_32 = arith.constant 0 : i32
      %dma_start3A_33 = arith.constant 0 : i32
      %dma_start3A_34 = tpu.memref_slice %arg4[%dma_start3A_32, %dma_start3A_33] : memref<10000x128xf32, #tpu.memory_space<hbm>> -> memref<10000x128xf32, #tpu.memory_space<hbm>>
      tpu.enqueue_indirect_dma source(%dma_start3A_34 : memref<10000x128xf32, #tpu.memory_space<hbm>>) target(%arg10 : memref<128x128xf32, #tpu.memory_space<vmem>>) offsets(%dma_start3A_31 : memref<128xi32, #tpu.memory_space<vmem>>) semaphore(%arg13 : memref<!tpu.dma_semaphore, #tpu.memory_space<semaphore_mem>>)
      %scan3A = arith.constant 0 : i32
      %scan3A_35 = arith.constant 0 : i32
      %scan3A_36 = arith.constant 20 : i32
      %scan3A_37 = arith.addi %scan3A_35, %scan3A_36 : i32
      %scan3A_38 = arith.constant 1 : i32
      scf.for %scan3A_53 = %scan3A_35 to %scan3A_37 step %scan3A_38  : i32 {
        %mul3A_54 = arith.constant 2 : i32
        %mul3A_55 = arith.muli %mul3A_54, %scan3A_53 : i32
        %add3A_56 = arith.constant 0 : i32
        %add3A_57 = arith.addi %mul3A_55, %add3A_56 : i32
        %add3A_58 = arith.constant 2 : i32
        %add3A_59 = arith.addi %add3A_57, %add3A_58 : i32
        %min3A_60 = arith.constant 39 : i32
        %min3A_61 = arith.minsi %add3A_59, %min3A_60 : i32
        %dma_wait3A_62 = arith.constant 0 : i32
        %dma_wait3A_63 = tpu.memref_slice %arg7[%add3A_57, %dma_wait3A_62] : memref<40x128xi32, #tpu.memory_space<vmem>> -> memref<1x128xi32, #tpu.memory_space<vmem>>
        %dma_wait3A_64 = tpu.memref_squeeze %dma_wait3A_63 : memref<1x128xi32, #tpu.memory_space<vmem>> -> memref<128xi32, #tpu.memory_space<vmem>>
        %dma_wait3A_65 = arith.constant 0 : i32
        %dma_wait3A_66 = arith.constant 0 : i32
        %dma_wait3A_67 = tpu.memref_slice %arg4[%dma_wait3A_65, %dma_wait3A_66] : memref<10000x128xf32, #tpu.memory_space<hbm>> -> memref<10000x128xf32, #tpu.memory_space<hbm>>
        tpu.wait_indirect_dma semaphore(%arg12 : memref<!tpu.dma_semaphore, #tpu.memory_space<semaphore_mem>>) src(%dma_wait3A_67 : memref<10000x128xf32, #tpu.memory_space<hbm>>) dst(%arg9 : memref<128x128xf32, #tpu.memory_space<vmem>>)
        "tpu.region"() ({
          %run_scoped3A = tpu.sem_alloc : memref<!tpu.dma_semaphore, #tpu.memory_space<semaphore_mem>>
          %dma_start3A_94 = arith.constant 0 : i32
          %dma_start3A_95 = tpu.memref_slice %arg8[%add3A_57, %dma_start3A_94] : memref<40x128xi32, #tpu.memory_space<vmem>> -> memref<1x128xi32, #tpu.memory_space<vmem>>
          %dma_start3A_96 = tpu.memref_squeeze %dma_start3A_95 : memref<1x128xi32, #tpu.memory_space<vmem>> -> memref<128xi32, #tpu.memory_space<vmem>>
          %dma_start3A_97 = arith.constant 0 : i32
          %dma_start3A_98 = arith.constant 0 : i32
          %dma_start3A_99 = tpu.memref_slice %arg11[%dma_start3A_97, %dma_start3A_98] : memref<10064x128xf32, #tpu.memory_space<vmem_shared>> -> memref<10064x128xf32, #tpu.memory_space<vmem_shared>>
          tpu.enqueue_indirect_dma source(%arg9 : memref<128x128xf32, #tpu.memory_space<vmem>>) target(%dma_start3A_99 : memref<10064x128xf32, #tpu.memory_space<vmem_shared>>) offsets(%dma_start3A_96 : memref<128xi32, #tpu.memory_space<vmem>>) semaphore(%run_scoped3A : memref<!tpu.dma_semaphore, #tpu.memory_space<semaphore_mem>>) {add = true}
          %dma_wait3A_100 = arith.constant 0 : i32
          %dma_wait3A_101 = tpu.memref_slice %arg8[%add3A_57, %dma_wait3A_100] : memref<40x128xi32, #tpu.memory_space<vmem>> -> memref<1x128xi32, #tpu.memory_space<vmem>>
          %dma_wait3A_102 = tpu.memref_squeeze %dma_wait3A_101 : memref<1x128xi32, #tpu.memory_space<vmem>> -> memref<128xi32, #tpu.memory_space<vmem>>
          %dma_wait3A_103 = arith.constant 0 : i32
          %dma_wait3A_104 = arith.constant 0 : i32
          %dma_wait3A_105 = tpu.memref_slice %arg11[%dma_wait3A_103, %dma_wait3A_104] : memref<10064x128xf32, #tpu.memory_space<vmem_shared>> -> memref<10064x128xf32, #tpu.memory_space<vmem_shared>>
          tpu.wait_indirect_dma semaphore(%run_scoped3A : memref<!tpu.dma_semaphore, #tpu.memory_space<semaphore_mem>>) src(%arg9 : memref<128x128xf32, #tpu.memory_space<vmem>>) dst(%dma_wait3A_105 : memref<10064x128xf32, #tpu.memory_space<vmem_shared>>)
          tpu.yield
        }) : () -> ()
        %dma_start3A_68 = arith.constant 0 : i32
        %dma_start3A_69 = tpu.memref_slice %arg7[%min3A_61, %dma_start3A_68] : memref<40x128xi32, #tpu.memory_space<vmem>> -> memref<1x128xi32, #tpu.memory_space<vmem>>
        %dma_start3A_70 = tpu.memref_squeeze %dma_start3A_69 : memref<1x128xi32, #tpu.memory_space<vmem>> -> memref<128xi32, #tpu.memory_space<vmem>>
        %dma_start3A_71 = arith.constant 0 : i32
        %dma_start3A_72 = arith.constant 0 : i32
        %dma_start3A_73 = tpu.memref_slice %arg4[%dma_start3A_71, %dma_start3A_72] : memref<10000x128xf32, #tpu.memory_space<hbm>> -> memref<10000x128xf32, #tpu.memory_space<hbm>>
        tpu.enqueue_indirect_dma source(%dma_start3A_73 : memref<10000x128xf32, #tpu.memory_space<hbm>>) target(%arg9 : memref<128x128xf32, #tpu.memory_space<vmem>>) offsets(%dma_start3A_70 : memref<128xi32, #tpu.memory_space<vmem>>) semaphore(%arg12 : memref<!tpu.dma_semaphore, #tpu.memory_space<semaphore_mem>>)
        %mul3A_74 = arith.constant 2 : i32
        %mul3A_75 = arith.muli %mul3A_74, %scan3A_53 : i32
        %add3A_76 = arith.constant 1 : i32
        %add3A_77 = arith.addi %mul3A_75, %add3A_76 : i32
        %add3A_78 = arith.constant 2 : i32
        %add3A_79 = arith.addi %add3A_77, %add3A_78 : i32
        %min3A_80 = arith.constant 39 : i32
        %min3A_81 = arith.minsi %add3A_79, %min3A_80 : i32
        %dma_wait3A_82 = arith.constant 0 : i32
        %dma_wait3A_83 = tpu.memref_slice %arg7[%add3A_77, %dma_wait3A_82] : memref<40x128xi32, #tpu.memory_space<vmem>> -> memref<1x128xi32, #tpu.memory_space<vmem>>
        %dma_wait3A_84 = tpu.memref_squeeze %dma_wait3A_83 : memref<1x128xi32, #tpu.memory_space<vmem>> -> memref<128xi32, #tpu.memory_space<vmem>>
        %dma_wait3A_85 = arith.constant 0 : i32
        %dma_wait3A_86 = arith.constant 0 : i32
        %dma_wait3A_87 = tpu.memref_slice %arg4[%dma_wait3A_85, %dma_wait3A_86] : memref<10000x128xf32, #tpu.memory_space<hbm>> -> memref<10000x128xf32, #tpu.memory_space<hbm>>
        tpu.wait_indirect_dma semaphore(%arg13 : memref<!tpu.dma_semaphore, #tpu.memory_space<semaphore_mem>>) src(%dma_wait3A_87 : memref<10000x128xf32, #tpu.memory_space<hbm>>) dst(%arg10 : memref<128x128xf32, #tpu.memory_space<vmem>>)
        "tpu.region"() ({
          %run_scoped3A = tpu.sem_alloc : memref<!tpu.dma_semaphore, #tpu.memory_space<semaphore_mem>>
          %dma_start3A_94 = arith.constant 0 : i32
          %dma_start3A_95 = tpu.memref_slice %arg8[%add3A_77, %dma_start3A_94] : memref<40x128xi32, #tpu.memory_space<vmem>> -> memref<1x128xi32, #tpu.memory_space<vmem>>
          %dma_start3A_96 = tpu.memref_squeeze %dma_start3A_95 : memref<1x128xi32, #tpu.memory_space<vmem>> -> memref<128xi32, #tpu.memory_space<vmem>>
          %dma_start3A_97 = arith.constant 0 : i32
          %dma_start3A_98 = arith.constant 0 : i32
          %dma_start3A_99 = tpu.memref_slice %arg11[%dma_start3A_97, %dma_start3A_98] : memref<10064x128xf32, #tpu.memory_space<vmem_shared>> -> memref<10064x128xf32, #tpu.memory_space<vmem_shared>>
          tpu.enqueue_indirect_dma source(%arg10 : memref<128x128xf32, #tpu.memory_space<vmem>>) target(%dma_start3A_99 : memref<10064x128xf32, #tpu.memory_space<vmem_shared>>) offsets(%dma_start3A_96 : memref<128xi32, #tpu.memory_space<vmem>>) semaphore(%run_scoped3A : memref<!tpu.dma_semaphore, #tpu.memory_space<semaphore_mem>>) {add = true}
          %dma_wait3A_100 = arith.constant 0 : i32
          %dma_wait3A_101 = tpu.memref_slice %arg8[%add3A_77, %dma_wait3A_100] : memref<40x128xi32, #tpu.memory_space<vmem>> -> memref<1x128xi32, #tpu.memory_space<vmem>>
          %dma_wait3A_102 = tpu.memref_squeeze %dma_wait3A_101 : memref<1x128xi32, #tpu.memory_space<vmem>> -> memref<128xi32, #tpu.memory_space<vmem>>
          %dma_wait3A_103 = arith.constant 0 : i32
          %dma_wait3A_104 = arith.constant 0 : i32
          %dma_wait3A_105 = tpu.memref_slice %arg11[%dma_wait3A_103, %dma_wait3A_104] : memref<10064x128xf32, #tpu.memory_space<vmem_shared>> -> memref<10064x128xf32, #tpu.memory_space<vmem_shared>>
          tpu.wait_indirect_dma semaphore(%run_scoped3A : memref<!tpu.dma_semaphore, #tpu.memory_space<semaphore_mem>>) src(%arg10 : memref<128x128xf32, #tpu.memory_space<vmem>>) dst(%dma_wait3A_105 : memref<10064x128xf32, #tpu.memory_space<vmem_shared>>)
          tpu.yield
        }) : () -> ()
        %dma_start3A_88 = arith.constant 0 : i32
        %dma_start3A_89 = tpu.memref_slice %arg7[%min3A_81, %dma_start3A_88] : memref<40x128xi32, #tpu.memory_space<vmem>> -> memref<1x128xi32, #tpu.memory_space<vmem>>
        %dma_start3A_90 = tpu.memref_squeeze %dma_start3A_89 : memref<1x128xi32, #tpu.memory_space<vmem>> -> memref<128xi32, #tpu.memory_space<vmem>>
        %dma_start3A_91 = arith.constant 0 : i32
        %dma_start3A_92 = arith.constant 0 : i32
        %dma_start3A_93 = tpu.memref_slice %arg4[%dma_start3A_91, %dma_start3A_92] : memref<10000x128xf32, #tpu.memory_space<hbm>> -> memref<10000x128xf32, #tpu.memory_space<hbm>>
        tpu.enqueue_indirect_dma source(%dma_start3A_93 : memref<10000x128xf32, #tpu.memory_space<hbm>>) target(%arg10 : memref<128x128xf32, #tpu.memory_space<vmem>>) offsets(%dma_start3A_90 : memref<128xi32, #tpu.memory_space<vmem>>) semaphore(%arg13 : memref<!tpu.dma_semaphore, #tpu.memory_space<semaphore_mem>>)
      }
      %scan3A_39 = arith.constant 20 : i32
      %dma_wait3A = arith.constant 39 : i32
      %dma_wait3A_40 = arith.constant 0 : i32
      %dma_wait3A_41 = tpu.memref_slice %arg7[%dma_wait3A, %dma_wait3A_40] : memref<40x128xi32, #tpu.memory_space<vmem>> -> memref<1x128xi32, #tpu.memory_space<vmem>>
      %dma_wait3A_42 = tpu.memref_squeeze %dma_wait3A_41 : memref<1x128xi32, #tpu.memory_space<vmem>> -> memref<128xi32, #tpu.memory_space<vmem>>
      %dma_wait3A_43 = arith.constant 0 : i32
      %dma_wait3A_44 = arith.constant 0 : i32
      %dma_wait3A_45 = tpu.memref_slice %arg4[%dma_wait3A_43, %dma_wait3A_44] : memref<10000x128xf32, #tpu.memory_space<hbm>> -> memref<10000x128xf32, #tpu.memory_space<hbm>>
      tpu.wait_indirect_dma semaphore(%arg12 : memref<!tpu.dma_semaphore, #tpu.memory_space<semaphore_mem>>) src(%dma_wait3A_45 : memref<10000x128xf32, #tpu.memory_space<hbm>>) dst(%arg9 : memref<128x128xf32, #tpu.memory_space<vmem>>)
      %dma_wait3A_46 = arith.constant 39 : i32
      %dma_wait3A_47 = arith.constant 0 : i32
      %dma_wait3A_48 = tpu.memref_slice %arg7[%dma_wait3A_46, %dma_wait3A_47] : memref<40x128xi32, #tpu.memory_space<vmem>> -> memref<1x128xi32, #tpu.memory_space<vmem>>
      %dma_wait3A_49 = tpu.memref_squeeze %dma_wait3A_48 : memref<1x128xi32, #tpu.memory_space<vmem>> -> memref<128xi32, #tpu.memory_space<vmem>>
      %dma_wait3A_50 = arith.constant 0 : i32
      %dma_wait3A_51 = arith.constant 0 : i32
      %dma_wait3A_52 = tpu.memref_slice %arg4[%dma_wait3A_50, %dma_wait3A_51] : memref<10000x128xf32, #tpu.memory_space<hbm>> -> memref<10000x128xf32, #tpu.memory_space<hbm>>
      tpu.wait_indirect_dma semaphore(%arg13 : memref<!tpu.dma_semaphore, #tpu.memory_space<semaphore_mem>>) src(%dma_wait3A_52 : memref<10000x128xf32, #tpu.memory_space<hbm>>) dst(%arg10 : memref<128x128xf32, #tpu.memory_space<vmem>>)
    }
    %barrier3A_18 = arith.constant 0 : index
    tpu.barrier barrier_id(%barrier3A_18)
    "tpu.region"() ({
      %run_scoped3A = tpu.sem_alloc : memref<!tpu.dma_semaphore, #tpu.memory_space<semaphore_mem>>
      %dma_start3A = arith.constant 0 : i32
      %dma_start3A_19 = tpu.memref_slice %arg6[%arg0, %min3A_1, %dma_start3A] : memref<2x10000x128xf32, #tpu.memory_space<hbm>> -> memref<1x632x128xf32, #tpu.memory_space<hbm>>
      %dma_start3A_20 = tpu.memref_squeeze %dma_start3A_19 : memref<1x632x128xf32, #tpu.memory_space<hbm>> -> memref<632x128xf32, #tpu.memory_space<hbm>>
      %dma_start3A_21 = arith.constant 0 : i32
      %dma_start3A_22 = tpu.memref_slice %arg11[%min3A_1, %dma_start3A_21] : memref<10064x128xf32, #tpu.memory_space<vmem_shared>> -> memref<632x128xf32, #tpu.memory_space<vmem_shared>>
      tpu.enqueue_dma source(%dma_start3A_22 : memref<632x128xf32, #tpu.memory_space<vmem_shared>>) target(%dma_start3A_20 : memref<632x128xf32, #tpu.memory_space<hbm>>) target_semaphore(%run_scoped3A : memref<!tpu.dma_semaphore, #tpu.memory_space<semaphore_mem>>)
      %dma_wait3A = arith.constant 0 : i32
      %dma_wait3A_23 = tpu.memref_slice %arg6[%arg0, %min3A_1, %dma_wait3A] : memref<2x10000x128xf32, #tpu.memory_space<hbm>> -> memref<1x632x128xf32, #tpu.memory_space<hbm>>
      %dma_wait3A_24 = tpu.memref_squeeze %dma_wait3A_23 : memref<1x632x128xf32, #tpu.memory_space<hbm>> -> memref<632x128xf32, #tpu.memory_space<hbm>>
      %dma_wait3A_25 = arith.constant 0 : i32
      %dma_wait3A_26 = tpu.memref_slice %arg11[%min3A_1, %dma_wait3A_25] : memref<10064x128xf32, #tpu.memory_space<vmem_shared>> -> memref<632x128xf32, #tpu.memory_space<vmem_shared>>
      tpu.wait_dma2 semaphore(%run_scoped3A : memref<!tpu.dma_semaphore, #tpu.memory_space<semaphore_mem>>) src(%dma_wait3A_26 : memref<632x128xf32, #tpu.memory_space<vmem_shared>>) dst(%dma_wait3A_24 : memref<632x128xf32, #tpu.memory_space<hbm>>)
      tpu.yield
    }) : () -> ()
    return
  }
}

#map = affine_map<(d0, d1) -> (0, 0, 0)>
#map1 = affine_map<(d0, d1) -> (0, 0)>
module attributes {stable_mosaic.version = 14 : i64} {
  func.func @deg_kernel(%arg0: i32, %arg1: i32, %arg2: memref<16x160x128xi32, #tpu.memory_space<hbm>>, %arg3: memref<128x128xf32, #tpu.memory_space<hbm>>, %arg4: memref<10000x128xf32, #tpu.memory_space<hbm>>, %arg5: memref<2x10000x128xf32, #tpu.memory_space<hbm>>, %arg6: memref<16x128xi32, #tpu.memory_space<vmem>>, %arg7: memref<128x128xf32, #tpu.memory_space<vmem>>, %arg8: memref<10064x128xf32, #tpu.memory_space<vmem_shared>>) attributes {dimension_semantics = [#tpu.dimension_semantics<core_parallel>, #tpu.dimension_semantics<subcore_parallel>], iteration_bounds = array<i64: 2, 16>, scalar_prefetch = 0 : i64, scratch_operands = 3 : i64, tpu.core_type = #tpu.core_type<sc_vector_subcore>, window_params = [{transform_indices = #map}, {transform_indices = #map1}, {transform_indices = #map1}, {transform_indices = #map}]} {
    %mul3A = arith.constant 632 : i32
    %mul3A_0 = arith.muli %arg1, %mul3A : i32
    %min3A = arith.constant 9368 : i32
    %min3A_1 = arith.minsi %mul3A_0, %min3A : i32
    "tpu.region"() ({
      %run_scoped3A = tpu.sem_alloc : memref<!tpu.dma_semaphore, #tpu.memory_space<semaphore_mem>>
      tpu.enqueue_dma source(%arg3 : memref<128x128xf32, #tpu.memory_space<hbm>>) target(%arg7 : memref<128x128xf32, #tpu.memory_space<vmem>>) target_semaphore(%run_scoped3A : memref<!tpu.dma_semaphore, #tpu.memory_space<semaphore_mem>>)
      tpu.wait_dma2 semaphore(%run_scoped3A : memref<!tpu.dma_semaphore, #tpu.memory_space<semaphore_mem>>) src(%arg3 : memref<128x128xf32, #tpu.memory_space<hbm>>) dst(%arg7 : memref<128x128xf32, #tpu.memory_space<vmem>>)
      tpu.yield
    }) : () -> ()
    "tpu.region"() ({
      %run_scoped3A = tpu.sem_alloc : memref<!tpu.dma_semaphore, #tpu.memory_space<semaphore_mem>>
      %dma_start3A = arith.constant 0 : i32
      %dma_start3A_8 = tpu.memref_slice %arg8[%min3A_1, %dma_start3A] : memref<10064x128xf32, #tpu.memory_space<vmem_shared>> -> memref<632x128xf32, #tpu.memory_space<vmem_shared>>
      %dma_start3A_9 = arith.constant 0 : i32
      %dma_start3A_10 = tpu.memref_slice %arg4[%min3A_1, %dma_start3A_9] : memref<10000x128xf32, #tpu.memory_space<hbm>> -> memref<632x128xf32, #tpu.memory_space<hbm>>
      tpu.enqueue_dma source(%dma_start3A_10 : memref<632x128xf32, #tpu.memory_space<hbm>>) target(%dma_start3A_8 : memref<632x128xf32, #tpu.memory_space<vmem_shared>>) target_semaphore(%run_scoped3A : memref<!tpu.dma_semaphore, #tpu.memory_space<semaphore_mem>>)
      %dma_wait3A = arith.constant 0 : i32
      %dma_wait3A_11 = tpu.memref_slice %arg8[%min3A_1, %dma_wait3A] : memref<10064x128xf32, #tpu.memory_space<vmem_shared>> -> memref<632x128xf32, #tpu.memory_space<vmem_shared>>
      %dma_wait3A_12 = arith.constant 0 : i32
      %dma_wait3A_13 = tpu.memref_slice %arg4[%min3A_1, %dma_wait3A_12] : memref<10000x128xf32, #tpu.memory_space<hbm>> -> memref<632x128xf32, #tpu.memory_space<hbm>>
      tpu.wait_dma2 semaphore(%run_scoped3A : memref<!tpu.dma_semaphore, #tpu.memory_space<semaphore_mem>>) src(%dma_wait3A_13 : memref<632x128xf32, #tpu.memory_space<hbm>>) dst(%dma_wait3A_11 : memref<632x128xf32, #tpu.memory_space<vmem_shared>>)
      tpu.yield
    }) : () -> ()
    %barrier3A = arith.constant 0 : index
    tpu.barrier barrier_id(%barrier3A)
    %scan3A = arith.constant 0 : i32
    %scan3A_2 = arith.constant 0 : i32
    %scan3A_3 = arith.constant 5 : i32
    %scan3A_4 = arith.addi %scan3A_2, %scan3A_3 : i32
    %scan3A_5 = arith.constant 1 : i32
    scf.for %scan3A_8 = %scan3A_2 to %scan3A_4 step %scan3A_5  : i32 {
      %mul3A_9 = arith.constant 80 : i32
      %mul3A_10 = arith.muli %arg0, %mul3A_9 : i32
      %mul3A_11 = arith.constant 16 : i32
      %mul3A_12 = arith.muli %scan3A_8, %mul3A_11 : i32
      %add3A = arith.addi %mul3A_10, %mul3A_12 : i32
      "tpu.region"() ({
        %run_scoped3A = tpu.sem_alloc : memref<!tpu.dma_semaphore, #tpu.memory_space<semaphore_mem>>
        %dma_start3A = arith.constant 0 : i32
        %dma_start3A_19 = tpu.memref_slice %arg2[%arg1, %add3A, %dma_start3A] : memref<16x160x128xi32, #tpu.memory_space<hbm>> -> memref<1x16x128xi32, #tpu.memory_space<hbm>>
        %dma_start3A_20 = tpu.memref_squeeze %dma_start3A_19 : memref<1x16x128xi32, #tpu.memory_space<hbm>> -> memref<16x128xi32, #tpu.memory_space<hbm>>
        %dma_start3A_21 = arith.constant 0 : i32
        %dma_start3A_22 = tpu.memref_slice %arg2[%arg1, %add3A, %dma_start3A_21] : memref<16x160x128xi32, #tpu.memory_space<hbm>> -> memref<1x16x128xi32, #tpu.memory_space<hbm>>
        %dma_start3A_23 = tpu.memref_squeeze %dma_start3A_22 : memref<1x16x128xi32, #tpu.memory_space<hbm>> -> memref<16x128xi32, #tpu.memory_space<hbm>>
        tpu.enqueue_dma source(%dma_start3A_23 : memref<16x128xi32, #tpu.memory_space<hbm>>) target(%arg6 : memref<16x128xi32, #tpu.memory_space<vmem>>) target_semaphore(%run_scoped3A : memref<!tpu.dma_semaphore, #tpu.memory_space<semaphore_mem>>)
        %dma_wait3A = arith.constant 0 : i32
        %dma_wait3A_24 = tpu.memref_slice %arg2[%arg1, %add3A, %dma_wait3A] : memref<16x160x128xi32, #tpu.memory_space<hbm>> -> memref<1x16x128xi32, #tpu.memory_space<hbm>>
        %dma_wait3A_25 = tpu.memref_squeeze %dma_wait3A_24 : memref<1x16x128xi32, #tpu.memory_space<hbm>> -> memref<16x128xi32, #tpu.memory_space<hbm>>
        %dma_wait3A_26 = arith.constant 0 : i32
        %dma_wait3A_27 = tpu.memref_slice %arg2[%arg1, %add3A, %dma_wait3A_26] : memref<16x160x128xi32, #tpu.memory_space<hbm>> -> memref<1x16x128xi32, #tpu.memory_space<hbm>>
        %dma_wait3A_28 = tpu.memref_squeeze %dma_wait3A_27 : memref<1x16x128xi32, #tpu.memory_space<hbm>> -> memref<16x128xi32, #tpu.memory_space<hbm>>
        tpu.wait_dma2 semaphore(%run_scoped3A : memref<!tpu.dma_semaphore, #tpu.memory_space<semaphore_mem>>) src(%dma_wait3A_28 : memref<16x128xi32, #tpu.memory_space<hbm>>) dst(%arg6 : memref<16x128xi32, #tpu.memory_space<vmem>>)
        tpu.yield
      }) : () -> ()
      %scan3A_13 = arith.constant 0 : i32
      %scan3A_14 = arith.constant 0 : i32
      %scan3A_15 = arith.constant 16 : i32
      %scan3A_16 = arith.addi %scan3A_14, %scan3A_15 : i32
      %scan3A_17 = arith.constant 1 : i32
      scf.for %scan3A_19 = %scan3A_14 to %scan3A_16 step %scan3A_17  : i32 {
        "tpu.region"() ({
          %run_scoped3A = tpu.sem_alloc : memref<!tpu.dma_semaphore, #tpu.memory_space<semaphore_mem>>
          %dma_start3A = arith.constant 0 : i32
          %dma_start3A_20 = tpu.memref_slice %arg6[%scan3A_19, %dma_start3A] : memref<16x128xi32, #tpu.memory_space<vmem>> -> memref<1x128xi32, #tpu.memory_space<vmem>>
          %dma_start3A_21 = tpu.memref_squeeze %dma_start3A_20 : memref<1x128xi32, #tpu.memory_space<vmem>> -> memref<128xi32, #tpu.memory_space<vmem>>
          %dma_start3A_22 = arith.constant 0 : i32
          %dma_start3A_23 = arith.constant 0 : i32
          %dma_start3A_24 = tpu.memref_slice %arg8[%dma_start3A_22, %dma_start3A_23] : memref<10064x128xf32, #tpu.memory_space<vmem_shared>> -> memref<10064x128xf32, #tpu.memory_space<vmem_shared>>
          tpu.enqueue_indirect_dma source(%arg7 : memref<128x128xf32, #tpu.memory_space<vmem>>) target(%dma_start3A_24 : memref<10064x128xf32, #tpu.memory_space<vmem_shared>>) offsets(%dma_start3A_21 : memref<128xi32, #tpu.memory_space<vmem>>) semaphore(%run_scoped3A : memref<!tpu.dma_semaphore, #tpu.memory_space<semaphore_mem>>) {add = true}
          %dma_wait3A = arith.constant 0 : i32
          %dma_wait3A_25 = tpu.memref_slice %arg6[%scan3A_19, %dma_wait3A] : memref<16x128xi32, #tpu.memory_space<vmem>> -> memref<1x128xi32, #tpu.memory_space<vmem>>
          %dma_wait3A_26 = tpu.memref_squeeze %dma_wait3A_25 : memref<1x128xi32, #tpu.memory_space<vmem>> -> memref<128xi32, #tpu.memory_space<vmem>>
          %dma_wait3A_27 = arith.constant 0 : i32
          %dma_wait3A_28 = arith.constant 0 : i32
          %dma_wait3A_29 = tpu.memref_slice %arg8[%dma_wait3A_27, %dma_wait3A_28] : memref<10064x128xf32, #tpu.memory_space<vmem_shared>> -> memref<10064x128xf32, #tpu.memory_space<vmem_shared>>
          tpu.wait_indirect_dma semaphore(%run_scoped3A : memref<!tpu.dma_semaphore, #tpu.memory_space<semaphore_mem>>) src(%arg7 : memref<128x128xf32, #tpu.memory_space<vmem>>) dst(%dma_wait3A_29 : memref<10064x128xf32, #tpu.memory_space<vmem_shared>>)
          tpu.yield
        }) : () -> ()
      }
      %scan3A_18 = arith.constant 16 : i32
    }
    %scan3A_6 = arith.constant 5 : i32
    %barrier3A_7 = arith.constant 0 : index
    tpu.barrier barrier_id(%barrier3A_7)
    "tpu.region"() ({
      %run_scoped3A = tpu.sem_alloc : memref<!tpu.dma_semaphore, #tpu.memory_space<semaphore_mem>>
      %dma_start3A = arith.constant 0 : i32
      %dma_start3A_8 = tpu.memref_slice %arg5[%arg0, %min3A_1, %dma_start3A] : memref<2x10000x128xf32, #tpu.memory_space<hbm>> -> memref<1x632x128xf32, #tpu.memory_space<hbm>>
      %dma_start3A_9 = tpu.memref_squeeze %dma_start3A_8 : memref<1x632x128xf32, #tpu.memory_space<hbm>> -> memref<632x128xf32, #tpu.memory_space<hbm>>
      %dma_start3A_10 = arith.constant 0 : i32
      %dma_start3A_11 = tpu.memref_slice %arg8[%min3A_1, %dma_start3A_10] : memref<10064x128xf32, #tpu.memory_space<vmem_shared>> -> memref<632x128xf32, #tpu.memory_space<vmem_shared>>
      tpu.enqueue_dma source(%dma_start3A_11 : memref<632x128xf32, #tpu.memory_space<vmem_shared>>) target(%dma_start3A_9 : memref<632x128xf32, #tpu.memory_space<hbm>>) target_semaphore(%run_scoped3A : memref<!tpu.dma_semaphore, #tpu.memory_space<semaphore_mem>>)
      %dma_wait3A = arith.constant 0 : i32
      %dma_wait3A_12 = tpu.memref_slice %arg5[%arg0, %min3A_1, %dma_wait3A] : memref<2x10000x128xf32, #tpu.memory_space<hbm>> -> memref<1x632x128xf32, #tpu.memory_space<hbm>>
      %dma_wait3A_13 = tpu.memref_squeeze %dma_wait3A_12 : memref<1x632x128xf32, #tpu.memory_space<hbm>> -> memref<632x128xf32, #tpu.memory_space<hbm>>
      %dma_wait3A_14 = arith.constant 0 : i32
      %dma_wait3A_15 = tpu.memref_slice %arg8[%min3A_1, %dma_wait3A_14] : memref<10064x128xf32, #tpu.memory_space<vmem_shared>> -> memref<632x128xf32, #tpu.memory_space<vmem_shared>>
      tpu.wait_dma2 semaphore(%run_scoped3A : memref<!tpu.dma_semaphore, #tpu.memory_space<semaphore_mem>>) src(%dma_wait3A_15 : memref<632x128xf32, #tpu.memory_space<vmem_shared>>) dst(%dma_wait3A_13 : memref<632x128xf32, #tpu.memory_space<hbm>>)
      tpu.yield
    }) : () -> ()
    return
  }
}

#map = affine_map<(d0, d1) -> (0, 0, 0)>
#map1 = affine_map<(d0, d1) -> (0, 0)>
module attributes {stable_mosaic.version = 14 : i64} {
  func.func @spmm_kernel(%arg0: i32, %arg1: i32, %arg2: memref<16x160x128xi32, #tpu.memory_space<hbm>>, %arg3: memref<16x160x128xi32, #tpu.memory_space<hbm>>, %arg4: memref<10000x128xf32, #tpu.memory_space<hbm>>, %arg5: memref<10000x128xf32, #tpu.memory_space<hbm>>, %arg6: memref<2x10000x128xf32, #tpu.memory_space<hbm>>, %arg7: memref<40x128xi32, #tpu.memory_space<vmem>>, %arg8: memref<40x128xi32, #tpu.memory_space<vmem>>, %arg9: memref<128x128xf32, #tpu.memory_space<vmem>>, %arg10: memref<128x128xf32, #tpu.memory_space<vmem>>, %arg11: memref<10064x128xf32, #tpu.memory_space<vmem_shared>>, %arg12: memref<!tpu.dma_semaphore, #tpu.memory_space<semaphore_mem>>, %arg13: memref<!tpu.dma_semaphore, #tpu.memory_space<semaphore_mem>>) attributes {dimension_semantics = [#tpu.dimension_semantics<core_parallel>, #tpu.dimension_semantics<subcore_parallel>], iteration_bounds = array<i64: 2, 16>, scalar_prefetch = 0 : i64, scratch_operands = 7 : i64, tpu.core_type = #tpu.core_type<sc_vector_subcore>, window_params = [{transform_indices = #map}, {transform_indices = #map}, {transform_indices = #map1}, {transform_indices = #map1}, {transform_indices = #map}]} {
    %mul3A = arith.constant 632 : i32
    %mul3A_0 = arith.muli %arg1, %mul3A : i32
    %min3A = arith.constant 9368 : i32
    %min3A_1 = arith.minsi %mul3A_0, %min3A : i32
    "tpu.region"() ({
      %run_scoped3A = tpu.sem_alloc : memref<!tpu.dma_semaphore, #tpu.memory_space<semaphore_mem>>
      %dma_start3A = arith.constant 0 : i32
      %dma_start3A_19 = tpu.memref_slice %arg11[%min3A_1, %dma_start3A] : memref<10064x128xf32, #tpu.memory_space<vmem_shared>> -> memref<632x128xf32, #tpu.memory_space<vmem_shared>>
      %dma_start3A_20 = arith.constant 0 : i32
      %dma_start3A_21 = tpu.memref_slice %arg5[%min3A_1, %dma_start3A_20] : memref<10000x128xf32, #tpu.memory_space<hbm>> -> memref<632x128xf32, #tpu.memory_space<hbm>>
      tpu.enqueue_dma source(%dma_start3A_21 : memref<632x128xf32, #tpu.memory_space<hbm>>) target(%dma_start3A_19 : memref<632x128xf32, #tpu.memory_space<vmem_shared>>) target_semaphore(%run_scoped3A : memref<!tpu.dma_semaphore, #tpu.memory_space<semaphore_mem>>)
      %dma_wait3A = arith.constant 0 : i32
      %dma_wait3A_22 = tpu.memref_slice %arg11[%min3A_1, %dma_wait3A] : memref<10064x128xf32, #tpu.memory_space<vmem_shared>> -> memref<632x128xf32, #tpu.memory_space<vmem_shared>>
      %dma_wait3A_23 = arith.constant 0 : i32
      %dma_wait3A_24 = tpu.memref_slice %arg5[%min3A_1, %dma_wait3A_23] : memref<10000x128xf32, #tpu.memory_space<hbm>> -> memref<632x128xf32, #tpu.memory_space<hbm>>
      tpu.wait_dma2 semaphore(%run_scoped3A : memref<!tpu.dma_semaphore, #tpu.memory_space<semaphore_mem>>) src(%dma_wait3A_24 : memref<632x128xf32, #tpu.memory_space<hbm>>) dst(%dma_wait3A_22 : memref<632x128xf32, #tpu.memory_space<vmem_shared>>)
      tpu.yield
    }) : () -> ()
    %barrier3A = arith.constant 0 : index
    tpu.barrier barrier_id(%barrier3A)
    %eq3A = arith.constant 0 : i32
    %eq3A_2 = arith.cmpi eq, %arg0, %eq3A : i32
    %jit3A = arith.constant 0 : i32
    %jit3A_3 = arith.constant 80 : i32
    %select_n3A = arith.select %eq3A_2, %jit3A, %jit3A_3 : i32
    %eq3A_4 = arith.constant 0 : i32
    %eq3A_5 = arith.cmpi eq, %arg0, %eq3A_4 : i32
    %jit3A_6 = arith.constant 2 : i32
    %jit3A_7 = arith.constant 2 : i32
    %select_n3A_8 = arith.select %eq3A_5, %jit3A_6, %jit3A_7 : i32
    %while3A = arith.constant 0 : i32
    %while3A_9 = arith.constant 0 : i32
    %while3A_10 = arith.subi %select_n3A_8, %while3A_9 : i32
    %while3A_11 = arith.addi %while3A_9, %while3A_10 : i32
    %while3A_12 = arith.constant 1 : i32
    %while3A_13 = arith.divsi %while3A_10, %while3A_12 : i32
    %while3A_14 = arith.muli %while3A_13, %while3A_12 : i32
    %while3A_15 = arith.addi %while3A_9, %while3A_14 : i32
    %while3A_16 = arith.constant 1 : i32
    scf.for %while3A_19 = %while3A_9 to %while3A_15 step %while3A_16  : i32 {
      %mul3A_20 = arith.constant 40 : i32
      %mul3A_21 = arith.muli %while3A_19, %mul3A_20 : i32
      %add3A = arith.addi %select_n3A, %mul3A_21 : i32
      "tpu.region"() ({
        %run_scoped3A = tpu.sem_alloc : memref<!tpu.dma_semaphore, #tpu.memory_space<semaphore_mem>>
        %dma_start3A_53 = arith.constant 0 : i32
        %dma_start3A_54 = tpu.memref_slice %arg2[%arg1, %add3A, %dma_start3A_53] : memref<16x160x128xi32, #tpu.memory_space<hbm>> -> memref<1x40x128xi32, #tpu.memory_space<hbm>>
        %dma_start3A_55 = tpu.memref_squeeze %dma_start3A_54 : memref<1x40x128xi32, #tpu.memory_space<hbm>> -> memref<40x128xi32, #tpu.memory_space<hbm>>
        %dma_start3A_56 = arith.constant 0 : i32
        %dma_start3A_57 = tpu.memref_slice %arg2[%arg1, %add3A, %dma_start3A_56] : memref<16x160x128xi32, #tpu.memory_space<hbm>> -> memref<1x40x128xi32, #tpu.memory_space<hbm>>
        %dma_start3A_58 = tpu.memref_squeeze %dma_start3A_57 : memref<1x40x128xi32, #tpu.memory_space<hbm>> -> memref<40x128xi32, #tpu.memory_space<hbm>>
        tpu.enqueue_dma source(%dma_start3A_58 : memref<40x128xi32, #tpu.memory_space<hbm>>) target(%arg7 : memref<40x128xi32, #tpu.memory_space<vmem>>) target_semaphore(%run_scoped3A : memref<!tpu.dma_semaphore, #tpu.memory_space<semaphore_mem>>)
        %dma_wait3A_59 = arith.constant 0 : i32
        %dma_wait3A_60 = tpu.memref_slice %arg2[%arg1, %add3A, %dma_wait3A_59] : memref<16x160x128xi32, #tpu.memory_space<hbm>> -> memref<1x40x128xi32, #tpu.memory_space<hbm>>
        %dma_wait3A_61 = tpu.memref_squeeze %dma_wait3A_60 : memref<1x40x128xi32, #tpu.memory_space<hbm>> -> memref<40x128xi32, #tpu.memory_space<hbm>>
        %dma_wait3A_62 = arith.constant 0 : i32
        %dma_wait3A_63 = tpu.memref_slice %arg2[%arg1, %add3A, %dma_wait3A_62] : memref<16x160x128xi32, #tpu.memory_space<hbm>> -> memref<1x40x128xi32, #tpu.memory_space<hbm>>
        %dma_wait3A_64 = tpu.memref_squeeze %dma_wait3A_63 : memref<1x40x128xi32, #tpu.memory_space<hbm>> -> memref<40x128xi32, #tpu.memory_space<hbm>>
        tpu.wait_dma2 semaphore(%run_scoped3A : memref<!tpu.dma_semaphore, #tpu.memory_space<semaphore_mem>>) src(%dma_wait3A_64 : memref<40x128xi32, #tpu.memory_space<hbm>>) dst(%arg7 : memref<40x128xi32, #tpu.memory_space<vmem>>)
        tpu.yield
      }) : () -> ()
      "tpu.region"() ({
        %run_scoped3A = tpu.sem_alloc : memref<!tpu.dma_semaphore, #tpu.memory_space<semaphore_mem>>
        %dma_start3A_53 = arith.constant 0 : i32
        %dma_start3A_54 = tpu.memref_slice %arg3[%arg1, %add3A, %dma_start3A_53] : memref<16x160x128xi32, #tpu.memory_space<hbm>> -> memref<1x40x128xi32, #tpu.memory_space<hbm>>
        %dma_start3A_55 = tpu.memref_squeeze %dma_start3A_54 : memref<1x40x128xi32, #tpu.memory_space<hbm>> -> memref<40x128xi32, #tpu.memory_space<hbm>>
        %dma_start3A_56 = arith.constant 0 : i32
        %dma_start3A_57 = tpu.memref_slice %arg3[%arg1, %add3A, %dma_start3A_56] : memref<16x160x128xi32, #tpu.memory_space<hbm>> -> memref<1x40x128xi32, #tpu.memory_space<hbm>>
        %dma_start3A_58 = tpu.memref_squeeze %dma_start3A_57 : memref<1x40x128xi32, #tpu.memory_space<hbm>> -> memref<40x128xi32, #tpu.memory_space<hbm>>
        tpu.enqueue_dma source(%dma_start3A_58 : memref<40x128xi32, #tpu.memory_space<hbm>>) target(%arg8 : memref<40x128xi32, #tpu.memory_space<vmem>>) target_semaphore(%run_scoped3A : memref<!tpu.dma_semaphore, #tpu.memory_space<semaphore_mem>>)
        %dma_wait3A_59 = arith.constant 0 : i32
        %dma_wait3A_60 = tpu.memref_slice %arg3[%arg1, %add3A, %dma_wait3A_59] : memref<16x160x128xi32, #tpu.memory_space<hbm>> -> memref<1x40x128xi32, #tpu.memory_space<hbm>>
        %dma_wait3A_61 = tpu.memref_squeeze %dma_wait3A_60 : memref<1x40x128xi32, #tpu.memory_space<hbm>> -> memref<40x128xi32, #tpu.memory_space<hbm>>
        %dma_wait3A_62 = arith.constant 0 : i32
        %dma_wait3A_63 = tpu.memref_slice %arg3[%arg1, %add3A, %dma_wait3A_62] : memref<16x160x128xi32, #tpu.memory_space<hbm>> -> memref<1x40x128xi32, #tpu.memory_space<hbm>>
        %dma_wait3A_64 = tpu.memref_squeeze %dma_wait3A_63 : memref<1x40x128xi32, #tpu.memory_space<hbm>> -> memref<40x128xi32, #tpu.memory_space<hbm>>
        tpu.wait_dma2 semaphore(%run_scoped3A : memref<!tpu.dma_semaphore, #tpu.memory_space<semaphore_mem>>) src(%dma_wait3A_64 : memref<40x128xi32, #tpu.memory_space<hbm>>) dst(%arg8 : memref<40x128xi32, #tpu.memory_space<vmem>>)
        tpu.yield
      }) : () -> ()
      %dma_start3A = arith.constant 0 : i32
      %dma_start3A_22 = arith.constant 0 : i32
      %dma_start3A_23 = tpu.memref_slice %arg7[%dma_start3A, %dma_start3A_22] : memref<40x128xi32, #tpu.memory_space<vmem>> -> memref<1x128xi32, #tpu.memory_space<vmem>>
      %dma_start3A_24 = tpu.memref_squeeze %dma_start3A_23 : memref<1x128xi32, #tpu.memory_space<vmem>> -> memref<128xi32, #tpu.memory_space<vmem>>
      %dma_start3A_25 = arith.constant 0 : i32
      %dma_start3A_26 = arith.constant 0 : i32
      %dma_start3A_27 = tpu.memref_slice %arg4[%dma_start3A_25, %dma_start3A_26] : memref<10000x128xf32, #tpu.memory_space<hbm>> -> memref<10000x128xf32, #tpu.memory_space<hbm>>
      tpu.enqueue_indirect_dma source(%dma_start3A_27 : memref<10000x128xf32, #tpu.memory_space<hbm>>) target(%arg9 : memref<128x128xf32, #tpu.memory_space<vmem>>) offsets(%dma_start3A_24 : memref<128xi32, #tpu.memory_space<vmem>>) semaphore(%arg12 : memref<!tpu.dma_semaphore, #tpu.memory_space<semaphore_mem>>)
      %dma_start3A_28 = arith.constant 1 : i32
      %dma_start3A_29 = arith.constant 0 : i32
      %dma_start3A_30 = tpu.memref_slice %arg7[%dma_start3A_28, %dma_start3A_29] : memref<40x128xi32, #tpu.memory_space<vmem>> -> memref<1x128xi32, #tpu.memory_space<vmem>>
      %dma_start3A_31 = tpu.memref_squeeze %dma_start3A_30 : memref<1x128xi32, #tpu.memory_space<vmem>> -> memref<128xi32, #tpu.memory_space<vmem>>
      %dma_start3A_32 = arith.constant 0 : i32
      %dma_start3A_33 = arith.constant 0 : i32
      %dma_start3A_34 = tpu.memref_slice %arg4[%dma_start3A_32, %dma_start3A_33] : memref<10000x128xf32, #tpu.memory_space<hbm>> -> memref<10000x128xf32, #tpu.memory_space<hbm>>
      tpu.enqueue_indirect_dma source(%dma_start3A_34 : memref<10000x128xf32, #tpu.memory_space<hbm>>) target(%arg10 : memref<128x128xf32, #tpu.memory_space<vmem>>) offsets(%dma_start3A_31 : memref<128xi32, #tpu.memory_space<vmem>>) semaphore(%arg13 : memref<!tpu.dma_semaphore, #tpu.memory_space<semaphore_mem>>)
      %scan3A = arith.constant 0 : i32
      %scan3A_35 = arith.constant 0 : i32
      %scan3A_36 = arith.constant 20 : i32
      %scan3A_37 = arith.addi %scan3A_35, %scan3A_36 : i32
      %scan3A_38 = arith.constant 1 : i32
      scf.for %scan3A_53 = %scan3A_35 to %scan3A_37 step %scan3A_38  : i32 {
        %mul3A_54 = arith.constant 2 : i32
        %mul3A_55 = arith.muli %mul3A_54, %scan3A_53 : i32
        %add3A_56 = arith.constant 0 : i32
        %add3A_57 = arith.addi %mul3A_55, %add3A_56 : i32
        %add3A_58 = arith.constant 2 : i32
        %add3A_59 = arith.addi %add3A_57, %add3A_58 : i32
        %min3A_60 = arith.constant 39 : i32
        %min3A_61 = arith.minsi %add3A_59, %min3A_60 : i32
        %dma_wait3A_62 = arith.constant 0 : i32
        %dma_wait3A_63 = tpu.memref_slice %arg7[%add3A_57, %dma_wait3A_62] : memref<40x128xi32, #tpu.memory_space<vmem>> -> memref<1x128xi32, #tpu.memory_space<vmem>>
        %dma_wait3A_64 = tpu.memref_squeeze %dma_wait3A_63 : memref<1x128xi32, #tpu.memory_space<vmem>> -> memref<128xi32, #tpu.memory_space<vmem>>
        %dma_wait3A_65 = arith.constant 0 : i32
        %dma_wait3A_66 = arith.constant 0 : i32
        %dma_wait3A_67 = tpu.memref_slice %arg4[%dma_wait3A_65, %dma_wait3A_66] : memref<10000x128xf32, #tpu.memory_space<hbm>> -> memref<10000x128xf32, #tpu.memory_space<hbm>>
        tpu.wait_indirect_dma semaphore(%arg12 : memref<!tpu.dma_semaphore, #tpu.memory_space<semaphore_mem>>) src(%dma_wait3A_67 : memref<10000x128xf32, #tpu.memory_space<hbm>>) dst(%arg9 : memref<128x128xf32, #tpu.memory_space<vmem>>)
        "tpu.region"() ({
          %run_scoped3A = tpu.sem_alloc : memref<!tpu.dma_semaphore, #tpu.memory_space<semaphore_mem>>
          %dma_start3A_94 = arith.constant 0 : i32
          %dma_start3A_95 = tpu.memref_slice %arg8[%add3A_57, %dma_start3A_94] : memref<40x128xi32, #tpu.memory_space<vmem>> -> memref<1x128xi32, #tpu.memory_space<vmem>>
          %dma_start3A_96 = tpu.memref_squeeze %dma_start3A_95 : memref<1x128xi32, #tpu.memory_space<vmem>> -> memref<128xi32, #tpu.memory_space<vmem>>
          %dma_start3A_97 = arith.constant 0 : i32
          %dma_start3A_98 = arith.constant 0 : i32
          %dma_start3A_99 = tpu.memref_slice %arg11[%dma_start3A_97, %dma_start3A_98] : memref<10064x128xf32, #tpu.memory_space<vmem_shared>> -> memref<10064x128xf32, #tpu.memory_space<vmem_shared>>
          tpu.enqueue_indirect_dma source(%arg9 : memref<128x128xf32, #tpu.memory_space<vmem>>) target(%dma_start3A_99 : memref<10064x128xf32, #tpu.memory_space<vmem_shared>>) offsets(%dma_start3A_96 : memref<128xi32, #tpu.memory_space<vmem>>) semaphore(%run_scoped3A : memref<!tpu.dma_semaphore, #tpu.memory_space<semaphore_mem>>) {add = true}
          %dma_wait3A_100 = arith.constant 0 : i32
          %dma_wait3A_101 = tpu.memref_slice %arg8[%add3A_57, %dma_wait3A_100] : memref<40x128xi32, #tpu.memory_space<vmem>> -> memref<1x128xi32, #tpu.memory_space<vmem>>
          %dma_wait3A_102 = tpu.memref_squeeze %dma_wait3A_101 : memref<1x128xi32, #tpu.memory_space<vmem>> -> memref<128xi32, #tpu.memory_space<vmem>>
          %dma_wait3A_103 = arith.constant 0 : i32
          %dma_wait3A_104 = arith.constant 0 : i32
          %dma_wait3A_105 = tpu.memref_slice %arg11[%dma_wait3A_103, %dma_wait3A_104] : memref<10064x128xf32, #tpu.memory_space<vmem_shared>> -> memref<10064x128xf32, #tpu.memory_space<vmem_shared>>
          tpu.wait_indirect_dma semaphore(%run_scoped3A : memref<!tpu.dma_semaphore, #tpu.memory_space<semaphore_mem>>) src(%arg9 : memref<128x128xf32, #tpu.memory_space<vmem>>) dst(%dma_wait3A_105 : memref<10064x128xf32, #tpu.memory_space<vmem_shared>>)
          tpu.yield
        }) : () -> ()
        %dma_start3A_68 = arith.constant 0 : i32
        %dma_start3A_69 = tpu.memref_slice %arg7[%min3A_61, %dma_start3A_68] : memref<40x128xi32, #tpu.memory_space<vmem>> -> memref<1x128xi32, #tpu.memory_space<vmem>>
        %dma_start3A_70 = tpu.memref_squeeze %dma_start3A_69 : memref<1x128xi32, #tpu.memory_space<vmem>> -> memref<128xi32, #tpu.memory_space<vmem>>
        %dma_start3A_71 = arith.constant 0 : i32
        %dma_start3A_72 = arith.constant 0 : i32
        %dma_start3A_73 = tpu.memref_slice %arg4[%dma_start3A_71, %dma_start3A_72] : memref<10000x128xf32, #tpu.memory_space<hbm>> -> memref<10000x128xf32, #tpu.memory_space<hbm>>
        tpu.enqueue_indirect_dma source(%dma_start3A_73 : memref<10000x128xf32, #tpu.memory_space<hbm>>) target(%arg9 : memref<128x128xf32, #tpu.memory_space<vmem>>) offsets(%dma_start3A_70 : memref<128xi32, #tpu.memory_space<vmem>>) semaphore(%arg12 : memref<!tpu.dma_semaphore, #tpu.memory_space<semaphore_mem>>)
        %mul3A_74 = arith.constant 2 : i32
        %mul3A_75 = arith.muli %mul3A_74, %scan3A_53 : i32
        %add3A_76 = arith.constant 1 : i32
        %add3A_77 = arith.addi %mul3A_75, %add3A_76 : i32
        %add3A_78 = arith.constant 2 : i32
        %add3A_79 = arith.addi %add3A_77, %add3A_78 : i32
        %min3A_80 = arith.constant 39 : i32
        %min3A_81 = arith.minsi %add3A_79, %min3A_80 : i32
        %dma_wait3A_82 = arith.constant 0 : i32
        %dma_wait3A_83 = tpu.memref_slice %arg7[%add3A_77, %dma_wait3A_82] : memref<40x128xi32, #tpu.memory_space<vmem>> -> memref<1x128xi32, #tpu.memory_space<vmem>>
        %dma_wait3A_84 = tpu.memref_squeeze %dma_wait3A_83 : memref<1x128xi32, #tpu.memory_space<vmem>> -> memref<128xi32, #tpu.memory_space<vmem>>
        %dma_wait3A_85 = arith.constant 0 : i32
        %dma_wait3A_86 = arith.constant 0 : i32
        %dma_wait3A_87 = tpu.memref_slice %arg4[%dma_wait3A_85, %dma_wait3A_86] : memref<10000x128xf32, #tpu.memory_space<hbm>> -> memref<10000x128xf32, #tpu.memory_space<hbm>>
        tpu.wait_indirect_dma semaphore(%arg13 : memref<!tpu.dma_semaphore, #tpu.memory_space<semaphore_mem>>) src(%dma_wait3A_87 : memref<10000x128xf32, #tpu.memory_space<hbm>>) dst(%arg10 : memref<128x128xf32, #tpu.memory_space<vmem>>)
        "tpu.region"() ({
          %run_scoped3A = tpu.sem_alloc : memref<!tpu.dma_semaphore, #tpu.memory_space<semaphore_mem>>
          %dma_start3A_94 = arith.constant 0 : i32
          %dma_start3A_95 = tpu.memref_slice %arg8[%add3A_77, %dma_start3A_94] : memref<40x128xi32, #tpu.memory_space<vmem>> -> memref<1x128xi32, #tpu.memory_space<vmem>>
          %dma_start3A_96 = tpu.memref_squeeze %dma_start3A_95 : memref<1x128xi32, #tpu.memory_space<vmem>> -> memref<128xi32, #tpu.memory_space<vmem>>
          %dma_start3A_97 = arith.constant 0 : i32
          %dma_start3A_98 = arith.constant 0 : i32
          %dma_start3A_99 = tpu.memref_slice %arg11[%dma_start3A_97, %dma_start3A_98] : memref<10064x128xf32, #tpu.memory_space<vmem_shared>> -> memref<10064x128xf32, #tpu.memory_space<vmem_shared>>
          tpu.enqueue_indirect_dma source(%arg10 : memref<128x128xf32, #tpu.memory_space<vmem>>) target(%dma_start3A_99 : memref<10064x128xf32, #tpu.memory_space<vmem_shared>>) offsets(%dma_start3A_96 : memref<128xi32, #tpu.memory_space<vmem>>) semaphore(%run_scoped3A : memref<!tpu.dma_semaphore, #tpu.memory_space<semaphore_mem>>) {add = true}
          %dma_wait3A_100 = arith.constant 0 : i32
          %dma_wait3A_101 = tpu.memref_slice %arg8[%add3A_77, %dma_wait3A_100] : memref<40x128xi32, #tpu.memory_space<vmem>> -> memref<1x128xi32, #tpu.memory_space<vmem>>
          %dma_wait3A_102 = tpu.memref_squeeze %dma_wait3A_101 : memref<1x128xi32, #tpu.memory_space<vmem>> -> memref<128xi32, #tpu.memory_space<vmem>>
          %dma_wait3A_103 = arith.constant 0 : i32
          %dma_wait3A_104 = arith.constant 0 : i32
          %dma_wait3A_105 = tpu.memref_slice %arg11[%dma_wait3A_103, %dma_wait3A_104] : memref<10064x128xf32, #tpu.memory_space<vmem_shared>> -> memref<10064x128xf32, #tpu.memory_space<vmem_shared>>
          tpu.wait_indirect_dma semaphore(%run_scoped3A : memref<!tpu.dma_semaphore, #tpu.memory_space<semaphore_mem>>) src(%arg10 : memref<128x128xf32, #tpu.memory_space<vmem>>) dst(%dma_wait3A_105 : memref<10064x128xf32, #tpu.memory_space<vmem_shared>>)
          tpu.yield
        }) : () -> ()
        %dma_start3A_88 = arith.constant 0 : i32
        %dma_start3A_89 = tpu.memref_slice %arg7[%min3A_81, %dma_start3A_88] : memref<40x128xi32, #tpu.memory_space<vmem>> -> memref<1x128xi32, #tpu.memory_space<vmem>>
        %dma_start3A_90 = tpu.memref_squeeze %dma_start3A_89 : memref<1x128xi32, #tpu.memory_space<vmem>> -> memref<128xi32, #tpu.memory_space<vmem>>
        %dma_start3A_91 = arith.constant 0 : i32
        %dma_start3A_92 = arith.constant 0 : i32
        %dma_start3A_93 = tpu.memref_slice %arg4[%dma_start3A_91, %dma_start3A_92] : memref<10000x128xf32, #tpu.memory_space<hbm>> -> memref<10000x128xf32, #tpu.memory_space<hbm>>
        tpu.enqueue_indirect_dma source(%dma_start3A_93 : memref<10000x128xf32, #tpu.memory_space<hbm>>) target(%arg10 : memref<128x128xf32, #tpu.memory_space<vmem>>) offsets(%dma_start3A_90 : memref<128xi32, #tpu.memory_space<vmem>>) semaphore(%arg13 : memref<!tpu.dma_semaphore, #tpu.memory_space<semaphore_mem>>)
      }
      %scan3A_39 = arith.constant 20 : i32
      %dma_wait3A = arith.constant 39 : i32
      %dma_wait3A_40 = arith.constant 0 : i32
      %dma_wait3A_41 = tpu.memref_slice %arg7[%dma_wait3A, %dma_wait3A_40] : memref<40x128xi32, #tpu.memory_space<vmem>> -> memref<1x128xi32, #tpu.memory_space<vmem>>
      %dma_wait3A_42 = tpu.memref_squeeze %dma_wait3A_41 : memref<1x128xi32, #tpu.memory_space<vmem>> -> memref<128xi32, #tpu.memory_space<vmem>>
      %dma_wait3A_43 = arith.constant 0 : i32
      %dma_wait3A_44 = arith.constant 0 : i32
      %dma_wait3A_45 = tpu.memref_slice %arg4[%dma_wait3A_43, %dma_wait3A_44] : memref<10000x128xf32, #tpu.memory_space<hbm>> -> memref<10000x128xf32, #tpu.memory_space<hbm>>
      tpu.wait_indirect_dma semaphore(%arg12 : memref<!tpu.dma_semaphore, #tpu.memory_space<semaphore_mem>>) src(%dma_wait3A_45 : memref<10000x128xf32, #tpu.memory_space<hbm>>) dst(%arg9 : memref<128x128xf32, #tpu.memory_space<vmem>>)
      %dma_wait3A_46 = arith.constant 39 : i32
      %dma_wait3A_47 = arith.constant 0 : i32
      %dma_wait3A_48 = tpu.memref_slice %arg7[%dma_wait3A_46, %dma_wait3A_47] : memref<40x128xi32, #tpu.memory_space<vmem>> -> memref<1x128xi32, #tpu.memory_space<vmem>>
      %dma_wait3A_49 = tpu.memref_squeeze %dma_wait3A_48 : memref<1x128xi32, #tpu.memory_space<vmem>> -> memref<128xi32, #tpu.memory_space<vmem>>
      %dma_wait3A_50 = arith.constant 0 : i32
      %dma_wait3A_51 = arith.constant 0 : i32
      %dma_wait3A_52 = tpu.memref_slice %arg4[%dma_wait3A_50, %dma_wait3A_51] : memref<10000x128xf32, #tpu.memory_space<hbm>> -> memref<10000x128xf32, #tpu.memory_space<hbm>>
      tpu.wait_indirect_dma semaphore(%arg13 : memref<!tpu.dma_semaphore, #tpu.memory_space<semaphore_mem>>) src(%dma_wait3A_52 : memref<10000x128xf32, #tpu.memory_space<hbm>>) dst(%arg10 : memref<128x128xf32, #tpu.memory_space<vmem>>)
    }
    %while3A_17 = arith.constant 1 : i32
    scf.for %while3A_19 = %while3A_15 to %while3A_11 step %while3A_17  : i32 {
      %mul3A_20 = arith.constant 40 : i32
      %mul3A_21 = arith.muli %while3A_19, %mul3A_20 : i32
      %add3A = arith.addi %select_n3A, %mul3A_21 : i32
      "tpu.region"() ({
        %run_scoped3A = tpu.sem_alloc : memref<!tpu.dma_semaphore, #tpu.memory_space<semaphore_mem>>
        %dma_start3A_53 = arith.constant 0 : i32
        %dma_start3A_54 = tpu.memref_slice %arg2[%arg1, %add3A, %dma_start3A_53] : memref<16x160x128xi32, #tpu.memory_space<hbm>> -> memref<1x40x128xi32, #tpu.memory_space<hbm>>
        %dma_start3A_55 = tpu.memref_squeeze %dma_start3A_54 : memref<1x40x128xi32, #tpu.memory_space<hbm>> -> memref<40x128xi32, #tpu.memory_space<hbm>>
        %dma_start3A_56 = arith.constant 0 : i32
        %dma_start3A_57 = tpu.memref_slice %arg2[%arg1, %add3A, %dma_start3A_56] : memref<16x160x128xi32, #tpu.memory_space<hbm>> -> memref<1x40x128xi32, #tpu.memory_space<hbm>>
        %dma_start3A_58 = tpu.memref_squeeze %dma_start3A_57 : memref<1x40x128xi32, #tpu.memory_space<hbm>> -> memref<40x128xi32, #tpu.memory_space<hbm>>
        tpu.enqueue_dma source(%dma_start3A_58 : memref<40x128xi32, #tpu.memory_space<hbm>>) target(%arg7 : memref<40x128xi32, #tpu.memory_space<vmem>>) target_semaphore(%run_scoped3A : memref<!tpu.dma_semaphore, #tpu.memory_space<semaphore_mem>>)
        %dma_wait3A_59 = arith.constant 0 : i32
        %dma_wait3A_60 = tpu.memref_slice %arg2[%arg1, %add3A, %dma_wait3A_59] : memref<16x160x128xi32, #tpu.memory_space<hbm>> -> memref<1x40x128xi32, #tpu.memory_space<hbm>>
        %dma_wait3A_61 = tpu.memref_squeeze %dma_wait3A_60 : memref<1x40x128xi32, #tpu.memory_space<hbm>> -> memref<40x128xi32, #tpu.memory_space<hbm>>
        %dma_wait3A_62 = arith.constant 0 : i32
        %dma_wait3A_63 = tpu.memref_slice %arg2[%arg1, %add3A, %dma_wait3A_62] : memref<16x160x128xi32, #tpu.memory_space<hbm>> -> memref<1x40x128xi32, #tpu.memory_space<hbm>>
        %dma_wait3A_64 = tpu.memref_squeeze %dma_wait3A_63 : memref<1x40x128xi32, #tpu.memory_space<hbm>> -> memref<40x128xi32, #tpu.memory_space<hbm>>
        tpu.wait_dma2 semaphore(%run_scoped3A : memref<!tpu.dma_semaphore, #tpu.memory_space<semaphore_mem>>) src(%dma_wait3A_64 : memref<40x128xi32, #tpu.memory_space<hbm>>) dst(%arg7 : memref<40x128xi32, #tpu.memory_space<vmem>>)
        tpu.yield
      }) : () -> ()
      "tpu.region"() ({
        %run_scoped3A = tpu.sem_alloc : memref<!tpu.dma_semaphore, #tpu.memory_space<semaphore_mem>>
        %dma_start3A_53 = arith.constant 0 : i32
        %dma_start3A_54 = tpu.memref_slice %arg3[%arg1, %add3A, %dma_start3A_53] : memref<16x160x128xi32, #tpu.memory_space<hbm>> -> memref<1x40x128xi32, #tpu.memory_space<hbm>>
        %dma_start3A_55 = tpu.memref_squeeze %dma_start3A_54 : memref<1x40x128xi32, #tpu.memory_space<hbm>> -> memref<40x128xi32, #tpu.memory_space<hbm>>
        %dma_start3A_56 = arith.constant 0 : i32
        %dma_start3A_57 = tpu.memref_slice %arg3[%arg1, %add3A, %dma_start3A_56] : memref<16x160x128xi32, #tpu.memory_space<hbm>> -> memref<1x40x128xi32, #tpu.memory_space<hbm>>
        %dma_start3A_58 = tpu.memref_squeeze %dma_start3A_57 : memref<1x40x128xi32, #tpu.memory_space<hbm>> -> memref<40x128xi32, #tpu.memory_space<hbm>>
        tpu.enqueue_dma source(%dma_start3A_58 : memref<40x128xi32, #tpu.memory_space<hbm>>) target(%arg8 : memref<40x128xi32, #tpu.memory_space<vmem>>) target_semaphore(%run_scoped3A : memref<!tpu.dma_semaphore, #tpu.memory_space<semaphore_mem>>)
        %dma_wait3A_59 = arith.constant 0 : i32
        %dma_wait3A_60 = tpu.memref_slice %arg3[%arg1, %add3A, %dma_wait3A_59] : memref<16x160x128xi32, #tpu.memory_space<hbm>> -> memref<1x40x128xi32, #tpu.memory_space<hbm>>
        %dma_wait3A_61 = tpu.memref_squeeze %dma_wait3A_60 : memref<1x40x128xi32, #tpu.memory_space<hbm>> -> memref<40x128xi32, #tpu.memory_space<hbm>>
        %dma_wait3A_62 = arith.constant 0 : i32
        %dma_wait3A_63 = tpu.memref_slice %arg3[%arg1, %add3A, %dma_wait3A_62] : memref<16x160x128xi32, #tpu.memory_space<hbm>> -> memref<1x40x128xi32, #tpu.memory_space<hbm>>
        %dma_wait3A_64 = tpu.memref_squeeze %dma_wait3A_63 : memref<1x40x128xi32, #tpu.memory_space<hbm>> -> memref<40x128xi32, #tpu.memory_space<hbm>>
        tpu.wait_dma2 semaphore(%run_scoped3A : memref<!tpu.dma_semaphore, #tpu.memory_space<semaphore_mem>>) src(%dma_wait3A_64 : memref<40x128xi32, #tpu.memory_space<hbm>>) dst(%arg8 : memref<40x128xi32, #tpu.memory_space<vmem>>)
        tpu.yield
      }) : () -> ()
      %dma_start3A = arith.constant 0 : i32
      %dma_start3A_22 = arith.constant 0 : i32
      %dma_start3A_23 = tpu.memref_slice %arg7[%dma_start3A, %dma_start3A_22] : memref<40x128xi32, #tpu.memory_space<vmem>> -> memref<1x128xi32, #tpu.memory_space<vmem>>
      %dma_start3A_24 = tpu.memref_squeeze %dma_start3A_23 : memref<1x128xi32, #tpu.memory_space<vmem>> -> memref<128xi32, #tpu.memory_space<vmem>>
      %dma_start3A_25 = arith.constant 0 : i32
      %dma_start3A_26 = arith.constant 0 : i32
      %dma_start3A_27 = tpu.memref_slice %arg4[%dma_start3A_25, %dma_start3A_26] : memref<10000x128xf32, #tpu.memory_space<hbm>> -> memref<10000x128xf32, #tpu.memory_space<hbm>>
      tpu.enqueue_indirect_dma source(%dma_start3A_27 : memref<10000x128xf32, #tpu.memory_space<hbm>>) target(%arg9 : memref<128x128xf32, #tpu.memory_space<vmem>>) offsets(%dma_start3A_24 : memref<128xi32, #tpu.memory_space<vmem>>) semaphore(%arg12 : memref<!tpu.dma_semaphore, #tpu.memory_space<semaphore_mem>>)
      %dma_start3A_28 = arith.constant 1 : i32
      %dma_start3A_29 = arith.constant 0 : i32
      %dma_start3A_30 = tpu.memref_slice %arg7[%dma_start3A_28, %dma_start3A_29] : memref<40x128xi32, #tpu.memory_space<vmem>> -> memref<1x128xi32, #tpu.memory_space<vmem>>
      %dma_start3A_31 = tpu.memref_squeeze %dma_start3A_30 : memref<1x128xi32, #tpu.memory_space<vmem>> -> memref<128xi32, #tpu.memory_space<vmem>>
      %dma_start3A_32 = arith.constant 0 : i32
      %dma_start3A_33 = arith.constant 0 : i32
      %dma_start3A_34 = tpu.memref_slice %arg4[%dma_start3A_32, %dma_start3A_33] : memref<10000x128xf32, #tpu.memory_space<hbm>> -> memref<10000x128xf32, #tpu.memory_space<hbm>>
      tpu.enqueue_indirect_dma source(%dma_start3A_34 : memref<10000x128xf32, #tpu.memory_space<hbm>>) target(%arg10 : memref<128x128xf32, #tpu.memory_space<vmem>>) offsets(%dma_start3A_31 : memref<128xi32, #tpu.memory_space<vmem>>) semaphore(%arg13 : memref<!tpu.dma_semaphore, #tpu.memory_space<semaphore_mem>>)
      %scan3A = arith.constant 0 : i32
      %scan3A_35 = arith.constant 0 : i32
      %scan3A_36 = arith.constant 20 : i32
      %scan3A_37 = arith.addi %scan3A_35, %scan3A_36 : i32
      %scan3A_38 = arith.constant 1 : i32
      scf.for %scan3A_53 = %scan3A_35 to %scan3A_37 step %scan3A_38  : i32 {
        %mul3A_54 = arith.constant 2 : i32
        %mul3A_55 = arith.muli %mul3A_54, %scan3A_53 : i32
        %add3A_56 = arith.constant 0 : i32
        %add3A_57 = arith.addi %mul3A_55, %add3A_56 : i32
        %add3A_58 = arith.constant 2 : i32
        %add3A_59 = arith.addi %add3A_57, %add3A_58 : i32
        %min3A_60 = arith.constant 39 : i32
        %min3A_61 = arith.minsi %add3A_59, %min3A_60 : i32
        %dma_wait3A_62 = arith.constant 0 : i32
        %dma_wait3A_63 = tpu.memref_slice %arg7[%add3A_57, %dma_wait3A_62] : memref<40x128xi32, #tpu.memory_space<vmem>> -> memref<1x128xi32, #tpu.memory_space<vmem>>
        %dma_wait3A_64 = tpu.memref_squeeze %dma_wait3A_63 : memref<1x128xi32, #tpu.memory_space<vmem>> -> memref<128xi32, #tpu.memory_space<vmem>>
        %dma_wait3A_65 = arith.constant 0 : i32
        %dma_wait3A_66 = arith.constant 0 : i32
        %dma_wait3A_67 = tpu.memref_slice %arg4[%dma_wait3A_65, %dma_wait3A_66] : memref<10000x128xf32, #tpu.memory_space<hbm>> -> memref<10000x128xf32, #tpu.memory_space<hbm>>
        tpu.wait_indirect_dma semaphore(%arg12 : memref<!tpu.dma_semaphore, #tpu.memory_space<semaphore_mem>>) src(%dma_wait3A_67 : memref<10000x128xf32, #tpu.memory_space<hbm>>) dst(%arg9 : memref<128x128xf32, #tpu.memory_space<vmem>>)
        "tpu.region"() ({
          %run_scoped3A = tpu.sem_alloc : memref<!tpu.dma_semaphore, #tpu.memory_space<semaphore_mem>>
          %dma_start3A_94 = arith.constant 0 : i32
          %dma_start3A_95 = tpu.memref_slice %arg8[%add3A_57, %dma_start3A_94] : memref<40x128xi32, #tpu.memory_space<vmem>> -> memref<1x128xi32, #tpu.memory_space<vmem>>
          %dma_start3A_96 = tpu.memref_squeeze %dma_start3A_95 : memref<1x128xi32, #tpu.memory_space<vmem>> -> memref<128xi32, #tpu.memory_space<vmem>>
          %dma_start3A_97 = arith.constant 0 : i32
          %dma_start3A_98 = arith.constant 0 : i32
          %dma_start3A_99 = tpu.memref_slice %arg11[%dma_start3A_97, %dma_start3A_98] : memref<10064x128xf32, #tpu.memory_space<vmem_shared>> -> memref<10064x128xf32, #tpu.memory_space<vmem_shared>>
          tpu.enqueue_indirect_dma source(%arg9 : memref<128x128xf32, #tpu.memory_space<vmem>>) target(%dma_start3A_99 : memref<10064x128xf32, #tpu.memory_space<vmem_shared>>) offsets(%dma_start3A_96 : memref<128xi32, #tpu.memory_space<vmem>>) semaphore(%run_scoped3A : memref<!tpu.dma_semaphore, #tpu.memory_space<semaphore_mem>>) {add = true}
          %dma_wait3A_100 = arith.constant 0 : i32
          %dma_wait3A_101 = tpu.memref_slice %arg8[%add3A_57, %dma_wait3A_100] : memref<40x128xi32, #tpu.memory_space<vmem>> -> memref<1x128xi32, #tpu.memory_space<vmem>>
          %dma_wait3A_102 = tpu.memref_squeeze %dma_wait3A_101 : memref<1x128xi32, #tpu.memory_space<vmem>> -> memref<128xi32, #tpu.memory_space<vmem>>
          %dma_wait3A_103 = arith.constant 0 : i32
          %dma_wait3A_104 = arith.constant 0 : i32
          %dma_wait3A_105 = tpu.memref_slice %arg11[%dma_wait3A_103, %dma_wait3A_104] : memref<10064x128xf32, #tpu.memory_space<vmem_shared>> -> memref<10064x128xf32, #tpu.memory_space<vmem_shared>>
          tpu.wait_indirect_dma semaphore(%run_scoped3A : memref<!tpu.dma_semaphore, #tpu.memory_space<semaphore_mem>>) src(%arg9 : memref<128x128xf32, #tpu.memory_space<vmem>>) dst(%dma_wait3A_105 : memref<10064x128xf32, #tpu.memory_space<vmem_shared>>)
          tpu.yield
        }) : () -> ()
        %dma_start3A_68 = arith.constant 0 : i32
        %dma_start3A_69 = tpu.memref_slice %arg7[%min3A_61, %dma_start3A_68] : memref<40x128xi32, #tpu.memory_space<vmem>> -> memref<1x128xi32, #tpu.memory_space<vmem>>
        %dma_start3A_70 = tpu.memref_squeeze %dma_start3A_69 : memref<1x128xi32, #tpu.memory_space<vmem>> -> memref<128xi32, #tpu.memory_space<vmem>>
        %dma_start3A_71 = arith.constant 0 : i32
        %dma_start3A_72 = arith.constant 0 : i32
        %dma_start3A_73 = tpu.memref_slice %arg4[%dma_start3A_71, %dma_start3A_72] : memref<10000x128xf32, #tpu.memory_space<hbm>> -> memref<10000x128xf32, #tpu.memory_space<hbm>>
        tpu.enqueue_indirect_dma source(%dma_start3A_73 : memref<10000x128xf32, #tpu.memory_space<hbm>>) target(%arg9 : memref<128x128xf32, #tpu.memory_space<vmem>>) offsets(%dma_start3A_70 : memref<128xi32, #tpu.memory_space<vmem>>) semaphore(%arg12 : memref<!tpu.dma_semaphore, #tpu.memory_space<semaphore_mem>>)
        %mul3A_74 = arith.constant 2 : i32
        %mul3A_75 = arith.muli %mul3A_74, %scan3A_53 : i32
        %add3A_76 = arith.constant 1 : i32
        %add3A_77 = arith.addi %mul3A_75, %add3A_76 : i32
        %add3A_78 = arith.constant 2 : i32
        %add3A_79 = arith.addi %add3A_77, %add3A_78 : i32
        %min3A_80 = arith.constant 39 : i32
        %min3A_81 = arith.minsi %add3A_79, %min3A_80 : i32
        %dma_wait3A_82 = arith.constant 0 : i32
        %dma_wait3A_83 = tpu.memref_slice %arg7[%add3A_77, %dma_wait3A_82] : memref<40x128xi32, #tpu.memory_space<vmem>> -> memref<1x128xi32, #tpu.memory_space<vmem>>
        %dma_wait3A_84 = tpu.memref_squeeze %dma_wait3A_83 : memref<1x128xi32, #tpu.memory_space<vmem>> -> memref<128xi32, #tpu.memory_space<vmem>>
        %dma_wait3A_85 = arith.constant 0 : i32
        %dma_wait3A_86 = arith.constant 0 : i32
        %dma_wait3A_87 = tpu.memref_slice %arg4[%dma_wait3A_85, %dma_wait3A_86] : memref<10000x128xf32, #tpu.memory_space<hbm>> -> memref<10000x128xf32, #tpu.memory_space<hbm>>
        tpu.wait_indirect_dma semaphore(%arg13 : memref<!tpu.dma_semaphore, #tpu.memory_space<semaphore_mem>>) src(%dma_wait3A_87 : memref<10000x128xf32, #tpu.memory_space<hbm>>) dst(%arg10 : memref<128x128xf32, #tpu.memory_space<vmem>>)
        "tpu.region"() ({
          %run_scoped3A = tpu.sem_alloc : memref<!tpu.dma_semaphore, #tpu.memory_space<semaphore_mem>>
          %dma_start3A_94 = arith.constant 0 : i32
          %dma_start3A_95 = tpu.memref_slice %arg8[%add3A_77, %dma_start3A_94] : memref<40x128xi32, #tpu.memory_space<vmem>> -> memref<1x128xi32, #tpu.memory_space<vmem>>
          %dma_start3A_96 = tpu.memref_squeeze %dma_start3A_95 : memref<1x128xi32, #tpu.memory_space<vmem>> -> memref<128xi32, #tpu.memory_space<vmem>>
          %dma_start3A_97 = arith.constant 0 : i32
          %dma_start3A_98 = arith.constant 0 : i32
          %dma_start3A_99 = tpu.memref_slice %arg11[%dma_start3A_97, %dma_start3A_98] : memref<10064x128xf32, #tpu.memory_space<vmem_shared>> -> memref<10064x128xf32, #tpu.memory_space<vmem_shared>>
          tpu.enqueue_indirect_dma source(%arg10 : memref<128x128xf32, #tpu.memory_space<vmem>>) target(%dma_start3A_99 : memref<10064x128xf32, #tpu.memory_space<vmem_shared>>) offsets(%dma_start3A_96 : memref<128xi32, #tpu.memory_space<vmem>>) semaphore(%run_scoped3A : memref<!tpu.dma_semaphore, #tpu.memory_space<semaphore_mem>>) {add = true}
          %dma_wait3A_100 = arith.constant 0 : i32
          %dma_wait3A_101 = tpu.memref_slice %arg8[%add3A_77, %dma_wait3A_100] : memref<40x128xi32, #tpu.memory_space<vmem>> -> memref<1x128xi32, #tpu.memory_space<vmem>>
          %dma_wait3A_102 = tpu.memref_squeeze %dma_wait3A_101 : memref<1x128xi32, #tpu.memory_space<vmem>> -> memref<128xi32, #tpu.memory_space<vmem>>
          %dma_wait3A_103 = arith.constant 0 : i32
          %dma_wait3A_104 = arith.constant 0 : i32
          %dma_wait3A_105 = tpu.memref_slice %arg11[%dma_wait3A_103, %dma_wait3A_104] : memref<10064x128xf32, #tpu.memory_space<vmem_shared>> -> memref<10064x128xf32, #tpu.memory_space<vmem_shared>>
          tpu.wait_indirect_dma semaphore(%run_scoped3A : memref<!tpu.dma_semaphore, #tpu.memory_space<semaphore_mem>>) src(%arg10 : memref<128x128xf32, #tpu.memory_space<vmem>>) dst(%dma_wait3A_105 : memref<10064x128xf32, #tpu.memory_space<vmem_shared>>)
          tpu.yield
        }) : () -> ()
        %dma_start3A_88 = arith.constant 0 : i32
        %dma_start3A_89 = tpu.memref_slice %arg7[%min3A_81, %dma_start3A_88] : memref<40x128xi32, #tpu.memory_space<vmem>> -> memref<1x128xi32, #tpu.memory_space<vmem>>
        %dma_start3A_90 = tpu.memref_squeeze %dma_start3A_89 : memref<1x128xi32, #tpu.memory_space<vmem>> -> memref<128xi32, #tpu.memory_space<vmem>>
        %dma_start3A_91 = arith.constant 0 : i32
        %dma_start3A_92 = arith.constant 0 : i32
        %dma_start3A_93 = tpu.memref_slice %arg4[%dma_start3A_91, %dma_start3A_92] : memref<10000x128xf32, #tpu.memory_space<hbm>> -> memref<10000x128xf32, #tpu.memory_space<hbm>>
        tpu.enqueue_indirect_dma source(%dma_start3A_93 : memref<10000x128xf32, #tpu.memory_space<hbm>>) target(%arg10 : memref<128x128xf32, #tpu.memory_space<vmem>>) offsets(%dma_start3A_90 : memref<128xi32, #tpu.memory_space<vmem>>) semaphore(%arg13 : memref<!tpu.dma_semaphore, #tpu.memory_space<semaphore_mem>>)
      }
      %scan3A_39 = arith.constant 20 : i32
      %dma_wait3A = arith.constant 39 : i32
      %dma_wait3A_40 = arith.constant 0 : i32
      %dma_wait3A_41 = tpu.memref_slice %arg7[%dma_wait3A, %dma_wait3A_40] : memref<40x128xi32, #tpu.memory_space<vmem>> -> memref<1x128xi32, #tpu.memory_space<vmem>>
      %dma_wait3A_42 = tpu.memref_squeeze %dma_wait3A_41 : memref<1x128xi32, #tpu.memory_space<vmem>> -> memref<128xi32, #tpu.memory_space<vmem>>
      %dma_wait3A_43 = arith.constant 0 : i32
      %dma_wait3A_44 = arith.constant 0 : i32
      %dma_wait3A_45 = tpu.memref_slice %arg4[%dma_wait3A_43, %dma_wait3A_44] : memref<10000x128xf32, #tpu.memory_space<hbm>> -> memref<10000x128xf32, #tpu.memory_space<hbm>>
      tpu.wait_indirect_dma semaphore(%arg12 : memref<!tpu.dma_semaphore, #tpu.memory_space<semaphore_mem>>) src(%dma_wait3A_45 : memref<10000x128xf32, #tpu.memory_space<hbm>>) dst(%arg9 : memref<128x128xf32, #tpu.memory_space<vmem>>)
      %dma_wait3A_46 = arith.constant 39 : i32
      %dma_wait3A_47 = arith.constant 0 : i32
      %dma_wait3A_48 = tpu.memref_slice %arg7[%dma_wait3A_46, %dma_wait3A_47] : memref<40x128xi32, #tpu.memory_space<vmem>> -> memref<1x128xi32, #tpu.memory_space<vmem>>
      %dma_wait3A_49 = tpu.memref_squeeze %dma_wait3A_48 : memref<1x128xi32, #tpu.memory_space<vmem>> -> memref<128xi32, #tpu.memory_space<vmem>>
      %dma_wait3A_50 = arith.constant 0 : i32
      %dma_wait3A_51 = arith.constant 0 : i32
      %dma_wait3A_52 = tpu.memref_slice %arg4[%dma_wait3A_50, %dma_wait3A_51] : memref<10000x128xf32, #tpu.memory_space<hbm>> -> memref<10000x128xf32, #tpu.memory_space<hbm>>
      tpu.wait_indirect_dma semaphore(%arg13 : memref<!tpu.dma_semaphore, #tpu.memory_space<semaphore_mem>>) src(%dma_wait3A_52 : memref<10000x128xf32, #tpu.memory_space<hbm>>) dst(%arg10 : memref<128x128xf32, #tpu.memory_space<vmem>>)
    }
    %barrier3A_18 = arith.constant 0 : index
    tpu.barrier barrier_id(%barrier3A_18)
    "tpu.region"() ({
      %run_scoped3A = tpu.sem_alloc : memref<!tpu.dma_semaphore, #tpu.memory_space<semaphore_mem>>
      %dma_start3A = arith.constant 0 : i32
      %dma_start3A_19 = tpu.memref_slice %arg6[%arg0, %min3A_1, %dma_start3A] : memref<2x10000x128xf32, #tpu.memory_space<hbm>> -> memref<1x632x128xf32, #tpu.memory_space<hbm>>
      %dma_start3A_20 = tpu.memref_squeeze %dma_start3A_19 : memref<1x632x128xf32, #tpu.memory_space<hbm>> -> memref<632x128xf32, #tpu.memory_space<hbm>>
      %dma_start3A_21 = arith.constant 0 : i32
      %dma_start3A_22 = tpu.memref_slice %arg11[%min3A_1, %dma_start3A_21] : memref<10064x128xf32, #tpu.memory_space<vmem_shared>> -> memref<632x128xf32, #tpu.memory_space<vmem_shared>>
      tpu.enqueue_dma source(%dma_start3A_22 : memref<632x128xf32, #tpu.memory_space<vmem_shared>>) target(%dma_start3A_20 : memref<632x128xf32, #tpu.memory_space<hbm>>) target_semaphore(%run_scoped3A : memref<!tpu.dma_semaphore, #tpu.memory_space<semaphore_mem>>)
      %dma_wait3A = arith.constant 0 : i32
      %dma_wait3A_23 = tpu.memref_slice %arg6[%arg0, %min3A_1, %dma_wait3A] : memref<2x10000x128xf32, #tpu.memory_space<hbm>> -> memref<1x632x128xf32, #tpu.memory_space<hbm>>
      %dma_wait3A_24 = tpu.memref_squeeze %dma_wait3A_23 : memref<1x632x128xf32, #tpu.memory_space<hbm>> -> memref<632x128xf32, #tpu.memory_space<hbm>>
      %dma_wait3A_25 = arith.constant 0 : i32
      %dma_wait3A_26 = tpu.memref_slice %arg11[%min3A_1, %dma_wait3A_25] : memref<10064x128xf32, #tpu.memory_space<vmem_shared>> -> memref<632x128xf32, #tpu.memory_space<vmem_shared>>
      tpu.wait_dma2 semaphore(%run_scoped3A : memref<!tpu.dma_semaphore, #tpu.memory_space<semaphore_mem>>) src(%dma_wait3A_26 : memref<632x128xf32, #tpu.memory_space<vmem_shared>>) dst(%dma_wait3A_24 : memref<632x128xf32, #tpu.memory_space<hbm>>)
      tpu.yield
    }) : () -> ()
    return
  }
}

#map = affine_map<(d0, d1) -> (0, 0, 0)>
#map1 = affine_map<(d0, d1) -> (0, 0)>
module attributes {stable_mosaic.version = 14 : i64} {
  func.func @spmm_kernel(%arg0: i32, %arg1: i32, %arg2: memref<16x160x128xi32, #tpu.memory_space<hbm>>, %arg3: memref<16x160x128xi32, #tpu.memory_space<hbm>>, %arg4: memref<10000x128xf32, #tpu.memory_space<hbm>>, %arg5: memref<10000x128xf32, #tpu.memory_space<hbm>>, %arg6: memref<2x10000x128xf32, #tpu.memory_space<hbm>>, %arg7: memref<40x128xi32, #tpu.memory_space<vmem>>, %arg8: memref<40x128xi32, #tpu.memory_space<vmem>>, %arg9: memref<128x128xf32, #tpu.memory_space<vmem>>, %arg10: memref<128x128xf32, #tpu.memory_space<vmem>>, %arg11: memref<10064x128xf32, #tpu.memory_space<vmem_shared>>, %arg12: memref<!tpu.dma_semaphore, #tpu.memory_space<semaphore_mem>>, %arg13: memref<!tpu.dma_semaphore, #tpu.memory_space<semaphore_mem>>) attributes {dimension_semantics = [#tpu.dimension_semantics<core_parallel>, #tpu.dimension_semantics<subcore_parallel>], iteration_bounds = array<i64: 2, 16>, scalar_prefetch = 0 : i64, scratch_operands = 7 : i64, tpu.core_type = #tpu.core_type<sc_vector_subcore>, window_params = [{transform_indices = #map}, {transform_indices = #map}, {transform_indices = #map1}, {transform_indices = #map1}, {transform_indices = #map}]} {
    %mul3A = arith.constant 632 : i32
    %mul3A_0 = arith.muli %arg1, %mul3A : i32
    %min3A = arith.constant 9368 : i32
    %min3A_1 = arith.minsi %mul3A_0, %min3A : i32
    "tpu.region"() ({
      %run_scoped3A = tpu.sem_alloc : memref<!tpu.dma_semaphore, #tpu.memory_space<semaphore_mem>>
      %dma_start3A = arith.constant 0 : i32
      %dma_start3A_19 = tpu.memref_slice %arg11[%min3A_1, %dma_start3A] : memref<10064x128xf32, #tpu.memory_space<vmem_shared>> -> memref<632x128xf32, #tpu.memory_space<vmem_shared>>
      %dma_start3A_20 = arith.constant 0 : i32
      %dma_start3A_21 = tpu.memref_slice %arg5[%min3A_1, %dma_start3A_20] : memref<10000x128xf32, #tpu.memory_space<hbm>> -> memref<632x128xf32, #tpu.memory_space<hbm>>
      tpu.enqueue_dma source(%dma_start3A_21 : memref<632x128xf32, #tpu.memory_space<hbm>>) target(%dma_start3A_19 : memref<632x128xf32, #tpu.memory_space<vmem_shared>>) target_semaphore(%run_scoped3A : memref<!tpu.dma_semaphore, #tpu.memory_space<semaphore_mem>>)
      %dma_wait3A = arith.constant 0 : i32
      %dma_wait3A_22 = tpu.memref_slice %arg11[%min3A_1, %dma_wait3A] : memref<10064x128xf32, #tpu.memory_space<vmem_shared>> -> memref<632x128xf32, #tpu.memory_space<vmem_shared>>
      %dma_wait3A_23 = arith.constant 0 : i32
      %dma_wait3A_24 = tpu.memref_slice %arg5[%min3A_1, %dma_wait3A_23] : memref<10000x128xf32, #tpu.memory_space<hbm>> -> memref<632x128xf32, #tpu.memory_space<hbm>>
      tpu.wait_dma2 semaphore(%run_scoped3A : memref<!tpu.dma_semaphore, #tpu.memory_space<semaphore_mem>>) src(%dma_wait3A_24 : memref<632x128xf32, #tpu.memory_space<hbm>>) dst(%dma_wait3A_22 : memref<632x128xf32, #tpu.memory_space<vmem_shared>>)
      tpu.yield
    }) : () -> ()
    %barrier3A = arith.constant 0 : index
    tpu.barrier barrier_id(%barrier3A)
    %eq3A = arith.constant 0 : i32
    %eq3A_2 = arith.cmpi eq, %arg0, %eq3A : i32
    %jit3A = arith.constant 0 : i32
    %jit3A_3 = arith.constant 80 : i32
    %select_n3A = arith.select %eq3A_2, %jit3A, %jit3A_3 : i32
    %eq3A_4 = arith.constant 0 : i32
    %eq3A_5 = arith.cmpi eq, %arg0, %eq3A_4 : i32
    %jit3A_6 = arith.constant 2 : i32
    %jit3A_7 = arith.constant 2 : i32
    %select_n3A_8 = arith.select %eq3A_5, %jit3A_6, %jit3A_7 : i32
    %while3A = arith.constant 0 : i32
    %while3A_9 = arith.constant 0 : i32
    %while3A_10 = arith.subi %select_n3A_8, %while3A_9 : i32
    %while3A_11 = arith.addi %while3A_9, %while3A_10 : i32
    %while3A_12 = arith.constant 1 : i32
    %while3A_13 = arith.divsi %while3A_10, %while3A_12 : i32
    %while3A_14 = arith.muli %while3A_13, %while3A_12 : i32
    %while3A_15 = arith.addi %while3A_9, %while3A_14 : i32
    %while3A_16 = arith.constant 1 : i32
    scf.for %while3A_19 = %while3A_9 to %while3A_15 step %while3A_16  : i32 {
      %mul3A_20 = arith.constant 40 : i32
      %mul3A_21 = arith.muli %while3A_19, %mul3A_20 : i32
      %add3A = arith.addi %select_n3A, %mul3A_21 : i32
      "tpu.region"() ({
        %run_scoped3A = tpu.sem_alloc : memref<!tpu.dma_semaphore, #tpu.memory_space<semaphore_mem>>
        %dma_start3A_53 = arith.constant 0 : i32
        %dma_start3A_54 = tpu.memref_slice %arg2[%arg1, %add3A, %dma_start3A_53] : memref<16x160x128xi32, #tpu.memory_space<hbm>> -> memref<1x40x128xi32, #tpu.memory_space<hbm>>
        %dma_start3A_55 = tpu.memref_squeeze %dma_start3A_54 : memref<1x40x128xi32, #tpu.memory_space<hbm>> -> memref<40x128xi32, #tpu.memory_space<hbm>>
        %dma_start3A_56 = arith.constant 0 : i32
        %dma_start3A_57 = tpu.memref_slice %arg2[%arg1, %add3A, %dma_start3A_56] : memref<16x160x128xi32, #tpu.memory_space<hbm>> -> memref<1x40x128xi32, #tpu.memory_space<hbm>>
        %dma_start3A_58 = tpu.memref_squeeze %dma_start3A_57 : memref<1x40x128xi32, #tpu.memory_space<hbm>> -> memref<40x128xi32, #tpu.memory_space<hbm>>
        tpu.enqueue_dma source(%dma_start3A_58 : memref<40x128xi32, #tpu.memory_space<hbm>>) target(%arg7 : memref<40x128xi32, #tpu.memory_space<vmem>>) target_semaphore(%run_scoped3A : memref<!tpu.dma_semaphore, #tpu.memory_space<semaphore_mem>>)
        %dma_wait3A_59 = arith.constant 0 : i32
        %dma_wait3A_60 = tpu.memref_slice %arg2[%arg1, %add3A, %dma_wait3A_59] : memref<16x160x128xi32, #tpu.memory_space<hbm>> -> memref<1x40x128xi32, #tpu.memory_space<hbm>>
        %dma_wait3A_61 = tpu.memref_squeeze %dma_wait3A_60 : memref<1x40x128xi32, #tpu.memory_space<hbm>> -> memref<40x128xi32, #tpu.memory_space<hbm>>
        %dma_wait3A_62 = arith.constant 0 : i32
        %dma_wait3A_63 = tpu.memref_slice %arg2[%arg1, %add3A, %dma_wait3A_62] : memref<16x160x128xi32, #tpu.memory_space<hbm>> -> memref<1x40x128xi32, #tpu.memory_space<hbm>>
        %dma_wait3A_64 = tpu.memref_squeeze %dma_wait3A_63 : memref<1x40x128xi32, #tpu.memory_space<hbm>> -> memref<40x128xi32, #tpu.memory_space<hbm>>
        tpu.wait_dma2 semaphore(%run_scoped3A : memref<!tpu.dma_semaphore, #tpu.memory_space<semaphore_mem>>) src(%dma_wait3A_64 : memref<40x128xi32, #tpu.memory_space<hbm>>) dst(%arg7 : memref<40x128xi32, #tpu.memory_space<vmem>>)
        tpu.yield
      }) : () -> ()
      "tpu.region"() ({
        %run_scoped3A = tpu.sem_alloc : memref<!tpu.dma_semaphore, #tpu.memory_space<semaphore_mem>>
        %dma_start3A_53 = arith.constant 0 : i32
        %dma_start3A_54 = tpu.memref_slice %arg3[%arg1, %add3A, %dma_start3A_53] : memref<16x160x128xi32, #tpu.memory_space<hbm>> -> memref<1x40x128xi32, #tpu.memory_space<hbm>>
        %dma_start3A_55 = tpu.memref_squeeze %dma_start3A_54 : memref<1x40x128xi32, #tpu.memory_space<hbm>> -> memref<40x128xi32, #tpu.memory_space<hbm>>
        %dma_start3A_56 = arith.constant 0 : i32
        %dma_start3A_57 = tpu.memref_slice %arg3[%arg1, %add3A, %dma_start3A_56] : memref<16x160x128xi32, #tpu.memory_space<hbm>> -> memref<1x40x128xi32, #tpu.memory_space<hbm>>
        %dma_start3A_58 = tpu.memref_squeeze %dma_start3A_57 : memref<1x40x128xi32, #tpu.memory_space<hbm>> -> memref<40x128xi32, #tpu.memory_space<hbm>>
        tpu.enqueue_dma source(%dma_start3A_58 : memref<40x128xi32, #tpu.memory_space<hbm>>) target(%arg8 : memref<40x128xi32, #tpu.memory_space<vmem>>) target_semaphore(%run_scoped3A : memref<!tpu.dma_semaphore, #tpu.memory_space<semaphore_mem>>)
        %dma_wait3A_59 = arith.constant 0 : i32
        %dma_wait3A_60 = tpu.memref_slice %arg3[%arg1, %add3A, %dma_wait3A_59] : memref<16x160x128xi32, #tpu.memory_space<hbm>> -> memref<1x40x128xi32, #tpu.memory_space<hbm>>
        %dma_wait3A_61 = tpu.memref_squeeze %dma_wait3A_60 : memref<1x40x128xi32, #tpu.memory_space<hbm>> -> memref<40x128xi32, #tpu.memory_space<hbm>>
        %dma_wait3A_62 = arith.constant 0 : i32
        %dma_wait3A_63 = tpu.memref_slice %arg3[%arg1, %add3A, %dma_wait3A_62] : memref<16x160x128xi32, #tpu.memory_space<hbm>> -> memref<1x40x128xi32, #tpu.memory_space<hbm>>
        %dma_wait3A_64 = tpu.memref_squeeze %dma_wait3A_63 : memref<1x40x128xi32, #tpu.memory_space<hbm>> -> memref<40x128xi32, #tpu.memory_space<hbm>>
        tpu.wait_dma2 semaphore(%run_scoped3A : memref<!tpu.dma_semaphore, #tpu.memory_space<semaphore_mem>>) src(%dma_wait3A_64 : memref<40x128xi32, #tpu.memory_space<hbm>>) dst(%arg8 : memref<40x128xi32, #tpu.memory_space<vmem>>)
        tpu.yield
      }) : () -> ()
      %dma_start3A = arith.constant 0 : i32
      %dma_start3A_22 = arith.constant 0 : i32
      %dma_start3A_23 = tpu.memref_slice %arg7[%dma_start3A, %dma_start3A_22] : memref<40x128xi32, #tpu.memory_space<vmem>> -> memref<1x128xi32, #tpu.memory_space<vmem>>
      %dma_start3A_24 = tpu.memref_squeeze %dma_start3A_23 : memref<1x128xi32, #tpu.memory_space<vmem>> -> memref<128xi32, #tpu.memory_space<vmem>>
      %dma_start3A_25 = arith.constant 0 : i32
      %dma_start3A_26 = arith.constant 0 : i32
      %dma_start3A_27 = tpu.memref_slice %arg4[%dma_start3A_25, %dma_start3A_26] : memref<10000x128xf32, #tpu.memory_space<hbm>> -> memref<10000x128xf32, #tpu.memory_space<hbm>>
      tpu.enqueue_indirect_dma source(%dma_start3A_27 : memref<10000x128xf32, #tpu.memory_space<hbm>>) target(%arg9 : memref<128x128xf32, #tpu.memory_space<vmem>>) offsets(%dma_start3A_24 : memref<128xi32, #tpu.memory_space<vmem>>) semaphore(%arg12 : memref<!tpu.dma_semaphore, #tpu.memory_space<semaphore_mem>>)
      %dma_start3A_28 = arith.constant 1 : i32
      %dma_start3A_29 = arith.constant 0 : i32
      %dma_start3A_30 = tpu.memref_slice %arg7[%dma_start3A_28, %dma_start3A_29] : memref<40x128xi32, #tpu.memory_space<vmem>> -> memref<1x128xi32, #tpu.memory_space<vmem>>
      %dma_start3A_31 = tpu.memref_squeeze %dma_start3A_30 : memref<1x128xi32, #tpu.memory_space<vmem>> -> memref<128xi32, #tpu.memory_space<vmem>>
      %dma_start3A_32 = arith.constant 0 : i32
      %dma_start3A_33 = arith.constant 0 : i32
      %dma_start3A_34 = tpu.memref_slice %arg4[%dma_start3A_32, %dma_start3A_33] : memref<10000x128xf32, #tpu.memory_space<hbm>> -> memref<10000x128xf32, #tpu.memory_space<hbm>>
      tpu.enqueue_indirect_dma source(%dma_start3A_34 : memref<10000x128xf32, #tpu.memory_space<hbm>>) target(%arg10 : memref<128x128xf32, #tpu.memory_space<vmem>>) offsets(%dma_start3A_31 : memref<128xi32, #tpu.memory_space<vmem>>) semaphore(%arg13 : memref<!tpu.dma_semaphore, #tpu.memory_space<semaphore_mem>>)
      %scan3A = arith.constant 0 : i32
      %scan3A_35 = arith.constant 0 : i32
      %scan3A_36 = arith.constant 20 : i32
      %scan3A_37 = arith.addi %scan3A_35, %scan3A_36 : i32
      %scan3A_38 = arith.constant 1 : i32
      scf.for %scan3A_53 = %scan3A_35 to %scan3A_37 step %scan3A_38  : i32 {
        %mul3A_54 = arith.constant 2 : i32
        %mul3A_55 = arith.muli %mul3A_54, %scan3A_53 : i32
        %add3A_56 = arith.constant 0 : i32
        %add3A_57 = arith.addi %mul3A_55, %add3A_56 : i32
        %add3A_58 = arith.constant 2 : i32
        %add3A_59 = arith.addi %add3A_57, %add3A_58 : i32
        %min3A_60 = arith.constant 39 : i32
        %min3A_61 = arith.minsi %add3A_59, %min3A_60 : i32
        %dma_wait3A_62 = arith.constant 0 : i32
        %dma_wait3A_63 = tpu.memref_slice %arg7[%add3A_57, %dma_wait3A_62] : memref<40x128xi32, #tpu.memory_space<vmem>> -> memref<1x128xi32, #tpu.memory_space<vmem>>
        %dma_wait3A_64 = tpu.memref_squeeze %dma_wait3A_63 : memref<1x128xi32, #tpu.memory_space<vmem>> -> memref<128xi32, #tpu.memory_space<vmem>>
        %dma_wait3A_65 = arith.constant 0 : i32
        %dma_wait3A_66 = arith.constant 0 : i32
        %dma_wait3A_67 = tpu.memref_slice %arg4[%dma_wait3A_65, %dma_wait3A_66] : memref<10000x128xf32, #tpu.memory_space<hbm>> -> memref<10000x128xf32, #tpu.memory_space<hbm>>
        tpu.wait_indirect_dma semaphore(%arg12 : memref<!tpu.dma_semaphore, #tpu.memory_space<semaphore_mem>>) src(%dma_wait3A_67 : memref<10000x128xf32, #tpu.memory_space<hbm>>) dst(%arg9 : memref<128x128xf32, #tpu.memory_space<vmem>>)
        "tpu.region"() ({
          %run_scoped3A = tpu.sem_alloc : memref<!tpu.dma_semaphore, #tpu.memory_space<semaphore_mem>>
          %dma_start3A_94 = arith.constant 0 : i32
          %dma_start3A_95 = tpu.memref_slice %arg8[%add3A_57, %dma_start3A_94] : memref<40x128xi32, #tpu.memory_space<vmem>> -> memref<1x128xi32, #tpu.memory_space<vmem>>
          %dma_start3A_96 = tpu.memref_squeeze %dma_start3A_95 : memref<1x128xi32, #tpu.memory_space<vmem>> -> memref<128xi32, #tpu.memory_space<vmem>>
          %dma_start3A_97 = arith.constant 0 : i32
          %dma_start3A_98 = arith.constant 0 : i32
          %dma_start3A_99 = tpu.memref_slice %arg11[%dma_start3A_97, %dma_start3A_98] : memref<10064x128xf32, #tpu.memory_space<vmem_shared>> -> memref<10064x128xf32, #tpu.memory_space<vmem_shared>>
          tpu.enqueue_indirect_dma source(%arg9 : memref<128x128xf32, #tpu.memory_space<vmem>>) target(%dma_start3A_99 : memref<10064x128xf32, #tpu.memory_space<vmem_shared>>) offsets(%dma_start3A_96 : memref<128xi32, #tpu.memory_space<vmem>>) semaphore(%run_scoped3A : memref<!tpu.dma_semaphore, #tpu.memory_space<semaphore_mem>>) {add = true}
          %dma_wait3A_100 = arith.constant 0 : i32
          %dma_wait3A_101 = tpu.memref_slice %arg8[%add3A_57, %dma_wait3A_100] : memref<40x128xi32, #tpu.memory_space<vmem>> -> memref<1x128xi32, #tpu.memory_space<vmem>>
          %dma_wait3A_102 = tpu.memref_squeeze %dma_wait3A_101 : memref<1x128xi32, #tpu.memory_space<vmem>> -> memref<128xi32, #tpu.memory_space<vmem>>
          %dma_wait3A_103 = arith.constant 0 : i32
          %dma_wait3A_104 = arith.constant 0 : i32
          %dma_wait3A_105 = tpu.memref_slice %arg11[%dma_wait3A_103, %dma_wait3A_104] : memref<10064x128xf32, #tpu.memory_space<vmem_shared>> -> memref<10064x128xf32, #tpu.memory_space<vmem_shared>>
          tpu.wait_indirect_dma semaphore(%run_scoped3A : memref<!tpu.dma_semaphore, #tpu.memory_space<semaphore_mem>>) src(%arg9 : memref<128x128xf32, #tpu.memory_space<vmem>>) dst(%dma_wait3A_105 : memref<10064x128xf32, #tpu.memory_space<vmem_shared>>)
          tpu.yield
        }) : () -> ()
        %dma_start3A_68 = arith.constant 0 : i32
        %dma_start3A_69 = tpu.memref_slice %arg7[%min3A_61, %dma_start3A_68] : memref<40x128xi32, #tpu.memory_space<vmem>> -> memref<1x128xi32, #tpu.memory_space<vmem>>
        %dma_start3A_70 = tpu.memref_squeeze %dma_start3A_69 : memref<1x128xi32, #tpu.memory_space<vmem>> -> memref<128xi32, #tpu.memory_space<vmem>>
        %dma_start3A_71 = arith.constant 0 : i32
        %dma_start3A_72 = arith.constant 0 : i32
        %dma_start3A_73 = tpu.memref_slice %arg4[%dma_start3A_71, %dma_start3A_72] : memref<10000x128xf32, #tpu.memory_space<hbm>> -> memref<10000x128xf32, #tpu.memory_space<hbm>>
        tpu.enqueue_indirect_dma source(%dma_start3A_73 : memref<10000x128xf32, #tpu.memory_space<hbm>>) target(%arg9 : memref<128x128xf32, #tpu.memory_space<vmem>>) offsets(%dma_start3A_70 : memref<128xi32, #tpu.memory_space<vmem>>) semaphore(%arg12 : memref<!tpu.dma_semaphore, #tpu.memory_space<semaphore_mem>>)
        %mul3A_74 = arith.constant 2 : i32
        %mul3A_75 = arith.muli %mul3A_74, %scan3A_53 : i32
        %add3A_76 = arith.constant 1 : i32
        %add3A_77 = arith.addi %mul3A_75, %add3A_76 : i32
        %add3A_78 = arith.constant 2 : i32
        %add3A_79 = arith.addi %add3A_77, %add3A_78 : i32
        %min3A_80 = arith.constant 39 : i32
        %min3A_81 = arith.minsi %add3A_79, %min3A_80 : i32
        %dma_wait3A_82 = arith.constant 0 : i32
        %dma_wait3A_83 = tpu.memref_slice %arg7[%add3A_77, %dma_wait3A_82] : memref<40x128xi32, #tpu.memory_space<vmem>> -> memref<1x128xi32, #tpu.memory_space<vmem>>
        %dma_wait3A_84 = tpu.memref_squeeze %dma_wait3A_83 : memref<1x128xi32, #tpu.memory_space<vmem>> -> memref<128xi32, #tpu.memory_space<vmem>>
        %dma_wait3A_85 = arith.constant 0 : i32
        %dma_wait3A_86 = arith.constant 0 : i32
        %dma_wait3A_87 = tpu.memref_slice %arg4[%dma_wait3A_85, %dma_wait3A_86] : memref<10000x128xf32, #tpu.memory_space<hbm>> -> memref<10000x128xf32, #tpu.memory_space<hbm>>
        tpu.wait_indirect_dma semaphore(%arg13 : memref<!tpu.dma_semaphore, #tpu.memory_space<semaphore_mem>>) src(%dma_wait3A_87 : memref<10000x128xf32, #tpu.memory_space<hbm>>) dst(%arg10 : memref<128x128xf32, #tpu.memory_space<vmem>>)
        "tpu.region"() ({
          %run_scoped3A = tpu.sem_alloc : memref<!tpu.dma_semaphore, #tpu.memory_space<semaphore_mem>>
          %dma_start3A_94 = arith.constant 0 : i32
          %dma_start3A_95 = tpu.memref_slice %arg8[%add3A_77, %dma_start3A_94] : memref<40x128xi32, #tpu.memory_space<vmem>> -> memref<1x128xi32, #tpu.memory_space<vmem>>
          %dma_start3A_96 = tpu.memref_squeeze %dma_start3A_95 : memref<1x128xi32, #tpu.memory_space<vmem>> -> memref<128xi32, #tpu.memory_space<vmem>>
          %dma_start3A_97 = arith.constant 0 : i32
          %dma_start3A_98 = arith.constant 0 : i32
          %dma_start3A_99 = tpu.memref_slice %arg11[%dma_start3A_97, %dma_start3A_98] : memref<10064x128xf32, #tpu.memory_space<vmem_shared>> -> memref<10064x128xf32, #tpu.memory_space<vmem_shared>>
          tpu.enqueue_indirect_dma source(%arg10 : memref<128x128xf32, #tpu.memory_space<vmem>>) target(%dma_start3A_99 : memref<10064x128xf32, #tpu.memory_space<vmem_shared>>) offsets(%dma_start3A_96 : memref<128xi32, #tpu.memory_space<vmem>>) semaphore(%run_scoped3A : memref<!tpu.dma_semaphore, #tpu.memory_space<semaphore_mem>>) {add = true}
          %dma_wait3A_100 = arith.constant 0 : i32
          %dma_wait3A_101 = tpu.memref_slice %arg8[%add3A_77, %dma_wait3A_100] : memref<40x128xi32, #tpu.memory_space<vmem>> -> memref<1x128xi32, #tpu.memory_space<vmem>>
          %dma_wait3A_102 = tpu.memref_squeeze %dma_wait3A_101 : memref<1x128xi32, #tpu.memory_space<vmem>> -> memref<128xi32, #tpu.memory_space<vmem>>
          %dma_wait3A_103 = arith.constant 0 : i32
          %dma_wait3A_104 = arith.constant 0 : i32
          %dma_wait3A_105 = tpu.memref_slice %arg11[%dma_wait3A_103, %dma_wait3A_104] : memref<10064x128xf32, #tpu.memory_space<vmem_shared>> -> memref<10064x128xf32, #tpu.memory_space<vmem_shared>>
          tpu.wait_indirect_dma semaphore(%run_scoped3A : memref<!tpu.dma_semaphore, #tpu.memory_space<semaphore_mem>>) src(%arg10 : memref<128x128xf32, #tpu.memory_space<vmem>>) dst(%dma_wait3A_105 : memref<10064x128xf32, #tpu.memory_space<vmem_shared>>)
          tpu.yield
        }) : () -> ()
        %dma_start3A_88 = arith.constant 0 : i32
        %dma_start3A_89 = tpu.memref_slice %arg7[%min3A_81, %dma_start3A_88] : memref<40x128xi32, #tpu.memory_space<vmem>> -> memref<1x128xi32, #tpu.memory_space<vmem>>
        %dma_start3A_90 = tpu.memref_squeeze %dma_start3A_89 : memref<1x128xi32, #tpu.memory_space<vmem>> -> memref<128xi32, #tpu.memory_space<vmem>>
        %dma_start3A_91 = arith.constant 0 : i32
        %dma_start3A_92 = arith.constant 0 : i32
        %dma_start3A_93 = tpu.memref_slice %arg4[%dma_start3A_91, %dma_start3A_92] : memref<10000x128xf32, #tpu.memory_space<hbm>> -> memref<10000x128xf32, #tpu.memory_space<hbm>>
        tpu.enqueue_indirect_dma source(%dma_start3A_93 : memref<10000x128xf32, #tpu.memory_space<hbm>>) target(%arg10 : memref<128x128xf32, #tpu.memory_space<vmem>>) offsets(%dma_start3A_90 : memref<128xi32, #tpu.memory_space<vmem>>) semaphore(%arg13 : memref<!tpu.dma_semaphore, #tpu.memory_space<semaphore_mem>>)
      }
      %scan3A_39 = arith.constant 20 : i32
      %dma_wait3A = arith.constant 39 : i32
      %dma_wait3A_40 = arith.constant 0 : i32
      %dma_wait3A_41 = tpu.memref_slice %arg7[%dma_wait3A, %dma_wait3A_40] : memref<40x128xi32, #tpu.memory_space<vmem>> -> memref<1x128xi32, #tpu.memory_space<vmem>>
      %dma_wait3A_42 = tpu.memref_squeeze %dma_wait3A_41 : memref<1x128xi32, #tpu.memory_space<vmem>> -> memref<128xi32, #tpu.memory_space<vmem>>
      %dma_wait3A_43 = arith.constant 0 : i32
      %dma_wait3A_44 = arith.constant 0 : i32
      %dma_wait3A_45 = tpu.memref_slice %arg4[%dma_wait3A_43, %dma_wait3A_44] : memref<10000x128xf32, #tpu.memory_space<hbm>> -> memref<10000x128xf32, #tpu.memory_space<hbm>>
      tpu.wait_indirect_dma semaphore(%arg12 : memref<!tpu.dma_semaphore, #tpu.memory_space<semaphore_mem>>) src(%dma_wait3A_45 : memref<10000x128xf32, #tpu.memory_space<hbm>>) dst(%arg9 : memref<128x128xf32, #tpu.memory_space<vmem>>)
      %dma_wait3A_46 = arith.constant 39 : i32
      %dma_wait3A_47 = arith.constant 0 : i32
      %dma_wait3A_48 = tpu.memref_slice %arg7[%dma_wait3A_46, %dma_wait3A_47] : memref<40x128xi32, #tpu.memory_space<vmem>> -> memref<1x128xi32, #tpu.memory_space<vmem>>
      %dma_wait3A_49 = tpu.memref_squeeze %dma_wait3A_48 : memref<1x128xi32, #tpu.memory_space<vmem>> -> memref<128xi32, #tpu.memory_space<vmem>>
      %dma_wait3A_50 = arith.constant 0 : i32
      %dma_wait3A_51 = arith.constant 0 : i32
      %dma_wait3A_52 = tpu.memref_slice %arg4[%dma_wait3A_50, %dma_wait3A_51] : memref<10000x128xf32, #tpu.memory_space<hbm>> -> memref<10000x128xf32, #tpu.memory_space<hbm>>
      tpu.wait_indirect_dma semaphore(%arg13 : memref<!tpu.dma_semaphore, #tpu.memory_space<semaphore_mem>>) src(%dma_wait3A_52 : memref<10000x128xf32, #tpu.memory_space<hbm>>) dst(%arg10 : memref<128x128xf32, #tpu.memory_space<vmem>>)
    }
    %while3A_17 = arith.constant 1 : i32
    scf.for %while3A_19 = %while3A_15 to %while3A_11 step %while3A_17  : i32 {
      %mul3A_20 = arith.constant 40 : i32
      %mul3A_21 = arith.muli %while3A_19, %mul3A_20 : i32
      %add3A = arith.addi %select_n3A, %mul3A_21 : i32
      "tpu.region"() ({
        %run_scoped3A = tpu.sem_alloc : memref<!tpu.dma_semaphore, #tpu.memory_space<semaphore_mem>>
        %dma_start3A_53 = arith.constant 0 : i32
        %dma_start3A_54 = tpu.memref_slice %arg2[%arg1, %add3A, %dma_start3A_53] : memref<16x160x128xi32, #tpu.memory_space<hbm>> -> memref<1x40x128xi32, #tpu.memory_space<hbm>>
        %dma_start3A_55 = tpu.memref_squeeze %dma_start3A_54 : memref<1x40x128xi32, #tpu.memory_space<hbm>> -> memref<40x128xi32, #tpu.memory_space<hbm>>
        %dma_start3A_56 = arith.constant 0 : i32
        %dma_start3A_57 = tpu.memref_slice %arg2[%arg1, %add3A, %dma_start3A_56] : memref<16x160x128xi32, #tpu.memory_space<hbm>> -> memref<1x40x128xi32, #tpu.memory_space<hbm>>
        %dma_start3A_58 = tpu.memref_squeeze %dma_start3A_57 : memref<1x40x128xi32, #tpu.memory_space<hbm>> -> memref<40x128xi32, #tpu.memory_space<hbm>>
        tpu.enqueue_dma source(%dma_start3A_58 : memref<40x128xi32, #tpu.memory_space<hbm>>) target(%arg7 : memref<40x128xi32, #tpu.memory_space<vmem>>) target_semaphore(%run_scoped3A : memref<!tpu.dma_semaphore, #tpu.memory_space<semaphore_mem>>)
        %dma_wait3A_59 = arith.constant 0 : i32
        %dma_wait3A_60 = tpu.memref_slice %arg2[%arg1, %add3A, %dma_wait3A_59] : memref<16x160x128xi32, #tpu.memory_space<hbm>> -> memref<1x40x128xi32, #tpu.memory_space<hbm>>
        %dma_wait3A_61 = tpu.memref_squeeze %dma_wait3A_60 : memref<1x40x128xi32, #tpu.memory_space<hbm>> -> memref<40x128xi32, #tpu.memory_space<hbm>>
        %dma_wait3A_62 = arith.constant 0 : i32
        %dma_wait3A_63 = tpu.memref_slice %arg2[%arg1, %add3A, %dma_wait3A_62] : memref<16x160x128xi32, #tpu.memory_space<hbm>> -> memref<1x40x128xi32, #tpu.memory_space<hbm>>
        %dma_wait3A_64 = tpu.memref_squeeze %dma_wait3A_63 : memref<1x40x128xi32, #tpu.memory_space<hbm>> -> memref<40x128xi32, #tpu.memory_space<hbm>>
        tpu.wait_dma2 semaphore(%run_scoped3A : memref<!tpu.dma_semaphore, #tpu.memory_space<semaphore_mem>>) src(%dma_wait3A_64 : memref<40x128xi32, #tpu.memory_space<hbm>>) dst(%arg7 : memref<40x128xi32, #tpu.memory_space<vmem>>)
        tpu.yield
      }) : () -> ()
      "tpu.region"() ({
        %run_scoped3A = tpu.sem_alloc : memref<!tpu.dma_semaphore, #tpu.memory_space<semaphore_mem>>
        %dma_start3A_53 = arith.constant 0 : i32
        %dma_start3A_54 = tpu.memref_slice %arg3[%arg1, %add3A, %dma_start3A_53] : memref<16x160x128xi32, #tpu.memory_space<hbm>> -> memref<1x40x128xi32, #tpu.memory_space<hbm>>
        %dma_start3A_55 = tpu.memref_squeeze %dma_start3A_54 : memref<1x40x128xi32, #tpu.memory_space<hbm>> -> memref<40x128xi32, #tpu.memory_space<hbm>>
        %dma_start3A_56 = arith.constant 0 : i32
        %dma_start3A_57 = tpu.memref_slice %arg3[%arg1, %add3A, %dma_start3A_56] : memref<16x160x128xi32, #tpu.memory_space<hbm>> -> memref<1x40x128xi32, #tpu.memory_space<hbm>>
        %dma_start3A_58 = tpu.memref_squeeze %dma_start3A_57 : memref<1x40x128xi32, #tpu.memory_space<hbm>> -> memref<40x128xi32, #tpu.memory_space<hbm>>
        tpu.enqueue_dma source(%dma_start3A_58 : memref<40x128xi32, #tpu.memory_space<hbm>>) target(%arg8 : memref<40x128xi32, #tpu.memory_space<vmem>>) target_semaphore(%run_scoped3A : memref<!tpu.dma_semaphore, #tpu.memory_space<semaphore_mem>>)
        %dma_wait3A_59 = arith.constant 0 : i32
        %dma_wait3A_60 = tpu.memref_slice %arg3[%arg1, %add3A, %dma_wait3A_59] : memref<16x160x128xi32, #tpu.memory_space<hbm>> -> memref<1x40x128xi32, #tpu.memory_space<hbm>>
        %dma_wait3A_61 = tpu.memref_squeeze %dma_wait3A_60 : memref<1x40x128xi32, #tpu.memory_space<hbm>> -> memref<40x128xi32, #tpu.memory_space<hbm>>
        %dma_wait3A_62 = arith.constant 0 : i32
        %dma_wait3A_63 = tpu.memref_slice %arg3[%arg1, %add3A, %dma_wait3A_62] : memref<16x160x128xi32, #tpu.memory_space<hbm>> -> memref<1x40x128xi32, #tpu.memory_space<hbm>>
        %dma_wait3A_64 = tpu.memref_squeeze %dma_wait3A_63 : memref<1x40x128xi32, #tpu.memory_space<hbm>> -> memref<40x128xi32, #tpu.memory_space<hbm>>
        tpu.wait_dma2 semaphore(%run_scoped3A : memref<!tpu.dma_semaphore, #tpu.memory_space<semaphore_mem>>) src(%dma_wait3A_64 : memref<40x128xi32, #tpu.memory_space<hbm>>) dst(%arg8 : memref<40x128xi32, #tpu.memory_space<vmem>>)
        tpu.yield
      }) : () -> ()
      %dma_start3A = arith.constant 0 : i32
      %dma_start3A_22 = arith.constant 0 : i32
      %dma_start3A_23 = tpu.memref_slice %arg7[%dma_start3A, %dma_start3A_22] : memref<40x128xi32, #tpu.memory_space<vmem>> -> memref<1x128xi32, #tpu.memory_space<vmem>>
      %dma_start3A_24 = tpu.memref_squeeze %dma_start3A_23 : memref<1x128xi32, #tpu.memory_space<vmem>> -> memref<128xi32, #tpu.memory_space<vmem>>
      %dma_start3A_25 = arith.constant 0 : i32
      %dma_start3A_26 = arith.constant 0 : i32
      %dma_start3A_27 = tpu.memref_slice %arg4[%dma_start3A_25, %dma_start3A_26] : memref<10000x128xf32, #tpu.memory_space<hbm>> -> memref<10000x128xf32, #tpu.memory_space<hbm>>
      tpu.enqueue_indirect_dma source(%dma_start3A_27 : memref<10000x128xf32, #tpu.memory_space<hbm>>) target(%arg9 : memref<128x128xf32, #tpu.memory_space<vmem>>) offsets(%dma_start3A_24 : memref<128xi32, #tpu.memory_space<vmem>>) semaphore(%arg12 : memref<!tpu.dma_semaphore, #tpu.memory_space<semaphore_mem>>)
      %dma_start3A_28 = arith.constant 1 : i32
      %dma_start3A_29 = arith.constant 0 : i32
      %dma_start3A_30 = tpu.memref_slice %arg7[%dma_start3A_28, %dma_start3A_29] : memref<40x128xi32, #tpu.memory_space<vmem>> -> memref<1x128xi32, #tpu.memory_space<vmem>>
      %dma_start3A_31 = tpu.memref_squeeze %dma_start3A_30 : memref<1x128xi32, #tpu.memory_space<vmem>> -> memref<128xi32, #tpu.memory_space<vmem>>
      %dma_start3A_32 = arith.constant 0 : i32
      %dma_start3A_33 = arith.constant 0 : i32
      %dma_start3A_34 = tpu.memref_slice %arg4[%dma_start3A_32, %dma_start3A_33] : memref<10000x128xf32, #tpu.memory_space<hbm>> -> memref<10000x128xf32, #tpu.memory_space<hbm>>
      tpu.enqueue_indirect_dma source(%dma_start3A_34 : memref<10000x128xf32, #tpu.memory_space<hbm>>) target(%arg10 : memref<128x128xf32, #tpu.memory_space<vmem>>) offsets(%dma_start3A_31 : memref<128xi32, #tpu.memory_space<vmem>>) semaphore(%arg13 : memref<!tpu.dma_semaphore, #tpu.memory_space<semaphore_mem>>)
      %scan3A = arith.constant 0 : i32
      %scan3A_35 = arith.constant 0 : i32
      %scan3A_36 = arith.constant 20 : i32
      %scan3A_37 = arith.addi %scan3A_35, %scan3A_36 : i32
      %scan3A_38 = arith.constant 1 : i32
      scf.for %scan3A_53 = %scan3A_35 to %scan3A_37 step %scan3A_38  : i32 {
        %mul3A_54 = arith.constant 2 : i32
        %mul3A_55 = arith.muli %mul3A_54, %scan3A_53 : i32
        %add3A_56 = arith.constant 0 : i32
        %add3A_57 = arith.addi %mul3A_55, %add3A_56 : i32
        %add3A_58 = arith.constant 2 : i32
        %add3A_59 = arith.addi %add3A_57, %add3A_58 : i32
        %min3A_60 = arith.constant 39 : i32
        %min3A_61 = arith.minsi %add3A_59, %min3A_60 : i32
        %dma_wait3A_62 = arith.constant 0 : i32
        %dma_wait3A_63 = tpu.memref_slice %arg7[%add3A_57, %dma_wait3A_62] : memref<40x128xi32, #tpu.memory_space<vmem>> -> memref<1x128xi32, #tpu.memory_space<vmem>>
        %dma_wait3A_64 = tpu.memref_squeeze %dma_wait3A_63 : memref<1x128xi32, #tpu.memory_space<vmem>> -> memref<128xi32, #tpu.memory_space<vmem>>
        %dma_wait3A_65 = arith.constant 0 : i32
        %dma_wait3A_66 = arith.constant 0 : i32
        %dma_wait3A_67 = tpu.memref_slice %arg4[%dma_wait3A_65, %dma_wait3A_66] : memref<10000x128xf32, #tpu.memory_space<hbm>> -> memref<10000x128xf32, #tpu.memory_space<hbm>>
        tpu.wait_indirect_dma semaphore(%arg12 : memref<!tpu.dma_semaphore, #tpu.memory_space<semaphore_mem>>) src(%dma_wait3A_67 : memref<10000x128xf32, #tpu.memory_space<hbm>>) dst(%arg9 : memref<128x128xf32, #tpu.memory_space<vmem>>)
        "tpu.region"() ({
          %run_scoped3A = tpu.sem_alloc : memref<!tpu.dma_semaphore, #tpu.memory_space<semaphore_mem>>
          %dma_start3A_94 = arith.constant 0 : i32
          %dma_start3A_95 = tpu.memref_slice %arg8[%add3A_57, %dma_start3A_94] : memref<40x128xi32, #tpu.memory_space<vmem>> -> memref<1x128xi32, #tpu.memory_space<vmem>>
          %dma_start3A_96 = tpu.memref_squeeze %dma_start3A_95 : memref<1x128xi32, #tpu.memory_space<vmem>> -> memref<128xi32, #tpu.memory_space<vmem>>
          %dma_start3A_97 = arith.constant 0 : i32
          %dma_start3A_98 = arith.constant 0 : i32
          %dma_start3A_99 = tpu.memref_slice %arg11[%dma_start3A_97, %dma_start3A_98] : memref<10064x128xf32, #tpu.memory_space<vmem_shared>> -> memref<10064x128xf32, #tpu.memory_space<vmem_shared>>
          tpu.enqueue_indirect_dma source(%arg9 : memref<128x128xf32, #tpu.memory_space<vmem>>) target(%dma_start3A_99 : memref<10064x128xf32, #tpu.memory_space<vmem_shared>>) offsets(%dma_start3A_96 : memref<128xi32, #tpu.memory_space<vmem>>) semaphore(%run_scoped3A : memref<!tpu.dma_semaphore, #tpu.memory_space<semaphore_mem>>) {add = true}
          %dma_wait3A_100 = arith.constant 0 : i32
          %dma_wait3A_101 = tpu.memref_slice %arg8[%add3A_57, %dma_wait3A_100] : memref<40x128xi32, #tpu.memory_space<vmem>> -> memref<1x128xi32, #tpu.memory_space<vmem>>
          %dma_wait3A_102 = tpu.memref_squeeze %dma_wait3A_101 : memref<1x128xi32, #tpu.memory_space<vmem>> -> memref<128xi32, #tpu.memory_space<vmem>>
          %dma_wait3A_103 = arith.constant 0 : i32
          %dma_wait3A_104 = arith.constant 0 : i32
          %dma_wait3A_105 = tpu.memref_slice %arg11[%dma_wait3A_103, %dma_wait3A_104] : memref<10064x128xf32, #tpu.memory_space<vmem_shared>> -> memref<10064x128xf32, #tpu.memory_space<vmem_shared>>
          tpu.wait_indirect_dma semaphore(%run_scoped3A : memref<!tpu.dma_semaphore, #tpu.memory_space<semaphore_mem>>) src(%arg9 : memref<128x128xf32, #tpu.memory_space<vmem>>) dst(%dma_wait3A_105 : memref<10064x128xf32, #tpu.memory_space<vmem_shared>>)
          tpu.yield
        }) : () -> ()
        %dma_start3A_68 = arith.constant 0 : i32
        %dma_start3A_69 = tpu.memref_slice %arg7[%min3A_61, %dma_start3A_68] : memref<40x128xi32, #tpu.memory_space<vmem>> -> memref<1x128xi32, #tpu.memory_space<vmem>>
        %dma_start3A_70 = tpu.memref_squeeze %dma_start3A_69 : memref<1x128xi32, #tpu.memory_space<vmem>> -> memref<128xi32, #tpu.memory_space<vmem>>
        %dma_start3A_71 = arith.constant 0 : i32
        %dma_start3A_72 = arith.constant 0 : i32
        %dma_start3A_73 = tpu.memref_slice %arg4[%dma_start3A_71, %dma_start3A_72] : memref<10000x128xf32, #tpu.memory_space<hbm>> -> memref<10000x128xf32, #tpu.memory_space<hbm>>
        tpu.enqueue_indirect_dma source(%dma_start3A_73 : memref<10000x128xf32, #tpu.memory_space<hbm>>) target(%arg9 : memref<128x128xf32, #tpu.memory_space<vmem>>) offsets(%dma_start3A_70 : memref<128xi32, #tpu.memory_space<vmem>>) semaphore(%arg12 : memref<!tpu.dma_semaphore, #tpu.memory_space<semaphore_mem>>)
        %mul3A_74 = arith.constant 2 : i32
        %mul3A_75 = arith.muli %mul3A_74, %scan3A_53 : i32
        %add3A_76 = arith.constant 1 : i32
        %add3A_77 = arith.addi %mul3A_75, %add3A_76 : i32
        %add3A_78 = arith.constant 2 : i32
        %add3A_79 = arith.addi %add3A_77, %add3A_78 : i32
        %min3A_80 = arith.constant 39 : i32
        %min3A_81 = arith.minsi %add3A_79, %min3A_80 : i32
        %dma_wait3A_82 = arith.constant 0 : i32
        %dma_wait3A_83 = tpu.memref_slice %arg7[%add3A_77, %dma_wait3A_82] : memref<40x128xi32, #tpu.memory_space<vmem>> -> memref<1x128xi32, #tpu.memory_space<vmem>>
        %dma_wait3A_84 = tpu.memref_squeeze %dma_wait3A_83 : memref<1x128xi32, #tpu.memory_space<vmem>> -> memref<128xi32, #tpu.memory_space<vmem>>
        %dma_wait3A_85 = arith.constant 0 : i32
        %dma_wait3A_86 = arith.constant 0 : i32
        %dma_wait3A_87 = tpu.memref_slice %arg4[%dma_wait3A_85, %dma_wait3A_86] : memref<10000x128xf32, #tpu.memory_space<hbm>> -> memref<10000x128xf32, #tpu.memory_space<hbm>>
        tpu.wait_indirect_dma semaphore(%arg13 : memref<!tpu.dma_semaphore, #tpu.memory_space<semaphore_mem>>) src(%dma_wait3A_87 : memref<10000x128xf32, #tpu.memory_space<hbm>>) dst(%arg10 : memref<128x128xf32, #tpu.memory_space<vmem>>)
        "tpu.region"() ({
          %run_scoped3A = tpu.sem_alloc : memref<!tpu.dma_semaphore, #tpu.memory_space<semaphore_mem>>
          %dma_start3A_94 = arith.constant 0 : i32
          %dma_start3A_95 = tpu.memref_slice %arg8[%add3A_77, %dma_start3A_94] : memref<40x128xi32, #tpu.memory_space<vmem>> -> memref<1x128xi32, #tpu.memory_space<vmem>>
          %dma_start3A_96 = tpu.memref_squeeze %dma_start3A_95 : memref<1x128xi32, #tpu.memory_space<vmem>> -> memref<128xi32, #tpu.memory_space<vmem>>
          %dma_start3A_97 = arith.constant 0 : i32
          %dma_start3A_98 = arith.constant 0 : i32
          %dma_start3A_99 = tpu.memref_slice %arg11[%dma_start3A_97, %dma_start3A_98] : memref<10064x128xf32, #tpu.memory_space<vmem_shared>> -> memref<10064x128xf32, #tpu.memory_space<vmem_shared>>
          tpu.enqueue_indirect_dma source(%arg10 : memref<128x128xf32, #tpu.memory_space<vmem>>) target(%dma_start3A_99 : memref<10064x128xf32, #tpu.memory_space<vmem_shared>>) offsets(%dma_start3A_96 : memref<128xi32, #tpu.memory_space<vmem>>) semaphore(%run_scoped3A : memref<!tpu.dma_semaphore, #tpu.memory_space<semaphore_mem>>) {add = true}
          %dma_wait3A_100 = arith.constant 0 : i32
          %dma_wait3A_101 = tpu.memref_slice %arg8[%add3A_77, %dma_wait3A_100] : memref<40x128xi32, #tpu.memory_space<vmem>> -> memref<1x128xi32, #tpu.memory_space<vmem>>
          %dma_wait3A_102 = tpu.memref_squeeze %dma_wait3A_101 : memref<1x128xi32, #tpu.memory_space<vmem>> -> memref<128xi32, #tpu.memory_space<vmem>>
          %dma_wait3A_103 = arith.constant 0 : i32
          %dma_wait3A_104 = arith.constant 0 : i32
          %dma_wait3A_105 = tpu.memref_slice %arg11[%dma_wait3A_103, %dma_wait3A_104] : memref<10064x128xf32, #tpu.memory_space<vmem_shared>> -> memref<10064x128xf32, #tpu.memory_space<vmem_shared>>
          tpu.wait_indirect_dma semaphore(%run_scoped3A : memref<!tpu.dma_semaphore, #tpu.memory_space<semaphore_mem>>) src(%arg10 : memref<128x128xf32, #tpu.memory_space<vmem>>) dst(%dma_wait3A_105 : memref<10064x128xf32, #tpu.memory_space<vmem_shared>>)
          tpu.yield
        }) : () -> ()
        %dma_start3A_88 = arith.constant 0 : i32
        %dma_start3A_89 = tpu.memref_slice %arg7[%min3A_81, %dma_start3A_88] : memref<40x128xi32, #tpu.memory_space<vmem>> -> memref<1x128xi32, #tpu.memory_space<vmem>>
        %dma_start3A_90 = tpu.memref_squeeze %dma_start3A_89 : memref<1x128xi32, #tpu.memory_space<vmem>> -> memref<128xi32, #tpu.memory_space<vmem>>
        %dma_start3A_91 = arith.constant 0 : i32
        %dma_start3A_92 = arith.constant 0 : i32
        %dma_start3A_93 = tpu.memref_slice %arg4[%dma_start3A_91, %dma_start3A_92] : memref<10000x128xf32, #tpu.memory_space<hbm>> -> memref<10000x128xf32, #tpu.memory_space<hbm>>
        tpu.enqueue_indirect_dma source(%dma_start3A_93 : memref<10000x128xf32, #tpu.memory_space<hbm>>) target(%arg10 : memref<128x128xf32, #tpu.memory_space<vmem>>) offsets(%dma_start3A_90 : memref<128xi32, #tpu.memory_space<vmem>>) semaphore(%arg13 : memref<!tpu.dma_semaphore, #tpu.memory_space<semaphore_mem>>)
      }
      %scan3A_39 = arith.constant 20 : i32
      %dma_wait3A = arith.constant 39 : i32
      %dma_wait3A_40 = arith.constant 0 : i32
      %dma_wait3A_41 = tpu.memref_slice %arg7[%dma_wait3A, %dma_wait3A_40] : memref<40x128xi32, #tpu.memory_space<vmem>> -> memref<1x128xi32, #tpu.memory_space<vmem>>
      %dma_wait3A_42 = tpu.memref_squeeze %dma_wait3A_41 : memref<1x128xi32, #tpu.memory_space<vmem>> -> memref<128xi32, #tpu.memory_space<vmem>>
      %dma_wait3A_43 = arith.constant 0 : i32
      %dma_wait3A_44 = arith.constant 0 : i32
      %dma_wait3A_45 = tpu.memref_slice %arg4[%dma_wait3A_43, %dma_wait3A_44] : memref<10000x128xf32, #tpu.memory_space<hbm>> -> memref<10000x128xf32, #tpu.memory_space<hbm>>
      tpu.wait_indirect_dma semaphore(%arg12 : memref<!tpu.dma_semaphore, #tpu.memory_space<semaphore_mem>>) src(%dma_wait3A_45 : memref<10000x128xf32, #tpu.memory_space<hbm>>) dst(%arg9 : memref<128x128xf32, #tpu.memory_space<vmem>>)
      %dma_wait3A_46 = arith.constant 39 : i32
      %dma_wait3A_47 = arith.constant 0 : i32
      %dma_wait3A_48 = tpu.memref_slice %arg7[%dma_wait3A_46, %dma_wait3A_47] : memref<40x128xi32, #tpu.memory_space<vmem>> -> memref<1x128xi32, #tpu.memory_space<vmem>>
      %dma_wait3A_49 = tpu.memref_squeeze %dma_wait3A_48 : memref<1x128xi32, #tpu.memory_space<vmem>> -> memref<128xi32, #tpu.memory_space<vmem>>
      %dma_wait3A_50 = arith.constant 0 : i32
      %dma_wait3A_51 = arith.constant 0 : i32
      %dma_wait3A_52 = tpu.memref_slice %arg4[%dma_wait3A_50, %dma_wait3A_51] : memref<10000x128xf32, #tpu.memory_space<hbm>> -> memref<10000x128xf32, #tpu.memory_space<hbm>>
      tpu.wait_indirect_dma semaphore(%arg13 : memref<!tpu.dma_semaphore, #tpu.memory_space<semaphore_mem>>) src(%dma_wait3A_52 : memref<10000x128xf32, #tpu.memory_space<hbm>>) dst(%arg10 : memref<128x128xf32, #tpu.memory_space<vmem>>)
    }
    %barrier3A_18 = arith.constant 0 : index
    tpu.barrier barrier_id(%barrier3A_18)
    "tpu.region"() ({
      %run_scoped3A = tpu.sem_alloc : memref<!tpu.dma_semaphore, #tpu.memory_space<semaphore_mem>>
      %dma_start3A = arith.constant 0 : i32
      %dma_start3A_19 = tpu.memref_slice %arg6[%arg0, %min3A_1, %dma_start3A] : memref<2x10000x128xf32, #tpu.memory_space<hbm>> -> memref<1x632x128xf32, #tpu.memory_space<hbm>>
      %dma_start3A_20 = tpu.memref_squeeze %dma_start3A_19 : memref<1x632x128xf32, #tpu.memory_space<hbm>> -> memref<632x128xf32, #tpu.memory_space<hbm>>
      %dma_start3A_21 = arith.constant 0 : i32
      %dma_start3A_22 = tpu.memref_slice %arg11[%min3A_1, %dma_start3A_21] : memref<10064x128xf32, #tpu.memory_space<vmem_shared>> -> memref<632x128xf32, #tpu.memory_space<vmem_shared>>
      tpu.enqueue_dma source(%dma_start3A_22 : memref<632x128xf32, #tpu.memory_space<vmem_shared>>) target(%dma_start3A_20 : memref<632x128xf32, #tpu.memory_space<hbm>>) target_semaphore(%run_scoped3A : memref<!tpu.dma_semaphore, #tpu.memory_space<semaphore_mem>>)
      %dma_wait3A = arith.constant 0 : i32
      %dma_wait3A_23 = tpu.memref_slice %arg6[%arg0, %min3A_1, %dma_wait3A] : memref<2x10000x128xf32, #tpu.memory_space<hbm>> -> memref<1x632x128xf32, #tpu.memory_space<hbm>>
      %dma_wait3A_24 = tpu.memref_squeeze %dma_wait3A_23 : memref<1x632x128xf32, #tpu.memory_space<hbm>> -> memref<632x128xf32, #tpu.memory_space<hbm>>
      %dma_wait3A_25 = arith.constant 0 : i32
      %dma_wait3A_26 = tpu.memref_slice %arg11[%min3A_1, %dma_wait3A_25] : memref<10064x128xf32, #tpu.memory_space<vmem_shared>> -> memref<632x128xf32, #tpu.memory_space<vmem_shared>>
      tpu.wait_dma2 semaphore(%run_scoped3A : memref<!tpu.dma_semaphore, #tpu.memory_space<semaphore_mem>>) src(%dma_wait3A_26 : memref<632x128xf32, #tpu.memory_space<vmem_shared>>) dst(%dma_wait3A_24 : memref<632x128xf32, #tpu.memory_space<hbm>>)
      tpu.yield
    }) : () -> ()
    return
  }
}

#map = affine_map<(d0, d1) -> (0, 0, 0)>
#map1 = affine_map<(d0, d1) -> (0, 0)>
module attributes {stable_mosaic.version = 14 : i64} {
  func.func @spmm_kernel(%arg0: i32, %arg1: i32, %arg2: memref<16x160x128xi32, #tpu.memory_space<hbm>>, %arg3: memref<16x160x128xi32, #tpu.memory_space<hbm>>, %arg4: memref<10000x128xf32, #tpu.memory_space<hbm>>, %arg5: memref<10000x128xf32, #tpu.memory_space<hbm>>, %arg6: memref<2x10000x128xf32, #tpu.memory_space<hbm>>, %arg7: memref<40x128xi32, #tpu.memory_space<vmem>>, %arg8: memref<40x128xi32, #tpu.memory_space<vmem>>, %arg9: memref<128x128xf32, #tpu.memory_space<vmem>>, %arg10: memref<128x128xf32, #tpu.memory_space<vmem>>, %arg11: memref<10064x128xf32, #tpu.memory_space<vmem_shared>>, %arg12: memref<!tpu.dma_semaphore, #tpu.memory_space<semaphore_mem>>, %arg13: memref<!tpu.dma_semaphore, #tpu.memory_space<semaphore_mem>>) attributes {dimension_semantics = [#tpu.dimension_semantics<core_parallel>, #tpu.dimension_semantics<subcore_parallel>], iteration_bounds = array<i64: 2, 16>, scalar_prefetch = 0 : i64, scratch_operands = 7 : i64, tpu.core_type = #tpu.core_type<sc_vector_subcore>, window_params = [{transform_indices = #map}, {transform_indices = #map}, {transform_indices = #map1}, {transform_indices = #map1}, {transform_indices = #map}]} {
    %mul3A = arith.constant 632 : i32
    %mul3A_0 = arith.muli %arg1, %mul3A : i32
    %min3A = arith.constant 9368 : i32
    %min3A_1 = arith.minsi %mul3A_0, %min3A : i32
    "tpu.region"() ({
      %run_scoped3A = tpu.sem_alloc : memref<!tpu.dma_semaphore, #tpu.memory_space<semaphore_mem>>
      %dma_start3A = arith.constant 0 : i32
      %dma_start3A_19 = tpu.memref_slice %arg11[%min3A_1, %dma_start3A] : memref<10064x128xf32, #tpu.memory_space<vmem_shared>> -> memref<632x128xf32, #tpu.memory_space<vmem_shared>>
      %dma_start3A_20 = arith.constant 0 : i32
      %dma_start3A_21 = tpu.memref_slice %arg5[%min3A_1, %dma_start3A_20] : memref<10000x128xf32, #tpu.memory_space<hbm>> -> memref<632x128xf32, #tpu.memory_space<hbm>>
      tpu.enqueue_dma source(%dma_start3A_21 : memref<632x128xf32, #tpu.memory_space<hbm>>) target(%dma_start3A_19 : memref<632x128xf32, #tpu.memory_space<vmem_shared>>) target_semaphore(%run_scoped3A : memref<!tpu.dma_semaphore, #tpu.memory_space<semaphore_mem>>)
      %dma_wait3A = arith.constant 0 : i32
      %dma_wait3A_22 = tpu.memref_slice %arg11[%min3A_1, %dma_wait3A] : memref<10064x128xf32, #tpu.memory_space<vmem_shared>> -> memref<632x128xf32, #tpu.memory_space<vmem_shared>>
      %dma_wait3A_23 = arith.constant 0 : i32
      %dma_wait3A_24 = tpu.memref_slice %arg5[%min3A_1, %dma_wait3A_23] : memref<10000x128xf32, #tpu.memory_space<hbm>> -> memref<632x128xf32, #tpu.memory_space<hbm>>
      tpu.wait_dma2 semaphore(%run_scoped3A : memref<!tpu.dma_semaphore, #tpu.memory_space<semaphore_mem>>) src(%dma_wait3A_24 : memref<632x128xf32, #tpu.memory_space<hbm>>) dst(%dma_wait3A_22 : memref<632x128xf32, #tpu.memory_space<vmem_shared>>)
      tpu.yield
    }) : () -> ()
    %barrier3A = arith.constant 0 : index
    tpu.barrier barrier_id(%barrier3A)
    %eq3A = arith.constant 0 : i32
    %eq3A_2 = arith.cmpi eq, %arg0, %eq3A : i32
    %jit3A = arith.constant 0 : i32
    %jit3A_3 = arith.constant 80 : i32
    %select_n3A = arith.select %eq3A_2, %jit3A, %jit3A_3 : i32
    %eq3A_4 = arith.constant 0 : i32
    %eq3A_5 = arith.cmpi eq, %arg0, %eq3A_4 : i32
    %jit3A_6 = arith.constant 2 : i32
    %jit3A_7 = arith.constant 2 : i32
    %select_n3A_8 = arith.select %eq3A_5, %jit3A_6, %jit3A_7 : i32
    %while3A = arith.constant 0 : i32
    %while3A_9 = arith.constant 0 : i32
    %while3A_10 = arith.subi %select_n3A_8, %while3A_9 : i32
    %while3A_11 = arith.addi %while3A_9, %while3A_10 : i32
    %while3A_12 = arith.constant 1 : i32
    %while3A_13 = arith.divsi %while3A_10, %while3A_12 : i32
    %while3A_14 = arith.muli %while3A_13, %while3A_12 : i32
    %while3A_15 = arith.addi %while3A_9, %while3A_14 : i32
    %while3A_16 = arith.constant 1 : i32
    scf.for %while3A_19 = %while3A_9 to %while3A_15 step %while3A_16  : i32 {
      %mul3A_20 = arith.constant 40 : i32
      %mul3A_21 = arith.muli %while3A_19, %mul3A_20 : i32
      %add3A = arith.addi %select_n3A, %mul3A_21 : i32
      "tpu.region"() ({
        %run_scoped3A = tpu.sem_alloc : memref<!tpu.dma_semaphore, #tpu.memory_space<semaphore_mem>>
        %dma_start3A_53 = arith.constant 0 : i32
        %dma_start3A_54 = tpu.memref_slice %arg2[%arg1, %add3A, %dma_start3A_53] : memref<16x160x128xi32, #tpu.memory_space<hbm>> -> memref<1x40x128xi32, #tpu.memory_space<hbm>>
        %dma_start3A_55 = tpu.memref_squeeze %dma_start3A_54 : memref<1x40x128xi32, #tpu.memory_space<hbm>> -> memref<40x128xi32, #tpu.memory_space<hbm>>
        %dma_start3A_56 = arith.constant 0 : i32
        %dma_start3A_57 = tpu.memref_slice %arg2[%arg1, %add3A, %dma_start3A_56] : memref<16x160x128xi32, #tpu.memory_space<hbm>> -> memref<1x40x128xi32, #tpu.memory_space<hbm>>
        %dma_start3A_58 = tpu.memref_squeeze %dma_start3A_57 : memref<1x40x128xi32, #tpu.memory_space<hbm>> -> memref<40x128xi32, #tpu.memory_space<hbm>>
        tpu.enqueue_dma source(%dma_start3A_58 : memref<40x128xi32, #tpu.memory_space<hbm>>) target(%arg7 : memref<40x128xi32, #tpu.memory_space<vmem>>) target_semaphore(%run_scoped3A : memref<!tpu.dma_semaphore, #tpu.memory_space<semaphore_mem>>)
        %dma_wait3A_59 = arith.constant 0 : i32
        %dma_wait3A_60 = tpu.memref_slice %arg2[%arg1, %add3A, %dma_wait3A_59] : memref<16x160x128xi32, #tpu.memory_space<hbm>> -> memref<1x40x128xi32, #tpu.memory_space<hbm>>
        %dma_wait3A_61 = tpu.memref_squeeze %dma_wait3A_60 : memref<1x40x128xi32, #tpu.memory_space<hbm>> -> memref<40x128xi32, #tpu.memory_space<hbm>>
        %dma_wait3A_62 = arith.constant 0 : i32
        %dma_wait3A_63 = tpu.memref_slice %arg2[%arg1, %add3A, %dma_wait3A_62] : memref<16x160x128xi32, #tpu.memory_space<hbm>> -> memref<1x40x128xi32, #tpu.memory_space<hbm>>
        %dma_wait3A_64 = tpu.memref_squeeze %dma_wait3A_63 : memref<1x40x128xi32, #tpu.memory_space<hbm>> -> memref<40x128xi32, #tpu.memory_space<hbm>>
        tpu.wait_dma2 semaphore(%run_scoped3A : memref<!tpu.dma_semaphore, #tpu.memory_space<semaphore_mem>>) src(%dma_wait3A_64 : memref<40x128xi32, #tpu.memory_space<hbm>>) dst(%arg7 : memref<40x128xi32, #tpu.memory_space<vmem>>)
        tpu.yield
      }) : () -> ()
      "tpu.region"() ({
        %run_scoped3A = tpu.sem_alloc : memref<!tpu.dma_semaphore, #tpu.memory_space<semaphore_mem>>
        %dma_start3A_53 = arith.constant 0 : i32
        %dma_start3A_54 = tpu.memref_slice %arg3[%arg1, %add3A, %dma_start3A_53] : memref<16x160x128xi32, #tpu.memory_space<hbm>> -> memref<1x40x128xi32, #tpu.memory_space<hbm>>
        %dma_start3A_55 = tpu.memref_squeeze %dma_start3A_54 : memref<1x40x128xi32, #tpu.memory_space<hbm>> -> memref<40x128xi32, #tpu.memory_space<hbm>>
        %dma_start3A_56 = arith.constant 0 : i32
        %dma_start3A_57 = tpu.memref_slice %arg3[%arg1, %add3A, %dma_start3A_56] : memref<16x160x128xi32, #tpu.memory_space<hbm>> -> memref<1x40x128xi32, #tpu.memory_space<hbm>>
        %dma_start3A_58 = tpu.memref_squeeze %dma_start3A_57 : memref<1x40x128xi32, #tpu.memory_space<hbm>> -> memref<40x128xi32, #tpu.memory_space<hbm>>
        tpu.enqueue_dma source(%dma_start3A_58 : memref<40x128xi32, #tpu.memory_space<hbm>>) target(%arg8 : memref<40x128xi32, #tpu.memory_space<vmem>>) target_semaphore(%run_scoped3A : memref<!tpu.dma_semaphore, #tpu.memory_space<semaphore_mem>>)
        %dma_wait3A_59 = arith.constant 0 : i32
        %dma_wait3A_60 = tpu.memref_slice %arg3[%arg1, %add3A, %dma_wait3A_59] : memref<16x160x128xi32, #tpu.memory_space<hbm>> -> memref<1x40x128xi32, #tpu.memory_space<hbm>>
        %dma_wait3A_61 = tpu.memref_squeeze %dma_wait3A_60 : memref<1x40x128xi32, #tpu.memory_space<hbm>> -> memref<40x128xi32, #tpu.memory_space<hbm>>
        %dma_wait3A_62 = arith.constant 0 : i32
        %dma_wait3A_63 = tpu.memref_slice %arg3[%arg1, %add3A, %dma_wait3A_62] : memref<16x160x128xi32, #tpu.memory_space<hbm>> -> memref<1x40x128xi32, #tpu.memory_space<hbm>>
        %dma_wait3A_64 = tpu.memref_squeeze %dma_wait3A_63 : memref<1x40x128xi32, #tpu.memory_space<hbm>> -> memref<40x128xi32, #tpu.memory_space<hbm>>
        tpu.wait_dma2 semaphore(%run_scoped3A : memref<!tpu.dma_semaphore, #tpu.memory_space<semaphore_mem>>) src(%dma_wait3A_64 : memref<40x128xi32, #tpu.memory_space<hbm>>) dst(%arg8 : memref<40x128xi32, #tpu.memory_space<vmem>>)
        tpu.yield
      }) : () -> ()
      %dma_start3A = arith.constant 0 : i32
      %dma_start3A_22 = arith.constant 0 : i32
      %dma_start3A_23 = tpu.memref_slice %arg7[%dma_start3A, %dma_start3A_22] : memref<40x128xi32, #tpu.memory_space<vmem>> -> memref<1x128xi32, #tpu.memory_space<vmem>>
      %dma_start3A_24 = tpu.memref_squeeze %dma_start3A_23 : memref<1x128xi32, #tpu.memory_space<vmem>> -> memref<128xi32, #tpu.memory_space<vmem>>
      %dma_start3A_25 = arith.constant 0 : i32
      %dma_start3A_26 = arith.constant 0 : i32
      %dma_start3A_27 = tpu.memref_slice %arg4[%dma_start3A_25, %dma_start3A_26] : memref<10000x128xf32, #tpu.memory_space<hbm>> -> memref<10000x128xf32, #tpu.memory_space<hbm>>
      tpu.enqueue_indirect_dma source(%dma_start3A_27 : memref<10000x128xf32, #tpu.memory_space<hbm>>) target(%arg9 : memref<128x128xf32, #tpu.memory_space<vmem>>) offsets(%dma_start3A_24 : memref<128xi32, #tpu.memory_space<vmem>>) semaphore(%arg12 : memref<!tpu.dma_semaphore, #tpu.memory_space<semaphore_mem>>)
      %dma_start3A_28 = arith.constant 1 : i32
      %dma_start3A_29 = arith.constant 0 : i32
      %dma_start3A_30 = tpu.memref_slice %arg7[%dma_start3A_28, %dma_start3A_29] : memref<40x128xi32, #tpu.memory_space<vmem>> -> memref<1x128xi32, #tpu.memory_space<vmem>>
      %dma_start3A_31 = tpu.memref_squeeze %dma_start3A_30 : memref<1x128xi32, #tpu.memory_space<vmem>> -> memref<128xi32, #tpu.memory_space<vmem>>
      %dma_start3A_32 = arith.constant 0 : i32
      %dma_start3A_33 = arith.constant 0 : i32
      %dma_start3A_34 = tpu.memref_slice %arg4[%dma_start3A_32, %dma_start3A_33] : memref<10000x128xf32, #tpu.memory_space<hbm>> -> memref<10000x128xf32, #tpu.memory_space<hbm>>
      tpu.enqueue_indirect_dma source(%dma_start3A_34 : memref<10000x128xf32, #tpu.memory_space<hbm>>) target(%arg10 : memref<128x128xf32, #tpu.memory_space<vmem>>) offsets(%dma_start3A_31 : memref<128xi32, #tpu.memory_space<vmem>>) semaphore(%arg13 : memref<!tpu.dma_semaphore, #tpu.memory_space<semaphore_mem>>)
      %scan3A = arith.constant 0 : i32
      %scan3A_35 = arith.constant 0 : i32
      %scan3A_36 = arith.constant 20 : i32
      %scan3A_37 = arith.addi %scan3A_35, %scan3A_36 : i32
      %scan3A_38 = arith.constant 1 : i32
      scf.for %scan3A_53 = %scan3A_35 to %scan3A_37 step %scan3A_38  : i32 {
        %mul3A_54 = arith.constant 2 : i32
        %mul3A_55 = arith.muli %mul3A_54, %scan3A_53 : i32
        %add3A_56 = arith.constant 0 : i32
        %add3A_57 = arith.addi %mul3A_55, %add3A_56 : i32
        %add3A_58 = arith.constant 2 : i32
        %add3A_59 = arith.addi %add3A_57, %add3A_58 : i32
        %min3A_60 = arith.constant 39 : i32
        %min3A_61 = arith.minsi %add3A_59, %min3A_60 : i32
        %dma_wait3A_62 = arith.constant 0 : i32
        %dma_wait3A_63 = tpu.memref_slice %arg7[%add3A_57, %dma_wait3A_62] : memref<40x128xi32, #tpu.memory_space<vmem>> -> memref<1x128xi32, #tpu.memory_space<vmem>>
        %dma_wait3A_64 = tpu.memref_squeeze %dma_wait3A_63 : memref<1x128xi32, #tpu.memory_space<vmem>> -> memref<128xi32, #tpu.memory_space<vmem>>
        %dma_wait3A_65 = arith.constant 0 : i32
        %dma_wait3A_66 = arith.constant 0 : i32
        %dma_wait3A_67 = tpu.memref_slice %arg4[%dma_wait3A_65, %dma_wait3A_66] : memref<10000x128xf32, #tpu.memory_space<hbm>> -> memref<10000x128xf32, #tpu.memory_space<hbm>>
        tpu.wait_indirect_dma semaphore(%arg12 : memref<!tpu.dma_semaphore, #tpu.memory_space<semaphore_mem>>) src(%dma_wait3A_67 : memref<10000x128xf32, #tpu.memory_space<hbm>>) dst(%arg9 : memref<128x128xf32, #tpu.memory_space<vmem>>)
        "tpu.region"() ({
          %run_scoped3A = tpu.sem_alloc : memref<!tpu.dma_semaphore, #tpu.memory_space<semaphore_mem>>
          %dma_start3A_94 = arith.constant 0 : i32
          %dma_start3A_95 = tpu.memref_slice %arg8[%add3A_57, %dma_start3A_94] : memref<40x128xi32, #tpu.memory_space<vmem>> -> memref<1x128xi32, #tpu.memory_space<vmem>>
          %dma_start3A_96 = tpu.memref_squeeze %dma_start3A_95 : memref<1x128xi32, #tpu.memory_space<vmem>> -> memref<128xi32, #tpu.memory_space<vmem>>
          %dma_start3A_97 = arith.constant 0 : i32
          %dma_start3A_98 = arith.constant 0 : i32
          %dma_start3A_99 = tpu.memref_slice %arg11[%dma_start3A_97, %dma_start3A_98] : memref<10064x128xf32, #tpu.memory_space<vmem_shared>> -> memref<10064x128xf32, #tpu.memory_space<vmem_shared>>
          tpu.enqueue_indirect_dma source(%arg9 : memref<128x128xf32, #tpu.memory_space<vmem>>) target(%dma_start3A_99 : memref<10064x128xf32, #tpu.memory_space<vmem_shared>>) offsets(%dma_start3A_96 : memref<128xi32, #tpu.memory_space<vmem>>) semaphore(%run_scoped3A : memref<!tpu.dma_semaphore, #tpu.memory_space<semaphore_mem>>) {add = true}
          %dma_wait3A_100 = arith.constant 0 : i32
          %dma_wait3A_101 = tpu.memref_slice %arg8[%add3A_57, %dma_wait3A_100] : memref<40x128xi32, #tpu.memory_space<vmem>> -> memref<1x128xi32, #tpu.memory_space<vmem>>
          %dma_wait3A_102 = tpu.memref_squeeze %dma_wait3A_101 : memref<1x128xi32, #tpu.memory_space<vmem>> -> memref<128xi32, #tpu.memory_space<vmem>>
          %dma_wait3A_103 = arith.constant 0 : i32
          %dma_wait3A_104 = arith.constant 0 : i32
          %dma_wait3A_105 = tpu.memref_slice %arg11[%dma_wait3A_103, %dma_wait3A_104] : memref<10064x128xf32, #tpu.memory_space<vmem_shared>> -> memref<10064x128xf32, #tpu.memory_space<vmem_shared>>
          tpu.wait_indirect_dma semaphore(%run_scoped3A : memref<!tpu.dma_semaphore, #tpu.memory_space<semaphore_mem>>) src(%arg9 : memref<128x128xf32, #tpu.memory_space<vmem>>) dst(%dma_wait3A_105 : memref<10064x128xf32, #tpu.memory_space<vmem_shared>>)
          tpu.yield
        }) : () -> ()
        %dma_start3A_68 = arith.constant 0 : i32
        %dma_start3A_69 = tpu.memref_slice %arg7[%min3A_61, %dma_start3A_68] : memref<40x128xi32, #tpu.memory_space<vmem>> -> memref<1x128xi32, #tpu.memory_space<vmem>>
        %dma_start3A_70 = tpu.memref_squeeze %dma_start3A_69 : memref<1x128xi32, #tpu.memory_space<vmem>> -> memref<128xi32, #tpu.memory_space<vmem>>
        %dma_start3A_71 = arith.constant 0 : i32
        %dma_start3A_72 = arith.constant 0 : i32
        %dma_start3A_73 = tpu.memref_slice %arg4[%dma_start3A_71, %dma_start3A_72] : memref<10000x128xf32, #tpu.memory_space<hbm>> -> memref<10000x128xf32, #tpu.memory_space<hbm>>
        tpu.enqueue_indirect_dma source(%dma_start3A_73 : memref<10000x128xf32, #tpu.memory_space<hbm>>) target(%arg9 : memref<128x128xf32, #tpu.memory_space<vmem>>) offsets(%dma_start3A_70 : memref<128xi32, #tpu.memory_space<vmem>>) semaphore(%arg12 : memref<!tpu.dma_semaphore, #tpu.memory_space<semaphore_mem>>)
        %mul3A_74 = arith.constant 2 : i32
        %mul3A_75 = arith.muli %mul3A_74, %scan3A_53 : i32
        %add3A_76 = arith.constant 1 : i32
        %add3A_77 = arith.addi %mul3A_75, %add3A_76 : i32
        %add3A_78 = arith.constant 2 : i32
        %add3A_79 = arith.addi %add3A_77, %add3A_78 : i32
        %min3A_80 = arith.constant 39 : i32
        %min3A_81 = arith.minsi %add3A_79, %min3A_80 : i32
        %dma_wait3A_82 = arith.constant 0 : i32
        %dma_wait3A_83 = tpu.memref_slice %arg7[%add3A_77, %dma_wait3A_82] : memref<40x128xi32, #tpu.memory_space<vmem>> -> memref<1x128xi32, #tpu.memory_space<vmem>>
        %dma_wait3A_84 = tpu.memref_squeeze %dma_wait3A_83 : memref<1x128xi32, #tpu.memory_space<vmem>> -> memref<128xi32, #tpu.memory_space<vmem>>
        %dma_wait3A_85 = arith.constant 0 : i32
        %dma_wait3A_86 = arith.constant 0 : i32
        %dma_wait3A_87 = tpu.memref_slice %arg4[%dma_wait3A_85, %dma_wait3A_86] : memref<10000x128xf32, #tpu.memory_space<hbm>> -> memref<10000x128xf32, #tpu.memory_space<hbm>>
        tpu.wait_indirect_dma semaphore(%arg13 : memref<!tpu.dma_semaphore, #tpu.memory_space<semaphore_mem>>) src(%dma_wait3A_87 : memref<10000x128xf32, #tpu.memory_space<hbm>>) dst(%arg10 : memref<128x128xf32, #tpu.memory_space<vmem>>)
        "tpu.region"() ({
          %run_scoped3A = tpu.sem_alloc : memref<!tpu.dma_semaphore, #tpu.memory_space<semaphore_mem>>
          %dma_start3A_94 = arith.constant 0 : i32
          %dma_start3A_95 = tpu.memref_slice %arg8[%add3A_77, %dma_start3A_94] : memref<40x128xi32, #tpu.memory_space<vmem>> -> memref<1x128xi32, #tpu.memory_space<vmem>>
          %dma_start3A_96 = tpu.memref_squeeze %dma_start3A_95 : memref<1x128xi32, #tpu.memory_space<vmem>> -> memref<128xi32, #tpu.memory_space<vmem>>
          %dma_start3A_97 = arith.constant 0 : i32
          %dma_start3A_98 = arith.constant 0 : i32
          %dma_start3A_99 = tpu.memref_slice %arg11[%dma_start3A_97, %dma_start3A_98] : memref<10064x128xf32, #tpu.memory_space<vmem_shared>> -> memref<10064x128xf32, #tpu.memory_space<vmem_shared>>
          tpu.enqueue_indirect_dma source(%arg10 : memref<128x128xf32, #tpu.memory_space<vmem>>) target(%dma_start3A_99 : memref<10064x128xf32, #tpu.memory_space<vmem_shared>>) offsets(%dma_start3A_96 : memref<128xi32, #tpu.memory_space<vmem>>) semaphore(%run_scoped3A : memref<!tpu.dma_semaphore, #tpu.memory_space<semaphore_mem>>) {add = true}
          %dma_wait3A_100 = arith.constant 0 : i32
          %dma_wait3A_101 = tpu.memref_slice %arg8[%add3A_77, %dma_wait3A_100] : memref<40x128xi32, #tpu.memory_space<vmem>> -> memref<1x128xi32, #tpu.memory_space<vmem>>
          %dma_wait3A_102 = tpu.memref_squeeze %dma_wait3A_101 : memref<1x128xi32, #tpu.memory_space<vmem>> -> memref<128xi32, #tpu.memory_space<vmem>>
          %dma_wait3A_103 = arith.constant 0 : i32
          %dma_wait3A_104 = arith.constant 0 : i32
          %dma_wait3A_105 = tpu.memref_slice %arg11[%dma_wait3A_103, %dma_wait3A_104] : memref<10064x128xf32, #tpu.memory_space<vmem_shared>> -> memref<10064x128xf32, #tpu.memory_space<vmem_shared>>
          tpu.wait_indirect_dma semaphore(%run_scoped3A : memref<!tpu.dma_semaphore, #tpu.memory_space<semaphore_mem>>) src(%arg10 : memref<128x128xf32, #tpu.memory_space<vmem>>) dst(%dma_wait3A_105 : memref<10064x128xf32, #tpu.memory_space<vmem_shared>>)
          tpu.yield
        }) : () -> ()
        %dma_start3A_88 = arith.constant 0 : i32
        %dma_start3A_89 = tpu.memref_slice %arg7[%min3A_81, %dma_start3A_88] : memref<40x128xi32, #tpu.memory_space<vmem>> -> memref<1x128xi32, #tpu.memory_space<vmem>>
        %dma_start3A_90 = tpu.memref_squeeze %dma_start3A_89 : memref<1x128xi32, #tpu.memory_space<vmem>> -> memref<128xi32, #tpu.memory_space<vmem>>
        %dma_start3A_91 = arith.constant 0 : i32
        %dma_start3A_92 = arith.constant 0 : i32
        %dma_start3A_93 = tpu.memref_slice %arg4[%dma_start3A_91, %dma_start3A_92] : memref<10000x128xf32, #tpu.memory_space<hbm>> -> memref<10000x128xf32, #tpu.memory_space<hbm>>
        tpu.enqueue_indirect_dma source(%dma_start3A_93 : memref<10000x128xf32, #tpu.memory_space<hbm>>) target(%arg10 : memref<128x128xf32, #tpu.memory_space<vmem>>) offsets(%dma_start3A_90 : memref<128xi32, #tpu.memory_space<vmem>>) semaphore(%arg13 : memref<!tpu.dma_semaphore, #tpu.memory_space<semaphore_mem>>)
      }
      %scan3A_39 = arith.constant 20 : i32
      %dma_wait3A = arith.constant 39 : i32
      %dma_wait3A_40 = arith.constant 0 : i32
      %dma_wait3A_41 = tpu.memref_slice %arg7[%dma_wait3A, %dma_wait3A_40] : memref<40x128xi32, #tpu.memory_space<vmem>> -> memref<1x128xi32, #tpu.memory_space<vmem>>
      %dma_wait3A_42 = tpu.memref_squeeze %dma_wait3A_41 : memref<1x128xi32, #tpu.memory_space<vmem>> -> memref<128xi32, #tpu.memory_space<vmem>>
      %dma_wait3A_43 = arith.constant 0 : i32
      %dma_wait3A_44 = arith.constant 0 : i32
      %dma_wait3A_45 = tpu.memref_slice %arg4[%dma_wait3A_43, %dma_wait3A_44] : memref<10000x128xf32, #tpu.memory_space<hbm>> -> memref<10000x128xf32, #tpu.memory_space<hbm>>
      tpu.wait_indirect_dma semaphore(%arg12 : memref<!tpu.dma_semaphore, #tpu.memory_space<semaphore_mem>>) src(%dma_wait3A_45 : memref<10000x128xf32, #tpu.memory_space<hbm>>) dst(%arg9 : memref<128x128xf32, #tpu.memory_space<vmem>>)
      %dma_wait3A_46 = arith.constant 39 : i32
      %dma_wait3A_47 = arith.constant 0 : i32
      %dma_wait3A_48 = tpu.memref_slice %arg7[%dma_wait3A_46, %dma_wait3A_47] : memref<40x128xi32, #tpu.memory_space<vmem>> -> memref<1x128xi32, #tpu.memory_space<vmem>>
      %dma_wait3A_49 = tpu.memref_squeeze %dma_wait3A_48 : memref<1x128xi32, #tpu.memory_space<vmem>> -> memref<128xi32, #tpu.memory_space<vmem>>
      %dma_wait3A_50 = arith.constant 0 : i32
      %dma_wait3A_51 = arith.constant 0 : i32
      %dma_wait3A_52 = tpu.memref_slice %arg4[%dma_wait3A_50, %dma_wait3A_51] : memref<10000x128xf32, #tpu.memory_space<hbm>> -> memref<10000x128xf32, #tpu.memory_space<hbm>>
      tpu.wait_indirect_dma semaphore(%arg13 : memref<!tpu.dma_semaphore, #tpu.memory_space<semaphore_mem>>) src(%dma_wait3A_52 : memref<10000x128xf32, #tpu.memory_space<hbm>>) dst(%arg10 : memref<128x128xf32, #tpu.memory_space<vmem>>)
    }
    %while3A_17 = arith.constant 1 : i32
    scf.for %while3A_19 = %while3A_15 to %while3A_11 step %while3A_17  : i32 {
      %mul3A_20 = arith.constant 40 : i32
      %mul3A_21 = arith.muli %while3A_19, %mul3A_20 : i32
      %add3A = arith.addi %select_n3A, %mul3A_21 : i32
      "tpu.region"() ({
        %run_scoped3A = tpu.sem_alloc : memref<!tpu.dma_semaphore, #tpu.memory_space<semaphore_mem>>
        %dma_start3A_53 = arith.constant 0 : i32
        %dma_start3A_54 = tpu.memref_slice %arg2[%arg1, %add3A, %dma_start3A_53] : memref<16x160x128xi32, #tpu.memory_space<hbm>> -> memref<1x40x128xi32, #tpu.memory_space<hbm>>
        %dma_start3A_55 = tpu.memref_squeeze %dma_start3A_54 : memref<1x40x128xi32, #tpu.memory_space<hbm>> -> memref<40x128xi32, #tpu.memory_space<hbm>>
        %dma_start3A_56 = arith.constant 0 : i32
        %dma_start3A_57 = tpu.memref_slice %arg2[%arg1, %add3A, %dma_start3A_56] : memref<16x160x128xi32, #tpu.memory_space<hbm>> -> memref<1x40x128xi32, #tpu.memory_space<hbm>>
        %dma_start3A_58 = tpu.memref_squeeze %dma_start3A_57 : memref<1x40x128xi32, #tpu.memory_space<hbm>> -> memref<40x128xi32, #tpu.memory_space<hbm>>
        tpu.enqueue_dma source(%dma_start3A_58 : memref<40x128xi32, #tpu.memory_space<hbm>>) target(%arg7 : memref<40x128xi32, #tpu.memory_space<vmem>>) target_semaphore(%run_scoped3A : memref<!tpu.dma_semaphore, #tpu.memory_space<semaphore_mem>>)
        %dma_wait3A_59 = arith.constant 0 : i32
        %dma_wait3A_60 = tpu.memref_slice %arg2[%arg1, %add3A, %dma_wait3A_59] : memref<16x160x128xi32, #tpu.memory_space<hbm>> -> memref<1x40x128xi32, #tpu.memory_space<hbm>>
        %dma_wait3A_61 = tpu.memref_squeeze %dma_wait3A_60 : memref<1x40x128xi32, #tpu.memory_space<hbm>> -> memref<40x128xi32, #tpu.memory_space<hbm>>
        %dma_wait3A_62 = arith.constant 0 : i32
        %dma_wait3A_63 = tpu.memref_slice %arg2[%arg1, %add3A, %dma_wait3A_62] : memref<16x160x128xi32, #tpu.memory_space<hbm>> -> memref<1x40x128xi32, #tpu.memory_space<hbm>>
        %dma_wait3A_64 = tpu.memref_squeeze %dma_wait3A_63 : memref<1x40x128xi32, #tpu.memory_space<hbm>> -> memref<40x128xi32, #tpu.memory_space<hbm>>
        tpu.wait_dma2 semaphore(%run_scoped3A : memref<!tpu.dma_semaphore, #tpu.memory_space<semaphore_mem>>) src(%dma_wait3A_64 : memref<40x128xi32, #tpu.memory_space<hbm>>) dst(%arg7 : memref<40x128xi32, #tpu.memory_space<vmem>>)
        tpu.yield
      }) : () -> ()
      "tpu.region"() ({
        %run_scoped3A = tpu.sem_alloc : memref<!tpu.dma_semaphore, #tpu.memory_space<semaphore_mem>>
        %dma_start3A_53 = arith.constant 0 : i32
        %dma_start3A_54 = tpu.memref_slice %arg3[%arg1, %add3A, %dma_start3A_53] : memref<16x160x128xi32, #tpu.memory_space<hbm>> -> memref<1x40x128xi32, #tpu.memory_space<hbm>>
        %dma_start3A_55 = tpu.memref_squeeze %dma_start3A_54 : memref<1x40x128xi32, #tpu.memory_space<hbm>> -> memref<40x128xi32, #tpu.memory_space<hbm>>
        %dma_start3A_56 = arith.constant 0 : i32
        %dma_start3A_57 = tpu.memref_slice %arg3[%arg1, %add3A, %dma_start3A_56] : memref<16x160x128xi32, #tpu.memory_space<hbm>> -> memref<1x40x128xi32, #tpu.memory_space<hbm>>
        %dma_start3A_58 = tpu.memref_squeeze %dma_start3A_57 : memref<1x40x128xi32, #tpu.memory_space<hbm>> -> memref<40x128xi32, #tpu.memory_space<hbm>>
        tpu.enqueue_dma source(%dma_start3A_58 : memref<40x128xi32, #tpu.memory_space<hbm>>) target(%arg8 : memref<40x128xi32, #tpu.memory_space<vmem>>) target_semaphore(%run_scoped3A : memref<!tpu.dma_semaphore, #tpu.memory_space<semaphore_mem>>)
        %dma_wait3A_59 = arith.constant 0 : i32
        %dma_wait3A_60 = tpu.memref_slice %arg3[%arg1, %add3A, %dma_wait3A_59] : memref<16x160x128xi32, #tpu.memory_space<hbm>> -> memref<1x40x128xi32, #tpu.memory_space<hbm>>
        %dma_wait3A_61 = tpu.memref_squeeze %dma_wait3A_60 : memref<1x40x128xi32, #tpu.memory_space<hbm>> -> memref<40x128xi32, #tpu.memory_space<hbm>>
        %dma_wait3A_62 = arith.constant 0 : i32
        %dma_wait3A_63 = tpu.memref_slice %arg3[%arg1, %add3A, %dma_wait3A_62] : memref<16x160x128xi32, #tpu.memory_space<hbm>> -> memref<1x40x128xi32, #tpu.memory_space<hbm>>
        %dma_wait3A_64 = tpu.memref_squeeze %dma_wait3A_63 : memref<1x40x128xi32, #tpu.memory_space<hbm>> -> memref<40x128xi32, #tpu.memory_space<hbm>>
        tpu.wait_dma2 semaphore(%run_scoped3A : memref<!tpu.dma_semaphore, #tpu.memory_space<semaphore_mem>>) src(%dma_wait3A_64 : memref<40x128xi32, #tpu.memory_space<hbm>>) dst(%arg8 : memref<40x128xi32, #tpu.memory_space<vmem>>)
        tpu.yield
      }) : () -> ()
      %dma_start3A = arith.constant 0 : i32
      %dma_start3A_22 = arith.constant 0 : i32
      %dma_start3A_23 = tpu.memref_slice %arg7[%dma_start3A, %dma_start3A_22] : memref<40x128xi32, #tpu.memory_space<vmem>> -> memref<1x128xi32, #tpu.memory_space<vmem>>
      %dma_start3A_24 = tpu.memref_squeeze %dma_start3A_23 : memref<1x128xi32, #tpu.memory_space<vmem>> -> memref<128xi32, #tpu.memory_space<vmem>>
      %dma_start3A_25 = arith.constant 0 : i32
      %dma_start3A_26 = arith.constant 0 : i32
      %dma_start3A_27 = tpu.memref_slice %arg4[%dma_start3A_25, %dma_start3A_26] : memref<10000x128xf32, #tpu.memory_space<hbm>> -> memref<10000x128xf32, #tpu.memory_space<hbm>>
      tpu.enqueue_indirect_dma source(%dma_start3A_27 : memref<10000x128xf32, #tpu.memory_space<hbm>>) target(%arg9 : memref<128x128xf32, #tpu.memory_space<vmem>>) offsets(%dma_start3A_24 : memref<128xi32, #tpu.memory_space<vmem>>) semaphore(%arg12 : memref<!tpu.dma_semaphore, #tpu.memory_space<semaphore_mem>>)
      %dma_start3A_28 = arith.constant 1 : i32
      %dma_start3A_29 = arith.constant 0 : i32
      %dma_start3A_30 = tpu.memref_slice %arg7[%dma_start3A_28, %dma_start3A_29] : memref<40x128xi32, #tpu.memory_space<vmem>> -> memref<1x128xi32, #tpu.memory_space<vmem>>
      %dma_start3A_31 = tpu.memref_squeeze %dma_start3A_30 : memref<1x128xi32, #tpu.memory_space<vmem>> -> memref<128xi32, #tpu.memory_space<vmem>>
      %dma_start3A_32 = arith.constant 0 : i32
      %dma_start3A_33 = arith.constant 0 : i32
      %dma_start3A_34 = tpu.memref_slice %arg4[%dma_start3A_32, %dma_start3A_33] : memref<10000x128xf32, #tpu.memory_space<hbm>> -> memref<10000x128xf32, #tpu.memory_space<hbm>>
      tpu.enqueue_indirect_dma source(%dma_start3A_34 : memref<10000x128xf32, #tpu.memory_space<hbm>>) target(%arg10 : memref<128x128xf32, #tpu.memory_space<vmem>>) offsets(%dma_start3A_31 : memref<128xi32, #tpu.memory_space<vmem>>) semaphore(%arg13 : memref<!tpu.dma_semaphore, #tpu.memory_space<semaphore_mem>>)
      %scan3A = arith.constant 0 : i32
      %scan3A_35 = arith.constant 0 : i32
      %scan3A_36 = arith.constant 20 : i32
      %scan3A_37 = arith.addi %scan3A_35, %scan3A_36 : i32
      %scan3A_38 = arith.constant 1 : i32
      scf.for %scan3A_53 = %scan3A_35 to %scan3A_37 step %scan3A_38  : i32 {
        %mul3A_54 = arith.constant 2 : i32
        %mul3A_55 = arith.muli %mul3A_54, %scan3A_53 : i32
        %add3A_56 = arith.constant 0 : i32
        %add3A_57 = arith.addi %mul3A_55, %add3A_56 : i32
        %add3A_58 = arith.constant 2 : i32
        %add3A_59 = arith.addi %add3A_57, %add3A_58 : i32
        %min3A_60 = arith.constant 39 : i32
        %min3A_61 = arith.minsi %add3A_59, %min3A_60 : i32
        %dma_wait3A_62 = arith.constant 0 : i32
        %dma_wait3A_63 = tpu.memref_slice %arg7[%add3A_57, %dma_wait3A_62] : memref<40x128xi32, #tpu.memory_space<vmem>> -> memref<1x128xi32, #tpu.memory_space<vmem>>
        %dma_wait3A_64 = tpu.memref_squeeze %dma_wait3A_63 : memref<1x128xi32, #tpu.memory_space<vmem>> -> memref<128xi32, #tpu.memory_space<vmem>>
        %dma_wait3A_65 = arith.constant 0 : i32
        %dma_wait3A_66 = arith.constant 0 : i32
        %dma_wait3A_67 = tpu.memref_slice %arg4[%dma_wait3A_65, %dma_wait3A_66] : memref<10000x128xf32, #tpu.memory_space<hbm>> -> memref<10000x128xf32, #tpu.memory_space<hbm>>
        tpu.wait_indirect_dma semaphore(%arg12 : memref<!tpu.dma_semaphore, #tpu.memory_space<semaphore_mem>>) src(%dma_wait3A_67 : memref<10000x128xf32, #tpu.memory_space<hbm>>) dst(%arg9 : memref<128x128xf32, #tpu.memory_space<vmem>>)
        "tpu.region"() ({
          %run_scoped3A = tpu.sem_alloc : memref<!tpu.dma_semaphore, #tpu.memory_space<semaphore_mem>>
          %dma_start3A_94 = arith.constant 0 : i32
          %dma_start3A_95 = tpu.memref_slice %arg8[%add3A_57, %dma_start3A_94] : memref<40x128xi32, #tpu.memory_space<vmem>> -> memref<1x128xi32, #tpu.memory_space<vmem>>
          %dma_start3A_96 = tpu.memref_squeeze %dma_start3A_95 : memref<1x128xi32, #tpu.memory_space<vmem>> -> memref<128xi32, #tpu.memory_space<vmem>>
          %dma_start3A_97 = arith.constant 0 : i32
          %dma_start3A_98 = arith.constant 0 : i32
          %dma_start3A_99 = tpu.memref_slice %arg11[%dma_start3A_97, %dma_start3A_98] : memref<10064x128xf32, #tpu.memory_space<vmem_shared>> -> memref<10064x128xf32, #tpu.memory_space<vmem_shared>>
          tpu.enqueue_indirect_dma source(%arg9 : memref<128x128xf32, #tpu.memory_space<vmem>>) target(%dma_start3A_99 : memref<10064x128xf32, #tpu.memory_space<vmem_shared>>) offsets(%dma_start3A_96 : memref<128xi32, #tpu.memory_space<vmem>>) semaphore(%run_scoped3A : memref<!tpu.dma_semaphore, #tpu.memory_space<semaphore_mem>>) {add = true}
          %dma_wait3A_100 = arith.constant 0 : i32
          %dma_wait3A_101 = tpu.memref_slice %arg8[%add3A_57, %dma_wait3A_100] : memref<40x128xi32, #tpu.memory_space<vmem>> -> memref<1x128xi32, #tpu.memory_space<vmem>>
          %dma_wait3A_102 = tpu.memref_squeeze %dma_wait3A_101 : memref<1x128xi32, #tpu.memory_space<vmem>> -> memref<128xi32, #tpu.memory_space<vmem>>
          %dma_wait3A_103 = arith.constant 0 : i32
          %dma_wait3A_104 = arith.constant 0 : i32
          %dma_wait3A_105 = tpu.memref_slice %arg11[%dma_wait3A_103, %dma_wait3A_104] : memref<10064x128xf32, #tpu.memory_space<vmem_shared>> -> memref<10064x128xf32, #tpu.memory_space<vmem_shared>>
          tpu.wait_indirect_dma semaphore(%run_scoped3A : memref<!tpu.dma_semaphore, #tpu.memory_space<semaphore_mem>>) src(%arg9 : memref<128x128xf32, #tpu.memory_space<vmem>>) dst(%dma_wait3A_105 : memref<10064x128xf32, #tpu.memory_space<vmem_shared>>)
          tpu.yield
        }) : () -> ()
        %dma_start3A_68 = arith.constant 0 : i32
        %dma_start3A_69 = tpu.memref_slice %arg7[%min3A_61, %dma_start3A_68] : memref<40x128xi32, #tpu.memory_space<vmem>> -> memref<1x128xi32, #tpu.memory_space<vmem>>
        %dma_start3A_70 = tpu.memref_squeeze %dma_start3A_69 : memref<1x128xi32, #tpu.memory_space<vmem>> -> memref<128xi32, #tpu.memory_space<vmem>>
        %dma_start3A_71 = arith.constant 0 : i32
        %dma_start3A_72 = arith.constant 0 : i32
        %dma_start3A_73 = tpu.memref_slice %arg4[%dma_start3A_71, %dma_start3A_72] : memref<10000x128xf32, #tpu.memory_space<hbm>> -> memref<10000x128xf32, #tpu.memory_space<hbm>>
        tpu.enqueue_indirect_dma source(%dma_start3A_73 : memref<10000x128xf32, #tpu.memory_space<hbm>>) target(%arg9 : memref<128x128xf32, #tpu.memory_space<vmem>>) offsets(%dma_start3A_70 : memref<128xi32, #tpu.memory_space<vmem>>) semaphore(%arg12 : memref<!tpu.dma_semaphore, #tpu.memory_space<semaphore_mem>>)
        %mul3A_74 = arith.constant 2 : i32
        %mul3A_75 = arith.muli %mul3A_74, %scan3A_53 : i32
        %add3A_76 = arith.constant 1 : i32
        %add3A_77 = arith.addi %mul3A_75, %add3A_76 : i32
        %add3A_78 = arith.constant 2 : i32
        %add3A_79 = arith.addi %add3A_77, %add3A_78 : i32
        %min3A_80 = arith.constant 39 : i32
        %min3A_81 = arith.minsi %add3A_79, %min3A_80 : i32
        %dma_wait3A_82 = arith.constant 0 : i32
        %dma_wait3A_83 = tpu.memref_slice %arg7[%add3A_77, %dma_wait3A_82] : memref<40x128xi32, #tpu.memory_space<vmem>> -> memref<1x128xi32, #tpu.memory_space<vmem>>
        %dma_wait3A_84 = tpu.memref_squeeze %dma_wait3A_83 : memref<1x128xi32, #tpu.memory_space<vmem>> -> memref<128xi32, #tpu.memory_space<vmem>>
        %dma_wait3A_85 = arith.constant 0 : i32
        %dma_wait3A_86 = arith.constant 0 : i32
        %dma_wait3A_87 = tpu.memref_slice %arg4[%dma_wait3A_85, %dma_wait3A_86] : memref<10000x128xf32, #tpu.memory_space<hbm>> -> memref<10000x128xf32, #tpu.memory_space<hbm>>
        tpu.wait_indirect_dma semaphore(%arg13 : memref<!tpu.dma_semaphore, #tpu.memory_space<semaphore_mem>>) src(%dma_wait3A_87 : memref<10000x128xf32, #tpu.memory_space<hbm>>) dst(%arg10 : memref<128x128xf32, #tpu.memory_space<vmem>>)
        "tpu.region"() ({
          %run_scoped3A = tpu.sem_alloc : memref<!tpu.dma_semaphore, #tpu.memory_space<semaphore_mem>>
          %dma_start3A_94 = arith.constant 0 : i32
          %dma_start3A_95 = tpu.memref_slice %arg8[%add3A_77, %dma_start3A_94] : memref<40x128xi32, #tpu.memory_space<vmem>> -> memref<1x128xi32, #tpu.memory_space<vmem>>
          %dma_start3A_96 = tpu.memref_squeeze %dma_start3A_95 : memref<1x128xi32, #tpu.memory_space<vmem>> -> memref<128xi32, #tpu.memory_space<vmem>>
          %dma_start3A_97 = arith.constant 0 : i32
          %dma_start3A_98 = arith.constant 0 : i32
          %dma_start3A_99 = tpu.memref_slice %arg11[%dma_start3A_97, %dma_start3A_98] : memref<10064x128xf32, #tpu.memory_space<vmem_shared>> -> memref<10064x128xf32, #tpu.memory_space<vmem_shared>>
          tpu.enqueue_indirect_dma source(%arg10 : memref<128x128xf32, #tpu.memory_space<vmem>>) target(%dma_start3A_99 : memref<10064x128xf32, #tpu.memory_space<vmem_shared>>) offsets(%dma_start3A_96 : memref<128xi32, #tpu.memory_space<vmem>>) semaphore(%run_scoped3A : memref<!tpu.dma_semaphore, #tpu.memory_space<semaphore_mem>>) {add = true}
          %dma_wait3A_100 = arith.constant 0 : i32
          %dma_wait3A_101 = tpu.memref_slice %arg8[%add3A_77, %dma_wait3A_100] : memref<40x128xi32, #tpu.memory_space<vmem>> -> memref<1x128xi32, #tpu.memory_space<vmem>>
          %dma_wait3A_102 = tpu.memref_squeeze %dma_wait3A_101 : memref<1x128xi32, #tpu.memory_space<vmem>> -> memref<128xi32, #tpu.memory_space<vmem>>
          %dma_wait3A_103 = arith.constant 0 : i32
          %dma_wait3A_104 = arith.constant 0 : i32
          %dma_wait3A_105 = tpu.memref_slice %arg11[%dma_wait3A_103, %dma_wait3A_104] : memref<10064x128xf32, #tpu.memory_space<vmem_shared>> -> memref<10064x128xf32, #tpu.memory_space<vmem_shared>>
          tpu.wait_indirect_dma semaphore(%run_scoped3A : memref<!tpu.dma_semaphore, #tpu.memory_space<semaphore_mem>>) src(%arg10 : memref<128x128xf32, #tpu.memory_space<vmem>>) dst(%dma_wait3A_105 : memref<10064x128xf32, #tpu.memory_space<vmem_shared>>)
          tpu.yield
        }) : () -> ()
        %dma_start3A_88 = arith.constant 0 : i32
        %dma_start3A_89 = tpu.memref_slice %arg7[%min3A_81, %dma_start3A_88] : memref<40x128xi32, #tpu.memory_space<vmem>> -> memref<1x128xi32, #tpu.memory_space<vmem>>
        %dma_start3A_90 = tpu.memref_squeeze %dma_start3A_89 : memref<1x128xi32, #tpu.memory_space<vmem>> -> memref<128xi32, #tpu.memory_space<vmem>>
        %dma_start3A_91 = arith.constant 0 : i32
        %dma_start3A_92 = arith.constant 0 : i32
        %dma_start3A_93 = tpu.memref_slice %arg4[%dma_start3A_91, %dma_start3A_92] : memref<10000x128xf32, #tpu.memory_space<hbm>> -> memref<10000x128xf32, #tpu.memory_space<hbm>>
        tpu.enqueue_indirect_dma source(%dma_start3A_93 : memref<10000x128xf32, #tpu.memory_space<hbm>>) target(%arg10 : memref<128x128xf32, #tpu.memory_space<vmem>>) offsets(%dma_start3A_90 : memref<128xi32, #tpu.memory_space<vmem>>) semaphore(%arg13 : memref<!tpu.dma_semaphore, #tpu.memory_space<semaphore_mem>>)
      }
      %scan3A_39 = arith.constant 20 : i32
      %dma_wait3A = arith.constant 39 : i32
      %dma_wait3A_40 = arith.constant 0 : i32
      %dma_wait3A_41 = tpu.memref_slice %arg7[%dma_wait3A, %dma_wait3A_40] : memref<40x128xi32, #tpu.memory_space<vmem>> -> memref<1x128xi32, #tpu.memory_space<vmem>>
      %dma_wait3A_42 = tpu.memref_squeeze %dma_wait3A_41 : memref<1x128xi32, #tpu.memory_space<vmem>> -> memref<128xi32, #tpu.memory_space<vmem>>
      %dma_wait3A_43 = arith.constant 0 : i32
      %dma_wait3A_44 = arith.constant 0 : i32
      %dma_wait3A_45 = tpu.memref_slice %arg4[%dma_wait3A_43, %dma_wait3A_44] : memref<10000x128xf32, #tpu.memory_space<hbm>> -> memref<10000x128xf32, #tpu.memory_space<hbm>>
      tpu.wait_indirect_dma semaphore(%arg12 : memref<!tpu.dma_semaphore, #tpu.memory_space<semaphore_mem>>) src(%dma_wait3A_45 : memref<10000x128xf32, #tpu.memory_space<hbm>>) dst(%arg9 : memref<128x128xf32, #tpu.memory_space<vmem>>)
      %dma_wait3A_46 = arith.constant 39 : i32
      %dma_wait3A_47 = arith.constant 0 : i32
      %dma_wait3A_48 = tpu.memref_slice %arg7[%dma_wait3A_46, %dma_wait3A_47] : memref<40x128xi32, #tpu.memory_space<vmem>> -> memref<1x128xi32, #tpu.memory_space<vmem>>
      %dma_wait3A_49 = tpu.memref_squeeze %dma_wait3A_48 : memref<1x128xi32, #tpu.memory_space<vmem>> -> memref<128xi32, #tpu.memory_space<vmem>>
      %dma_wait3A_50 = arith.constant 0 : i32
      %dma_wait3A_51 = arith.constant 0 : i32
      %dma_wait3A_52 = tpu.memref_slice %arg4[%dma_wait3A_50, %dma_wait3A_51] : memref<10000x128xf32, #tpu.memory_space<hbm>> -> memref<10000x128xf32, #tpu.memory_space<hbm>>
      tpu.wait_indirect_dma semaphore(%arg13 : memref<!tpu.dma_semaphore, #tpu.memory_space<semaphore_mem>>) src(%dma_wait3A_52 : memref<10000x128xf32, #tpu.memory_space<hbm>>) dst(%arg10 : memref<128x128xf32, #tpu.memory_space<vmem>>)
    }
    %barrier3A_18 = arith.constant 0 : index
    tpu.barrier barrier_id(%barrier3A_18)
    "tpu.region"() ({
      %run_scoped3A = tpu.sem_alloc : memref<!tpu.dma_semaphore, #tpu.memory_space<semaphore_mem>>
      %dma_start3A = arith.constant 0 : i32
      %dma_start3A_19 = tpu.memref_slice %arg6[%arg0, %min3A_1, %dma_start3A] : memref<2x10000x128xf32, #tpu.memory_space<hbm>> -> memref<1x632x128xf32, #tpu.memory_space<hbm>>
      %dma_start3A_20 = tpu.memref_squeeze %dma_start3A_19 : memref<1x632x128xf32, #tpu.memory_space<hbm>> -> memref<632x128xf32, #tpu.memory_space<hbm>>
      %dma_start3A_21 = arith.constant 0 : i32
      %dma_start3A_22 = tpu.memref_slice %arg11[%min3A_1, %dma_start3A_21] : memref<10064x128xf32, #tpu.memory_space<vmem_shared>> -> memref<632x128xf32, #tpu.memory_space<vmem_shared>>
      tpu.enqueue_dma source(%dma_start3A_22 : memref<632x128xf32, #tpu.memory_space<vmem_shared>>) target(%dma_start3A_20 : memref<632x128xf32, #tpu.memory_space<hbm>>) target_semaphore(%run_scoped3A : memref<!tpu.dma_semaphore, #tpu.memory_space<semaphore_mem>>)
      %dma_wait3A = arith.constant 0 : i32
      %dma_wait3A_23 = tpu.memref_slice %arg6[%arg0, %min3A_1, %dma_wait3A] : memref<2x10000x128xf32, #tpu.memory_space<hbm>> -> memref<1x632x128xf32, #tpu.memory_space<hbm>>
      %dma_wait3A_24 = tpu.memref_squeeze %dma_wait3A_23 : memref<1x632x128xf32, #tpu.memory_space<hbm>> -> memref<632x128xf32, #tpu.memory_space<hbm>>
      %dma_wait3A_25 = arith.constant 0 : i32
      %dma_wait3A_26 = tpu.memref_slice %arg11[%min3A_1, %dma_wait3A_25] : memref<10064x128xf32, #tpu.memory_space<vmem_shared>> -> memref<632x128xf32, #tpu.memory_space<vmem_shared>>
      tpu.wait_dma2 semaphore(%run_scoped3A : memref<!tpu.dma_semaphore, #tpu.memory_space<semaphore_mem>>) src(%dma_wait3A_26 : memref<632x128xf32, #tpu.memory_space<vmem_shared>>) dst(%dma_wait3A_24 : memref<632x128xf32, #tpu.memory_space<hbm>>)
      tpu.yield
    }) : () -> ()
    return
  }
}

module attributes {stable_mosaic.version = 14 : i64} {
  func.func @_pre_body(%arg0: i32, %arg1: memref<1000x128xf32, #tpu.memory_space<vmem>>, %arg2: memref<1000x8xf32, #tpu.memory_space<vmem>>, %arg3: memref<1000x8xf32, #tpu.memory_space<vmem>>, %arg4: memref<1000x128xf32, #tpu.memory_space<vmem>>) attributes {dimension_semantics = [#tpu.dimension_semantics<arbitrary>], iteration_bounds = array<i64: 10>, scalar_prefetch = 0 : i64, scratch_operands = 0 : i64, tpu.core_type = #tpu.core_type<tc>, window_params = [{transform_indices = @transform_0, window_bounds = array<i64: 1000, 128>}, {transform_indices = @transform_1, window_bounds = array<i64: 1000, 8>}, {transform_indices = @transform_2, window_bounds = array<i64: 1000, 8>}, {transform_indices = @transform_3, window_bounds = array<i64: 1000, 128>}]} {
    %get3A = arith.constant 0 : index
    %get3A_0 = arith.constant 0 : index
    %get3A_1 = vector.load %arg2[%get3A, %get3A_0] : memref<1000x8xf32, #tpu.memory_space<vmem>>, vector<1000x8xf32>
    %get3A_2 = arith.constant 0 : index
    %get3A_3 = arith.constant 0 : index
    %get3A_4 = vector.load %arg3[%get3A_2, %get3A_3] : memref<1000x8xf32, #tpu.memory_space<vmem>>, vector<1000x8xf32>
    %slice3A = vector.extract_strided_slice %get3A_1 {offsets = [0, 0], sizes = [1000, 1], strides = [1, 1]} : vector<1000x8xf32> to vector<1000x1xf32>
    %slice3A_5 = vector.extract_strided_slice %get3A_4 {offsets = [0, 0], sizes = [1000, 1], strides = [1, 1]} : vector<1000x8xf32> to vector<1000x1xf32>
    %add3A = arith.addf %slice3A, %slice3A_5 : vector<1000x1xf32>
    %gt3A = arith.constant 0.000000e+00 : f32
    %gt3A_6 = vector.broadcast %gt3A : f32 to vector<1000x1xf32>
    %gt3A_7 = arith.cmpf ogt, %add3A, %gt3A_6 : vector<1000x1xf32>
    %rsqrt3A = math.rsqrt %add3A : vector<1000x1xf32>
    %jit3A = arith.constant 0.000000e+00 : f32
    %broadcast_in_dim3A = vector.broadcast %jit3A : f32 to vector<1000x1xf32>
    %select_n3A = arith.select %gt3A_7, %rsqrt3A, %broadcast_in_dim3A : vector<1000x1xi1>, vector<1000x1xf32>
    %get3A_8 = arith.constant 0 : index
    %get3A_9 = arith.constant 0 : index
    %get3A_10 = vector.load %arg1[%get3A_8, %get3A_9] : memref<1000x128xf32, #tpu.memory_space<vmem>>, vector<1000x128xf32>
    %mul3A = vector.broadcast %select_n3A : vector<1000x1xf32> to vector<1000x128xf32>
    %mul3A_11 = arith.mulf %get3A_10, %mul3A : vector<1000x128xf32>
    %swap3A = arith.constant 0 : index
    %swap3A_12 = arith.constant 0 : index
    %swap3A_13 = vector.load %arg4[%swap3A, %swap3A_12] : memref<1000x128xf32, #tpu.memory_space<vmem>>, vector<1000x128xf32>
    tpu.vector_store %arg4[%swap3A, %swap3A_12], %mul3A_11 {strides = array<i32>} : memref<1000x128xf32, #tpu.memory_space<vmem>>, vector<1000x128xf32>,
    return
  }
  func.func @transform_0(%arg0: i32) -> (i32, i32) {
    %c0_i32 = arith.constant 0 : i32
    %c0_i32_0 = arith.constant 0 : i32
    return %arg0, %c0_i32 : i32, i32
  }
  func.func @transform_1(%arg0: i32) -> (i32, i32) {
    %c0_i32 = arith.constant 0 : i32
    %c0_i32_0 = arith.constant 0 : i32
    return %arg0, %c0_i32 : i32, i32
  }
  func.func @transform_2(%arg0: i32) -> (i32, i32) {
    %c0_i32 = arith.constant 0 : i32
    %c0_i32_0 = arith.constant 0 : i32
    return %arg0, %c0_i32 : i32, i32
  }
  func.func @transform_3(%arg0: i32) -> (i32, i32) {
    %c0_i32 = arith.constant 0 : i32
    %c0_i32_0 = arith.constant 0 : i32
    return %arg0, %c0_i32 : i32, i32
  }
}

module attributes {stable_mosaic.version = 14 : i64} {
  func.func @_mid_body(%arg0: i32, %arg1: memref<2x1000x128xf32, #tpu.memory_space<vmem>>, %arg2: memref<1000x8xf32, #tpu.memory_space<vmem>>, %arg3: memref<1000x8xf32, #tpu.memory_space<vmem>>, %arg4: memref<1000x128xf32, #tpu.memory_space<vmem>>, %arg5: memref<1000x128xf32, #tpu.memory_space<vmem>>) attributes {dimension_semantics = [#tpu.dimension_semantics<arbitrary>], iteration_bounds = array<i64: 10>, scalar_prefetch = 0 : i64, scratch_operands = 0 : i64, tpu.core_type = #tpu.core_type<tc>, window_params = [{transform_indices = @transform_0, window_bounds = array<i64: 2, 1000, 128>}, {transform_indices = @transform_1, window_bounds = array<i64: 1000, 8>}, {transform_indices = @transform_2, window_bounds = array<i64: 1000, 8>}, {transform_indices = @transform_3, window_bounds = array<i64: 1000, 128>}, {transform_indices = @transform_4, window_bounds = array<i64: 1000, 128>}]} {
    %get3A = arith.constant 0 : index
    %get3A_0 = arith.constant 0 : index
    %get3A_1 = vector.load %arg2[%get3A, %get3A_0] : memref<1000x8xf32, #tpu.memory_space<vmem>>, vector<1000x8xf32>
    %get3A_2 = arith.constant 0 : index
    %get3A_3 = arith.constant 0 : index
    %get3A_4 = vector.load %arg3[%get3A_2, %get3A_3] : memref<1000x8xf32, #tpu.memory_space<vmem>>, vector<1000x8xf32>
    %slice3A = vector.extract_strided_slice %get3A_1 {offsets = [0, 0], sizes = [1000, 1], strides = [1, 1]} : vector<1000x8xf32> to vector<1000x1xf32>
    %slice3A_5 = vector.extract_strided_slice %get3A_4 {offsets = [0, 0], sizes = [1000, 1], strides = [1, 1]} : vector<1000x8xf32> to vector<1000x1xf32>
    %add3A = arith.addf %slice3A, %slice3A_5 : vector<1000x1xf32>
    %gt3A = arith.constant 0.000000e+00 : f32
    %gt3A_6 = vector.broadcast %gt3A : f32 to vector<1000x1xf32>
    %gt3A_7 = arith.cmpf ogt, %add3A, %gt3A_6 : vector<1000x1xf32>
    %rsqrt3A = math.rsqrt %add3A : vector<1000x1xf32>
    %jit3A = arith.constant 0.000000e+00 : f32
    %broadcast_in_dim3A = vector.broadcast %jit3A : f32 to vector<1000x1xf32>
    %select_n3A = arith.select %gt3A_7, %rsqrt3A, %broadcast_in_dim3A : vector<1000x1xi1>, vector<1000x1xf32>
    %get3A_8 = arith.constant 0 : index
    %get3A_9 = arith.constant 0 : index
    %get3A_10 = arith.constant 0 : index
    %get3A_11 = vector.load %arg1[%get3A_8, %get3A_9, %get3A_10] : memref<2x1000x128xf32, #tpu.memory_space<vmem>>, vector<1x1000x128xf32>
    %get3A_12 = vector.shape_cast %get3A_11 : vector<1x1000x128xf32> to vector<1000x128xf32>
    %get3A_13 = arith.constant 1 : index
    %get3A_14 = arith.constant 0 : index
    %get3A_15 = arith.constant 0 : index
    %get3A_16 = vector.load %arg1[%get3A_13, %get3A_14, %get3A_15] : memref<2x1000x128xf32, #tpu.memory_space<vmem>>, vector<1x1000x128xf32>
    %get3A_17 = vector.shape_cast %get3A_16 : vector<1x1000x128xf32> to vector<1000x128xf32>
    %add3A_18 = arith.addf %get3A_12, %get3A_17 : vector<1000x128xf32>
    %mul3A = vector.broadcast %select_n3A : vector<1000x1xf32> to vector<1000x128xf32>
    %mul3A_19 = arith.mulf %mul3A, %add3A_18 : vector<1000x128xf32>
    %neg3A = arith.constant 0.000000e+00 : f32
    %neg3A_20 = vector.broadcast %neg3A : f32 to vector<1000x128xf32>
    %neg3A_21 = arith.subf %neg3A_20, %mul3A_19 : vector<1000x128xf32>
    %swap3A = arith.constant 0 : index
    %swap3A_22 = arith.constant 0 : index
    %swap3A_23 = vector.load %arg4[%swap3A, %swap3A_22] : memref<1000x128xf32, #tpu.memory_space<vmem>>, vector<1000x128xf32>
    tpu.vector_store %arg4[%swap3A, %swap3A_22], %neg3A_21 {strides = array<i32>} : memref<1000x128xf32, #tpu.memory_space<vmem>>, vector<1000x128xf32>,
    %mul3A_24 = vector.broadcast %select_n3A : vector<1000x1xf32> to vector<1000x128xf32>
    %mul3A_25 = arith.mulf %mul3A_24, %neg3A_21 : vector<1000x128xf32>
    %swap3A_26 = arith.constant 0 : index
    %swap3A_27 = arith.constant 0 : index
    %swap3A_28 = vector.load %arg5[%swap3A_26, %swap3A_27] : memref<1000x128xf32, #tpu.memory_space<vmem>>, vector<1000x128xf32>
    tpu.vector_store %arg5[%swap3A_26, %swap3A_27], %mul3A_25 {strides = array<i32>} : memref<1000x128xf32, #tpu.memory_space<vmem>>, vector<1000x128xf32>,
    return
  }
  func.func @transform_0(%arg0: i32) -> (i32, i32, i32) {
    %c0_i32 = arith.constant 0 : i32
    %c0_i32_0 = arith.constant 0 : i32
    %c0_i32_1 = arith.constant 0 : i32
    return %c0_i32, %arg0, %c0_i32_0 : i32, i32, i32
  }
  func.func @transform_1(%arg0: i32) -> (i32, i32) {
    %c0_i32 = arith.constant 0 : i32
    %c0_i32_0 = arith.constant 0 : i32
    return %arg0, %c0_i32 : i32, i32
  }
  func.func @transform_2(%arg0: i32) -> (i32, i32) {
    %c0_i32 = arith.constant 0 : i32
    %c0_i32_0 = arith.constant 0 : i32
    return %arg0, %c0_i32 : i32, i32
  }
  func.func @transform_3(%arg0: i32) -> (i32, i32) {
    %c0_i32 = arith.constant 0 : i32
    %c0_i32_0 = arith.constant 0 : i32
    return %arg0, %c0_i32 : i32, i32
  }
  func.func @transform_4(%arg0: i32) -> (i32, i32) {
    %c0_i32 = arith.constant 0 : i32
    %c0_i32_0 = arith.constant 0 : i32
    return %arg0, %c0_i32 : i32, i32
  }
}

module attributes {stable_mosaic.version = 14 : i64} {
  func.func @_comb1_body(%arg0: i32, %arg1: memref<1000x128xf32, #tpu.memory_space<vmem>>, %arg2: memref<1000x128xf32, #tpu.memory_space<vmem>>, %arg3: memref<2x1000x128xf32, #tpu.memory_space<vmem>>, %arg4: memref<1000x8xf32, #tpu.memory_space<vmem>>, %arg5: memref<1000x8xf32, #tpu.memory_space<vmem>>, %arg6: memref<3x128x128xf32, #tpu.memory_space<vmem>>, %arg7: memref<1x128xf32, #tpu.memory_space<vmem>>, %arg8: memref<1000x128xf32, #tpu.memory_space<vmem>>, %arg9: memref<1000x128xf32, #tpu.memory_space<vmem>>) attributes {dimension_semantics = [#tpu.dimension_semantics<arbitrary>], iteration_bounds = array<i64: 10>, scalar_prefetch = 0 : i64, scratch_operands = 0 : i64, tpu.core_type = #tpu.core_type<tc>, window_params = [{transform_indices = @transform_0, window_bounds = array<i64: 1000, 128>}, {transform_indices = @transform_1, window_bounds = array<i64: 1000, 128>}, {transform_indices = @transform_2, window_bounds = array<i64: 2, 1000, 128>}, {transform_indices = @transform_3, window_bounds = array<i64: 1000, 8>}, {transform_indices = @transform_4, window_bounds = array<i64: 1000, 8>}, {pipeline_mode = #tpu.pipeline_mode<synchronous>, transform_indices = @transform_5, window_bounds = array<i64: 3, 128, 128>}, {pipeline_mode = #tpu.pipeline_mode<synchronous>, transform_indices = @transform_6, window_bounds = array<i64: 1, 128>}, {transform_indices = @transform_7, window_bounds = array<i64: 1000, 128>}, {transform_indices = @transform_8, window_bounds = array<i64: 1000, 128>}]} {
    %get3A = arith.constant 0 : index
    %get3A_0 = arith.constant 0 : index
    %get3A_1 = vector.load %arg4[%get3A, %get3A_0] : memref<1000x8xf32, #tpu.memory_space<vmem>>, vector<1000x8xf32>
    %get3A_2 = arith.constant 0 : index
    %get3A_3 = arith.constant 0 : index
    %get3A_4 = vector.load %arg5[%get3A_2, %get3A_3] : memref<1000x8xf32, #tpu.memory_space<vmem>>, vector<1000x8xf32>
    %slice3A = vector.extract_strided_slice %get3A_1 {offsets = [0, 0], sizes = [1000, 1], strides = [1, 1]} : vector<1000x8xf32> to vector<1000x1xf32>
    %slice3A_5 = vector.extract_strided_slice %get3A_4 {offsets = [0, 0], sizes = [1000, 1], strides = [1, 1]} : vector<1000x8xf32> to vector<1000x1xf32>
    %add3A = arith.addf %slice3A, %slice3A_5 : vector<1000x1xf32>
    %gt3A = arith.constant 0.000000e+00 : f32
    %gt3A_6 = vector.broadcast %gt3A : f32 to vector<1000x1xf32>
    %gt3A_7 = arith.cmpf ogt, %add3A, %gt3A_6 : vector<1000x1xf32>
    %rsqrt3A = math.rsqrt %add3A : vector<1000x1xf32>
    %jit3A = arith.constant 0.000000e+00 : f32
    %broadcast_in_dim3A = vector.broadcast %jit3A : f32 to vector<1000x1xf32>
    %select_n3A = arith.select %gt3A_7, %rsqrt3A, %broadcast_in_dim3A : vector<1000x1xi1>, vector<1000x1xf32>
    %get3A_8 = arith.constant 0 : index
    %get3A_9 = arith.constant 0 : index
    %get3A_10 = arith.constant 0 : index
    %get3A_11 = vector.load %arg3[%get3A_8, %get3A_9, %get3A_10] : memref<2x1000x128xf32, #tpu.memory_space<vmem>>, vector<1x1000x128xf32>
    %get3A_12 = vector.shape_cast %get3A_11 : vector<1x1000x128xf32> to vector<1000x128xf32>
    %get3A_13 = arith.constant 1 : index
    %get3A_14 = arith.constant 0 : index
    %get3A_15 = arith.constant 0 : index
    %get3A_16 = vector.load %arg3[%get3A_13, %get3A_14, %get3A_15] : memref<2x1000x128xf32, #tpu.memory_space<vmem>>, vector<1x1000x128xf32>
    %get3A_17 = vector.shape_cast %get3A_16 : vector<1x1000x128xf32> to vector<1000x128xf32>
    %add3A_18 = arith.addf %get3A_12, %get3A_17 : vector<1000x128xf32>
    %get3A_19 = arith.constant 0 : index
    %get3A_20 = arith.constant 0 : index
    %get3A_21 = vector.load %arg1[%get3A_19, %get3A_20] : memref<1000x128xf32, #tpu.memory_space<vmem>>, vector<1000x128xf32>
    %mul3A = vector.broadcast %select_n3A : vector<1000x1xf32> to vector<1000x128xf32>
    %mul3A_22 = arith.mulf %mul3A, %add3A_18 : vector<1000x128xf32>
    %mul3A_23 = arith.constant -2.000000e+00 : f32
    %mul3A_24 = vector.broadcast %mul3A_23 : f32 to vector<1000x128xf32>
    %mul3A_25 = arith.mulf %mul3A_24, %mul3A_22 : vector<1000x128xf32>
    %sub3A = arith.subf %mul3A_25, %get3A_21 : vector<1000x128xf32>
    %get3A_26 = arith.constant 0 : index
    %get3A_27 = arith.constant 0 : index
    %get3A_28 = arith.constant 0 : index
    %get3A_29 = vector.load %arg6[%get3A_26, %get3A_27, %get3A_28] : memref<3x128x128xf32, #tpu.memory_space<vmem>>, vector<1x128x128xf32>
    %get3A_30 = vector.shape_cast %get3A_29 : vector<1x128x128xf32> to vector<128x128xf32>
    %dot_general3A = arith.constant dense<0.000000e+00> : vector<1000x128xf32>
    %dot_general3A_31 = tpu.matmul %get3A_21, %get3A_30, %dot_general3A {dimension_numbers = #tpu.dot_dimension_numbers<[1], [0], [0], [1], [0, 0, 1, 1], [], []>, transpose_lhs_hint = false} : vector<1000x128xf32>, vector<128x128xf32>, vector<1000x128xf32> -> vector<1000x128xf32>
    %get3A_32 = arith.constant 0 : index
    %get3A_33 = arith.constant 0 : index
    %get3A_34 = vector.load %arg2[%get3A_32, %get3A_33] : memref<1000x128xf32, #tpu.memory_space<vmem>>, vector<1000x128xf32>
    %get3A_35 = arith.constant 1 : index
    %get3A_36 = arith.constant 0 : index
    %get3A_37 = arith.constant 0 : index
    %get3A_38 = vector.load %arg6[%get3A_35, %get3A_36, %get3A_37] : memref<3x128x128xf32, #tpu.memory_space<vmem>>, vector<1x128x128xf32>
    %get3A_39 = vector.shape_cast %get3A_38 : vector<1x128x128xf32> to vector<128x128xf32>
    %dot_general3A_40 = arith.constant dense<0.000000e+00> : vector<1000x128xf32>
    %dot_general3A_41 = tpu.matmul %get3A_34, %get3A_39, %dot_general3A_40 {dimension_numbers = #tpu.dot_dimension_numbers<[1], [0], [0], [1], [0, 0, 1, 1], [], []>, transpose_lhs_hint = false} : vector<1000x128xf32>, vector<128x128xf32>, vector<1000x128xf32> -> vector<1000x128xf32>
    %add3A_42 = arith.addf %dot_general3A_31, %dot_general3A_41 : vector<1000x128xf32>
    %get3A_43 = arith.constant 2 : index
    %get3A_44 = arith.constant 0 : index
    %get3A_45 = arith.constant 0 : index
    %get3A_46 = vector.load %arg6[%get3A_43, %get3A_44, %get3A_45] : memref<3x128x128xf32, #tpu.memory_space<vmem>>, vector<1x128x128xf32>
    %get3A_47 = vector.shape_cast %get3A_46 : vector<1x128x128xf32> to vector<128x128xf32>
    %dot_general3A_48 = arith.constant dense<0.000000e+00> : vector<1000x128xf32>
    %dot_general3A_49 = tpu.matmul %sub3A, %get3A_47, %dot_general3A_48 {dimension_numbers = #tpu.dot_dimension_numbers<[1], [0], [0], [1], [0, 0, 1, 1], [], []>, transpose_lhs_hint = false} : vector<1000x128xf32>, vector<128x128xf32>, vector<1000x128xf32> -> vector<1000x128xf32>
    %add3A_50 = arith.addf %add3A_42, %dot_general3A_49 : vector<1000x128xf32>
    %get3A_51 = arith.constant 0 : index
    %get3A_52 = arith.constant 0 : index
    %get3A_53 = vector.load %arg7[%get3A_51, %get3A_52] : memref<1x128xf32, #tpu.memory_space<vmem>>, vector<1x128xf32>
    %add3A_54 = vector.broadcast %get3A_53 : vector<1x128xf32> to vector<1000x128xf32>
    %add3A_55 = arith.addf %add3A_50, %add3A_54 : vector<1000x128xf32>
    %max3A = arith.constant 0.000000e+00 : f32
    %max3A_56 = vector.broadcast %max3A : f32 to vector<1000x128xf32>
    %max3A_57 = arith.maximumf %add3A_55, %max3A_56 : vector<1000x128xf32>
    %swap3A = arith.constant 0 : index
    %swap3A_58 = arith.constant 0 : index
    %swap3A_59 = vector.load %arg8[%swap3A, %swap3A_58] : memref<1000x128xf32, #tpu.memory_space<vmem>>, vector<1000x128xf32>
    tpu.vector_store %arg8[%swap3A, %swap3A_58], %max3A_57 {strides = array<i32>} : memref<1000x128xf32, #tpu.memory_space<vmem>>, vector<1000x128xf32>,
    %mul3A_60 = vector.broadcast %select_n3A : vector<1000x1xf32> to vector<1000x128xf32>
    %mul3A_61 = arith.mulf %mul3A_60, %max3A_57 : vector<1000x128xf32>
    %swap3A_62 = arith.constant 0 : index
    %swap3A_63 = arith.constant 0 : index
    %swap3A_64 = vector.load %arg9[%swap3A_62, %swap3A_63] : memref<1000x128xf32, #tpu.memory_space<vmem>>, vector<1000x128xf32>
    tpu.vector_store %arg9[%swap3A_62, %swap3A_63], %mul3A_61 {strides = array<i32>} : memref<1000x128xf32, #tpu.memory_space<vmem>>, vector<1000x128xf32>,
    return
  }
  func.func @transform_0(%arg0: i32) -> (i32, i32) {
    %c0_i32 = arith.constant 0 : i32
    %c0_i32_0 = arith.constant 0 : i32
    return %arg0, %c0_i32 : i32, i32
  }
  func.func @transform_1(%arg0: i32) -> (i32, i32) {
    %c0_i32 = arith.constant 0 : i32
    %c0_i32_0 = arith.constant 0 : i32
    return %arg0, %c0_i32 : i32, i32
  }
  func.func @transform_2(%arg0: i32) -> (i32, i32, i32) {
    %c0_i32 = arith.constant 0 : i32
    %c0_i32_0 = arith.constant 0 : i32
    %c0_i32_1 = arith.constant 0 : i32
    return %c0_i32, %arg0, %c0_i32_0 : i32, i32, i32
  }
  func.func @transform_3(%arg0: i32) -> (i32, i32) {
    %c0_i32 = arith.constant 0 : i32
    %c0_i32_0 = arith.constant 0 : i32
    return %arg0, %c0_i32 : i32, i32
  }
  func.func @transform_4(%arg0: i32) -> (i32, i32) {
    %c0_i32 = arith.constant 0 : i32
    %c0_i32_0 = arith.constant 0 : i32
    return %arg0, %c0_i32 : i32, i32
  }
  func.func @transform_5(%arg0: i32) -> (i32, i32, i32) {
    %c0_i32 = arith.constant 0 : i32
    %c0_i32_0 = arith.constant 0 : i32
    %c0_i32_1 = arith.constant 0 : i32
    %c0_i32_2 = arith.constant 0 : i32
    return %c0_i32, %c0_i32_0, %c0_i32_1 : i32, i32, i32
  }
  func.func @transform_6(%arg0: i32) -> (i32, i32) {
    %c0_i32 = arith.constant 0 : i32
    %c0_i32_0 = arith.constant 0 : i32
    %c0_i32_1 = arith.constant 0 : i32
    return %c0_i32, %c0_i32_0 : i32, i32
  }
  func.func @transform_7(%arg0: i32) -> (i32, i32) {
    %c0_i32 = arith.constant 0 : i32
    %c0_i32_0 = arith.constant 0 : i32
    return %arg0, %c0_i32 : i32, i32
  }
  func.func @transform_8(%arg0: i32) -> (i32, i32) {
    %c0_i32 = arith.constant 0 : i32
    %c0_i32_0 = arith.constant 0 : i32
    return %arg0, %c0_i32 : i32, i32
  }
}

module attributes {stable_mosaic.version = 14 : i64} {
  func.func @_comb2_body(%arg0: i32, %arg1: memref<1000x128xf32, #tpu.memory_space<vmem>>, %arg2: memref<1000x128xf32, #tpu.memory_space<vmem>>, %arg3: memref<2x1000x128xf32, #tpu.memory_space<vmem>>, %arg4: memref<1000x8xf32, #tpu.memory_space<vmem>>, %arg5: memref<1000x8xf32, #tpu.memory_space<vmem>>, %arg6: memref<3x128x64xf32, #tpu.memory_space<vmem>>, %arg7: memref<1x64xf32, #tpu.memory_space<vmem>>, %arg8: memref<1000x64xf32, #tpu.memory_space<vmem>>) attributes {dimension_semantics = [#tpu.dimension_semantics<arbitrary>], iteration_bounds = array<i64: 10>, scalar_prefetch = 0 : i64, scratch_operands = 0 : i64, tpu.core_type = #tpu.core_type<tc>, window_params = [{transform_indices = @transform_0, window_bounds = array<i64: 1000, 128>}, {transform_indices = @transform_1, window_bounds = array<i64: 1000, 128>}, {transform_indices = @transform_2, window_bounds = array<i64: 2, 1000, 128>}, {transform_indices = @transform_3, window_bounds = array<i64: 1000, 8>}, {transform_indices = @transform_4, window_bounds = array<i64: 1000, 8>}, {pipeline_mode = #tpu.pipeline_mode<synchronous>, transform_indices = @transform_5, window_bounds = array<i64: 3, 128, 64>}, {pipeline_mode = #tpu.pipeline_mode<synchronous>, transform_indices = @transform_6, window_bounds = array<i64: 1, 64>}, {transform_indices = @transform_7, window_bounds = array<i64: 1000, 64>}]} {
    %get3A = arith.constant 0 : index
    %get3A_0 = arith.constant 0 : index
    %get3A_1 = vector.load %arg4[%get3A, %get3A_0] : memref<1000x8xf32, #tpu.memory_space<vmem>>, vector<1000x8xf32>
    %get3A_2 = arith.constant 0 : index
    %get3A_3 = arith.constant 0 : index
    %get3A_4 = vector.load %arg5[%get3A_2, %get3A_3] : memref<1000x8xf32, #tpu.memory_space<vmem>>, vector<1000x8xf32>
    %slice3A = vector.extract_strided_slice %get3A_1 {offsets = [0, 0], sizes = [1000, 1], strides = [1, 1]} : vector<1000x8xf32> to vector<1000x1xf32>
    %slice3A_5 = vector.extract_strided_slice %get3A_4 {offsets = [0, 0], sizes = [1000, 1], strides = [1, 1]} : vector<1000x8xf32> to vector<1000x1xf32>
    %add3A = arith.addf %slice3A, %slice3A_5 : vector<1000x1xf32>
    %gt3A = arith.constant 0.000000e+00 : f32
    %gt3A_6 = vector.broadcast %gt3A : f32 to vector<1000x1xf32>
    %gt3A_7 = arith.cmpf ogt, %add3A, %gt3A_6 : vector<1000x1xf32>
    %rsqrt3A = math.rsqrt %add3A : vector<1000x1xf32>
    %jit3A = arith.constant 0.000000e+00 : f32
    %broadcast_in_dim3A = vector.broadcast %jit3A : f32 to vector<1000x1xf32>
    %select_n3A = arith.select %gt3A_7, %rsqrt3A, %broadcast_in_dim3A : vector<1000x1xi1>, vector<1000x1xf32>
    %get3A_8 = arith.constant 0 : index
    %get3A_9 = arith.constant 0 : index
    %get3A_10 = arith.constant 0 : index
    %get3A_11 = vector.load %arg3[%get3A_8, %get3A_9, %get3A_10] : memref<2x1000x128xf32, #tpu.memory_space<vmem>>, vector<1x1000x128xf32>
    %get3A_12 = vector.shape_cast %get3A_11 : vector<1x1000x128xf32> to vector<1000x128xf32>
    %get3A_13 = arith.constant 1 : index
    %get3A_14 = arith.constant 0 : index
    %get3A_15 = arith.constant 0 : index
    %get3A_16 = vector.load %arg3[%get3A_13, %get3A_14, %get3A_15] : memref<2x1000x128xf32, #tpu.memory_space<vmem>>, vector<1x1000x128xf32>
    %get3A_17 = vector.shape_cast %get3A_16 : vector<1x1000x128xf32> to vector<1000x128xf32>
    %add3A_18 = arith.addf %get3A_12, %get3A_17 : vector<1000x128xf32>
    %get3A_19 = arith.constant 0 : index
    %get3A_20 = arith.constant 0 : index
    %get3A_21 = vector.load %arg1[%get3A_19, %get3A_20] : memref<1000x128xf32, #tpu.memory_space<vmem>>, vector<1000x128xf32>
    %mul3A = vector.broadcast %select_n3A : vector<1000x1xf32> to vector<1000x128xf32>
    %mul3A_22 = arith.mulf %mul3A, %add3A_18 : vector<1000x128xf32>
    %mul3A_23 = arith.constant -2.000000e+00 : f32
    %mul3A_24 = vector.broadcast %mul3A_23 : f32 to vector<1000x128xf32>
    %mul3A_25 = arith.mulf %mul3A_24, %mul3A_22 : vector<1000x128xf32>
    %sub3A = arith.subf %mul3A_25, %get3A_21 : vector<1000x128xf32>
    %get3A_26 = arith.constant 0 : index
    %get3A_27 = arith.constant 0 : index
    %get3A_28 = arith.constant 0 : index
    %get3A_29 = vector.load %arg6[%get3A_26, %get3A_27, %get3A_28] : memref<3x128x64xf32, #tpu.memory_space<vmem>>, vector<1x128x64xf32>
    %get3A_30 = vector.shape_cast %get3A_29 : vector<1x128x64xf32> to vector<128x64xf32>
    %dot_general3A = arith.constant dense<0.000000e+00> : vector<1000x64xf32>
    %dot_general3A_31 = tpu.matmul %get3A_21, %get3A_30, %dot_general3A {dimension_numbers = #tpu.dot_dimension_numbers<[1], [0], [0], [1], [0, 0, 1, 1], [], []>, transpose_lhs_hint = false} : vector<1000x128xf32>, vector<128x64xf32>, vector<1000x64xf32> -> vector<1000x64xf32>
    %get3A_32 = arith.constant 0 : index
    %get3A_33 = arith.constant 0 : index
    %get3A_34 = vector.load %arg2[%get3A_32, %get3A_33] : memref<1000x128xf32, #tpu.memory_space<vmem>>, vector<1000x128xf32>
    %get3A_35 = arith.constant 1 : index
    %get3A_36 = arith.constant 0 : index
    %get3A_37 = arith.constant 0 : index
    %get3A_38 = vector.load %arg6[%get3A_35, %get3A_36, %get3A_37] : memref<3x128x64xf32, #tpu.memory_space<vmem>>, vector<1x128x64xf32>
    %get3A_39 = vector.shape_cast %get3A_38 : vector<1x128x64xf32> to vector<128x64xf32>
    %dot_general3A_40 = arith.constant dense<0.000000e+00> : vector<1000x64xf32>
    %dot_general3A_41 = tpu.matmul %get3A_34, %get3A_39, %dot_general3A_40 {dimension_numbers = #tpu.dot_dimension_numbers<[1], [0], [0], [1], [0, 0, 1, 1], [], []>, transpose_lhs_hint = false} : vector<1000x128xf32>, vector<128x64xf32>, vector<1000x64xf32> -> vector<1000x64xf32>
    %add3A_42 = arith.addf %dot_general3A_31, %dot_general3A_41 : vector<1000x64xf32>
    %get3A_43 = arith.constant 2 : index
    %get3A_44 = arith.constant 0 : index
    %get3A_45 = arith.constant 0 : index
    %get3A_46 = vector.load %arg6[%get3A_43, %get3A_44, %get3A_45] : memref<3x128x64xf32, #tpu.memory_space<vmem>>, vector<1x128x64xf32>
    %get3A_47 = vector.shape_cast %get3A_46 : vector<1x128x64xf32> to vector<128x64xf32>
    %dot_general3A_48 = arith.constant dense<0.000000e+00> : vector<1000x64xf32>
    %dot_general3A_49 = tpu.matmul %sub3A, %get3A_47, %dot_general3A_48 {dimension_numbers = #tpu.dot_dimension_numbers<[1], [0], [0], [1], [0, 0, 1, 1], [], []>, transpose_lhs_hint = false} : vector<1000x128xf32>, vector<128x64xf32>, vector<1000x64xf32> -> vector<1000x64xf32>
    %add3A_50 = arith.addf %add3A_42, %dot_general3A_49 : vector<1000x64xf32>
    %get3A_51 = arith.constant 0 : index
    %get3A_52 = arith.constant 0 : index
    %get3A_53 = vector.load %arg7[%get3A_51, %get3A_52] : memref<1x64xf32, #tpu.memory_space<vmem>>, vector<1x64xf32>
    %add3A_54 = vector.broadcast %get3A_53 : vector<1x64xf32> to vector<1000x64xf32>
    %add3A_55 = arith.addf %add3A_50, %add3A_54 : vector<1000x64xf32>
    %reduce_max3A = arith.constant dense<0xFF800000> : vector<1000xf32>
    %reduce_max3A_56 = vector.multi_reduction <maximumf>, %add3A_55, %reduce_max3A [1] : vector<1000x64xf32> to vector<1000xf32>
    %broadcast_in_dim3A_57 = vector.shape_cast %reduce_max3A_56 : vector<1000xf32> to vector<1000x1xf32>
    %sub3A_58 = vector.broadcast %broadcast_in_dim3A_57 : vector<1000x1xf32> to vector<1000x64xf32>
    %sub3A_59 = arith.subf %add3A_55, %sub3A_58 : vector<1000x64xf32>
    %exp3A = math.exp %sub3A_59 : vector<1000x64xf32>
    %reduce_sum3A = arith.constant dense<0.000000e+00> : vector<1000xf32>
    %reduce_sum3A_60 = vector.multi_reduction <add>, %exp3A, %reduce_sum3A [1] : vector<1000x64xf32> to vector<1000xf32>
    %broadcast_in_dim3A_61 = vector.shape_cast %reduce_sum3A_60 : vector<1000xf32> to vector<1000x1xf32>
    %log3A = math.log %broadcast_in_dim3A_61 : vector<1000x1xf32>
    %add3A_62 = arith.addf %log3A, %broadcast_in_dim3A_57 : vector<1000x1xf32>
    %sub3A_63 = vector.broadcast %add3A_62 : vector<1000x1xf32> to vector<1000x64xf32>
    %sub3A_64 = arith.subf %add3A_55, %sub3A_63 : vector<1000x64xf32>
    %swap3A = arith.constant 0 : index
    %swap3A_65 = arith.constant 0 : index
    %swap3A_66 = vector.load %arg8[%swap3A, %swap3A_65] : memref<1000x64xf32, #tpu.memory_space<vmem>>, vector<1000x64xf32>
    tpu.vector_store %arg8[%swap3A, %swap3A_65], %sub3A_64 {strides = array<i32>} : memref<1000x64xf32, #tpu.memory_space<vmem>>, vector<1000x64xf32>,
    return
  }
  func.func @transform_0(%arg0: i32) -> (i32, i32) {
    %c0_i32 = arith.constant 0 : i32
    %c0_i32_0 = arith.constant 0 : i32
    return %arg0, %c0_i32 : i32, i32
  }
  func.func @transform_1(%arg0: i32) -> (i32, i32) {
    %c0_i32 = arith.constant 0 : i32
    %c0_i32_0 = arith.constant 0 : i32
    return %arg0, %c0_i32 : i32, i32
  }
  func.func @transform_2(%arg0: i32) -> (i32, i32, i32) {
    %c0_i32 = arith.constant 0 : i32
    %c0_i32_0 = arith.constant 0 : i32
    %c0_i32_1 = arith.constant 0 : i32
    return %c0_i32, %arg0, %c0_i32_0 : i32, i32, i32
  }
  func.func @transform_3(%arg0: i32) -> (i32, i32) {
    %c0_i32 = arith.constant 0 : i32
    %c0_i32_0 = arith.constant 0 : i32
    return %arg0, %c0_i32 : i32, i32
  }
  func.func @transform_4(%arg0: i32) -> (i32, i32) {
    %c0_i32 = arith.constant 0 : i32
    %c0_i32_0 = arith.constant 0 : i32
    return %arg0, %c0_i32 : i32, i32
  }
  func.func @transform_5(%arg0: i32) -> (i32, i32, i32) {
    %c0_i32 = arith.constant 0 : i32
    %c0_i32_0 = arith.constant 0 : i32
    %c0_i32_1 = arith.constant 0 : i32
    %c0_i32_2 = arith.constant 0 : i32
    return %c0_i32, %c0_i32_0, %c0_i32_1 : i32, i32, i32
  }
  func.func @transform_6(%arg0: i32) -> (i32, i32) {
    %c0_i32 = arith.constant 0 : i32
    %c0_i32_0 = arith.constant 0 : i32
    %c0_i32_1 = arith.constant 0 : i32
    return %c0_i32, %c0_i32_0 : i32, i32
  }
  func.func @transform_7(%arg0: i32) -> (i32, i32) {
    %c0_i32 = arith.constant 0 : i32
    %c0_i32_0 = arith.constant 0 : i32
    return %arg0, %c0_i32 : i32, i32
  }
}

</mosaic_0001>

<sc_bundles>
// kernel: kernel.12.cloned.1.call-start
scs
__scs_entry_jumppad:
0x0: {  	(pc) =	sbr.rel $0x88, $3  }
0x1: {  	(tag) =	ssettag $0x0;
	lr =	simm.s32 $0x1  }
0x2: {  	[smem:$0x3F9B] =	sst lr;
	_ =	strace $0xD0000000  }
0x3: {  	_ = 	snop  }
0x4: {  	_ = 	snop  }
0x5: {  	_ = 	snop  }
0x6: {  	_ = 	snop  }
0x7: {  	_ = 	snop  }
__scs_overlays_trampoline_lowered:
0x8: {  	[smem:$0x3FAA] =	sst s0  }
0x9: {  	[smem:$0x3FAB] =	sst s1  }
0xa: {  	[smem:$0x3FAC] =	sst s2  }
0xb: {  	[smem:$0x3FAD] =	sst s3  }
0xc: {  	[smem:$0x3FAE] =	sst s4  }
0xd: {  	[smem:$0x3FAF] =	sst s5  }
0xe: {  	[smem:$0x3FB0] =	sst s6  }
0xf: {  	[smem:$0x3FB1] =	sst s7  }
0x10: {  	[smem:$0x3FB2] =	sst s8  }
0x11: {  	[smem:$0x3FB3] =	sst s9;
	s0 =	simm.s32 @!p0 $0x0  }
0x12: {  	s1 =	sld [smem:$0x3F99];
	s0 =	simm.s32 @p0 $0x1  }
0x13: {  	[smem:$0x3FB4] =	sst s0;
	s0 =	simm.s32 @!p1 $0x0  }
0x14: {  	s2 =	sld [smem:$0x3F98];
	s0 =	simm.s32 @p1 $0x1  }
0x15: {  	[smem:$0x3FB5] =	sst s0;
	s0 =	simm.s32 @!p2 $0x0  }
0x16: {  	s3 =	sld [smem:$0x3FDB];
	s0 =	simm.s32 @p2 $0x1  }
0x17: {  	s4 =	simm.s32 $0x1BF5;
	[smem:$0x3FB7] =	sst s0  }
0x18: {  	s0 =	sld [smem:$0x3F9A];
	_ =	swait.ge [sflag:s4], $0x0  }
0x19: {  	s7 =	sld [smem:$0x3F9B]  }
0x1a: {  	s8 =	sadd.s32 $0xFFFFE003, lr  }
0x1b: {  	s9 =	sadd.s32 $0xFFFFFEF7, lr;
	s5 =	simm.s32 $0xFFFFFFFF;
	p2 =	slt.u32 s8, $0xFFFFF086  }
0x1c: {  	p1 =	slt.u32 s9, $0xF7A;
	s5 =	simm.s32 @!p2 $0x0  }
0x1d: {  	s5 =	simm.s32 @p1 $0x1;
	p0 =	seq.s32 s7, s2  }
0x1e: {  	s7 =	smul.u32 @!p0 $0xF7A, s2;
	p2 =	seq.s32 @!p0 s5, $0x0  }
0x1f: {  	s9 =	smul.u32 $0xF7A, s1;
	s8 =	simm.s32 @!p0 $0x1BF5;
	p2 =	por !p2, p0  }
0x20: {  	[sflag:s8] =	ssyncset.s32 @!p0 $0xFFFFF086;
	s6 =	sadd.s32 @!p0 s3, s7;
	s7 =	simm.s32 @!p0 $0x108  }
0x21: {  	s3 =	sadd.s32 s3, s9;
	s6 =	sadd.s32 @!p0 $0x88, s6;
	s7 =	simm.s32 @p2 $0x1082  }
0x22: {  	[simem:s7], [sflag:s8] =	dma.local @!p0 [hbm:s6], $0xF7A  }
0x23: {  	s9 =	sor.u32 $0xD0000000, s2;
	s6 =	simm.s32 $0x108;
	_ =	swait.ge @!p0 [sflag:s8], $0x0  }
0x24: {  	s3 =	sadd.s32 $0x88, s3;
	s6 =	simm.s32 @!p1 $0x1082;
	[sflag:s4] =	ssyncset.s32 $0xFFFFF086  }
0x25: {  	[simem:s6], [sflag:s4] =	dma.local [hbm:s3], $0xF7A  }
0x26: {  	[smem:$0x3F9B] =	sst s1;
	(tag) =	ssettag s2;
	_ =	strace s9  }
0x27: {  	s1 =	sld [smem:$0x3FAB]  }
0x28: {  	s2 =	sld [smem:$0x3FAC]  }
0x29: {  	s4 =	sld [smem:$0x3FAE]  }
0x2a: {  	p0 =	seq.s32 s5, $0x0;
	s5 =	sld [smem:$0x3FAF]  }
0x2b: {  	s6 =	sld [smem:$0x3FB0]  }
0x2c: {  	s7 =	sld [smem:$0x3FB1]  }
0x2d: {  	s3 =	simm.s32 $0x108;
	s8 =	sld [smem:$0x3FB2]  }
0x2e: {  	s3 =	simm.s32 @!p0 $0x1082;
	s9 =	sld [smem:$0x3FB3]  }
0x2f: {  	lr =	sadd.s32 s0, s3;
	s0 =	sld [smem:$0x3FAA]  }
0x30: {  	s3 =	sld [smem:$0x3FAD]  }
0x31: {  	[smem:$0x3FB6] =	sst s10  }
0x32: {  	s10 =	sld [smem:$0x3FB4];
	_ =	sdelay $0x3  }
0x33: {  	p0 =	seq.s32 s10, $0x1;
	s10 =	sld [smem:$0x3FB6];
	_ =	sdelay $0x3  }
0x34: {  	[smem:$0x3FB6] =	sst s10  }
0x35: {  	s10 =	sld [smem:$0x3FB5];
	_ =	sdelay $0x3  }
0x36: {  	p1 =	seq.s32 s10, $0x1;
	s10 =	sld [smem:$0x3FB6];
	_ =	sdelay $0x3  }
0x37: {  	[smem:$0x3FB6] =	sst s10  }
0x38: {  	s10 =	sld [smem:$0x3FB7]  }
0x39: {  	_ = 	snop;
	(pc) =	sbr.ind lr, $3  }
0x3a: {  	_ = 	snop  }
0x3b: {  	_ = 	snop  }
0x3c: {  	p2 =	seq.s32 s10, $0x1;
	s10 =	sld [smem:$0x3FB6]  }
0x3d: {  	_ =	shalt  }
0x3e: {  	_ =	shalt  }
0x3f: {  	_ =	shalt  }
0x40: {  	_ =	shalt  }
0x41: {  	_ =	shalt  }
0x42: {  	_ =	shalt  }
0x43: {  	_ =	shalt  }
0x44: {  	_ =	shalt  }
0x45: {  	_ =	shalt  }
0x46: {  	_ =	shalt  }
0x47: {  	_ =	shalt  }
0x48: {  	_ =	shalt  }
0x49: {  	_ =	shalt  }
0x4a: {  	_ =	shalt  }
0x4b: {  	_ =	shalt  }
0x4c: {  	_ =	shalt  }
0x4d: {  	_ =	shalt  }
0x4e: {  	_ =	shalt  }
0x4f: {  	_ =	shalt  }
0x50: {  	_ =	shalt  }
0x51: {  	_ =	shalt  }
0x52: {  	_ =	shalt  }
0x53: {  	_ =	shalt  }
0x54: {  	_ =	shalt  }
0x55: {  	_ =	shalt  }
0x56: {  	_ =	shalt  }
0x57: {  	_ =	shalt  }
0x58: {  	_ =	shalt  }
0x59: {  	_ =	shalt  }
0x5a: {  	_ =	shalt  }
0x5b: {  	_ =	shalt  }
0x5c: {  	_ =	shalt  }
0x5d: {  	_ =	shalt  }
0x5e: {  	_ =	shalt  }
0x5f: {  	_ =	shalt  }
0x60: {  	_ =	shalt  }
0x61: {  	_ =	shalt  }
0x62: {  	_ =	shalt  }
0x63: {  	_ =	shalt  }
0x64: {  	_ =	shalt  }
0x65: {  	_ =	shalt  }
0x66: {  	_ =	shalt  }
0x67: {  	_ =	shalt  }
0x68: {  	_ =	shalt  }
0x69: {  	_ =	shalt  }
0x6a: {  	_ =	shalt  }
0x6b: {  	_ =	shalt  }
0x6c: {  	_ =	shalt  }
0x6d: {  	_ =	shalt  }
0x6e: {  	_ =	shalt  }
0x6f: {  	_ =	shalt  }
0x70: {  	_ =	shalt  }
0x71: {  	_ =	shalt  }
0x72: {  	_ =	shalt  }
0x73: {  	_ =	shalt  }
0x74: {  	_ =	shalt  }
0x75: {  	_ =	shalt  }
0x76: {  	_ =	shalt  }
0x77: {  	_ =	shalt  }
0x78: {  	_ =	shalt  }
0x79: {  	_ =	shalt  }
0x7a: {  	_ =	shalt  }
0x7b: {  	_ =	shalt  }
0x7c: {  	_ =	shalt  }
0x7d: {  	_ =	shalt  }
0x7e: {  	_ =	shalt  }
0x7f: {  	_ =	shalt  }
0x80: {  	_ =	shalt  }
0x81: {  	_ =	shalt  }
0x82: {  	_ =	shalt  }
0x83: {  	_ =	shalt  }
0x84: {  	_ =	shalt  }
0x85: {  	_ =	shalt  }
0x86: {  	_ =	shalt  }
0x87: {  	_ =	shalt  }
.Lfunc_end0:
.L_simem_size_0:
called_computation_lowered:
.L_overlay_start_0:
0x88: {  	s2 =	sld [smem:$0x3FD9]  }
0x89: {  	s3 =	sld [smem:$0x3FFE];
	_ =	sdelay $0x1  }
0x8a: {  	s1 =	srdreg.scid  }
0x8b: {  	s0 =	sand.u32 $0x1, s1  }
0x8c: {  	s16 =	sshll.u32 s0, $0xA;
	s2 =	sadd.s32 s3, s2  }
0x8d: {  	s2 =	sadd.s32 s2, s16  }
0x8e: {  	[smem:$0x3FC2] =	sst s2  }
0x8f: {  	_ = 	snop  }
0x90: {  	(tm) =	ssettm $0x1  }
0x91: {  	s17 =	sld [smem:$0x3FFB];
	_ =	sdelay $0x3  }
0x92: {  	_ =	strace s17  }
0x93: {  	s2 =	sld [smem:$0x3FFC];
	_ =	sdelay $0x3  }
0x94: {  	_ =	strace s2  }
0x95: {  	s2 =	sld [smem:$0x3FFD];
	_ =	sdelay $0x3  }
0x96: {  	_ =	strace s2  }
0x97: {  	_ =	strace $0x8FFFFFFF  }
0x98: {  	s18 =	sld [smem:$0x3FDB];
	_ =	sdelay $0x1  }
0x99: {  	s19 =	simm.s32 $_scs_section_size  }
0x9a: {  	s4 =	simm.s32 $_size__tile_overlayer_lowered;
	s5 =	simm.s32 $_tile_overlayer_lowered  }
0x9b: {  	s22 =	simm.s32 $0x1BFF;
	s21 =	sshll.u32 s5, $0x1;
	s2 =	sadd.s32 s19, s18  }
0x9c: {  	s6 =	simm.s32 $0x0;
	s20 =	sshll.u32 s4, $0x1;
	s4 =	sadd.s32 s21, s2  }
0x9d: {  	[timem:s6], [sflag:s22] =	dma.local [hbm:s4], s20  }
0x9e: {  	_ =	swait.ge [sflag:s22], s20  }
0x9f: {  	s3 =	ssub.s32 $0x0, s20;
	[sflag:s22] =	ssyncset.done $0x0  }
0xa0: {  	[sflag:s22] =	ssyncadd.s32 s3;
	_ =	sdelay $0x1  }
0xa1: {  	s23 =	simm.s32 $0x1B8B  }
0xa2: {  	_ =	swait.ge [sflag:s23], $0x1  }
0xa3: {  	[sflag:s23] =	ssyncset.done $0x0  }
0xa4: {  	s25 =	simm.s32 $0x1B8E;
	s24 =	sld [smem:$0x3FFE];
	[sflag:s23] =	ssyncadd.s32 $0xFFFFFFFF  }
0xa5: {  	s26 =	simm.s32 $execute0_lowered;
	[smem:$0x3FD2] =	sst s25  }
0xa6: {  	s4 =	sshll.u32 s26, $0x1;
	_ =	strace $0x80000046;
	[dreg:$0x1] =	wrdreg $0xFFFFFFFF  }
0xa7: {  	s28 =	simm.s32 $_size_execute0_lowered;
	s2 =	sadd.s32 s2, s4;
	[dreg:$0x0] =	wrdreg $0x0  }
0xa8: {  	s4 =	sshll.u32 s28, $0x1;
	[dreg:$0x2] =	wrdreg s2  }
0xa9: {  	[dreg:$0x3] =	wrdreg s4  }
0xaa: {  	[dreg:$0x4] =	wrdreg $0xC0  }
0xab: {  	_ =	task [dreg:s6], $0x5FFFF  }
0xac: {  	[dreg:$0x1] =	wrdreg $0xFFFFFFFF  }
0xad: {  	[dreg:$0x0] =	wrdreg $0x60  }
0xae: {  	[dreg:$0x2] =	wrdreg s24  }
0xaf: {  	[dreg:$0x3] =	wrdreg $0x48000  }
0xb0: {  	[dreg:$0x4] =	wrdreg $0x9  }
0xb1: {  	_ =	task.clear_ibuf [dreg:s6], $0x5FFFF;
	_ =	strace $0x90000046  }
0xb2: {  	s29 =	simm.s32 $0x9;
	_ =	strace $0x80000048  }
0xb3: {  	_ =	swait.ge [sflag:s29], $0x1  }
0xb4: {  	[sflag:s29] =	ssyncadd.s32 $0xFFFFFFFF  }
0xb5: {  	_ =	strace $0x90000048  }
0xb6: {  	_ =	sfence  }
0xb7: {  	s30 =	sld [smem:$0x0];
	_ =	sdelay $0x2  }
0xb8: {  	s31 =	sshll.u32 s1, $0xD;
	s1 =	sshrl.u32 s1, $0x2  }
0xb9: {  	s3 =	sand.u32 $0x4000, s31;
	s1 =	sadd.s32 s1, s30  }
0xba: {  	s0 =	sor.u32 s3, s0;
	s1 =	sshll.u32 s1, $0x11  }
0xbb: {  	s0 =	sor.u32 s1, s0  }
0xbc: {  	s0 =	sadd.s32 $0x8F2B, s0  }
0xbd: {  	[sflag:s0] =	ssyncadd.remote.s32 $0x1  }
0xbe: {  	_ =	sfence.sel $0xFFFF  }
0xbf: {  	[dreg:$0x0] =	wrdreg $0xFFFFFFFF;
	(pc) =	sbr.abs _section_cstart, $3  }
0xc0: {  	[dreg:$0x1] =	wrdreg $0xFFFFFFFF  }
0xc1: {  	_ =	task.clear_ibuf [dreg:s6], $0x2FFFF;
	_ =	strace $0x9FFFFFFF  }
0xc2: {  	(tm) =	ssettm $0x7FFFFFFF  }
0xc3: {  	_ =	shalt  }
tec
execute0_lowered:
.L_overlay_start_1:
0x0: {  	(tag) =	ssettag $0x1  }
0x1: {  	s1 =	srdreg.scid;
	s5 =	rddreg [dreg:$0x0]  }
0x2: {  	s0 =	stileid.u32;
	s2 =	rddreg [dreg:$0x1]  }
0x3: {  	s3 =	simm.s32 $0x0;
	s10 =	simm.s32 $0x1;
	s13 =	simm.s32 $0x80  }
0x4: {  	s14 =	simm.s32 $0x100;
	s15 =	simm.s32 $0x180;
	s16 =	simm.s32 $0x200  }
0x5: {  	s17 =	simm.s32 $0x280;
	s18 =	simm.s32 $0x300;
	s19 =	simm.s32 $0x380  }
0x6: {  	s20 =	simm.s32 $0x400;
	s21 =	simm.s32 $0x480;
	s22 =	simm.s32 $0x500  }
0x7: {  	s23 =	simm.s32 $0x580;
	s24 =	simm.s32 $0x600;
	s4 =	smul.u32 $0x5000, s0  }
0x8: {  	s28 =	simm.s32 $0x780;
	s1 =	sand.u32 $0x1, s1;
	s7 =	smul.u32 $0x278, s0  }
0x9: {  	s29 =	simm.s32 $0x0;
	[smem:$0x7FF] =	sst s3;
	s6 =	smul.u32 $0x2800, s1  }
0xa: {  	s31 =	sshll.u32 s0, $0x6;
	s26 =	smul.u32 $0x138800, s1;
	_ =	strace $0x80000047  }
0xb: {  	s1 =	ssub.s32 $0x2, s1;
	s11 =	sor.u32 $0x1C01, s31;
	s25 =	smin.u32 s7, $0x2498  }
0xc: {  	s30 =	sshrl.u32 s1, $0x1;
	s4 =	sadd.s32 s6, s4;
	s8 =	sshll.u32 s25, $0x7  }
0xd: {  	s6 =	sshll.u32 s25, $0x4;
	s1 =	ssub.s32 s1, s30;
	s25 =	simm.s32 $0x680  }
0xe: {  	s4 =	sshrl.u32 s4, $0x3;
	s7 =	sadd.s32 s26, s8;
	s6 =	sadd.s32 s6, s5  }
0xf: {  	s12 =	sadd.s32 s8, s2;
	s26 =	simm.s32 $0x700;
	s9 =	sadd.s32 s4, s5  }
0x10: {  	s4 =	sadd.s32 $0xEA00, s5;
	s7 =	sshrl.u32 s7, $0x3;
	s12 =	sshrl.u32 s12, $0x3  }
0x11: {  	s7 =	sadd.s32 s7, s5;
	s5 =	sadd.s32 $0xF200, s6;
	s8 =	sadd.s32 $0x4A00, s9  }
0x12: {  	s9 =	simm.s32 $0x800;
	s6 =	sadd.s32 $0x36400, s7;
	s7 =	smax.u32 s1, $0x1  }
.LBB2_1:
0x13: {  	[tilespmem:s9], [sflag:$0x1] =	stream.linear.gather [hbm4b:s4+s3], $0x4000, $0x38;
	[tilespmem:$0x18280] =	vst v63  }
0x14: {  	_ =	swait.ge [sflag:s10], $0x4000  }
0x15: {  	[sflag:s10] =	ssyncset.done $0x0  }
0x16: {  	[sflag:s10] =	ssyncadd.s32 $0xFFFFC000  }
0x17: {  	[spmem:s12], [sflag:s11] =	dma.local [hbm:s5], $0x2780  }
0x18: {  	_ =	swait.ge [sflag:s10], $0x2780  }
0x19: {  	[sflag:s10] =	ssyncset.done $0x0  }
0x1a: {  	[sflag:s10] =	ssyncadd.s32 $0xFFFFD880  }
0x1b: {  	s1 =	sadd.s32 $0x0, s8;
	[bflag:$0x0] =	sbarrier.arrive $0xFFFF  }
0x1c: {  	[tilespmem:s3], [sflag:$0x1] =	stream.linear.gather [hbm4b:s1+s3], $0x800, $0x38;
	[tilespmem:$0x18280] =	vst v63  }
0x1d: {  	_ =	swait.ge [sflag:s10], $0x800  }
0x1e: {  	[sflag:s10] =	ssyncset.done $0x0  }
0x1f: {  	[sflag:s10] =	ssyncadd.s32 $0xFFFFF800  }
0x20: {  	[spmem:s2] =	stream.indirect.scatter.add.f32 [tilespmem:s9], [sflag:$0x1], $0x80, s3, s13, $0xb8;
	[tilespmem:$0x18280] =	vst v63  }
0x21: {  	_ =	swait.ge [sflag:s10], $0x4000  }
0x22: {  	[sflag:s10] =	ssyncset.done $0x0  }
0x23: {  	[sflag:s10] =	ssyncadd.s32 $0xFFFFC000  }
0x24: {  	[spmem:s2] =	stream.indirect.scatter.add.f32 [tilespmem:s9], [sflag:$0x1], $0x80, s13, s13, $0xb8;
	[tilespmem:$0x18280] =	vst v63  }
0x25: {  	_ =	swait.ge [sflag:s10], $0x4000  }
0x26: {  	[sflag:s10] =	ssyncset.done $0x0  }
0x27: {  	[sflag:s10] =	ssyncadd.s32 $0xFFFFC000  }
0x28: {  	[spmem:s2] =	stream.indirect.scatter.add.f32 [tilespmem:s9], [sflag:$0x1], $0x80, s14, s13, $0xb8;
	[tilespmem:$0x18280] =	vst v63  }
0x29: {  	_ =	swait.ge [sflag:s10], $0x4000  }
0x2a: {  	[sflag:s10] =	ssyncset.done $0x0  }
0x2b: {  	[sflag:s10] =	ssyncadd.s32 $0xFFFFC000  }
0x2c: {  	[spmem:s2] =	stream.indirect.scatter.add.f32 [tilespmem:s9], [sflag:$0x1], $0x80, s15, s13, $0xb8;
	[tilespmem:$0x18280] =	vst v63  }
0x2d: {  	_ =	swait.ge [sflag:s10], $0x4000  }
0x2e: {  	[sflag:s10] =	ssyncset.done $0x0  }
0x2f: {  	[sflag:s10] =	ssyncadd.s32 $0xFFFFC000  }
0x30: {  	[spmem:s2] =	stream.indirect.scatter.add.f32 [tilespmem:s9], [sflag:$0x1], $0x80, s16, s13, $0xb8;
	[tilespmem:$0x18280] =	vst v63  }
0x31: {  	_ =	swait.ge [sflag:s10], $0x4000  }
0x32: {  	[sflag:s10] =	ssyncset.done $0x0  }
0x33: {  	[sflag:s10] =	ssyncadd.s32 $0xFFFFC000  }
0x34: {  	[spmem:s2] =	stream.indirect.scatter.add.f32 [tilespmem:s9], [sflag:$0x1], $0x80, s17, s13, $0xb8;
	[tilespmem:$0x18280] =	vst v63  }
0x35: {  	_ =	swait.ge [sflag:s10], $0x4000  }
0x36: {  	[sflag:s10] =	ssyncset.done $0x0  }
0x37: {  	[sflag:s10] =	ssyncadd.s32 $0xFFFFC000  }
0x38: {  	[spmem:s2] =	stream.indirect.scatter.add.f32 [tilespmem:s9], [sflag:$0x1], $0x80, s18, s13, $0xb8;
	[tilespmem:$0x18280] =	vst v63  }
0x39: {  	_ =	swait.ge [sflag:s10], $0x4000  }
0x3a: {  	[sflag:s10] =	ssyncset.done $0x0  }
0x3b: {  	[sflag:s10] =	ssyncadd.s32 $0xFFFFC000  }
0x3c: {  	[spmem:s2] =	stream.indirect.scatter.add.f32 [tilespmem:s9], [sflag:$0x1], $0x80, s19, s13, $0xb8;
	[tilespmem:$0x18280] =	vst v63  }
0x3d: {  	_ =	swait.ge [sflag:s10], $0x4000  }
0x3e: {  	[sflag:s10] =	ssyncset.done $0x0  }
0x3f: {  	[sflag:s10] =	ssyncadd.s32 $0xFFFFC000  }
0x40: {  	[spmem:s2] =	stream.indirect.scatter.add.f32 [tilespmem:s9], [sflag:$0x1], $0x80, s20, s13, $0xb8;
	[tilespmem:$0x18280] =	vst v63  }
0x41: {  	_ =	swait.ge [sflag:s10], $0x4000  }
0x42: {  	[sflag:s10] =	ssyncset.done $0x0  }
0x43: {  	[sflag:s10] =	ssyncadd.s32 $0xFFFFC000  }
0x44: {  	[spmem:s2] =	stream.indirect.scatter.add.f32 [tilespmem:s9], [sflag:$0x1], $0x80, s21, s13, $0xb8;
	[tilespmem:$0x18280] =	vst v63  }
0x45: {  	_ =	swait.ge [sflag:s10], $0x4000  }
0x46: {  	[sflag:s10] =	ssyncset.done $0x0  }
0x47: {  	[sflag:s10] =	ssyncadd.s32 $0xFFFFC000  }
0x48: {  	[spmem:s2] =	stream.indirect.scatter.add.f32 [tilespmem:s9], [sflag:$0x1], $0x80, s22, s13, $0xb8;
	[tilespmem:$0x18280] =	vst v63  }
0x49: {  	_ =	swait.ge [sflag:s10], $0x4000  }
0x4a: {  	[sflag:s10] =	ssyncset.done $0x0  }
0x4b: {  	[sflag:s10] =	ssyncadd.s32 $0xFFFFC000  }
0x4c: {  	[spmem:s2] =	stream.indirect.scatter.add.f32 [tilespmem:s9], [sflag:$0x1], $0x80, s23, s13, $0xb8;
	[tilespmem:$0x18280] =	vst v63  }
0x4d: {  	_ =	swait.ge [sflag:s10], $0x4000  }
0x4e: {  	[sflag:s10] =	ssyncset.done $0x0  }
0x4f: {  	[sflag:s10] =	ssyncadd.s32 $0xFFFFC000  }
0x50: {  	[spmem:s2] =	stream.indirect.scatter.add.f32 [tilespmem:s9], [sflag:$0x1], $0x80, s24, s13, $0xb8;
	[tilespmem:$0x18280] =	vst v63  }
0x51: {  	_ =	swait.ge [sflag:s10], $0x4000  }
0x52: {  	[sflag:s10] =	ssyncset.done $0x0  }
0x53: {  	[sflag:s10] =	ssyncadd.s32 $0xFFFFC000  }
0x54: {  	[spmem:s2] =	stream.indirect.scatter.add.f32 [tilespmem:s9], [sflag:$0x1], $0x80, s25, s13, $0xb8;
	[tilespmem:$0x18280] =	vst v63  }
0x55: {  	_ =	swait.ge [sflag:s10], $0x4000  }
0x56: {  	[sflag:s10] =	ssyncset.done $0x0  }
0x57: {  	[sflag:s10] =	ssyncadd.s32 $0xFFFFC000  }
0x58: {  	[spmem:s2] =	stream.indirect.scatter.add.f32 [tilespmem:s9], [sflag:$0x1], $0x80, s26, s13, $0xb8;
	[tilespmem:$0x18280] =	vst v63  }
0x59: {  	_ =	swait.ge [sflag:s10], $0x4000  }
0x5a: {  	[sflag:s10] =	ssyncset.done $0x0  }
0x5b: {  	[sflag:s10] =	ssyncadd.s32 $0xFFFFC000  }
0x5c: {  	[spmem:s2] =	stream.indirect.scatter.add.f32 [tilespmem:s9], [sflag:$0x1], $0x80, s28, s13, $0xb8;
	[tilespmem:$0x18280] =	vst v63  }
0x5d: {  	_ =	swait.ge [sflag:s10], $0x4000  }
0x5e: {  	s30 =	simm.s32 $0x100;
	s31 =	simm.s32 $0x200;
	[sflag:s10] =	ssyncset.done $0x0  }
.LBB2_2:
0x5f: {  	s0 =	sadd.s32 s30, s8  }
0x60: {  	[sflag:s10] =	ssyncadd.s32 $0xFFFFC000;
	s30 =	smov.u32 s31;
	s1 =	sadd.s32 $0x100, s31  }
0x61: {  	[tilespmem:s3], [sflag:$0x1] =	stream.linear.gather [hbm4b:s0+s3], $0x800, $0x38;
	[tilespmem:$0x18280] =	vst v63  }
0x62: {  	p0 =	sne.s32 s31, $0x400;
	_ =	swait.ge [sflag:s10], $0x800  }
0x63: {  	[sflag:s10] =	ssyncset.done $0x0  }
0x64: {  	[sflag:s10] =	ssyncadd.s32 $0xFFFFF800  }
0x65: {  	[spmem:s2] =	stream.indirect.scatter.add.f32 [tilespmem:s9], [sflag:$0x1], $0x80, s3, s13, $0xb8;
	[tilespmem:$0x18280] =	vst v63  }
0x66: {  	_ =	swait.ge [sflag:s10], $0x4000  }
0x67: {  	[sflag:s10] =	ssyncset.done $0x0  }
0x68: {  	[sflag:s10] =	ssyncadd.s32 $0xFFFFC000  }
0x69: {  	[spmem:s2] =	stream.indirect.scatter.add.f32 [tilespmem:s9], [sflag:$0x1], $0x80, s13, s13, $0xb8;
	[tilespmem:$0x18280] =	vst v63  }
0x6a: {  	_ =	swait.ge [sflag:s10], $0x4000  }
0x6b: {  	[sflag:s10] =	ssyncset.done $0x0  }
0x6c: {  	[sflag:s10] =	ssyncadd.s32 $0xFFFFC000  }
0x6d: {  	[spmem:s2] =	stream.indirect.scatter.add.f32 [tilespmem:s9], [sflag:$0x1], $0x80, s14, s13, $0xb8;
	[tilespmem:$0x18280] =	vst v63  }
0x6e: {  	_ =	swait.ge [sflag:s10], $0x4000  }
0x6f: {  	[sflag:s10] =	ssyncset.done $0x0  }
0x70: {  	[sflag:s10] =	ssyncadd.s32 $0xFFFFC000  }
0x71: {  	[spmem:s2] =	stream.indirect.scatter.add.f32 [tilespmem:s9], [sflag:$0x1], $0x80, s15, s13, $0xb8;
	[tilespmem:$0x18280] =	vst v63  }
0x72: {  	_ =	swait.ge [sflag:s10], $0x4000  }
0x73: {  	[sflag:s10] =	ssyncset.done $0x0  }
0x74: {  	[sflag:s10] =	ssyncadd.s32 $0xFFFFC000  }
0x75: {  	[spmem:s2] =	stream.indirect.scatter.add.f32 [tilespmem:s9], [sflag:$0x1], $0x80, s16, s13, $0xb8;
	[tilespmem:$0x18280] =	vst v63  }
0x76: {  	_ =	swait.ge [sflag:s10], $0x4000  }
0x77: {  	[sflag:s10] =	ssyncset.done $0x0  }
0x78: {  	[sflag:s10] =	ssyncadd.s32 $0xFFFFC000  }
0x79: {  	[spmem:s2] =	stream.indirect.scatter.add.f32 [tilespmem:s9], [sflag:$0x1], $0x80, s17, s13, $0xb8;
	[tilespmem:$0x18280] =	vst v63  }
0x7a: {  	_ =	swait.ge [sflag:s10], $0x4000  }
0x7b: {  	[sflag:s10] =	ssyncset.done $0x0  }
0x7c: {  	[sflag:s10] =	ssyncadd.s32 $0xFFFFC000  }
0x7d: {  	[spmem:s2] =	stream.indirect.scatter.add.f32 [tilespmem:s9], [sflag:$0x1], $0x80, s18, s13, $0xb8;
	[tilespmem:$0x18280] =	vst v63  }
0x7e: {  	_ =	swait.ge [sflag:s10], $0x4000  }
0x7f: {  	[sflag:s10] =	ssyncset.done $0x0  }
0x80: {  	[sflag:s10] =	ssyncadd.s32 $0xFFFFC000  }
0x81: {  	[spmem:s2] =	stream.indirect.scatter.add.f32 [tilespmem:s9], [sflag:$0x1], $0x80, s19, s13, $0xb8;
	[tilespmem:$0x18280] =	vst v63  }
0x82: {  	_ =	swait.ge [sflag:s10], $0x4000  }
0x83: {  	[sflag:s10] =	ssyncset.done $0x0  }
0x84: {  	[sflag:s10] =	ssyncadd.s32 $0xFFFFC000  }
0x85: {  	[spmem:s2] =	stream.indirect.scatter.add.f32 [tilespmem:s9], [sflag:$0x1], $0x80, s20, s13, $0xb8;
	[tilespmem:$0x18280] =	vst v63  }
0x86: {  	_ =	swait.ge [sflag:s10], $0x4000  }
0x87: {  	[sflag:s10] =	ssyncset.done $0x0  }
0x88: {  	[sflag:s10] =	ssyncadd.s32 $0xFFFFC000  }
0x89: {  	[spmem:s2] =	stream.indirect.scatter.add.f32 [tilespmem:s9], [sflag:$0x1], $0x80, s21, s13, $0xb8;
	[tilespmem:$0x18280] =	vst v63  }
0x8a: {  	_ =	swait.ge [sflag:s10], $0x4000  }
0x8b: {  	[sflag:s10] =	ssyncset.done $0x0  }
0x8c: {  	[sflag:s10] =	ssyncadd.s32 $0xFFFFC000  }
0x8d: {  	[spmem:s2] =	stream.indirect.scatter.add.f32 [tilespmem:s9], [sflag:$0x1], $0x80, s22, s13, $0xb8;
	[tilespmem:$0x18280] =	vst v63  }
0x8e: {  	_ =	swait.ge [sflag:s10], $0x4000  }
0x8f: {  	[sflag:s10] =	ssyncset.done $0x0  }
0x90: {  	[sflag:s10] =	ssyncadd.s32 $0xFFFFC000  }
0x91: {  	[spmem:s2] =	stream.indirect.scatter.add.f32 [tilespmem:s9], [sflag:$0x1], $0x80, s23, s13, $0xb8;
	[tilespmem:$0x18280] =	vst v63  }
0x92: {  	_ =	swait.ge [sflag:s10], $0x4000  }
0x93: {  	[sflag:s10] =	ssyncset.done $0x0  }
0x94: {  	[sflag:s10] =	ssyncadd.s32 $0xFFFFC000  }
0x95: {  	[spmem:s2] =	stream.indirect.scatter.add.f32 [tilespmem:s9], [sflag:$0x1], $0x80, s24, s13, $0xb8;
	[tilespmem:$0x18280] =	vst v63  }
0x96: {  	_ =	swait.ge [sflag:s10], $0x4000  }
0x97: {  	[sflag:s10] =	ssyncset.done $0x0  }
0x98: {  	[sflag:s10] =	ssyncadd.s32 $0xFFFFC000  }
0x99: {  	[spmem:s2] =	stream.indirect.scatter.add.f32 [tilespmem:s9], [sflag:$0x1], $0x80, s25, s13, $0xb8;
	[tilespmem:$0x18280] =	vst v63  }
0x9a: {  	_ =	swait.ge [sflag:s10], $0x4000  }
0x9b: {  	[sflag:s10] =	ssyncset.done $0x0  }
0x9c: {  	[sflag:s10] =	ssyncadd.s32 $0xFFFFC000  }
0x9d: {  	[spmem:s2] =	stream.indirect.scatter.add.f32 [tilespmem:s9], [sflag:$0x1], $0x80, s26, s13, $0xb8;
	[tilespmem:$0x18280] =	vst v63  }
0x9e: {  	_ =	swait.ge [sflag:s10], $0x4000  }
.Ltmp0:
0x9f: {  	[sflag:s10] =	ssyncset.done $0x0;
	(pc) =	sbr.rel @p0 .LBB2_2-.Ltmp0, $4  }
0xa0: {  	[sflag:s10] =	ssyncadd.s32 $0xFFFFC000  }
0xa1: {  	[spmem:s2] =	stream.indirect.scatter.add.f32 [tilespmem:s9], [sflag:$0x1], $0x80, s28, s13, $0xb8;
	[tilespmem:$0x18280] =	vst v63  }
0xa2: {  	_ =	swait.ge [sflag:s10], $0x4000  }
0xa3: {  	s31 =	smov.u32 s1;
	[sflag:s10] =	ssyncset.done $0x0  }
0xa4: {  	s0 =	sadd.s32 s30, s8;
	[sflag:s10] =	ssyncadd.s32 $0xFFFFC000  }
0xa5: {  	[tilespmem:s3], [sflag:$0x1] =	stream.linear.gather [hbm4b:s0+s3], $0x800, $0x38;
	[tilespmem:$0x18280] =	vst v63  }
0xa6: {  	_ =	swait.ge [sflag:s10], $0x800  }
0xa7: {  	[sflag:s10] =	ssyncset.done $0x0  }
0xa8: {  	[sflag:s10] =	ssyncadd.s32 $0xFFFFF800  }
0xa9: {  	[spmem:s2] =	stream.indirect.scatter.add.f32 [tilespmem:s9], [sflag:$0x1], $0x80, s3, s13, $0xb8;
	[tilespmem:$0x18280] =	vst v63  }
0xaa: {  	_ =	swait.ge [sflag:s10], $0x4000  }
0xab: {  	[sflag:s10] =	ssyncset.done $0x0  }
0xac: {  	[sflag:s10] =	ssyncadd.s32 $0xFFFFC000  }
0xad: {  	[spmem:s2] =	stream.indirect.scatter.add.f32 [tilespmem:s9], [sflag:$0x1], $0x80, s13, s13, $0xb8;
	[tilespmem:$0x18280] =	vst v63  }
0xae: {  	_ =	swait.ge [sflag:s10], $0x4000  }
0xaf: {  	[sflag:s10] =	ssyncset.done $0x0  }
0xb0: {  	[sflag:s10] =	ssyncadd.s32 $0xFFFFC000  }
0xb1: {  	[spmem:s2] =	stream.indirect.scatter.add.f32 [tilespmem:s9], [sflag:$0x1], $0x80, s14, s13, $0xb8;
	[tilespmem:$0x18280] =	vst v63  }
0xb2: {  	_ =	swait.ge [sflag:s10], $0x4000  }
0xb3: {  	[sflag:s10] =	ssyncset.done $0x0  }
0xb4: {  	[sflag:s10] =	ssyncadd.s32 $0xFFFFC000  }
0xb5: {  	[spmem:s2] =	stream.indirect.scatter.add.f32 [tilespmem:s9], [sflag:$0x1], $0x80, s15, s13, $0xb8;
	[tilespmem:$0x18280] =	vst v63  }
0xb6: {  	_ =	swait.ge [sflag:s10], $0x4000  }
0xb7: {  	[sflag:s10] =	ssyncset.done $0x0  }
0xb8: {  	[sflag:s10] =	ssyncadd.s32 $0xFFFFC000  }
0xb9: {  	[spmem:s2] =	stream.indirect.scatter.add.f32 [tilespmem:s9], [sflag:$0x1], $0x80, s16, s13, $0xb8;
	[tilespmem:$0x18280] =	vst v63  }
0xba: {  	_ =	swait.ge [sflag:s10], $0x4000  }
0xbb: {  	[sflag:s10] =	ssyncset.done $0x0  }
0xbc: {  	[sflag:s10] =	ssyncadd.s32 $0xFFFFC000  }
0xbd: {  	[spmem:s2] =	stream.indirect.scatter.add.f32 [tilespmem:s9], [sflag:$0x1], $0x80, s17, s13, $0xb8;
	[tilespmem:$0x18280] =	vst v63  }
0xbe: {  	_ =	swait.ge [sflag:s10], $0x4000  }
0xbf: {  	[sflag:s10] =	ssyncset.done $0x0  }
0xc0: {  	[sflag:s10] =	ssyncadd.s32 $0xFFFFC000  }
0xc1: {  	[spmem:s2] =	stream.indirect.scatter.add.f32 [tilespmem:s9], [sflag:$0x1], $0x80, s18, s13, $0xb8;
	[tilespmem:$0x18280] =	vst v63  }
0xc2: {  	_ =	swait.ge [sflag:s10], $0x4000  }
0xc3: {  	[sflag:s10] =	ssyncset.done $0x0  }
0xc4: {  	[sflag:s10] =	ssyncadd.s32 $0xFFFFC000  }
0xc5: {  	[spmem:s2] =	stream.indirect.scatter.add.f32 [tilespmem:s9], [sflag:$0x1], $0x80, s19, s13, $0xb8;
	[tilespmem:$0x18280] =	vst v63  }
0xc6: {  	_ =	swait.ge [sflag:s10], $0x4000  }
0xc7: {  	[sflag:s10] =	ssyncset.done $0x0  }
0xc8: {  	[sflag:s10] =	ssyncadd.s32 $0xFFFFC000  }
0xc9: {  	[spmem:s2] =	stream.indirect.scatter.add.f32 [tilespmem:s9], [sflag:$0x1], $0x80, s20, s13, $0xb8;
	[tilespmem:$0x18280] =	vst v63  }
0xca: {  	_ =	swait.ge [sflag:s10], $0x4000  }
0xcb: {  	[sflag:s10] =	ssyncset.done $0x0  }
0xcc: {  	[sflag:s10] =	ssyncadd.s32 $0xFFFFC000  }
0xcd: {  	[spmem:s2] =	stream.indirect.scatter.add.f32 [tilespmem:s9], [sflag:$0x1], $0x80, s21, s13, $0xb8;
	[tilespmem:$0x18280] =	vst v63  }
0xce: {  	_ =	swait.ge [sflag:s10], $0x4000  }
0xcf: {  	[sflag:s10] =	ssyncset.done $0x0  }
0xd0: {  	[sflag:s10] =	ssyncadd.s32 $0xFFFFC000  }
0xd1: {  	[spmem:s2] =	stream.indirect.scatter.add.f32 [tilespmem:s9], [sflag:$0x1], $0x80, s22, s13, $0xb8;
	[tilespmem:$0x18280] =	vst v63  }
0xd2: {  	_ =	swait.ge [sflag:s10], $0x4000  }
0xd3: {  	[sflag:s10] =	ssyncset.done $0x0  }
0xd4: {  	[sflag:s10] =	ssyncadd.s32 $0xFFFFC000  }
0xd5: {  	[spmem:s2] =	stream.indirect.scatter.add.f32 [tilespmem:s9], [sflag:$0x1], $0x80, s23, s13, $0xb8;
	[tilespmem:$0x18280] =	vst v63  }
0xd6: {  	_ =	swait.ge [sflag:s10], $0x4000  }
0xd7: {  	[sflag:s10] =	ssyncset.done $0x0  }
0xd8: {  	[sflag:s10] =	ssyncadd.s32 $0xFFFFC000  }
0xd9: {  	[spmem:s2] =	stream.indirect.scatter.add.f32 [tilespmem:s9], [sflag:$0x1], $0x80, s24, s13, $0xb8;
	[tilespmem:$0x18280] =	vst v63  }
0xda: {  	_ =	swait.ge [sflag:s10], $0x4000  }
0xdb: {  	[sflag:s10] =	ssyncset.done $0x0  }
0xdc: {  	[sflag:s10] =	ssyncadd.s32 $0xFFFFC000  }
0xdd: {  	[spmem:s2] =	stream.indirect.scatter.add.f32 [tilespmem:s9], [sflag:$0x1], $0x80, s25, s13, $0xb8;
	[tilespmem:$0x18280] =	vst v63  }
0xde: {  	_ =	swait.ge [sflag:s10], $0x4000  }
0xdf: {  	[sflag:s10] =	ssyncset.done $0x0  }
0xe0: {  	[sflag:s10] =	ssyncadd.s32 $0xFFFFC000  }
0xe1: {  	[spmem:s2] =	stream.indirect.scatter.add.f32 [tilespmem:s9], [sflag:$0x1], $0x80, s26, s13, $0xb8;
	[tilespmem:$0x18280] =	vst v63  }
0xe2: {  	_ =	swait.ge [sflag:s10], $0x4000  }
0xe3: {  	[sflag:s10] =	ssyncset.done $0x0  }
0xe4: {  	[sflag:s10] =	ssyncadd.s32 $0xFFFFC000  }
0xe5: {  	[spmem:s2] =	stream.indirect.scatter.add.f32 [tilespmem:s9], [sflag:$0x1], $0x80, s28, s13, $0xb8;
	[tilespmem:$0x18280] =	vst v63  }
0xe6: {  	_ =	swait.ge [sflag:s10], $0x4000  }
0xe7: {  	s29 =	sadd.s32 $0x1, s29;
	[sflag:s10] =	ssyncset.done $0x0  }
0xe8: {  	p0 =	sne.s32 s29, s7;
	[sflag:s10] =	ssyncadd.s32 $0xFFFFC000  }
.Ltmp1:
0xe9: {  	[bflag:$0x0] =	sbarrier.arrive $0xFFFF;
	(pc) =	sbr.rel @p0 .LBB2_1-.Ltmp1, $4  }
0xea: {  	[hbm:s6], [sflag:s11] =	dma.local [spmem:s12], $0x2780  }
0xeb: {  	_ =	swait.ge [sflag:s10], $0x2780  }
0xec: {  	[sflag:s10] =	ssyncset.done $0x0  }
0xed: {  	[sflag:s10] =	ssyncadd.s32 $0xFFFFD880  }
0xee: {  	_ =	sfence.sel $0x180000  }
0xef: {  	[bflag:$0x0] =	sbarrier.arrive $0xFFFF  }
0xf0: {  	_ =	strace $0x90000047  }
0xf1: {  	s0 =	stileid.u32;
	[bflag:$0x2] =	sbarrier.arrive $0xFFFF  }
0xf2: {  	p0 =	sne.s32 s0, $0x0;
	s0 =	rddreg [dreg:$0x2]  }
0xf3: {  	s0 =	sadd.s32 @!p0 $0x100000, s0  }
0xf4: {  	[sflag:s0] =	ssyncadd.tile.s32 @!p0 $0x1;
	_ =	shalt  }
.Lfunc_end2:
_tile_overlayer_lowered:
.L_overlay_start_2:
0xf5: {  	(tag) =	ssettag $0x2  }
0xf6: {  	s0 =	rddreg [dreg:$0x0];
	s2 =	stileid.u32  }
0xf7: {  	s1 =	rddreg [dreg:$0x1];
	p0 =	sne.s32 s2, $0x0  }
0xf8: {  	s3 =	rddreg [dreg:$0x2];
	[bflag:$0x3] =	sbarrier.arrive $0xFFFF;
	s2 =	simm.s32 @!p0 $0x1C01  }
0xf9: {  	[timem:s3], [sflag:s2] =	dma.local @!p0 [hbm:s0], s1  }
0xfa: {  	s0 =	simm.s32 @!p0 $0x1  }
0xfb: {  	_ =	swait.ge @!p0 [sflag:s0], s1  }
0xfc: {  	s1 =	ssub.s32 @!p0 $0x0, s1;
	[sflag:s0] =	ssyncset.done @!p0 $0x0  }
0xfd: {  	[sflag:s0] =	ssyncadd.s32 @!p0 s1  }
0xfe: {  	[bflag:$0x3] =	sbarrier.arrive $0xFFFF  }
0xff: {  	_ =	shalt  }

// kernel: kernel.15.cloned.1.call-start
scs
__scs_entry_jumppad:
0x0: {  	(pc) =	sbr.rel $0x88, $3  }
0x1: {  	(tag) =	ssettag $0x0;
	lr =	simm.s32 $0x1  }
0x2: {  	[smem:$0x3F9B] =	sst lr;
	_ =	strace $0xD0000000  }
0x3: {  	_ = 	snop  }
0x4: {  	_ = 	snop  }
0x5: {  	_ = 	snop  }
0x6: {  	_ = 	snop  }
0x7: {  	_ = 	snop  }
__scs_overlays_trampoline_lowered:
0x8: {  	[smem:$0x3FAA] =	sst s0  }
0x9: {  	[smem:$0x3FAB] =	sst s1  }
0xa: {  	[smem:$0x3FAC] =	sst s2  }
0xb: {  	[smem:$0x3FAD] =	sst s3  }
0xc: {  	[smem:$0x3FAE] =	sst s4  }
0xd: {  	[smem:$0x3FAF] =	sst s5  }
0xe: {  	[smem:$0x3FB0] =	sst s6  }
0xf: {  	[smem:$0x3FB1] =	sst s7  }
0x10: {  	[smem:$0x3FB2] =	sst s8  }
0x11: {  	[smem:$0x3FB3] =	sst s9;
	s0 =	simm.s32 @!p0 $0x0  }
0x12: {  	s1 =	sld [smem:$0x3F99];
	s0 =	simm.s32 @p0 $0x1  }
0x13: {  	[smem:$0x3FB4] =	sst s0;
	s0 =	simm.s32 @!p1 $0x0  }
0x14: {  	s2 =	sld [smem:$0x3F98];
	s0 =	simm.s32 @p1 $0x1  }
0x15: {  	[smem:$0x3FB5] =	sst s0;
	s0 =	simm.s32 @!p2 $0x0  }
0x16: {  	s3 =	sld [smem:$0x3FDB];
	s0 =	simm.s32 @p2 $0x1  }
0x17: {  	s4 =	simm.s32 $0x1BF5;
	[smem:$0x3FB7] =	sst s0  }
0x18: {  	s0 =	sld [smem:$0x3F9A];
	_ =	swait.ge [sflag:s4], $0x0  }
0x19: {  	s7 =	sld [smem:$0x3F9B]  }
0x1a: {  	s8 =	sadd.s32 $0xFFFFE003, lr  }
0x1b: {  	s9 =	sadd.s32 $0xFFFFFEF7, lr;
	s5 =	simm.s32 $0xFFFFFFFF;
	p2 =	slt.u32 s8, $0xFFFFF086  }
0x1c: {  	p1 =	slt.u32 s9, $0xF7A;
	s5 =	simm.s32 @!p2 $0x0  }
0x1d: {  	s5 =	simm.s32 @p1 $0x1;
	p0 =	seq.s32 s7, s2  }
0x1e: {  	s7 =	smul.u32 @!p0 $0xF7A, s2;
	p2 =	seq.s32 @!p0 s5, $0x0  }
0x1f: {  	s9 =	smul.u32 $0xF7A, s1;
	s8 =	simm.s32 @!p0 $0x1BF5;
	p2 =	por !p2, p0  }
0x20: {  	[sflag:s8] =	ssyncset.s32 @!p0 $0xFFFFF086;
	s6 =	sadd.s32 @!p0 s3, s7;
	s7 =	simm.s32 @!p0 $0x108  }
0x21: {  	s3 =	sadd.s32 s3, s9;
	s6 =	sadd.s32 @!p0 $0x88, s6;
	s7 =	simm.s32 @p2 $0x1082  }
0x22: {  	[simem:s7], [sflag:s8] =	dma.local @!p0 [hbm:s6], $0xF7A  }
0x23: {  	s9 =	sor.u32 $0xD0000000, s2;
	s6 =	simm.s32 $0x108;
	_ =	swait.ge @!p0 [sflag:s8], $0x0  }
0x24: {  	s3 =	sadd.s32 $0x88, s3;
	s6 =	simm.s32 @!p1 $0x1082;
	[sflag:s4] =	ssyncset.s32 $0xFFFFF086  }
0x25: {  	[simem:s6], [sflag:s4] =	dma.local [hbm:s3], $0xF7A  }
0x26: {  	[smem:$0x3F9B] =	sst s1;
	(tag) =	ssettag s2;
	_ =	strace s9  }
0x27: {  	s1 =	sld [smem:$0x3FAB]  }
0x28: {  	s2 =	sld [smem:$0x3FAC]  }
0x29: {  	s4 =	sld [smem:$0x3FAE]  }
0x2a: {  	p0 =	seq.s32 s5, $0x0;
	s5 =	sld [smem:$0x3FAF]  }
0x2b: {  	s6 =	sld [smem:$0x3FB0]  }
0x2c: {  	s7 =	sld [smem:$0x3FB1]  }
0x2d: {  	s3 =	simm.s32 $0x108;
	s8 =	sld [smem:$0x3FB2]  }
0x2e: {  	s3 =	simm.s32 @!p0 $0x1082;
	s9 =	sld [smem:$0x3FB3]  }
0x2f: {  	lr =	sadd.s32 s0, s3;
	s0 =	sld [smem:$0x3FAA]  }
0x30: {  	s3 =	sld [smem:$0x3FAD]  }
0x31: {  	[smem:$0x3FB6] =	sst s10  }
0x32: {  	s10 =	sld [smem:$0x3FB4];
	_ =	sdelay $0x3  }
0x33: {  	p0 =	seq.s32 s10, $0x1;
	s10 =	sld [smem:$0x3FB6];
	_ =	sdelay $0x3  }
0x34: {  	[smem:$0x3FB6] =	sst s10  }
0x35: {  	s10 =	sld [smem:$0x3FB5];
	_ =	sdelay $0x3  }
0x36: {  	p1 =	seq.s32 s10, $0x1;
	s10 =	sld [smem:$0x3FB6];
	_ =	sdelay $0x3  }
0x37: {  	[smem:$0x3FB6] =	sst s10  }
0x38: {  	s10 =	sld [smem:$0x3FB7]  }
0x39: {  	_ = 	snop;
	(pc) =	sbr.ind lr, $3  }
0x3a: {  	_ = 	snop  }
0x3b: {  	_ = 	snop  }
0x3c: {  	p2 =	seq.s32 s10, $0x1;
	s10 =	sld [smem:$0x3FB6]  }
0x3d: {  	_ =	shalt  }
0x3e: {  	_ =	shalt  }
0x3f: {  	_ =	shalt  }
0x40: {  	_ =	shalt  }
0x41: {  	_ =	shalt  }
0x42: {  	_ =	shalt  }
0x43: {  	_ =	shalt  }
0x44: {  	_ =	shalt  }
0x45: {  	_ =	shalt  }
0x46: {  	_ =	shalt  }
0x47: {  	_ =	shalt  }
0x48: {  	_ =	shalt  }
0x49: {  	_ =	shalt  }
0x4a: {  	_ =	shalt  }
0x4b: {  	_ =	shalt  }
0x4c: {  	_ =	shalt  }
0x4d: {  	_ =	shalt  }
0x4e: {  	_ =	shalt  }
0x4f: {  	_ =	shalt  }
0x50: {  	_ =	shalt  }
0x51: {  	_ =	shalt  }
0x52: {  	_ =	shalt  }
0x53: {  	_ =	shalt  }
0x54: {  	_ =	shalt  }
0x55: {  	_ =	shalt  }
0x56: {  	_ =	shalt  }
0x57: {  	_ =	shalt  }
0x58: {  	_ =	shalt  }
0x59: {  	_ =	shalt  }
0x5a: {  	_ =	shalt  }
0x5b: {  	_ =	shalt  }
0x5c: {  	_ =	shalt  }
0x5d: {  	_ =	shalt  }
0x5e: {  	_ =	shalt  }
0x5f: {  	_ =	shalt  }
0x60: {  	_ =	shalt  }
0x61: {  	_ =	shalt  }
0x62: {  	_ =	shalt  }
0x63: {  	_ =	shalt  }
0x64: {  	_ =	shalt  }
0x65: {  	_ =	shalt  }
0x66: {  	_ =	shalt  }
0x67: {  	_ =	shalt  }
0x68: {  	_ =	shalt  }
0x69: {  	_ =	shalt  }
0x6a: {  	_ =	shalt  }
0x6b: {  	_ =	shalt  }
0x6c: {  	_ =	shalt  }
0x6d: {  	_ =	shalt  }
0x6e: {  	_ =	shalt  }
0x6f: {  	_ =	shalt  }
0x70: {  	_ =	shalt  }
0x71: {  	_ =	shalt  }
0x72: {  	_ =	shalt  }
0x73: {  	_ =	shalt  }
0x74: {  	_ =	shalt  }
0x75: {  	_ =	shalt  }
0x76: {  	_ =	shalt  }
0x77: {  	_ =	shalt  }
0x78: {  	_ =	shalt  }
0x79: {  	_ =	shalt  }
0x7a: {  	_ =	shalt  }
0x7b: {  	_ =	shalt  }
0x7c: {  	_ =	shalt  }
0x7d: {  	_ =	shalt  }
0x7e: {  	_ =	shalt  }
0x7f: {  	_ =	shalt  }
0x80: {  	_ =	shalt  }
0x81: {  	_ =	shalt  }
0x82: {  	_ =	shalt  }
0x83: {  	_ =	shalt  }
0x84: {  	_ =	shalt  }
0x85: {  	_ =	shalt  }
0x86: {  	_ =	shalt  }
0x87: {  	_ =	shalt  }
.Lfunc_end0:
.L_simem_size_0:
called_computation.1_lowered:
.L_overlay_start_0:
0x88: {  	s2 =	sld [smem:$0x3FD9]  }
0x89: {  	s3 =	sld [smem:$0x3FFE];
	_ =	sdelay $0x1  }
0x8a: {  	s1 =	srdreg.scid  }
0x8b: {  	s0 =	sand.u32 $0x1, s1  }
0x8c: {  	s17 =	sshll.u32 s0, $0xA;
	s2 =	sadd.s32 s3, s2  }
0x8d: {  	s2 =	sadd.s32 s2, s17  }
0x8e: {  	[smem:$0x3FC2] =	sst s2  }
0x8f: {  	_ = 	snop  }
0x90: {  	s2 =	sld [smem:$0x3FD0];
	(tm) =	ssettm $0x1  }
0x91: {  	s18 =	sld [smem:$0x3FFB];
	_ =	sdelay $0x3  }
0x92: {  	_ =	strace s18  }
0x93: {  	s3 =	sld [smem:$0x3FFC];
	_ =	sdelay $0x3  }
0x94: {  	_ =	strace s3  }
0x95: {  	s3 =	sld [smem:$0x3FFD];
	_ =	sdelay $0x3  }
0x96: {  	_ =	strace s3  }
0x97: {  	_ =	strace $0x8FFFFFFF  }
0x98: {  	s19 =	sld [smem:$0x3FDB];
	_ =	sdelay $0x1  }
0x99: {  	s4 =	simm.s32 $_scs_section_size  }
0x9a: {  	s5 =	simm.s32 $_size__tile_overlayer_lowered;
	s6 =	simm.s32 $_tile_overlayer_lowered  }
0x9b: {  	s22 =	simm.s32 $0x1BFF;
	s21 =	sshll.u32 s6, $0x1;
	s3 =	sadd.s32 s4, s19  }
0x9c: {  	s7 =	simm.s32 $0x0;
	s20 =	sshll.u32 s5, $0x1;
	s5 =	sadd.s32 s21, s3  }
0x9d: {  	[timem:s7], [sflag:s22] =	dma.local [hbm:s5], s20  }
0x9e: {  	_ =	swait.ge [sflag:s22], s20  }
0x9f: {  	s4 =	ssub.s32 $0x0, s20;
	[sflag:s22] =	ssyncset.done $0x0  }
0xa0: {  	[sflag:s22] =	ssyncadd.s32 s4;
	_ =	sdelay $0x1  }
0xa1: {  	s23 =	simm.s32 $0x1B8B  }
0xa2: {  	_ =	swait.ge [sflag:s23], $0x1  }
0xa3: {  	[sflag:s23] =	ssyncset.done $0x0  }
0xa4: {  	s25 =	simm.s32 $0x1B8E;
	s24 =	sld [smem:$0x3FFE];
	[sflag:s23] =	ssyncadd.s32 $0xFFFFFFFF  }
0xa5: {  	s26 =	simm.s32 $execute0_lowered;
	[smem:$0x3FD2] =	sst s25  }
0xa6: {  	s5 =	sshll.u32 s26, $0x1;
	_ =	strace $0x80000049;
	[dreg:$0x1] =	wrdreg $0xFFFFFFFF  }
0xa7: {  	s28 =	simm.s32 $_size_execute0_lowered;
	s3 =	sadd.s32 s3, s5;
	[dreg:$0x0] =	wrdreg $0x0  }
0xa8: {  	s5 =	sshll.u32 s28, $0x1;
	[dreg:$0x2] =	wrdreg s3  }
0xa9: {  	[dreg:$0x3] =	wrdreg s5  }
0xaa: {  	[dreg:$0x4] =	wrdreg $0xC0  }
0xab: {  	_ =	task [dreg:s7], $0x5FFFF  }
0xac: {  	[dreg:$0x1] =	wrdreg $0xFFFFFFFF  }
0xad: {  	[dreg:$0x0] =	wrdreg $0x60  }
0xae: {  	[dreg:$0x2] =	wrdreg s2  }
0xaf: {  	[dreg:$0x3] =	wrdreg s24  }
0xb0: {  	[dreg:$0x4] =	wrdreg $0xA8000  }
0xb1: {  	[dreg:$0x5] =	wrdreg $0x9  }
0xb2: {  	_ =	task.clear_ibuf [dreg:s7], $0x6FFFF;
	_ =	strace $0x90000049  }
0xb3: {  	s29 =	simm.s32 $0x9;
	_ =	strace $0x8000004B  }
0xb4: {  	_ =	swait.ge [sflag:s29], $0x1  }
0xb5: {  	[sflag:s29] =	ssyncadd.s32 $0xFFFFFFFF  }
0xb6: {  	_ =	strace $0x9000004B  }
0xb7: {  	_ =	sfence  }
0xb8: {  	s30 =	sld [smem:$0x0];
	_ =	sdelay $0x2  }
0xb9: {  	s31 =	sshll.u32 s1, $0xD;
	s1 =	sshrl.u32 s1, $0x2  }
0xba: {  	s3 =	sand.u32 $0x4000, s31;
	s1 =	sadd.s32 s1, s30  }
0xbb: {  	s0 =	sor.u32 s3, s0;
	s1 =	sshll.u32 s1, $0x11  }
0xbc: {  	s0 =	sor.u32 s1, s0  }
0xbd: {  	s0 =	sadd.s32 $0x8F2B, s0  }
0xbe: {  	[sflag:s0] =	ssyncadd.remote.s32 $0x1  }
0xbf: {  	_ =	sfence.sel $0xFFFF  }
0xc0: {  	[dreg:$0x0] =	wrdreg $0xFFFFFFFF;
	(pc) =	sbr.abs _section_cstart, $3  }
0xc1: {  	[dreg:$0x1] =	wrdreg $0xFFFFFFFF  }
0xc2: {  	_ =	task.clear_ibuf [dreg:s7], $0x2FFFF;
	_ =	strace $0x9FFFFFFF  }
0xc3: {  	(tm) =	ssettm $0x7FFFFFFF  }
tec
execute0_lowered:
.L_overlay_start_1:
0x0: {  	(tag) =	ssettag $0x1  }
0x1: {  	s2 =	rddreg [dreg:$0x0]  }
0x2: {  	s7 =	rddreg [dreg:$0x1]  }
0x3: {  	s3 =	rddreg [dreg:$0x2]  }
0x4: {  	s0 =	stileid.u32;
	s6 =	srdreg.scid  }
0x5: {  	s1 =	rddreg [dreg:$0x3];
	s4 =	simm.s32 $0x0;
	s15 =	simm.s32 $0x1400  }
0x6: {  	s16 =	simm.s32 $0x80;
	s17 =	simm.s32 $0x2800;
	s18 =	simm.s32 $0x6800  }
0x7: {  	s19 =	simm.s32 $0x1;
	s20 =	simm.s32 $0x2;
	s21 =	simm.s32 $0x2600  }
0x8: {  	s22 =	simm.s32 $0x1300;
	s23 =	simm.s32 $0x2680;
	s24 =	simm.s32 $0x1380  }
0x9: {  	s25 =	simm.s32 $0x2700;
	s26 =	simm.s32 $0x2780;
	s5 =	smul.u32 $0x278, s0  }
0xa: {  	s8 =	sand.u32 $0x1, s6;
	[smem:$0x7FF] =	sst s4;
	s6 =	sadd.s32 $0x84800, s7  }
0xb: {  	s31 =	sshll.u32 s0, $0x6;
	s10 =	smul.u32 $0x138800, s8;
	_ =	strace $0x8000004A  }
0xc: {  	s12 =	ssub.s32 $0x2, s8;
	s30 =	ssub.s32 $0x0, s8;
	s9 =	smin.u32 s5, $0x2498  }
0xd: {  	s8 =	sor.u32 $0x1C03, s31;
	s5 =	sadd.s32 $0x4A00, s7;
	s11 =	sshll.u32 s9, $0x7  }
0xe: {  	s29 =	sshrl.u32 s12, $0x1;
	s9 =	sshll.u32 s9, $0x4;
	s10 =	sadd.s32 s10, s11  }
0xf: {  	s12 =	ssub.s32 s12, s29;
	s9 =	sadd.s32 s9, s7;
	s10 =	sshrl.u32 s10, $0x3  }
0x10: {  	s14 =	sadd.s32 s11, s3;
	s12 =	smax.u32 s12, $0x1;
	s13 =	sadd.s32 s10, s7  }
0x11: {  	s7 =	sadd.s32 $0xF200, s9;
	s9 =	sand.u32 $0x2800, s30;
	s10 =	smul.u32 $0x5000, s0  }
0x12: {  	s11 =	sadd.s32 $0xABA00, s13;
	s13 =	sshrl.u32 s14, $0x3;
	s14 =	simm.s32 $0x3  }
.LBB2_1:
0x13: {  	[spmem:s13], [sflag:s8] =	dma.local [hbm:s7], $0x2780  }
0x14: {  	_ =	swait.ge [sflag:s14], $0x2780  }
0x15: {  	[sflag:s14] =	ssyncset.done $0x0  }
0x16: {  	[sflag:s14] =	ssyncadd.s32 $0xFFFFD880  }
0x17: {  	p1 =	por $0x1, $0x1;
	s28 =	simm.s32 $0x0;
	[bflag:$0x0] =	sbarrier.arrive $0xFFFF  }
.LBB2_2:
0x18: {  	s28 =	sor.u32 s9, s28  }
0x19: {  	s28 =	sadd.s32 s10, s28  }
0x1a: {  	s28 =	sshrl.u32 s28, $0x3  }
0x1b: {  	s30 =	simm.s32 $0x0;
	s29 =	sadd.s32 s2, s28  }
0x1c: {  	[tilespmem:s30], [sflag:$0x3] =	stream.linear.gather [hbm4b:s29+s30], $0x1400, $0x38;
	[tilespmem:$0x1E280] =	vst v63  }
0x1d: {  	_ =	swait.ge [sflag:s14], $0x1400  }
0x1e: {  	[sflag:s14] =	ssyncset.done $0x0  }
0x1f: {  	s28 =	sadd.s32 s5, s28;
	[sflag:s14] =	ssyncadd.s32 $0xFFFFEC00  }
0x20: {  	[tilespmem:s15], [sflag:$0x3] =	stream.linear.gather [hbm4b:s28+s30], $0x1400, $0x38;
	[tilespmem:$0x1E280] =	vst v63  }
0x21: {  	_ =	swait.ge [sflag:s14], $0x1400  }
0x22: {  	[sflag:s14] =	ssyncset.done $0x0  }
0x23: {  	[sflag:s14] =	ssyncadd.s32 $0xFFFFEC00  }
0x24: {  	[tilespmem:s17], [sflag:$0x1] =	stream.indirect.gather [hbm4b:s6+s16], $0x80, s30, s16, $0xb8;
	[tilespmem:$0x1E280] =	vst v63  }
0x25: {  	_ = 	snop  }
0x26: {  	[tilespmem:s18], [sflag:$0x2] =	stream.indirect.gather [hbm4b:s6+s16], $0x80, s16, s16, $0xb8;
	[tilespmem:$0x1E280] =	vst v63  }
0x27: {  	_ =	swait.ge [sflag:s19], $0x4000  }
0x28: {  	[sflag:s19] =	ssyncset.done $0x0  }
0x29: {  	s28 =	simm.s32 $0x1400;
	[sflag:s19] =	ssyncadd.s32 $0xFFFFC000  }
0x2a: {  	[spmem:s3] =	stream.indirect.scatter.add.f32 [tilespmem:s17], [sflag:$0x3], $0x80, s28, s16, $0xb8;
	[tilespmem:$0x1E280] =	vst v63  }
0x2b: {  	_ =	swait.ge [sflag:s14], $0x4000  }
0x2c: {  	[sflag:s14] =	ssyncset.done $0x0  }
0x2d: {  	s28 =	simm.s32 $0x100;
	[sflag:s14] =	ssyncadd.s32 $0xFFFFC000  }
0x2e: {  	[tilespmem:s17], [sflag:$0x1] =	stream.indirect.gather [hbm4b:s6+s16], $0x80, s28, s16, $0xb8;
	[tilespmem:$0x1E280] =	vst v63  }
0x2f: {  	_ =	swait.ge [sflag:s20], $0x4000  }
0x30: {  	[sflag:s20] =	ssyncset.done $0x0  }
0x31: {  	s28 =	simm.s32 $0x1480;
	[sflag:s20] =	ssyncadd.s32 $0xFFFFC000  }
0x32: {  	[spmem:s3] =	stream.indirect.scatter.add.f32 [tilespmem:s18], [sflag:$0x3], $0x80, s28, s16, $0xb8;
	[tilespmem:$0x1E280] =	vst v63  }
0x33: {  	_ =	swait.ge [sflag:s14], $0x4000  }
0x34: {  	p0 =	por p1, p1;
	[sflag:s14] =	ssyncset.done $0x0  }
0x35: {  	s29 =	simm.s32 $0x180;
	s28 =	simm.s32 $0x400;
	[sflag:s14] =	ssyncadd.s32 $0xFFFFC000  }
.LBB2_3:
0x36: {  	[tilespmem:s18], [sflag:$0x2] =	stream.indirect.gather [hbm4b:s6+s16], $0x80, s29, s16, $0xb8;
	[tilespmem:$0x1E280] =	vst v63  }
0x37: {  	s29 =	smov.u32 s28  }
0x38: {  	p1 =	sne.s32 s28, $0x4400;
	s28 =	sadd.s32 $0x400, s28;
	_ =	swait.ge [sflag:s19], $0x4000  }
0x39: {  	s29 =	sshra.s32 s29, $0x2;
	[sflag:s19] =	ssyncset.done $0x0  }
0x3a: {  	s30 =	sadd.s32 $0x1400, s29;
	[sflag:s19] =	ssyncadd.s32 $0xFFFFC000  }
0x3b: {  	[spmem:s3] =	stream.indirect.scatter.add.f32 [tilespmem:s17], [sflag:$0x3], $0x80, s30, s16, $0xb8;
	[tilespmem:$0x1E280] =	vst v63  }
0x3c: {  	_ =	swait.ge [sflag:s14], $0x4000  }
0x3d: {  	[sflag:s14] =	ssyncset.done $0x0  }
0x3e: {  	s30 =	sadd.s32 $0x100, s29;
	[sflag:s14] =	ssyncadd.s32 $0xFFFFC000  }
0x3f: {  	[tilespmem:s17], [sflag:$0x1] =	stream.indirect.gather [hbm4b:s6+s16], $0x80, s30, s16, $0xb8;
	[tilespmem:$0x1E280] =	vst v63  }
0x40: {  	_ =	swait.ge [sflag:s20], $0x4000  }
0x41: {  	[sflag:s20] =	ssyncset.done $0x0  }
.Ltmp0:
0x42: {  	s30 =	sadd.s32 $0x1480, s29;
	[sflag:s20] =	ssyncadd.s32 $0xFFFFC000;
	(pc) =	sbr.rel @p1 .LBB2_3-.Ltmp0, $4  }
0x43: {  	[spmem:s3] =	stream.indirect.scatter.add.f32 [tilespmem:s18], [sflag:$0x3], $0x80, s30, s16, $0xb8;
	[tilespmem:$0x1E280] =	vst v63  }
0x44: {  	_ =	swait.ge [sflag:s14], $0x4000  }
0x45: {  	[sflag:s14] =	ssyncset.done $0x0  }
0x46: {  	s29 =	sadd.s32 $0x180, s29;
	[sflag:s14] =	ssyncadd.s32 $0xFFFFC000  }
0x47: {  	[tilespmem:s18], [sflag:$0x2] =	stream.indirect.gather [hbm4b:s6+s16], $0x80, s29, s16, $0xb8;
	[tilespmem:$0x1E280] =	vst v63  }
0x48: {  	_ =	swait.ge [sflag:s19], $0x4000  }
0x49: {  	[sflag:s19] =	ssyncset.done $0x0  }
0x4a: {  	[sflag:s19] =	ssyncadd.s32 $0xFFFFC000  }
0x4b: {  	[spmem:s3] =	stream.indirect.scatter.add.f32 [tilespmem:s17], [sflag:$0x3], $0x80, s21, s16, $0xb8;
	[tilespmem:$0x1E280] =	vst v63  }
0x4c: {  	_ =	swait.ge [sflag:s14], $0x4000  }
0x4d: {  	[sflag:s14] =	ssyncset.done $0x0  }
0x4e: {  	[sflag:s14] =	ssyncadd.s32 $0xFFFFC000  }
0x4f: {  	[tilespmem:s17], [sflag:$0x1] =	stream.indirect.gather [hbm4b:s6+s16], $0x80, s22, s16, $0xb8;
	[tilespmem:$0x1E280] =	vst v63  }
0x50: {  	_ =	swait.ge [sflag:s20], $0x4000  }
0x51: {  	[sflag:s20] =	ssyncset.done $0x0  }
0x52: {  	[sflag:s20] =	ssyncadd.s32 $0xFFFFC000  }
0x53: {  	[spmem:s3] =	stream.indirect.scatter.add.f32 [tilespmem:s18], [sflag:$0x3], $0x80, s23, s16, $0xb8;
	[tilespmem:$0x1E280] =	vst v63  }
0x54: {  	_ =	swait.ge [sflag:s14], $0x4000  }
0x55: {  	[sflag:s14] =	ssyncset.done $0x0  }
0x56: {  	[sflag:s14] =	ssyncadd.s32 $0xFFFFC000  }
0x57: {  	[tilespmem:s18], [sflag:$0x2] =	stream.indirect.gather [hbm4b:s6+s16], $0x80, s24, s16, $0xb8;
	[tilespmem:$0x1E280] =	vst v63  }
0x58: {  	_ =	swait.ge [sflag:s19], $0x4000  }
0x59: {  	[sflag:s19] =	ssyncset.done $0x0  }
0x5a: {  	[sflag:s19] =	ssyncadd.s32 $0xFFFFC000  }
0x5b: {  	[spmem:s3] =	stream.indirect.scatter.add.f32 [tilespmem:s17], [sflag:$0x3], $0x80, s25, s16, $0xb8;
	[tilespmem:$0x1E280] =	vst v63  }
0x5c: {  	_ =	swait.ge [sflag:s14], $0x4000  }
0x5d: {  	[sflag:s14] =	ssyncset.done $0x0  }
0x5e: {  	[sflag:s14] =	ssyncadd.s32 $0xFFFFC000  }
0x5f: {  	[tilespmem:s17], [sflag:$0x1] =	stream.indirect.gather [hbm4b:s6+s16], $0x80, s24, s16, $0xb8;
	[tilespmem:$0x1E280] =	vst v63  }
0x60: {  	_ =	swait.ge [sflag:s20], $0x4000  }
0x61: {  	[sflag:s20] =	ssyncset.done $0x0  }
0x62: {  	[sflag:s20] =	ssyncadd.s32 $0xFFFFC000  }
0x63: {  	[spmem:s3] =	stream.indirect.scatter.add.f32 [tilespmem:s18], [sflag:$0x3], $0x80, s26, s16, $0xb8;
	[tilespmem:$0x1E280] =	vst v63  }
0x64: {  	_ =	swait.ge [sflag:s14], $0x4000  }
0x65: {  	[sflag:s14] =	ssyncset.done $0x0  }
0x66: {  	[sflag:s14] =	ssyncadd.s32 $0xFFFFC000  }
0x67: {  	[tilespmem:s18], [sflag:$0x2] =	stream.indirect.gather [hbm4b:s6+s16], $0x80, s24, s16, $0xb8;
	[tilespmem:$0x1E280] =	vst v63  }
0x68: {  	_ =	swait.ge [sflag:s19], $0x4000  }
.Ltmp1:
0x69: {  	[sflag:s19] =	ssyncset.done $0x0;
	(pc) =	sbr.rel @p0 .LBB2_2-.Ltmp1, $4  }
0x6a: {  	[sflag:s19] =	ssyncadd.s32 $0xFFFFC000  }
0x6b: {  	_ =	swait.ge [sflag:s20], $0x4000  }
0x6c: {  	[sflag:s20] =	ssyncset.done $0x0  }
0x6d: {  	s28 =	simm.s32 $0x1400;
	p1 =	por $0x0, $0x0;
	[sflag:s20] =	ssyncadd.s32 $0xFFFFC000  }
0x6e: {  	s4 =	sadd.s32 $0x1, s4  }
0x6f: {  	p0 =	sne.s32 s4, s12  }
.Ltmp2:
0x70: {  	[bflag:$0x0] =	sbarrier.arrive $0xFFFF;
	(pc) =	sbr.rel @p0 .LBB2_1-.Ltmp2, $4  }
0x71: {  	[hbm:s11], [sflag:s8] =	dma.local [spmem:s13], $0x2780  }
0x72: {  	_ =	swait.ge [sflag:s14], $0x2780  }
0x73: {  	[sflag:s14] =	ssyncset.done $0x0  }
0x74: {  	[sflag:s14] =	ssyncadd.s32 $0xFFFFD880  }
0x75: {  	_ =	sfence.sel $0x180000  }
0x76: {  	[bflag:$0x0] =	sbarrier.arrive $0xFFFF  }
0x77: {  	p0 =	sne.s32 s0, $0x0;
	_ =	strace $0x9000004A  }
0x78: {  	s0 =	sadd.s32 @!p0 $0x100000, s1;
	[bflag:$0x2] =	sbarrier.arrive $0xFFFF  }
0x79: {  	[sflag:s0] =	ssyncadd.tile.s32 @!p0 $0x1;
	_ =	shalt  }
.Lfunc_end2:
_tile_overlayer_lowered:
.L_overlay_start_2:
0x7a: {  	(tag) =	ssettag $0x2  }
0x7b: {  	s0 =	rddreg [dreg:$0x0];
	s2 =	stileid.u32  }
0x7c: {  	s1 =	rddreg [dreg:$0x1];
	p0 =	sne.s32 s2, $0x0  }
0x7d: {  	s3 =	rddreg [dreg:$0x2];
	[bflag:$0x3] =	sbarrier.arrive $0xFFFF;
	s2 =	simm.s32 @!p0 $0x1C03  }
0x7e: {  	[timem:s3], [sflag:s2] =	dma.local @!p0 [hbm:s0], s1  }
0x7f: {  	s0 =	simm.s32 @!p0 $0x3  }
0x80: {  	_ =	swait.ge @!p0 [sflag:s0], s1  }
0x81: {  	s1 =	ssub.s32 @!p0 $0x0, s1;
	[sflag:s0] =	ssyncset.done @!p0 $0x0  }
0x82: {  	[sflag:s0] =	ssyncadd.s32 @!p0 s1  }
0x83: {  	[bflag:$0x3] =	sbarrier.arrive $0xFFFF  }
0x84: {  	_ =	shalt  }

// kernel: kernel.18.cloned.1.call-start
scs
__scs_entry_jumppad:
0x0: {  	(pc) =	sbr.rel $0x88, $3  }
0x1: {  	(tag) =	ssettag $0x0;
	lr =	simm.s32 $0x1  }
0x2: {  	[smem:$0x3F9B] =	sst lr;
	_ =	strace $0xD0000000  }
0x3: {  	_ = 	snop  }
0x4: {  	_ = 	snop  }
0x5: {  	_ = 	snop  }
0x6: {  	_ = 	snop  }
0x7: {  	_ = 	snop  }
__scs_overlays_trampoline_lowered:
0x8: {  	[smem:$0x3FAA] =	sst s0  }
0x9: {  	[smem:$0x3FAB] =	sst s1  }
0xa: {  	[smem:$0x3FAC] =	sst s2  }
0xb: {  	[smem:$0x3FAD] =	sst s3  }
0xc: {  	[smem:$0x3FAE] =	sst s4  }
0xd: {  	[smem:$0x3FAF] =	sst s5  }
0xe: {  	[smem:$0x3FB0] =	sst s6  }
0xf: {  	[smem:$0x3FB1] =	sst s7  }
0x10: {  	[smem:$0x3FB2] =	sst s8  }
0x11: {  	[smem:$0x3FB3] =	sst s9;
	s0 =	simm.s32 @!p0 $0x0  }
0x12: {  	s1 =	sld [smem:$0x3F99];
	s0 =	simm.s32 @p0 $0x1  }
0x13: {  	[smem:$0x3FB4] =	sst s0;
	s0 =	simm.s32 @!p1 $0x0  }
0x14: {  	s2 =	sld [smem:$0x3F98];
	s0 =	simm.s32 @p1 $0x1  }
0x15: {  	[smem:$0x3FB5] =	sst s0;
	s0 =	simm.s32 @!p2 $0x0  }
0x16: {  	s3 =	sld [smem:$0x3FDB];
	s0 =	simm.s32 @p2 $0x1  }
0x17: {  	s4 =	simm.s32 $0x1BF5;
	[smem:$0x3FB7] =	sst s0  }
0x18: {  	s0 =	sld [smem:$0x3F9A];
	_ =	swait.ge [sflag:s4], $0x0  }
0x19: {  	s7 =	sld [smem:$0x3F9B]  }
0x1a: {  	s8 =	sadd.s32 $0xFFFFE003, lr  }
0x1b: {  	s9 =	sadd.s32 $0xFFFFFEF7, lr;
	s5 =	simm.s32 $0xFFFFFFFF;
	p2 =	slt.u32 s8, $0xFFFFF086  }
0x1c: {  	p1 =	slt.u32 s9, $0xF7A;
	s5 =	simm.s32 @!p2 $0x0  }
0x1d: {  	s5 =	simm.s32 @p1 $0x1;
	p0 =	seq.s32 s7, s2  }
0x1e: {  	s7 =	smul.u32 @!p0 $0xF7A, s2;
	p2 =	seq.s32 @!p0 s5, $0x0  }
0x1f: {  	s9 =	smul.u32 $0xF7A, s1;
	s8 =	simm.s32 @!p0 $0x1BF5;
	p2 =	por !p2, p0  }
0x20: {  	[sflag:s8] =	ssyncset.s32 @!p0 $0xFFFFF086;
	s6 =	sadd.s32 @!p0 s3, s7;
	s7 =	simm.s32 @!p0 $0x108  }
0x21: {  	s3 =	sadd.s32 s3, s9;
	s6 =	sadd.s32 @!p0 $0x88, s6;
	s7 =	simm.s32 @p2 $0x1082  }
0x22: {  	[simem:s7], [sflag:s8] =	dma.local @!p0 [hbm:s6], $0xF7A  }
0x23: {  	s9 =	sor.u32 $0xD0000000, s2;
	s6 =	simm.s32 $0x108;
	_ =	swait.ge @!p0 [sflag:s8], $0x0  }
0x24: {  	s3 =	sadd.s32 $0x88, s3;
	s6 =	simm.s32 @!p1 $0x1082;
	[sflag:s4] =	ssyncset.s32 $0xFFFFF086  }
0x25: {  	[simem:s6], [sflag:s4] =	dma.local [hbm:s3], $0xF7A  }
0x26: {  	[smem:$0x3F9B] =	sst s1;
	(tag) =	ssettag s2;
	_ =	strace s9  }
0x27: {  	s1 =	sld [smem:$0x3FAB]  }
0x28: {  	s2 =	sld [smem:$0x3FAC]  }
0x29: {  	s4 =	sld [smem:$0x3FAE]  }
0x2a: {  	p0 =	seq.s32 s5, $0x0;
	s5 =	sld [smem:$0x3FAF]  }
0x2b: {  	s6 =	sld [smem:$0x3FB0]  }
0x2c: {  	s7 =	sld [smem:$0x3FB1]  }
0x2d: {  	s3 =	simm.s32 $0x108;
	s8 =	sld [smem:$0x3FB2]  }
0x2e: {  	s3 =	simm.s32 @!p0 $0x1082;
	s9 =	sld [smem:$0x3FB3]  }
0x2f: {  	lr =	sadd.s32 s0, s3;
	s0 =	sld [smem:$0x3FAA]  }
0x30: {  	s3 =	sld [smem:$0x3FAD]  }
0x31: {  	[smem:$0x3FB6] =	sst s10  }
0x32: {  	s10 =	sld [smem:$0x3FB4];
	_ =	sdelay $0x3  }
0x33: {  	p0 =	seq.s32 s10, $0x1;
	s10 =	sld [smem:$0x3FB6];
	_ =	sdelay $0x3  }
0x34: {  	[smem:$0x3FB6] =	sst s10  }
0x35: {  	s10 =	sld [smem:$0x3FB5];
	_ =	sdelay $0x3  }
0x36: {  	p1 =	seq.s32 s10, $0x1;
	s10 =	sld [smem:$0x3FB6];
	_ =	sdelay $0x3  }
0x37: {  	[smem:$0x3FB6] =	sst s10  }
0x38: {  	s10 =	sld [smem:$0x3FB7]  }
0x39: {  	_ = 	snop;
	(pc) =	sbr.ind lr, $3  }
0x3a: {  	_ = 	snop  }
0x3b: {  	_ = 	snop  }
0x3c: {  	p2 =	seq.s32 s10, $0x1;
	s10 =	sld [smem:$0x3FB6]  }
0x3d: {  	_ =	shalt  }
0x3e: {  	_ =	shalt  }
0x3f: {  	_ =	shalt  }
0x40: {  	_ =	shalt  }
0x41: {  	_ =	shalt  }
0x42: {  	_ =	shalt  }
0x43: {  	_ =	shalt  }
0x44: {  	_ =	shalt  }
0x45: {  	_ =	shalt  }
0x46: {  	_ =	shalt  }
0x47: {  	_ =	shalt  }
0x48: {  	_ =	shalt  }
0x49: {  	_ =	shalt  }
0x4a: {  	_ =	shalt  }
0x4b: {  	_ =	shalt  }
0x4c: {  	_ =	shalt  }
0x4d: {  	_ =	shalt  }
0x4e: {  	_ =	shalt  }
0x4f: {  	_ =	shalt  }
0x50: {  	_ =	shalt  }
0x51: {  	_ =	shalt  }
0x52: {  	_ =	shalt  }
0x53: {  	_ =	shalt  }
0x54: {  	_ =	shalt  }
0x55: {  	_ =	shalt  }
0x56: {  	_ =	shalt  }
0x57: {  	_ =	shalt  }
0x58: {  	_ =	shalt  }
0x59: {  	_ =	shalt  }
0x5a: {  	_ =	shalt  }
0x5b: {  	_ =	shalt  }
0x5c: {  	_ =	shalt  }
0x5d: {  	_ =	shalt  }
0x5e: {  	_ =	shalt  }
0x5f: {  	_ =	shalt  }
0x60: {  	_ =	shalt  }
0x61: {  	_ =	shalt  }
0x62: {  	_ =	shalt  }
0x63: {  	_ =	shalt  }
0x64: {  	_ =	shalt  }
0x65: {  	_ =	shalt  }
0x66: {  	_ =	shalt  }
0x67: {  	_ =	shalt  }
0x68: {  	_ =	shalt  }
0x69: {  	_ =	shalt  }
0x6a: {  	_ =	shalt  }
0x6b: {  	_ =	shalt  }
0x6c: {  	_ =	shalt  }
0x6d: {  	_ =	shalt  }
0x6e: {  	_ =	shalt  }
0x6f: {  	_ =	shalt  }
0x70: {  	_ =	shalt  }
0x71: {  	_ =	shalt  }
0x72: {  	_ =	shalt  }
0x73: {  	_ =	shalt  }
0x74: {  	_ =	shalt  }
0x75: {  	_ =	shalt  }
0x76: {  	_ =	shalt  }
0x77: {  	_ =	shalt  }
0x78: {  	_ =	shalt  }
0x79: {  	_ =	shalt  }
0x7a: {  	_ =	shalt  }
0x7b: {  	_ =	shalt  }
0x7c: {  	_ =	shalt  }
0x7d: {  	_ =	shalt  }
0x7e: {  	_ =	shalt  }
0x7f: {  	_ =	shalt  }
0x80: {  	_ =	shalt  }
0x81: {  	_ =	shalt  }
0x82: {  	_ =	shalt  }
0x83: {  	_ =	shalt  }
0x84: {  	_ =	shalt  }
0x85: {  	_ =	shalt  }
0x86: {  	_ =	shalt  }
0x87: {  	_ =	shalt  }
.Lfunc_end0:
.L_simem_size_0:
called_computation.2_lowered:
.L_overlay_start_0:
0x88: {  	s2 =	sld [smem:$0x3FD9]  }
0x89: {  	s3 =	sld [smem:$0x3FFE];
	_ =	sdelay $0x1  }
0x8a: {  	s1 =	srdreg.scid  }
0x8b: {  	s0 =	sand.u32 $0x1, s1  }
0x8c: {  	s17 =	sshll.u32 s0, $0xA;
	s2 =	sadd.s32 s3, s2  }
0x8d: {  	s2 =	sadd.s32 s2, s17  }
0x8e: {  	[smem:$0x3FC2] =	sst s2  }
0x8f: {  	_ = 	snop  }
0x90: {  	s2 =	sld [smem:$0x3FD0];
	(tm) =	ssettm $0x1  }
0x91: {  	s18 =	sld [smem:$0x3FFB];
	_ =	sdelay $0x3  }
0x92: {  	_ =	strace s18  }
0x93: {  	s3 =	sld [smem:$0x3FFC];
	_ =	sdelay $0x3  }
0x94: {  	_ =	strace s3  }
0x95: {  	s3 =	sld [smem:$0x3FFD];
	_ =	sdelay $0x3  }
0x96: {  	_ =	strace s3  }
0x97: {  	_ =	strace $0x8FFFFFFF  }
0x98: {  	s19 =	sld [smem:$0x3FDB];
	_ =	sdelay $0x1  }
0x99: {  	s4 =	simm.s32 $_scs_section_size  }
0x9a: {  	s5 =	simm.s32 $_size__tile_overlayer_lowered;
	s6 =	simm.s32 $_tile_overlayer_lowered  }
0x9b: {  	s22 =	simm.s32 $0x1BFF;
	s21 =	sshll.u32 s6, $0x1;
	s3 =	sadd.s32 s4, s19  }
0x9c: {  	s7 =	simm.s32 $0x0;
	s20 =	sshll.u32 s5, $0x1;
	s5 =	sadd.s32 s21, s3  }
0x9d: {  	[timem:s7], [sflag:s22] =	dma.local [hbm:s5], s20  }
0x9e: {  	_ =	swait.ge [sflag:s22], s20  }
0x9f: {  	s4 =	ssub.s32 $0x0, s20;
	[sflag:s22] =	ssyncset.done $0x0  }
0xa0: {  	[sflag:s22] =	ssyncadd.s32 s4;
	_ =	sdelay $0x1  }
0xa1: {  	s23 =	simm.s32 $0x1B8B  }
0xa2: {  	_ =	swait.ge [sflag:s23], $0x1  }
0xa3: {  	[sflag:s23] =	ssyncset.done $0x0  }
0xa4: {  	s25 =	simm.s32 $0x1B8E;
	s24 =	sld [smem:$0x3FFE];
	[sflag:s23] =	ssyncadd.s32 $0xFFFFFFFF  }
0xa5: {  	s26 =	simm.s32 $execute0_lowered;
	[smem:$0x3FD2] =	sst s25  }
0xa6: {  	s5 =	sshll.u32 s26, $0x1;
	_ =	strace $0x8000004C;
	[dreg:$0x1] =	wrdreg $0xFFFFFFFF  }
0xa7: {  	s28 =	simm.s32 $_size_execute0_lowered;
	s3 =	sadd.s32 s3, s5;
	[dreg:$0x0] =	wrdreg $0x0  }
0xa8: {  	s5 =	sshll.u32 s28, $0x1;
	[dreg:$0x2] =	wrdreg s3  }
0xa9: {  	[dreg:$0x3] =	wrdreg s5  }
0xaa: {  	[dreg:$0x4] =	wrdreg $0xC0  }
0xab: {  	_ =	task [dreg:s7], $0x5FFFF  }
0xac: {  	[dreg:$0x1] =	wrdreg $0xFFFFFFFF  }
0xad: {  	[dreg:$0x0] =	wrdreg $0x60  }
0xae: {  	[dreg:$0x2] =	wrdreg s2  }
0xaf: {  	[dreg:$0x3] =	wrdreg s24  }
0xb0: {  	[dreg:$0x4] =	wrdreg $0xA8000  }
0xb1: {  	[dreg:$0x5] =	wrdreg $0x9  }
0xb2: {  	_ =	task.clear_ibuf [dreg:s7], $0x6FFFF;
	_ =	strace $0x9000004C  }
0xb3: {  	s29 =	simm.s32 $0x9;
	_ =	strace $0x8000004E  }
0xb4: {  	_ =	swait.ge [sflag:s29], $0x1  }
0xb5: {  	[sflag:s29] =	ssyncadd.s32 $0xFFFFFFFF  }
0xb6: {  	_ =	strace $0x9000004E  }
0xb7: {  	_ =	sfence  }
0xb8: {  	s30 =	sld [smem:$0x0];
	_ =	sdelay $0x2  }
0xb9: {  	s31 =	sshll.u32 s1, $0xD;
	s1 =	sshrl.u32 s1, $0x2  }
0xba: {  	s3 =	sand.u32 $0x4000, s31;
	s1 =	sadd.s32 s1, s30  }
0xbb: {  	s0 =	sor.u32 s3, s0;
	s1 =	sshll.u32 s1, $0x11  }
0xbc: {  	s0 =	sor.u32 s1, s0  }
0xbd: {  	s0 =	sadd.s32 $0x8F2B, s0  }
0xbe: {  	[sflag:s0] =	ssyncadd.remote.s32 $0x1  }
0xbf: {  	_ =	sfence.sel $0xFFFF  }
0xc0: {  	[dreg:$0x0] =	wrdreg $0xFFFFFFFF;
	(pc) =	sbr.abs _section_cstart, $3  }
0xc1: {  	[dreg:$0x1] =	wrdreg $0xFFFFFFFF  }
0xc2: {  	_ =	task.clear_ibuf [dreg:s7], $0x2FFFF;
	_ =	strace $0x9FFFFFFF  }
0xc3: {  	(tm) =	ssettm $0x7FFFFFFF  }
tec
execute0_lowered:
.L_overlay_start_1:
0x0: {  	(tag) =	ssettag $0x1  }
0x1: {  	s2 =	rddreg [dreg:$0x0]  }
0x2: {  	s7 =	rddreg [dreg:$0x1]  }
0x3: {  	s3 =	rddreg [dreg:$0x2]  }
0x4: {  	s0 =	stileid.u32;
	s6 =	srdreg.scid  }
0x5: {  	s1 =	rddreg [dreg:$0x3];
	s4 =	simm.s32 $0x0;
	s15 =	simm.s32 $0x1400  }
0x6: {  	s16 =	simm.s32 $0x80;
	s17 =	simm.s32 $0x2800;
	s18 =	simm.s32 $0x6800  }
0x7: {  	s19 =	simm.s32 $0x1;
	s20 =	simm.s32 $0x2;
	s21 =	simm.s32 $0x2600  }
0x8: {  	s22 =	simm.s32 $0x1300;
	s23 =	simm.s32 $0x2680;
	s24 =	simm.s32 $0x1380  }
0x9: {  	s25 =	simm.s32 $0x2700;
	s26 =	simm.s32 $0x2780;
	s5 =	smul.u32 $0x278, s0  }
0xa: {  	s8 =	sand.u32 $0x1, s6;
	[smem:$0x7FF] =	sst s4;
	s6 =	sadd.s32 $0x84800, s7  }
0xb: {  	s31 =	sshll.u32 s0, $0x6;
	s10 =	smul.u32 $0x138800, s8;
	_ =	strace $0x8000004D  }
0xc: {  	s12 =	ssub.s32 $0x2, s8;
	s30 =	ssub.s32 $0x0, s8;
	s9 =	smin.u32 s5, $0x2498  }
0xd: {  	s8 =	sor.u32 $0x1C03, s31;
	s5 =	sadd.s32 $0x4A00, s7;
	s11 =	sshll.u32 s9, $0x7  }
0xe: {  	s29 =	sshrl.u32 s12, $0x1;
	s9 =	sshll.u32 s9, $0x4;
	s10 =	sadd.s32 s10, s11  }
0xf: {  	s12 =	ssub.s32 s12, s29;
	s9 =	sadd.s32 s9, s7;
	s10 =	sshrl.u32 s10, $0x3  }
0x10: {  	s14 =	sadd.s32 s11, s3;
	s12 =	smax.u32 s12, $0x1;
	s13 =	sadd.s32 s10, s7  }
0x11: {  	s7 =	sadd.s32 $0xF200, s9;
	s9 =	sand.u32 $0x2800, s30;
	s10 =	smul.u32 $0x5000, s0  }
0x12: {  	s11 =	sadd.s32 $0xABA00, s13;
	s13 =	sshrl.u32 s14, $0x3;
	s14 =	simm.s32 $0x3  }
.LBB2_1:
0x13: {  	[spmem:s13], [sflag:s8] =	dma.local [hbm:s7], $0x2780  }
0x14: {  	_ =	swait.ge [sflag:s14], $0x2780  }
0x15: {  	[sflag:s14] =	ssyncset.done $0x0  }
0x16: {  	[sflag:s14] =	ssyncadd.s32 $0xFFFFD880  }
0x17: {  	p1 =	por $0x1, $0x1;
	s28 =	simm.s32 $0x0;
	[bflag:$0x0] =	sbarrier.arrive $0xFFFF  }
.LBB2_2:
0x18: {  	s28 =	sor.u32 s9, s28  }
0x19: {  	s28 =	sadd.s32 s10, s28  }
0x1a: {  	s28 =	sshrl.u32 s28, $0x3  }
0x1b: {  	s30 =	simm.s32 $0x0;
	s29 =	sadd.s32 s2, s28  }
0x1c: {  	[tilespmem:s30], [sflag:$0x3] =	stream.linear.gather [hbm4b:s29+s30], $0x1400, $0x38;
	[tilespmem:$0x1E280] =	vst v63  }
0x1d: {  	_ =	swait.ge [sflag:s14], $0x1400  }
0x1e: {  	[sflag:s14] =	ssyncset.done $0x0  }
0x1f: {  	s28 =	sadd.s32 s5, s28;
	[sflag:s14] =	ssyncadd.s32 $0xFFFFEC00  }
0x20: {  	[tilespmem:s15], [sflag:$0x3] =	stream.linear.gather [hbm4b:s28+s30], $0x1400, $0x38;
	[tilespmem:$0x1E280] =	vst v63  }
0x21: {  	_ =	swait.ge [sflag:s14], $0x1400  }
0x22: {  	[sflag:s14] =	ssyncset.done $0x0  }
0x23: {  	[sflag:s14] =	ssyncadd.s32 $0xFFFFEC00  }
0x24: {  	[tilespmem:s17], [sflag:$0x1] =	stream.indirect.gather [hbm4b:s6+s16], $0x80, s30, s16, $0xb8;
	[tilespmem:$0x1E280] =	vst v63  }
0x25: {  	_ = 	snop  }
0x26: {  	[tilespmem:s18], [sflag:$0x2] =	stream.indirect.gather [hbm4b:s6+s16], $0x80, s16, s16, $0xb8;
	[tilespmem:$0x1E280] =	vst v63  }
0x27: {  	_ =	swait.ge [sflag:s19], $0x4000  }
0x28: {  	[sflag:s19] =	ssyncset.done $0x0  }
0x29: {  	s28 =	simm.s32 $0x1400;
	[sflag:s19] =	ssyncadd.s32 $0xFFFFC000  }
0x2a: {  	[spmem:s3] =	stream.indirect.scatter.add.f32 [tilespmem:s17], [sflag:$0x3], $0x80, s28, s16, $0xb8;
	[tilespmem:$0x1E280] =	vst v63  }
0x2b: {  	_ =	swait.ge [sflag:s14], $0x4000  }
0x2c: {  	[sflag:s14] =	ssyncset.done $0x0  }
0x2d: {  	s28 =	simm.s32 $0x100;
	[sflag:s14] =	ssyncadd.s32 $0xFFFFC000  }
0x2e: {  	[tilespmem:s17], [sflag:$0x1] =	stream.indirect.gather [hbm4b:s6+s16], $0x80, s28, s16, $0xb8;
	[tilespmem:$0x1E280] =	vst v63  }
0x2f: {  	_ =	swait.ge [sflag:s20], $0x4000  }
0x30: {  	[sflag:s20] =	ssyncset.done $0x0  }
0x31: {  	s28 =	simm.s32 $0x1480;
	[sflag:s20] =	ssyncadd.s32 $0xFFFFC000  }
0x32: {  	[spmem:s3] =	stream.indirect.scatter.add.f32 [tilespmem:s18], [sflag:$0x3], $0x80, s28, s16, $0xb8;
	[tilespmem:$0x1E280] =	vst v63  }
0x33: {  	_ =	swait.ge [sflag:s14], $0x4000  }
0x34: {  	p0 =	por p1, p1;
	[sflag:s14] =	ssyncset.done $0x0  }
0x35: {  	s29 =	simm.s32 $0x180;
	s28 =	simm.s32 $0x400;
	[sflag:s14] =	ssyncadd.s32 $0xFFFFC000  }
.LBB2_3:
0x36: {  	[tilespmem:s18], [sflag:$0x2] =	stream.indirect.gather [hbm4b:s6+s16], $0x80, s29, s16, $0xb8;
	[tilespmem:$0x1E280] =	vst v63  }
0x37: {  	s29 =	smov.u32 s28  }
0x38: {  	p1 =	sne.s32 s28, $0x4400;
	s28 =	sadd.s32 $0x400, s28;
	_ =	swait.ge [sflag:s19], $0x4000  }
0x39: {  	s29 =	sshra.s32 s29, $0x2;
	[sflag:s19] =	ssyncset.done $0x0  }
0x3a: {  	s30 =	sadd.s32 $0x1400, s29;
	[sflag:s19] =	ssyncadd.s32 $0xFFFFC000  }
0x3b: {  	[spmem:s3] =	stream.indirect.scatter.add.f32 [tilespmem:s17], [sflag:$0x3], $0x80, s30, s16, $0xb8;
	[tilespmem:$0x1E280] =	vst v63  }
0x3c: {  	_ =	swait.ge [sflag:s14], $0x4000  }
0x3d: {  	[sflag:s14] =	ssyncset.done $0x0  }
0x3e: {  	s30 =	sadd.s32 $0x100, s29;
	[sflag:s14] =	ssyncadd.s32 $0xFFFFC000  }
0x3f: {  	[tilespmem:s17], [sflag:$0x1] =	stream.indirect.gather [hbm4b:s6+s16], $0x80, s30, s16, $0xb8;
	[tilespmem:$0x1E280] =	vst v63  }
0x40: {  	_ =	swait.ge [sflag:s20], $0x4000  }
0x41: {  	[sflag:s20] =	ssyncset.done $0x0  }
.Ltmp0:
0x42: {  	s30 =	sadd.s32 $0x1480, s29;
	[sflag:s20] =	ssyncadd.s32 $0xFFFFC000;
	(pc) =	sbr.rel @p1 .LBB2_3-.Ltmp0, $4  }
0x43: {  	[spmem:s3] =	stream.indirect.scatter.add.f32 [tilespmem:s18], [sflag:$0x3], $0x80, s30, s16, $0xb8;
	[tilespmem:$0x1E280] =	vst v63  }
0x44: {  	_ =	swait.ge [sflag:s14], $0x4000  }
0x45: {  	[sflag:s14] =	ssyncset.done $0x0  }
0x46: {  	s29 =	sadd.s32 $0x180, s29;
	[sflag:s14] =	ssyncadd.s32 $0xFFFFC000  }
0x47: {  	[tilespmem:s18], [sflag:$0x2] =	stream.indirect.gather [hbm4b:s6+s16], $0x80, s29, s16, $0xb8;
	[tilespmem:$0x1E280] =	vst v63  }
0x48: {  	_ =	swait.ge [sflag:s19], $0x4000  }
0x49: {  	[sflag:s19] =	ssyncset.done $0x0  }
0x4a: {  	[sflag:s19] =	ssyncadd.s32 $0xFFFFC000  }
0x4b: {  	[spmem:s3] =	stream.indirect.scatter.add.f32 [tilespmem:s17], [sflag:$0x3], $0x80, s21, s16, $0xb8;
	[tilespmem:$0x1E280] =	vst v63  }
0x4c: {  	_ =	swait.ge [sflag:s14], $0x4000  }
0x4d: {  	[sflag:s14] =	ssyncset.done $0x0  }
0x4e: {  	[sflag:s14] =	ssyncadd.s32 $0xFFFFC000  }
0x4f: {  	[tilespmem:s17], [sflag:$0x1] =	stream.indirect.gather [hbm4b:s6+s16], $0x80, s22, s16, $0xb8;
	[tilespmem:$0x1E280] =	vst v63  }
0x50: {  	_ =	swait.ge [sflag:s20], $0x4000  }
0x51: {  	[sflag:s20] =	ssyncset.done $0x0  }
0x52: {  	[sflag:s20] =	ssyncadd.s32 $0xFFFFC000  }
0x53: {  	[spmem:s3] =	stream.indirect.scatter.add.f32 [tilespmem:s18], [sflag:$0x3], $0x80, s23, s16, $0xb8;
	[tilespmem:$0x1E280] =	vst v63  }
0x54: {  	_ =	swait.ge [sflag:s14], $0x4000  }
0x55: {  	[sflag:s14] =	ssyncset.done $0x0  }
0x56: {  	[sflag:s14] =	ssyncadd.s32 $0xFFFFC000  }
0x57: {  	[tilespmem:s18], [sflag:$0x2] =	stream.indirect.gather [hbm4b:s6+s16], $0x80, s24, s16, $0xb8;
	[tilespmem:$0x1E280] =	vst v63  }
0x58: {  	_ =	swait.ge [sflag:s19], $0x4000  }
0x59: {  	[sflag:s19] =	ssyncset.done $0x0  }
0x5a: {  	[sflag:s19] =	ssyncadd.s32 $0xFFFFC000  }
0x5b: {  	[spmem:s3] =	stream.indirect.scatter.add.f32 [tilespmem:s17], [sflag:$0x3], $0x80, s25, s16, $0xb8;
	[tilespmem:$0x1E280] =	vst v63  }
0x5c: {  	_ =	swait.ge [sflag:s14], $0x4000  }
0x5d: {  	[sflag:s14] =	ssyncset.done $0x0  }
0x5e: {  	[sflag:s14] =	ssyncadd.s32 $0xFFFFC000  }
0x5f: {  	[tilespmem:s17], [sflag:$0x1] =	stream.indirect.gather [hbm4b:s6+s16], $0x80, s24, s16, $0xb8;
	[tilespmem:$0x1E280] =	vst v63  }
0x60: {  	_ =	swait.ge [sflag:s20], $0x4000  }
0x61: {  	[sflag:s20] =	ssyncset.done $0x0  }
0x62: {  	[sflag:s20] =	ssyncadd.s32 $0xFFFFC000  }
0x63: {  	[spmem:s3] =	stream.indirect.scatter.add.f32 [tilespmem:s18], [sflag:$0x3], $0x80, s26, s16, $0xb8;
	[tilespmem:$0x1E280] =	vst v63  }
0x64: {  	_ =	swait.ge [sflag:s14], $0x4000  }
0x65: {  	[sflag:s14] =	ssyncset.done $0x0  }
0x66: {  	[sflag:s14] =	ssyncadd.s32 $0xFFFFC000  }
0x67: {  	[tilespmem:s18], [sflag:$0x2] =	stream.indirect.gather [hbm4b:s6+s16], $0x80, s24, s16, $0xb8;
	[tilespmem:$0x1E280] =	vst v63  }
0x68: {  	_ =	swait.ge [sflag:s19], $0x4000  }
.Ltmp1:
0x69: {  	[sflag:s19] =	ssyncset.done $0x0;
	(pc) =	sbr.rel @p0 .LBB2_2-.Ltmp1, $4  }
0x6a: {  	[sflag:s19] =	ssyncadd.s32 $0xFFFFC000  }
0x6b: {  	_ =	swait.ge [sflag:s20], $0x4000  }
0x6c: {  	[sflag:s20] =	ssyncset.done $0x0  }
0x6d: {  	s28 =	simm.s32 $0x1400;
	p1 =	por $0x0, $0x0;
	[sflag:s20] =	ssyncadd.s32 $0xFFFFC000  }
0x6e: {  	s4 =	sadd.s32 $0x1, s4  }
0x6f: {  	p0 =	sne.s32 s4, s12  }
.Ltmp2:
0x70: {  	[bflag:$0x0] =	sbarrier.arrive $0xFFFF;
	(pc) =	sbr.rel @p0 .LBB2_1-.Ltmp2, $4  }
0x71: {  	[hbm:s11], [sflag:s8] =	dma.local [spmem:s13], $0x2780  }
0x72: {  	_ =	swait.ge [sflag:s14], $0x2780  }
0x73: {  	[sflag:s14] =	ssyncset.done $0x0  }
0x74: {  	[sflag:s14] =	ssyncadd.s32 $0xFFFFD880  }
0x75: {  	_ =	sfence.sel $0x180000  }
0x76: {  	[bflag:$0x0] =	sbarrier.arrive $0xFFFF  }
0x77: {  	p0 =	sne.s32 s0, $0x0;
	_ =	strace $0x9000004D  }
0x78: {  	s0 =	sadd.s32 @!p0 $0x100000, s1;
	[bflag:$0x2] =	sbarrier.arrive $0xFFFF  }
0x79: {  	[sflag:s0] =	ssyncadd.tile.s32 @!p0 $0x1;
	_ =	shalt  }
.Lfunc_end2:
_tile_overlayer_lowered:
.L_overlay_start_2:
0x7a: {  	(tag) =	ssettag $0x2  }
0x7b: {  	s0 =	rddreg [dreg:$0x0];
	s2 =	stileid.u32  }
0x7c: {  	s1 =	rddreg [dreg:$0x1];
	p0 =	sne.s32 s2, $0x0  }
0x7d: {  	s3 =	rddreg [dreg:$0x2];
	[bflag:$0x3] =	sbarrier.arrive $0xFFFF;
	s2 =	simm.s32 @!p0 $0x1C03  }
0x7e: {  	[timem:s3], [sflag:s2] =	dma.local @!p0 [hbm:s0], s1  }
0x7f: {  	s0 =	simm.s32 @!p0 $0x3  }
0x80: {  	_ =	swait.ge @!p0 [sflag:s0], s1  }
0x81: {  	s1 =	ssub.s32 @!p0 $0x0, s1;
	[sflag:s0] =	ssyncset.done @!p0 $0x0  }
0x82: {  	[sflag:s0] =	ssyncadd.s32 @!p0 s1  }
0x83: {  	[bflag:$0x3] =	sbarrier.arrive $0xFFFF  }
0x84: {  	_ =	shalt  }

// kernel: kernel.21.cloned.1.call-start
scs
__scs_entry_jumppad:
0x0: {  	(pc) =	sbr.rel $0x88, $3  }
0x1: {  	(tag) =	ssettag $0x0;
	lr =	simm.s32 $0x1  }
0x2: {  	[smem:$0x3F9B] =	sst lr;
	_ =	strace $0xD0000000  }
0x3: {  	_ = 	snop  }
0x4: {  	_ = 	snop  }
0x5: {  	_ = 	snop  }
0x6: {  	_ = 	snop  }
0x7: {  	_ = 	snop  }
__scs_overlays_trampoline_lowered:
0x8: {  	[smem:$0x3FAA] =	sst s0  }
0x9: {  	[smem:$0x3FAB] =	sst s1  }
0xa: {  	[smem:$0x3FAC] =	sst s2  }
0xb: {  	[smem:$0x3FAD] =	sst s3  }
0xc: {  	[smem:$0x3FAE] =	sst s4  }
0xd: {  	[smem:$0x3FAF] =	sst s5  }
0xe: {  	[smem:$0x3FB0] =	sst s6  }
0xf: {  	[smem:$0x3FB1] =	sst s7  }
0x10: {  	[smem:$0x3FB2] =	sst s8  }
0x11: {  	[smem:$0x3FB3] =	sst s9;
	s0 =	simm.s32 @!p0 $0x0  }
0x12: {  	s1 =	sld [smem:$0x3F99];
	s0 =	simm.s32 @p0 $0x1  }
0x13: {  	[smem:$0x3FB4] =	sst s0;
	s0 =	simm.s32 @!p1 $0x0  }
0x14: {  	s2 =	sld [smem:$0x3F98];
	s0 =	simm.s32 @p1 $0x1  }
0x15: {  	[smem:$0x3FB5] =	sst s0;
	s0 =	simm.s32 @!p2 $0x0  }
0x16: {  	s3 =	sld [smem:$0x3FDB];
	s0 =	simm.s32 @p2 $0x1  }
0x17: {  	s4 =	simm.s32 $0x1BF5;
	[smem:$0x3FB7] =	sst s0  }
0x18: {  	s0 =	sld [smem:$0x3F9A];
	_ =	swait.ge [sflag:s4], $0x0  }
0x19: {  	s7 =	sld [smem:$0x3F9B]  }
0x1a: {  	s8 =	sadd.s32 $0xFFFFE003, lr  }
0x1b: {  	s9 =	sadd.s32 $0xFFFFFEF7, lr;
	s5 =	simm.s32 $0xFFFFFFFF;
	p2 =	slt.u32 s8, $0xFFFFF086  }
0x1c: {  	p1 =	slt.u32 s9, $0xF7A;
	s5 =	simm.s32 @!p2 $0x0  }
0x1d: {  	s5 =	simm.s32 @p1 $0x1;
	p0 =	seq.s32 s7, s2  }
0x1e: {  	s7 =	smul.u32 @!p0 $0xF7A, s2;
	p2 =	seq.s32 @!p0 s5, $0x0  }
0x1f: {  	s9 =	smul.u32 $0xF7A, s1;
	s8 =	simm.s32 @!p0 $0x1BF5;
	p2 =	por !p2, p0  }
0x20: {  	[sflag:s8] =	ssyncset.s32 @!p0 $0xFFFFF086;
	s6 =	sadd.s32 @!p0 s3, s7;
	s7 =	simm.s32 @!p0 $0x108  }
0x21: {  	s3 =	sadd.s32 s3, s9;
	s6 =	sadd.s32 @!p0 $0x88, s6;
	s7 =	simm.s32 @p2 $0x1082  }
0x22: {  	[simem:s7], [sflag:s8] =	dma.local @!p0 [hbm:s6], $0xF7A  }
0x23: {  	s9 =	sor.u32 $0xD0000000, s2;
	s6 =	simm.s32 $0x108;
	_ =	swait.ge @!p0 [sflag:s8], $0x0  }
0x24: {  	s3 =	sadd.s32 $0x88, s3;
	s6 =	simm.s32 @!p1 $0x1082;
	[sflag:s4] =	ssyncset.s32 $0xFFFFF086  }
0x25: {  	[simem:s6], [sflag:s4] =	dma.local [hbm:s3], $0xF7A  }
0x26: {  	[smem:$0x3F9B] =	sst s1;
	(tag) =	ssettag s2;
	_ =	strace s9  }
0x27: {  	s1 =	sld [smem:$0x3FAB]  }
0x28: {  	s2 =	sld [smem:$0x3FAC]  }
0x29: {  	s4 =	sld [smem:$0x3FAE]  }
0x2a: {  	p0 =	seq.s32 s5, $0x0;
	s5 =	sld [smem:$0x3FAF]  }
0x2b: {  	s6 =	sld [smem:$0x3FB0]  }
0x2c: {  	s7 =	sld [smem:$0x3FB1]  }
0x2d: {  	s3 =	simm.s32 $0x108;
	s8 =	sld [smem:$0x3FB2]  }
0x2e: {  	s3 =	simm.s32 @!p0 $0x1082;
	s9 =	sld [smem:$0x3FB3]  }
0x2f: {  	lr =	sadd.s32 s0, s3;
	s0 =	sld [smem:$0x3FAA]  }
0x30: {  	s3 =	sld [smem:$0x3FAD]  }
0x31: {  	[smem:$0x3FB6] =	sst s10  }
0x32: {  	s10 =	sld [smem:$0x3FB4];
	_ =	sdelay $0x3  }
0x33: {  	p0 =	seq.s32 s10, $0x1;
	s10 =	sld [smem:$0x3FB6];
	_ =	sdelay $0x3  }
0x34: {  	[smem:$0x3FB6] =	sst s10  }
0x35: {  	s10 =	sld [smem:$0x3FB5];
	_ =	sdelay $0x3  }
0x36: {  	p1 =	seq.s32 s10, $0x1;
	s10 =	sld [smem:$0x3FB6];
	_ =	sdelay $0x3  }
0x37: {  	[smem:$0x3FB6] =	sst s10  }
0x38: {  	s10 =	sld [smem:$0x3FB7]  }
0x39: {  	_ = 	snop;
	(pc) =	sbr.ind lr, $3  }
0x3a: {  	_ = 	snop  }
0x3b: {  	_ = 	snop  }
0x3c: {  	p2 =	seq.s32 s10, $0x1;
	s10 =	sld [smem:$0x3FB6]  }
0x3d: {  	_ =	shalt  }
0x3e: {  	_ =	shalt  }
0x3f: {  	_ =	shalt  }
0x40: {  	_ =	shalt  }
0x41: {  	_ =	shalt  }
0x42: {  	_ =	shalt  }
0x43: {  	_ =	shalt  }
0x44: {  	_ =	shalt  }
0x45: {  	_ =	shalt  }
0x46: {  	_ =	shalt  }
0x47: {  	_ =	shalt  }
0x48: {  	_ =	shalt  }
0x49: {  	_ =	shalt  }
0x4a: {  	_ =	shalt  }
0x4b: {  	_ =	shalt  }
0x4c: {  	_ =	shalt  }
0x4d: {  	_ =	shalt  }
0x4e: {  	_ =	shalt  }
0x4f: {  	_ =	shalt  }
0x50: {  	_ =	shalt  }
0x51: {  	_ =	shalt  }
0x52: {  	_ =	shalt  }
0x53: {  	_ =	shalt  }
0x54: {  	_ =	shalt  }
0x55: {  	_ =	shalt  }
0x56: {  	_ =	shalt  }
0x57: {  	_ =	shalt  }
0x58: {  	_ =	shalt  }
0x59: {  	_ =	shalt  }
0x5a: {  	_ =	shalt  }
0x5b: {  	_ =	shalt  }
0x5c: {  	_ =	shalt  }
0x5d: {  	_ =	shalt  }
0x5e: {  	_ =	shalt  }
0x5f: {  	_ =	shalt  }
0x60: {  	_ =	shalt  }
0x61: {  	_ =	shalt  }
0x62: {  	_ =	shalt  }
0x63: {  	_ =	shalt  }
0x64: {  	_ =	shalt  }
0x65: {  	_ =	shalt  }
0x66: {  	_ =	shalt  }
0x67: {  	_ =	shalt  }
0x68: {  	_ =	shalt  }
0x69: {  	_ =	shalt  }
0x6a: {  	_ =	shalt  }
0x6b: {  	_ =	shalt  }
0x6c: {  	_ =	shalt  }
0x6d: {  	_ =	shalt  }
0x6e: {  	_ =	shalt  }
0x6f: {  	_ =	shalt  }
0x70: {  	_ =	shalt  }
0x71: {  	_ =	shalt  }
0x72: {  	_ =	shalt  }
0x73: {  	_ =	shalt  }
0x74: {  	_ =	shalt  }
0x75: {  	_ =	shalt  }
0x76: {  	_ =	shalt  }
0x77: {  	_ =	shalt  }
0x78: {  	_ =	shalt  }
0x79: {  	_ =	shalt  }
0x7a: {  	_ =	shalt  }
0x7b: {  	_ =	shalt  }
0x7c: {  	_ =	shalt  }
0x7d: {  	_ =	shalt  }
0x7e: {  	_ =	shalt  }
0x7f: {  	_ =	shalt  }
0x80: {  	_ =	shalt  }
0x81: {  	_ =	shalt  }
0x82: {  	_ =	shalt  }
0x83: {  	_ =	shalt  }
0x84: {  	_ =	shalt  }
0x85: {  	_ =	shalt  }
0x86: {  	_ =	shalt  }
0x87: {  	_ =	shalt  }
.Lfunc_end0:
.L_simem_size_0:
called_computation.3_lowered:
.L_overlay_start_0:
0x88: {  	s2 =	sld [smem:$0x3FD9]  }
0x89: {  	s3 =	sld [smem:$0x3FFE];
	_ =	sdelay $0x1  }
0x8a: {  	s1 =	srdreg.scid  }
0x8b: {  	s0 =	sand.u32 $0x1, s1  }
0x8c: {  	s17 =	sshll.u32 s0, $0xA;
	s2 =	sadd.s32 s3, s2  }
0x8d: {  	s2 =	sadd.s32 s2, s17  }
0x8e: {  	[smem:$0x3FC2] =	sst s2  }
0x8f: {  	_ = 	snop  }
0x90: {  	s2 =	sld [smem:$0x3FD0];
	(tm) =	ssettm $0x1  }
0x91: {  	s18 =	sld [smem:$0x3FFB];
	_ =	sdelay $0x3  }
0x92: {  	_ =	strace s18  }
0x93: {  	s3 =	sld [smem:$0x3FFC];
	_ =	sdelay $0x3  }
0x94: {  	_ =	strace s3  }
0x95: {  	s3 =	sld [smem:$0x3FFD];
	_ =	sdelay $0x3  }
0x96: {  	_ =	strace s3  }
0x97: {  	_ =	strace $0x8FFFFFFF  }
0x98: {  	s19 =	sld [smem:$0x3FDB];
	_ =	sdelay $0x1  }
0x99: {  	s4 =	simm.s32 $_scs_section_size  }
0x9a: {  	s5 =	simm.s32 $_size__tile_overlayer_lowered;
	s6 =	simm.s32 $_tile_overlayer_lowered  }
0x9b: {  	s22 =	simm.s32 $0x1BFF;
	s21 =	sshll.u32 s6, $0x1;
	s3 =	sadd.s32 s4, s19  }
0x9c: {  	s7 =	simm.s32 $0x0;
	s20 =	sshll.u32 s5, $0x1;
	s5 =	sadd.s32 s21, s3  }
0x9d: {  	[timem:s7], [sflag:s22] =	dma.local [hbm:s5], s20  }
0x9e: {  	_ =	swait.ge [sflag:s22], s20  }
0x9f: {  	s4 =	ssub.s32 $0x0, s20;
	[sflag:s22] =	ssyncset.done $0x0  }
0xa0: {  	[sflag:s22] =	ssyncadd.s32 s4;
	_ =	sdelay $0x1  }
0xa1: {  	s23 =	simm.s32 $0x1B8B  }
0xa2: {  	_ =	swait.ge [sflag:s23], $0x1  }
0xa3: {  	[sflag:s23] =	ssyncset.done $0x0  }
0xa4: {  	s25 =	simm.s32 $0x1B8E;
	s24 =	sld [smem:$0x3FFE];
	[sflag:s23] =	ssyncadd.s32 $0xFFFFFFFF  }
0xa5: {  	s26 =	simm.s32 $execute0_lowered;
	[smem:$0x3FD2] =	sst s25  }
0xa6: {  	s5 =	sshll.u32 s26, $0x1;
	_ =	strace $0x8000004F;
	[dreg:$0x1] =	wrdreg $0xFFFFFFFF  }
0xa7: {  	s28 =	simm.s32 $_size_execute0_lowered;
	s3 =	sadd.s32 s3, s5;
	[dreg:$0x0] =	wrdreg $0x0  }
0xa8: {  	s5 =	sshll.u32 s28, $0x1;
	[dreg:$0x2] =	wrdreg s3  }
0xa9: {  	[dreg:$0x3] =	wrdreg s5  }
0xaa: {  	[dreg:$0x4] =	wrdreg $0xC0  }
0xab: {  	_ =	task [dreg:s7], $0x5FFFF  }
0xac: {  	[dreg:$0x1] =	wrdreg $0xFFFFFFFF  }
0xad: {  	[dreg:$0x0] =	wrdreg $0x60  }
0xae: {  	[dreg:$0x2] =	wrdreg s2  }
0xaf: {  	[dreg:$0x3] =	wrdreg s24  }
0xb0: {  	[dreg:$0x4] =	wrdreg $0xA8000  }
0xb1: {  	[dreg:$0x5] =	wrdreg $0x9  }
0xb2: {  	_ =	task.clear_ibuf [dreg:s7], $0x6FFFF;
	_ =	strace $0x9000004F  }
0xb3: {  	s29 =	simm.s32 $0x9;
	_ =	strace $0x80000051  }
0xb4: {  	_ =	swait.ge [sflag:s29], $0x1  }
0xb5: {  	[sflag:s29] =	ssyncadd.s32 $0xFFFFFFFF  }
0xb6: {  	_ =	strace $0x90000051  }
0xb7: {  	_ =	sfence  }
0xb8: {  	s30 =	sld [smem:$0x0];
	_ =	sdelay $0x2  }
0xb9: {  	s31 =	sshll.u32 s1, $0xD;
	s1 =	sshrl.u32 s1, $0x2  }
0xba: {  	s3 =	sand.u32 $0x4000, s31;
	s1 =	sadd.s32 s1, s30  }
0xbb: {  	s0 =	sor.u32 s3, s0;
	s1 =	sshll.u32 s1, $0x11  }
0xbc: {  	s0 =	sor.u32 s1, s0  }
0xbd: {  	s0 =	sadd.s32 $0x8F2B, s0  }
0xbe: {  	[sflag:s0] =	ssyncadd.remote.s32 $0x1  }
0xbf: {  	_ =	sfence.sel $0xFFFF  }
0xc0: {  	[dreg:$0x0] =	wrdreg $0xFFFFFFFF;
	(pc) =	sbr.abs _section_cstart, $3  }
0xc1: {  	[dreg:$0x1] =	wrdreg $0xFFFFFFFF  }
0xc2: {  	_ =	task.clear_ibuf [dreg:s7], $0x2FFFF;
	_ =	strace $0x9FFFFFFF  }
0xc3: {  	(tm) =	ssettm $0x7FFFFFFF  }
tec
execute0_lowered:
.L_overlay_start_1:
0x0: {  	(tag) =	ssettag $0x1  }
0x1: {  	s2 =	rddreg [dreg:$0x0]  }
0x2: {  	s7 =	rddreg [dreg:$0x1]  }
0x3: {  	s3 =	rddreg [dreg:$0x2]  }
0x4: {  	s0 =	stileid.u32;
	s6 =	srdreg.scid  }
0x5: {  	s1 =	rddreg [dreg:$0x3];
	s4 =	simm.s32 $0x0;
	s15 =	simm.s32 $0x1400  }
0x6: {  	s16 =	simm.s32 $0x80;
	s17 =	simm.s32 $0x2800;
	s18 =	simm.s32 $0x6800  }
0x7: {  	s19 =	simm.s32 $0x1;
	s20 =	simm.s32 $0x2;
	s21 =	simm.s32 $0x2600  }
0x8: {  	s22 =	simm.s32 $0x1300;
	s23 =	simm.s32 $0x2680;
	s24 =	simm.s32 $0x1380  }
0x9: {  	s25 =	simm.s32 $0x2700;
	s26 =	simm.s32 $0x2780;
	s5 =	smul.u32 $0x278, s0  }
0xa: {  	s8 =	sand.u32 $0x1, s6;
	[smem:$0x7FF] =	sst s4;
	s6 =	sadd.s32 $0x84800, s7  }
0xb: {  	s31 =	sshll.u32 s0, $0x6;
	s10 =	smul.u32 $0x138800, s8;
	_ =	strace $0x80000050  }
0xc: {  	s12 =	ssub.s32 $0x2, s8;
	s30 =	ssub.s32 $0x0, s8;
	s9 =	smin.u32 s5, $0x2498  }
0xd: {  	s8 =	sor.u32 $0x1C03, s31;
	s5 =	sadd.s32 $0x4A00, s7;
	s11 =	sshll.u32 s9, $0x7  }
0xe: {  	s29 =	sshrl.u32 s12, $0x1;
	s9 =	sshll.u32 s9, $0x4;
	s10 =	sadd.s32 s10, s11  }
0xf: {  	s12 =	ssub.s32 s12, s29;
	s9 =	sadd.s32 s9, s7;
	s10 =	sshrl.u32 s10, $0x3  }
0x10: {  	s14 =	sadd.s32 s11, s3;
	s12 =	smax.u32 s12, $0x1;
	s13 =	sadd.s32 s10, s7  }
0x11: {  	s7 =	sadd.s32 $0xF200, s9;
	s9 =	sand.u32 $0x2800, s30;
	s10 =	smul.u32 $0x5000, s0  }
0x12: {  	s11 =	sadd.s32 $0xD2C00, s13;
	s13 =	sshrl.u32 s14, $0x3;
	s14 =	simm.s32 $0x3  }
.LBB2_1:
0x13: {  	[spmem:s13], [sflag:s8] =	dma.local [hbm:s7], $0x2780  }
0x14: {  	_ =	swait.ge [sflag:s14], $0x2780  }
0x15: {  	[sflag:s14] =	ssyncset.done $0x0  }
0x16: {  	[sflag:s14] =	ssyncadd.s32 $0xFFFFD880  }
0x17: {  	p1 =	por $0x1, $0x1;
	s28 =	simm.s32 $0x0;
	[bflag:$0x0] =	sbarrier.arrive $0xFFFF  }
.LBB2_2:
0x18: {  	s28 =	sor.u32 s9, s28  }
0x19: {  	s28 =	sadd.s32 s10, s28  }
0x1a: {  	s28 =	sshrl.u32 s28, $0x3  }
0x1b: {  	s30 =	simm.s32 $0x0;
	s29 =	sadd.s32 s2, s28  }
0x1c: {  	[tilespmem:s30], [sflag:$0x3] =	stream.linear.gather [hbm4b:s29+s30], $0x1400, $0x38;
	[tilespmem:$0x1E280] =	vst v63  }
0x1d: {  	_ =	swait.ge [sflag:s14], $0x1400  }
0x1e: {  	[sflag:s14] =	ssyncset.done $0x0  }
0x1f: {  	s28 =	sadd.s32 s5, s28;
	[sflag:s14] =	ssyncadd.s32 $0xFFFFEC00  }
0x20: {  	[tilespmem:s15], [sflag:$0x3] =	stream.linear.gather [hbm4b:s28+s30], $0x1400, $0x38;
	[tilespmem:$0x1E280] =	vst v63  }
0x21: {  	_ =	swait.ge [sflag:s14], $0x1400  }
0x22: {  	[sflag:s14] =	ssyncset.done $0x0  }
0x23: {  	[sflag:s14] =	ssyncadd.s32 $0xFFFFEC00  }
0x24: {  	[tilespmem:s17], [sflag:$0x1] =	stream.indirect.gather [hbm4b:s6+s16], $0x80, s30, s16, $0xb8;
	[tilespmem:$0x1E280] =	vst v63  }
0x25: {  	_ = 	snop  }
0x26: {  	[tilespmem:s18], [sflag:$0x2] =	stream.indirect.gather [hbm4b:s6+s16], $0x80, s16, s16, $0xb8;
	[tilespmem:$0x1E280] =	vst v63  }
0x27: {  	_ =	swait.ge [sflag:s19], $0x4000  }
0x28: {  	[sflag:s19] =	ssyncset.done $0x0  }
0x29: {  	s28 =	simm.s32 $0x1400;
	[sflag:s19] =	ssyncadd.s32 $0xFFFFC000  }
0x2a: {  	[spmem:s3] =	stream.indirect.scatter.add.f32 [tilespmem:s17], [sflag:$0x3], $0x80, s28, s16, $0xb8;
	[tilespmem:$0x1E280] =	vst v63  }
0x2b: {  	_ =	swait.ge [sflag:s14], $0x4000  }
0x2c: {  	[sflag:s14] =	ssyncset.done $0x0  }
0x2d: {  	s28 =	simm.s32 $0x100;
	[sflag:s14] =	ssyncadd.s32 $0xFFFFC000  }
0x2e: {  	[tilespmem:s17], [sflag:$0x1] =	stream.indirect.gather [hbm4b:s6+s16], $0x80, s28, s16, $0xb8;
	[tilespmem:$0x1E280] =	vst v63  }
0x2f: {  	_ =	swait.ge [sflag:s20], $0x4000  }
0x30: {  	[sflag:s20] =	ssyncset.done $0x0  }
0x31: {  	s28 =	simm.s32 $0x1480;
	[sflag:s20] =	ssyncadd.s32 $0xFFFFC000  }
0x32: {  	[spmem:s3] =	stream.indirect.scatter.add.f32 [tilespmem:s18], [sflag:$0x3], $0x80, s28, s16, $0xb8;
	[tilespmem:$0x1E280] =	vst v63  }
0x33: {  	_ =	swait.ge [sflag:s14], $0x4000  }
0x34: {  	p0 =	por p1, p1;
	[sflag:s14] =	ssyncset.done $0x0  }
0x35: {  	s29 =	simm.s32 $0x180;
	s28 =	simm.s32 $0x400;
	[sflag:s14] =	ssyncadd.s32 $0xFFFFC000  }
.LBB2_3:
0x36: {  	[tilespmem:s18], [sflag:$0x2] =	stream.indirect.gather [hbm4b:s6+s16], $0x80, s29, s16, $0xb8;
	[tilespmem:$0x1E280] =	vst v63  }
0x37: {  	s29 =	smov.u32 s28  }
0x38: {  	p1 =	sne.s32 s28, $0x4400;
	s28 =	sadd.s32 $0x400, s28;
	_ =	swait.ge [sflag:s19], $0x4000  }
0x39: {  	s29 =	sshra.s32 s29, $0x2;
	[sflag:s19] =	ssyncset.done $0x0  }
0x3a: {  	s30 =	sadd.s32 $0x1400, s29;
	[sflag:s19] =	ssyncadd.s32 $0xFFFFC000  }
0x3b: {  	[spmem:s3] =	stream.indirect.scatter.add.f32 [tilespmem:s17], [sflag:$0x3], $0x80, s30, s16, $0xb8;
	[tilespmem:$0x1E280] =	vst v63  }
0x3c: {  	_ =	swait.ge [sflag:s14], $0x4000  }
0x3d: {  	[sflag:s14] =	ssyncset.done $0x0  }
0x3e: {  	s30 =	sadd.s32 $0x100, s29;
	[sflag:s14] =	ssyncadd.s32 $0xFFFFC000  }
0x3f: {  	[tilespmem:s17], [sflag:$0x1] =	stream.indirect.gather [hbm4b:s6+s16], $0x80, s30, s16, $0xb8;
	[tilespmem:$0x1E280] =	vst v63  }
0x40: {  	_ =	swait.ge [sflag:s20], $0x4000  }
0x41: {  	[sflag:s20] =	ssyncset.done $0x0  }
.Ltmp0:
0x42: {  	s30 =	sadd.s32 $0x1480, s29;
	[sflag:s20] =	ssyncadd.s32 $0xFFFFC000;
	(pc) =	sbr.rel @p1 .LBB2_3-.Ltmp0, $4  }
0x43: {  	[spmem:s3] =	stream.indirect.scatter.add.f32 [tilespmem:s18], [sflag:$0x3], $0x80, s30, s16, $0xb8;
	[tilespmem:$0x1E280] =	vst v63  }
0x44: {  	_ =	swait.ge [sflag:s14], $0x4000  }
0x45: {  	[sflag:s14] =	ssyncset.done $0x0  }
0x46: {  	s29 =	sadd.s32 $0x180, s29;
	[sflag:s14] =	ssyncadd.s32 $0xFFFFC000  }
0x47: {  	[tilespmem:s18], [sflag:$0x2] =	stream.indirect.gather [hbm4b:s6+s16], $0x80, s29, s16, $0xb8;
	[tilespmem:$0x1E280] =	vst v63  }
0x48: {  	_ =	swait.ge [sflag:s19], $0x4000  }
0x49: {  	[sflag:s19] =	ssyncset.done $0x0  }
0x4a: {  	[sflag:s19] =	ssyncadd.s32 $0xFFFFC000  }
0x4b: {  	[spmem:s3] =	stream.indirect.scatter.add.f32 [tilespmem:s17], [sflag:$0x3], $0x80, s21, s16, $0xb8;
	[tilespmem:$0x1E280] =	vst v63  }
0x4c: {  	_ =	swait.ge [sflag:s14], $0x4000  }
0x4d: {  	[sflag:s14] =	ssyncset.done $0x0  }
0x4e: {  	[sflag:s14] =	ssyncadd.s32 $0xFFFFC000  }
0x4f: {  	[tilespmem:s17], [sflag:$0x1] =	stream.indirect.gather [hbm4b:s6+s16], $0x80, s22, s16, $0xb8;
	[tilespmem:$0x1E280] =	vst v63  }
0x50: {  	_ =	swait.ge [sflag:s20], $0x4000  }
0x51: {  	[sflag:s20] =	ssyncset.done $0x0  }
0x52: {  	[sflag:s20] =	ssyncadd.s32 $0xFFFFC000  }
0x53: {  	[spmem:s3] =	stream.indirect.scatter.add.f32 [tilespmem:s18], [sflag:$0x3], $0x80, s23, s16, $0xb8;
	[tilespmem:$0x1E280] =	vst v63  }
0x54: {  	_ =	swait.ge [sflag:s14], $0x4000  }
0x55: {  	[sflag:s14] =	ssyncset.done $0x0  }
0x56: {  	[sflag:s14] =	ssyncadd.s32 $0xFFFFC000  }
0x57: {  	[tilespmem:s18], [sflag:$0x2] =	stream.indirect.gather [hbm4b:s6+s16], $0x80, s24, s16, $0xb8;
	[tilespmem:$0x1E280] =	vst v63  }
0x58: {  	_ =	swait.ge [sflag:s19], $0x4000  }
0x59: {  	[sflag:s19] =	ssyncset.done $0x0  }
0x5a: {  	[sflag:s19] =	ssyncadd.s32 $0xFFFFC000  }
0x5b: {  	[spmem:s3] =	stream.indirect.scatter.add.f32 [tilespmem:s17], [sflag:$0x3], $0x80, s25, s16, $0xb8;
	[tilespmem:$0x1E280] =	vst v63  }
0x5c: {  	_ =	swait.ge [sflag:s14], $0x4000  }
0x5d: {  	[sflag:s14] =	ssyncset.done $0x0  }
0x5e: {  	[sflag:s14] =	ssyncadd.s32 $0xFFFFC000  }
0x5f: {  	[tilespmem:s17], [sflag:$0x1] =	stream.indirect.gather [hbm4b:s6+s16], $0x80, s24, s16, $0xb8;
	[tilespmem:$0x1E280] =	vst v63  }
0x60: {  	_ =	swait.ge [sflag:s20], $0x4000  }
0x61: {  	[sflag:s20] =	ssyncset.done $0x0  }
0x62: {  	[sflag:s20] =	ssyncadd.s32 $0xFFFFC000  }
0x63: {  	[spmem:s3] =	stream.indirect.scatter.add.f32 [tilespmem:s18], [sflag:$0x3], $0x80, s26, s16, $0xb8;
	[tilespmem:$0x1E280] =	vst v63  }
0x64: {  	_ =	swait.ge [sflag:s14], $0x4000  }
0x65: {  	[sflag:s14] =	ssyncset.done $0x0  }
0x66: {  	[sflag:s14] =	ssyncadd.s32 $0xFFFFC000  }
0x67: {  	[tilespmem:s18], [sflag:$0x2] =	stream.indirect.gather [hbm4b:s6+s16], $0x80, s24, s16, $0xb8;
	[tilespmem:$0x1E280] =	vst v63  }
0x68: {  	_ =	swait.ge [sflag:s19], $0x4000  }
.Ltmp1:
0x69: {  	[sflag:s19] =	ssyncset.done $0x0;
	(pc) =	sbr.rel @p0 .LBB2_2-.Ltmp1, $4  }
0x6a: {  	[sflag:s19] =	ssyncadd.s32 $0xFFFFC000  }
0x6b: {  	_ =	swait.ge [sflag:s20], $0x4000  }
0x6c: {  	[sflag:s20] =	ssyncset.done $0x0  }
0x6d: {  	s28 =	simm.s32 $0x1400;
	p1 =	por $0x0, $0x0;
	[sflag:s20] =	ssyncadd.s32 $0xFFFFC000  }
0x6e: {  	s4 =	sadd.s32 $0x1, s4  }
0x6f: {  	p0 =	sne.s32 s4, s12  }
.Ltmp2:
0x70: {  	[bflag:$0x0] =	sbarrier.arrive $0xFFFF;
	(pc) =	sbr.rel @p0 .LBB2_1-.Ltmp2, $4  }
0x71: {  	[hbm:s11], [sflag:s8] =	dma.local [spmem:s13], $0x2780  }
0x72: {  	_ =	swait.ge [sflag:s14], $0x2780  }
0x73: {  	[sflag:s14] =	ssyncset.done $0x0  }
0x74: {  	[sflag:s14] =	ssyncadd.s32 $0xFFFFD880  }
0x75: {  	_ =	sfence.sel $0x180000  }
0x76: {  	[bflag:$0x0] =	sbarrier.arrive $0xFFFF  }
0x77: {  	p0 =	sne.s32 s0, $0x0;
	_ =	strace $0x90000050  }
0x78: {  	s0 =	sadd.s32 @!p0 $0x100000, s1;
	[bflag:$0x2] =	sbarrier.arrive $0xFFFF  }
0x79: {  	[sflag:s0] =	ssyncadd.tile.s32 @!p0 $0x1;
	_ =	shalt  }
.Lfunc_end2:
_tile_overlayer_lowered:
.L_overlay_start_2:
0x7a: {  	(tag) =	ssettag $0x2  }
0x7b: {  	s0 =	rddreg [dreg:$0x0];
	s2 =	stileid.u32  }
0x7c: {  	s1 =	rddreg [dreg:$0x1];
	p0 =	sne.s32 s2, $0x0  }
0x7d: {  	s3 =	rddreg [dreg:$0x2];
	[bflag:$0x3] =	sbarrier.arrive $0xFFFF;
	s2 =	simm.s32 @!p0 $0x1C03  }
0x7e: {  	[timem:s3], [sflag:s2] =	dma.local @!p0 [hbm:s0], s1  }
0x7f: {  	s0 =	simm.s32 @!p0 $0x3  }
0x80: {  	_ =	swait.ge @!p0 [sflag:s0], s1  }
0x81: {  	s1 =	ssub.s32 @!p0 $0x0, s1;
	[sflag:s0] =	ssyncset.done @!p0 $0x0  }
0x82: {  	[sflag:s0] =	ssyncadd.s32 @!p0 s1  }
0x83: {  	[bflag:$0x3] =	sbarrier.arrive $0xFFFF  }
0x84: {  	_ =	shalt  }

// kernel: kernel.24.cloned.1.call-start
scs
__scs_entry_jumppad:
0x0: {  	(pc) =	sbr.rel $0x88, $3  }
0x1: {  	(tag) =	ssettag $0x0;
	lr =	simm.s32 $0x1  }
0x2: {  	[smem:$0x3F9B] =	sst lr;
	_ =	strace $0xD0000000  }
0x3: {  	_ = 	snop  }
0x4: {  	_ = 	snop  }
0x5: {  	_ = 	snop  }
0x6: {  	_ = 	snop  }
0x7: {  	_ = 	snop  }
__scs_overlays_trampoline_lowered:
0x8: {  	[smem:$0x3FAA] =	sst s0  }
0x9: {  	[smem:$0x3FAB] =	sst s1  }
0xa: {  	[smem:$0x3FAC] =	sst s2  }
0xb: {  	[smem:$0x3FAD] =	sst s3  }
0xc: {  	[smem:$0x3FAE] =	sst s4  }
0xd: {  	[smem:$0x3FAF] =	sst s5  }
0xe: {  	[smem:$0x3FB0] =	sst s6  }
0xf: {  	[smem:$0x3FB1] =	sst s7  }
0x10: {  	[smem:$0x3FB2] =	sst s8  }
0x11: {  	[smem:$0x3FB3] =	sst s9;
	s0 =	simm.s32 @!p0 $0x0  }
0x12: {  	s1 =	sld [smem:$0x3F99];
	s0 =	simm.s32 @p0 $0x1  }
0x13: {  	[smem:$0x3FB4] =	sst s0;
	s0 =	simm.s32 @!p1 $0x0  }
0x14: {  	s2 =	sld [smem:$0x3F98];
	s0 =	simm.s32 @p1 $0x1  }
0x15: {  	[smem:$0x3FB5] =	sst s0;
	s0 =	simm.s32 @!p2 $0x0  }
0x16: {  	s3 =	sld [smem:$0x3FDB];
	s0 =	simm.s32 @p2 $0x1  }
0x17: {  	s4 =	simm.s32 $0x1BF5;
	[smem:$0x3FB7] =	sst s0  }
0x18: {  	s0 =	sld [smem:$0x3F9A];
	_ =	swait.ge [sflag:s4], $0x0  }
0x19: {  	s7 =	sld [smem:$0x3F9B]  }
0x1a: {  	s8 =	sadd.s32 $0xFFFFE003, lr  }
0x1b: {  	s9 =	sadd.s32 $0xFFFFFEF7, lr;
	s5 =	simm.s32 $0xFFFFFFFF;
	p2 =	slt.u32 s8, $0xFFFFF086  }
0x1c: {  	p1 =	slt.u32 s9, $0xF7A;
	s5 =	simm.s32 @!p2 $0x0  }
0x1d: {  	s5 =	simm.s32 @p1 $0x1;
	p0 =	seq.s32 s7, s2  }
0x1e: {  	s7 =	smul.u32 @!p0 $0xF7A, s2;
	p2 =	seq.s32 @!p0 s5, $0x0  }
0x1f: {  	s9 =	smul.u32 $0xF7A, s1;
	s8 =	simm.s32 @!p0 $0x1BF5;
	p2 =	por !p2, p0  }
0x20: {  	[sflag:s8] =	ssyncset.s32 @!p0 $0xFFFFF086;
	s6 =	sadd.s32 @!p0 s3, s7;
	s7 =	simm.s32 @!p0 $0x108  }
0x21: {  	s3 =	sadd.s32 s3, s9;
	s6 =	sadd.s32 @!p0 $0x88, s6;
	s7 =	simm.s32 @p2 $0x1082  }
0x22: {  	[simem:s7], [sflag:s8] =	dma.local @!p0 [hbm:s6], $0xF7A  }
0x23: {  	s9 =	sor.u32 $0xD0000000, s2;
	s6 =	simm.s32 $0x108;
	_ =	swait.ge @!p0 [sflag:s8], $0x0  }
0x24: {  	s3 =	sadd.s32 $0x88, s3;
	s6 =	simm.s32 @!p1 $0x1082;
	[sflag:s4] =	ssyncset.s32 $0xFFFFF086  }
0x25: {  	[simem:s6], [sflag:s4] =	dma.local [hbm:s3], $0xF7A  }
0x26: {  	[smem:$0x3F9B] =	sst s1;
	(tag) =	ssettag s2;
	_ =	strace s9  }
0x27: {  	s1 =	sld [smem:$0x3FAB]  }
0x28: {  	s2 =	sld [smem:$0x3FAC]  }
0x29: {  	s4 =	sld [smem:$0x3FAE]  }
0x2a: {  	p0 =	seq.s32 s5, $0x0;
	s5 =	sld [smem:$0x3FAF]  }
0x2b: {  	s6 =	sld [smem:$0x3FB0]  }
0x2c: {  	s7 =	sld [smem:$0x3FB1]  }
0x2d: {  	s3 =	simm.s32 $0x108;
	s8 =	sld [smem:$0x3FB2]  }
0x2e: {  	s3 =	simm.s32 @!p0 $0x1082;
	s9 =	sld [smem:$0x3FB3]  }
0x2f: {  	lr =	sadd.s32 s0, s3;
	s0 =	sld [smem:$0x3FAA]  }
0x30: {  	s3 =	sld [smem:$0x3FAD]  }
0x31: {  	[smem:$0x3FB6] =	sst s10  }
0x32: {  	s10 =	sld [smem:$0x3FB4];
	_ =	sdelay $0x3  }
0x33: {  	p0 =	seq.s32 s10, $0x1;
	s10 =	sld [smem:$0x3FB6];
	_ =	sdelay $0x3  }
0x34: {  	[smem:$0x3FB6] =	sst s10  }
0x35: {  	s10 =	sld [smem:$0x3FB5];
	_ =	sdelay $0x3  }
0x36: {  	p1 =	seq.s32 s10, $0x1;
	s10 =	sld [smem:$0x3FB6];
	_ =	sdelay $0x3  }
0x37: {  	[smem:$0x3FB6] =	sst s10  }
0x38: {  	s10 =	sld [smem:$0x3FB7]  }
0x39: {  	_ = 	snop;
	(pc) =	sbr.ind lr, $3  }
0x3a: {  	_ = 	snop  }
0x3b: {  	_ = 	snop  }
0x3c: {  	p2 =	seq.s32 s10, $0x1;
	s10 =	sld [smem:$0x3FB6]  }
0x3d: {  	_ =	shalt  }
0x3e: {  	_ =	shalt  }
0x3f: {  	_ =	shalt  }
0x40: {  	_ =	shalt  }
0x41: {  	_ =	shalt  }
0x42: {  	_ =	shalt  }
0x43: {  	_ =	shalt  }
0x44: {  	_ =	shalt  }
0x45: {  	_ =	shalt  }
0x46: {  	_ =	shalt  }
0x47: {  	_ =	shalt  }
0x48: {  	_ =	shalt  }
0x49: {  	_ =	shalt  }
0x4a: {  	_ =	shalt  }
0x4b: {  	_ =	shalt  }
0x4c: {  	_ =	shalt  }
0x4d: {  	_ =	shalt  }
0x4e: {  	_ =	shalt  }
0x4f: {  	_ =	shalt  }
0x50: {  	_ =	shalt  }
0x51: {  	_ =	shalt  }
0x52: {  	_ =	shalt  }
0x53: {  	_ =	shalt  }
0x54: {  	_ =	shalt  }
0x55: {  	_ =	shalt  }
0x56: {  	_ =	shalt  }
0x57: {  	_ =	shalt  }
0x58: {  	_ =	shalt  }
0x59: {  	_ =	shalt  }
0x5a: {  	_ =	shalt  }
0x5b: {  	_ =	shalt  }
0x5c: {  	_ =	shalt  }
0x5d: {  	_ =	shalt  }
0x5e: {  	_ =	shalt  }
0x5f: {  	_ =	shalt  }
0x60: {  	_ =	shalt  }
0x61: {  	_ =	shalt  }
0x62: {  	_ =	shalt  }
0x63: {  	_ =	shalt  }
0x64: {  	_ =	shalt  }
0x65: {  	_ =	shalt  }
0x66: {  	_ =	shalt  }
0x67: {  	_ =	shalt  }
0x68: {  	_ =	shalt  }
0x69: {  	_ =	shalt  }
0x6a: {  	_ =	shalt  }
0x6b: {  	_ =	shalt  }
0x6c: {  	_ =	shalt  }
0x6d: {  	_ =	shalt  }
0x6e: {  	_ =	shalt  }
0x6f: {  	_ =	shalt  }
0x70: {  	_ =	shalt  }
0x71: {  	_ =	shalt  }
0x72: {  	_ =	shalt  }
0x73: {  	_ =	shalt  }
0x74: {  	_ =	shalt  }
0x75: {  	_ =	shalt  }
0x76: {  	_ =	shalt  }
0x77: {  	_ =	shalt  }
0x78: {  	_ =	shalt  }
0x79: {  	_ =	shalt  }
0x7a: {  	_ =	shalt  }
0x7b: {  	_ =	shalt  }
0x7c: {  	_ =	shalt  }
0x7d: {  	_ =	shalt  }
0x7e: {  	_ =	shalt  }
0x7f: {  	_ =	shalt  }
0x80: {  	_ =	shalt  }
0x81: {  	_ =	shalt  }
0x82: {  	_ =	shalt  }
0x83: {  	_ =	shalt  }
0x84: {  	_ =	shalt  }
0x85: {  	_ =	shalt  }
0x86: {  	_ =	shalt  }
0x87: {  	_ =	shalt  }
.Lfunc_end0:
.L_simem_size_0:
called_computation.4_lowered:
.L_overlay_start_0:
0x88: {  	s2 =	sld [smem:$0x3FD9]  }
0x89: {  	s3 =	sld [smem:$0x3FFE];
	_ =	sdelay $0x1  }
0x8a: {  	s1 =	srdreg.scid  }
0x8b: {  	s0 =	sand.u32 $0x1, s1  }
0x8c: {  	s17 =	sshll.u32 s0, $0xA;
	s2 =	sadd.s32 s3, s2  }
0x8d: {  	s2 =	sadd.s32 s2, s17  }
0x8e: {  	[smem:$0x3FC2] =	sst s2  }
0x8f: {  	_ = 	snop  }
0x90: {  	s2 =	sld [smem:$0x3FD0];
	(tm) =	ssettm $0x1  }
0x91: {  	s18 =	sld [smem:$0x3FFB];
	_ =	sdelay $0x3  }
0x92: {  	_ =	strace s18  }
0x93: {  	s3 =	sld [smem:$0x3FFC];
	_ =	sdelay $0x3  }
0x94: {  	_ =	strace s3  }
0x95: {  	s3 =	sld [smem:$0x3FFD];
	_ =	sdelay $0x3  }
0x96: {  	_ =	strace s3  }
0x97: {  	_ =	strace $0x8FFFFFFF  }
0x98: {  	s19 =	sld [smem:$0x3FDB];
	_ =	sdelay $0x1  }
0x99: {  	s4 =	simm.s32 $_scs_section_size  }
0x9a: {  	s5 =	simm.s32 $_size__tile_overlayer_lowered;
	s6 =	simm.s32 $_tile_overlayer_lowered  }
0x9b: {  	s22 =	simm.s32 $0x1BFF;
	s21 =	sshll.u32 s6, $0x1;
	s3 =	sadd.s32 s4, s19  }
0x9c: {  	s7 =	simm.s32 $0x0;
	s20 =	sshll.u32 s5, $0x1;
	s5 =	sadd.s32 s21, s3  }
0x9d: {  	[timem:s7], [sflag:s22] =	dma.local [hbm:s5], s20  }
0x9e: {  	_ =	swait.ge [sflag:s22], s20  }
0x9f: {  	s4 =	ssub.s32 $0x0, s20;
	[sflag:s22] =	ssyncset.done $0x0  }
0xa0: {  	[sflag:s22] =	ssyncadd.s32 s4;
	_ =	sdelay $0x1  }
0xa1: {  	s23 =	simm.s32 $0x1B8B  }
0xa2: {  	_ =	swait.ge [sflag:s23], $0x1  }
0xa3: {  	[sflag:s23] =	ssyncset.done $0x0  }
0xa4: {  	s25 =	simm.s32 $0x1B8E;
	s24 =	sld [smem:$0x3FFE];
	[sflag:s23] =	ssyncadd.s32 $0xFFFFFFFF  }
0xa5: {  	s26 =	simm.s32 $execute0_lowered;
	[smem:$0x3FD2] =	sst s25  }
0xa6: {  	s5 =	sshll.u32 s26, $0x1;
	_ =	strace $0x80000052;
	[dreg:$0x1] =	wrdreg $0xFFFFFFFF  }
0xa7: {  	s28 =	simm.s32 $_size_execute0_lowered;
	s3 =	sadd.s32 s3, s5;
	[dreg:$0x0] =	wrdreg $0x0  }
0xa8: {  	s5 =	sshll.u32 s28, $0x1;
	[dreg:$0x2] =	wrdreg s3  }
0xa9: {  	[dreg:$0x3] =	wrdreg s5  }
0xaa: {  	[dreg:$0x4] =	wrdreg $0xC0  }
0xab: {  	_ =	task [dreg:s7], $0x5FFFF  }
0xac: {  	[dreg:$0x1] =	wrdreg $0xFFFFFFFF  }
0xad: {  	[dreg:$0x0] =	wrdreg $0x60  }
0xae: {  	[dreg:$0x2] =	wrdreg s2  }
0xaf: {  	[dreg:$0x3] =	wrdreg s24  }
0xb0: {  	[dreg:$0x4] =	wrdreg $0xA8000  }
0xb1: {  	[dreg:$0x5] =	wrdreg $0x9  }
0xb2: {  	_ =	task.clear_ibuf [dreg:s7], $0x6FFFF;
	_ =	strace $0x90000052  }
0xb3: {  	s29 =	simm.s32 $0x9;
	_ =	strace $0x80000054  }
0xb4: {  	_ =	swait.ge [sflag:s29], $0x1  }
0xb5: {  	[sflag:s29] =	ssyncadd.s32 $0xFFFFFFFF  }
0xb6: {  	_ =	strace $0x90000054  }
0xb7: {  	_ =	sfence  }
0xb8: {  	s30 =	sld [smem:$0x0];
	_ =	sdelay $0x2  }
0xb9: {  	s31 =	sshll.u32 s1, $0xD;
	s1 =	sshrl.u32 s1, $0x2  }
0xba: {  	s3 =	sand.u32 $0x4000, s31;
	s1 =	sadd.s32 s1, s30  }
0xbb: {  	s0 =	sor.u32 s3, s0;
	s1 =	sshll.u32 s1, $0x11  }
0xbc: {  	s0 =	sor.u32 s1, s0  }
0xbd: {  	s0 =	sadd.s32 $0x8F2B, s0  }
0xbe: {  	[sflag:s0] =	ssyncadd.remote.s32 $0x1  }
0xbf: {  	_ =	sfence.sel $0xFFFF  }
0xc0: {  	[dreg:$0x0] =	wrdreg $0xFFFFFFFF;
	(pc) =	sbr.abs _section_cstart, $3  }
0xc1: {  	[dreg:$0x1] =	wrdreg $0xFFFFFFFF  }
0xc2: {  	_ =	task.clear_ibuf [dreg:s7], $0x2FFFF;
	_ =	strace $0x9FFFFFFF  }
0xc3: {  	(tm) =	ssettm $0x7FFFFFFF  }
tec
execute0_lowered:
.L_overlay_start_1:
0x0: {  	(tag) =	ssettag $0x1  }
0x1: {  	s2 =	rddreg [dreg:$0x0]  }
0x2: {  	s7 =	rddreg [dreg:$0x1]  }
0x3: {  	s3 =	rddreg [dreg:$0x2]  }
0x4: {  	s0 =	stileid.u32;
	s6 =	srdreg.scid  }
0x5: {  	s1 =	rddreg [dreg:$0x3];
	s4 =	simm.s32 $0x0;
	s15 =	simm.s32 $0x1400  }
0x6: {  	s16 =	simm.s32 $0x80;
	s17 =	simm.s32 $0x2800;
	s18 =	simm.s32 $0x6800  }
0x7: {  	s19 =	simm.s32 $0x1;
	s20 =	simm.s32 $0x2;
	s21 =	simm.s32 $0x2600  }
0x8: {  	s22 =	simm.s32 $0x1300;
	s23 =	simm.s32 $0x2680;
	s24 =	simm.s32 $0x1380  }
0x9: {  	s25 =	simm.s32 $0x2700;
	s26 =	simm.s32 $0x2780;
	s5 =	smul.u32 $0x278, s0  }
0xa: {  	s8 =	sand.u32 $0x1, s6;
	[smem:$0x7FF] =	sst s4;
	s6 =	sadd.s32 $0x5D600, s7  }
0xb: {  	s31 =	sshll.u32 s0, $0x6;
	s10 =	smul.u32 $0x138800, s8;
	_ =	strace $0x80000053  }
0xc: {  	s12 =	ssub.s32 $0x2, s8;
	s30 =	ssub.s32 $0x0, s8;
	s9 =	smin.u32 s5, $0x2498  }
0xd: {  	s8 =	sor.u32 $0x1C03, s31;
	s5 =	sadd.s32 $0x4A00, s7;
	s11 =	sshll.u32 s9, $0x7  }
0xe: {  	s29 =	sshrl.u32 s12, $0x1;
	s9 =	sshll.u32 s9, $0x4;
	s10 =	sadd.s32 s10, s11  }
0xf: {  	s12 =	ssub.s32 s12, s29;
	s9 =	sadd.s32 s9, s7;
	s10 =	sshrl.u32 s10, $0x3  }
0x10: {  	s14 =	sadd.s32 s11, s3;
	s12 =	smax.u32 s12, $0x1;
	s13 =	sadd.s32 s10, s7  }
0x11: {  	s7 =	sadd.s32 $0xF200, s9;
	s9 =	sand.u32 $0x2800, s30;
	s10 =	smul.u32 $0x5000, s0  }
0x12: {  	s11 =	sadd.s32 $0xD2C00, s13;
	s13 =	sshrl.u32 s14, $0x3;
	s14 =	simm.s32 $0x3  }
.LBB2_1:
0x13: {  	[spmem:s13], [sflag:s8] =	dma.local [hbm:s7], $0x2780  }
0x14: {  	_ =	swait.ge [sflag:s14], $0x2780  }
0x15: {  	[sflag:s14] =	ssyncset.done $0x0  }
0x16: {  	[sflag:s14] =	ssyncadd.s32 $0xFFFFD880  }
0x17: {  	p1 =	por $0x1, $0x1;
	s28 =	simm.s32 $0x0;
	[bflag:$0x0] =	sbarrier.arrive $0xFFFF  }
.LBB2_2:
0x18: {  	s28 =	sor.u32 s9, s28  }
0x19: {  	s28 =	sadd.s32 s10, s28  }
0x1a: {  	s28 =	sshrl.u32 s28, $0x3  }
0x1b: {  	s30 =	simm.s32 $0x0;
	s29 =	sadd.s32 s2, s28  }
0x1c: {  	[tilespmem:s30], [sflag:$0x3] =	stream.linear.gather [hbm4b:s29+s30], $0x1400, $0x38;
	[tilespmem:$0x1E280] =	vst v63  }
0x1d: {  	_ =	swait.ge [sflag:s14], $0x1400  }
0x1e: {  	[sflag:s14] =	ssyncset.done $0x0  }
0x1f: {  	s28 =	sadd.s32 s5, s28;
	[sflag:s14] =	ssyncadd.s32 $0xFFFFEC00  }
0x20: {  	[tilespmem:s15], [sflag:$0x3] =	stream.linear.gather [hbm4b:s28+s30], $0x1400, $0x38;
	[tilespmem:$0x1E280] =	vst v63  }
0x21: {  	_ =	swait.ge [sflag:s14], $0x1400  }
0x22: {  	[sflag:s14] =	ssyncset.done $0x0  }
0x23: {  	[sflag:s14] =	ssyncadd.s32 $0xFFFFEC00  }
0x24: {  	[tilespmem:s17], [sflag:$0x1] =	stream.indirect.gather [hbm4b:s6+s16], $0x80, s30, s16, $0xb8;
	[tilespmem:$0x1E280] =	vst v63  }
0x25: {  	_ = 	snop  }
0x26: {  	[tilespmem:s18], [sflag:$0x2] =	stream.indirect.gather [hbm4b:s6+s16], $0x80, s16, s16, $0xb8;
	[tilespmem:$0x1E280] =	vst v63  }
0x27: {  	_ =	swait.ge [sflag:s19], $0x4000  }
0x28: {  	[sflag:s19] =	ssyncset.done $0x0  }
0x29: {  	s28 =	simm.s32 $0x1400;
	[sflag:s19] =	ssyncadd.s32 $0xFFFFC000  }
0x2a: {  	[spmem:s3] =	stream.indirect.scatter.add.f32 [tilespmem:s17], [sflag:$0x3], $0x80, s28, s16, $0xb8;
	[tilespmem:$0x1E280] =	vst v63  }
0x2b: {  	_ =	swait.ge [sflag:s14], $0x4000  }
0x2c: {  	[sflag:s14] =	ssyncset.done $0x0  }
0x2d: {  	s28 =	simm.s32 $0x100;
	[sflag:s14] =	ssyncadd.s32 $0xFFFFC000  }
0x2e: {  	[tilespmem:s17], [sflag:$0x1] =	stream.indirect.gather [hbm4b:s6+s16], $0x80, s28, s16, $0xb8;
	[tilespmem:$0x1E280] =	vst v63  }
0x2f: {  	_ =	swait.ge [sflag:s20], $0x4000  }
0x30: {  	[sflag:s20] =	ssyncset.done $0x0  }
0x31: {  	s28 =	simm.s32 $0x1480;
	[sflag:s20] =	ssyncadd.s32 $0xFFFFC000  }
0x32: {  	[spmem:s3] =	stream.indirect.scatter.add.f32 [tilespmem:s18], [sflag:$0x3], $0x80, s28, s16, $0xb8;
	[tilespmem:$0x1E280] =	vst v63  }
0x33: {  	_ =	swait.ge [sflag:s14], $0x4000  }
0x34: {  	p0 =	por p1, p1;
	[sflag:s14] =	ssyncset.done $0x0  }
0x35: {  	s29 =	simm.s32 $0x180;
	s28 =	simm.s32 $0x400;
	[sflag:s14] =	ssyncadd.s32 $0xFFFFC000  }
.LBB2_3:
0x36: {  	[tilespmem:s18], [sflag:$0x2] =	stream.indirect.gather [hbm4b:s6+s16], $0x80, s29, s16, $0xb8;
	[tilespmem:$0x1E280] =	vst v63  }
0x37: {  	s29 =	smov.u32 s28  }
0x38: {  	p1 =	sne.s32 s28, $0x4400;
	s28 =	sadd.s32 $0x400, s28;
	_ =	swait.ge [sflag:s19], $0x4000  }
0x39: {  	s29 =	sshra.s32 s29, $0x2;
	[sflag:s19] =	ssyncset.done $0x0  }
0x3a: {  	s30 =	sadd.s32 $0x1400, s29;
	[sflag:s19] =	ssyncadd.s32 $0xFFFFC000  }
0x3b: {  	[spmem:s3] =	stream.indirect.scatter.add.f32 [tilespmem:s17], [sflag:$0x3], $0x80, s30, s16, $0xb8;
	[tilespmem:$0x1E280] =	vst v63  }
0x3c: {  	_ =	swait.ge [sflag:s14], $0x4000  }
0x3d: {  	[sflag:s14] =	ssyncset.done $0x0  }
0x3e: {  	s30 =	sadd.s32 $0x100, s29;
	[sflag:s14] =	ssyncadd.s32 $0xFFFFC000  }
0x3f: {  	[tilespmem:s17], [sflag:$0x1] =	stream.indirect.gather [hbm4b:s6+s16], $0x80, s30, s16, $0xb8;
	[tilespmem:$0x1E280] =	vst v63  }
0x40: {  	_ =	swait.ge [sflag:s20], $0x4000  }
0x41: {  	[sflag:s20] =	ssyncset.done $0x0  }
.Ltmp0:
0x42: {  	s30 =	sadd.s32 $0x1480, s29;
	[sflag:s20] =	ssyncadd.s32 $0xFFFFC000;
	(pc) =	sbr.rel @p1 .LBB2_3-.Ltmp0, $4  }
0x43: {  	[spmem:s3] =	stream.indirect.scatter.add.f32 [tilespmem:s18], [sflag:$0x3], $0x80, s30, s16, $0xb8;
	[tilespmem:$0x1E280] =	vst v63  }
0x44: {  	_ =	swait.ge [sflag:s14], $0x4000  }
0x45: {  	[sflag:s14] =	ssyncset.done $0x0  }
0x46: {  	s29 =	sadd.s32 $0x180, s29;
	[sflag:s14] =	ssyncadd.s32 $0xFFFFC000  }
0x47: {  	[tilespmem:s18], [sflag:$0x2] =	stream.indirect.gather [hbm4b:s6+s16], $0x80, s29, s16, $0xb8;
	[tilespmem:$0x1E280] =	vst v63  }
0x48: {  	_ =	swait.ge [sflag:s19], $0x4000  }
0x49: {  	[sflag:s19] =	ssyncset.done $0x0  }
0x4a: {  	[sflag:s19] =	ssyncadd.s32 $0xFFFFC000  }
0x4b: {  	[spmem:s3] =	stream.indirect.scatter.add.f32 [tilespmem:s17], [sflag:$0x3], $0x80, s21, s16, $0xb8;
	[tilespmem:$0x1E280] =	vst v63  }
0x4c: {  	_ =	swait.ge [sflag:s14], $0x4000  }
0x4d: {  	[sflag:s14] =	ssyncset.done $0x0  }
0x4e: {  	[sflag:s14] =	ssyncadd.s32 $0xFFFFC000  }
0x4f: {  	[tilespmem:s17], [sflag:$0x1] =	stream.indirect.gather [hbm4b:s6+s16], $0x80, s22, s16, $0xb8;
	[tilespmem:$0x1E280] =	vst v63  }
0x50: {  	_ =	swait.ge [sflag:s20], $0x4000  }
0x51: {  	[sflag:s20] =	ssyncset.done $0x0  }
0x52: {  	[sflag:s20] =	ssyncadd.s32 $0xFFFFC000  }
0x53: {  	[spmem:s3] =	stream.indirect.scatter.add.f32 [tilespmem:s18], [sflag:$0x3], $0x80, s23, s16, $0xb8;
	[tilespmem:$0x1E280] =	vst v63  }
0x54: {  	_ =	swait.ge [sflag:s14], $0x4000  }
0x55: {  	[sflag:s14] =	ssyncset.done $0x0  }
0x56: {  	[sflag:s14] =	ssyncadd.s32 $0xFFFFC000  }
0x57: {  	[tilespmem:s18], [sflag:$0x2] =	stream.indirect.gather [hbm4b:s6+s16], $0x80, s24, s16, $0xb8;
	[tilespmem:$0x1E280] =	vst v63  }
0x58: {  	_ =	swait.ge [sflag:s19], $0x4000  }
0x59: {  	[sflag:s19] =	ssyncset.done $0x0  }
0x5a: {  	[sflag:s19] =	ssyncadd.s32 $0xFFFFC000  }
0x5b: {  	[spmem:s3] =	stream.indirect.scatter.add.f32 [tilespmem:s17], [sflag:$0x3], $0x80, s25, s16, $0xb8;
	[tilespmem:$0x1E280] =	vst v63  }
0x5c: {  	_ =	swait.ge [sflag:s14], $0x4000  }
0x5d: {  	[sflag:s14] =	ssyncset.done $0x0  }
0x5e: {  	[sflag:s14] =	ssyncadd.s32 $0xFFFFC000  }
0x5f: {  	[tilespmem:s17], [sflag:$0x1] =	stream.indirect.gather [hbm4b:s6+s16], $0x80, s24, s16, $0xb8;
	[tilespmem:$0x1E280] =	vst v63  }
0x60: {  	_ =	swait.ge [sflag:s20], $0x4000  }
0x61: {  	[sflag:s20] =	ssyncset.done $0x0  }
0x62: {  	[sflag:s20] =	ssyncadd.s32 $0xFFFFC000  }
0x63: {  	[spmem:s3] =	stream.indirect.scatter.add.f32 [tilespmem:s18], [sflag:$0x3], $0x80, s26, s16, $0xb8;
	[tilespmem:$0x1E280] =	vst v63  }
0x64: {  	_ =	swait.ge [sflag:s14], $0x4000  }
0x65: {  	[sflag:s14] =	ssyncset.done $0x0  }
0x66: {  	[sflag:s14] =	ssyncadd.s32 $0xFFFFC000  }
0x67: {  	[tilespmem:s18], [sflag:$0x2] =	stream.indirect.gather [hbm4b:s6+s16], $0x80, s24, s16, $0xb8;
	[tilespmem:$0x1E280] =	vst v63  }
0x68: {  	_ =	swait.ge [sflag:s19], $0x4000  }
.Ltmp1:
0x69: {  	[sflag:s19] =	ssyncset.done $0x0;
	(pc) =	sbr.rel @p0 .LBB2_2-.Ltmp1, $4  }
0x6a: {  	[sflag:s19] =	ssyncadd.s32 $0xFFFFC000  }
0x6b: {  	_ =	swait.ge [sflag:s20], $0x4000  }
0x6c: {  	[sflag:s20] =	ssyncset.done $0x0  }
0x6d: {  	s28 =	simm.s32 $0x1400;
	p1 =	por $0x0, $0x0;
	[sflag:s20] =	ssyncadd.s32 $0xFFFFC000  }
0x6e: {  	s4 =	sadd.s32 $0x1, s4  }
0x6f: {  	p0 =	sne.s32 s4, s12  }
.Ltmp2:
0x70: {  	[bflag:$0x0] =	sbarrier.arrive $0xFFFF;
	(pc) =	sbr.rel @p0 .LBB2_1-.Ltmp2, $4  }
0x71: {  	[hbm:s11], [sflag:s8] =	dma.local [spmem:s13], $0x2780  }
0x72: {  	_ =	swait.ge [sflag:s14], $0x2780  }
0x73: {  	[sflag:s14] =	ssyncset.done $0x0  }
0x74: {  	[sflag:s14] =	ssyncadd.s32 $0xFFFFD880  }
0x75: {  	_ =	sfence.sel $0x180000  }
0x76: {  	[bflag:$0x0] =	sbarrier.arrive $0xFFFF  }
0x77: {  	p0 =	sne.s32 s0, $0x0;
	_ =	strace $0x90000053  }
0x78: {  	s0 =	sadd.s32 @!p0 $0x100000, s1;
	[bflag:$0x2] =	sbarrier.arrive $0xFFFF  }
0x79: {  	[sflag:s0] =	ssyncadd.tile.s32 @!p0 $0x1;
	_ =	shalt  }
.Lfunc_end2:
_tile_overlayer_lowered:
.L_overlay_start_2:
0x7a: {  	(tag) =	ssettag $0x2  }
0x7b: {  	s0 =	rddreg [dreg:$0x0];
	s2 =	stileid.u32  }
0x7c: {  	s1 =	rddreg [dreg:$0x1];
	p0 =	sne.s32 s2, $0x0  }
0x7d: {  	s3 =	rddreg [dreg:$0x2];
	[bflag:$0x3] =	sbarrier.arrive $0xFFFF;
	s2 =	simm.s32 @!p0 $0x1C03  }
0x7e: {  	[timem:s3], [sflag:s2] =	dma.local @!p0 [hbm:s0], s1  }
0x7f: {  	s0 =	simm.s32 @!p0 $0x3  }
0x80: {  	_ =	swait.ge @!p0 [sflag:s0], s1  }
0x81: {  	s1 =	ssub.s32 @!p0 $0x0, s1;
	[sflag:s0] =	ssyncset.done @!p0 $0x0  }
0x82: {  	[sflag:s0] =	ssyncadd.s32 @!p0 s1  }
0x83: {  	[bflag:$0x3] =	sbarrier.arrive $0xFFFF  }
0x84: {  	_ =	shalt  }

</sc_bundles>
